<compile_context>
chip_gen: v7x
topology: tpu7x:2x2x1
jax: 0.10.2.dev20260603
libtpu: 0.0.44.dev20260713+nightly
codegen_flags: <defaults>
</compile_context>

<pallas_src>
import functools

import jax
import jax.numpy as jnp
from jax import lax
from jax.experimental import pallas as pl
from jax.experimental.pallas import tpu as pltpu
from jax.experimental.pallas import tpu_sc as plsc

N = 10000
E = 320000
D = 128

NUM_TILES = 16
CHUNK = 128
NUM_CHUNKS = 160
EDGES_PER_TILE = CHUNK * NUM_CHUNKS
E_PAD = EDGES_PER_TILE * NUM_TILES
NB = 40
NUM_BLOCKS = NUM_CHUNKS // NB
ROWS_PER_TILE = 624
TAIL_ROW0 = ROWS_PER_TILE * NUM_TILES
TAIL_ROWS = N - TAIL_ROW0

ROW_BLOCK = 2000


def _mm_body(x_self_ref, x_other_ref, wself_ref, wrel_ref, bias_ref,
             base_ref, table_ref):
    xs = x_self_ref[0]
    xo = x_other_ref[0]
    base_ref[0] = (
        jnp.dot(xs, wself_ref[0], preferred_element_type=jnp.float32)
        + bias_ref[0]
    )
    table_ref[0] = jnp.dot(xo, wrel_ref[0], preferred_element_type=jnp.float32)


def _tc_matmuls(x_cat, wself, wrel, bias):
    grid = (2, N // ROW_BLOCK)
    return pl.pallas_call(
        _mm_body,
        grid=grid,
        in_specs=[
            pl.BlockSpec((1, ROW_BLOCK, D), lambda c, r: (c, r, 0)),
            pl.BlockSpec((1, ROW_BLOCK, D), lambda c, r: (1 - c, r, 0)),
            pl.BlockSpec((1, D, D), lambda c, r: (c, 0, 0)),
            pl.BlockSpec((1, D, D), lambda c, r: (c, 0, 0)),
            pl.BlockSpec((1, 1, D), lambda c, r: (c, 0, 0)),
        ],
        out_specs=[
            pl.BlockSpec((1, ROW_BLOCK, D), lambda c, r: (c, r, 0)),
            pl.BlockSpec((1, ROW_BLOCK, D), lambda c, r: (c, r, 0)),
        ],
        out_shape=[
            jax.ShapeDtypeStruct((2, N, D), jnp.float32),
            jax.ShapeDtypeStruct((2, N, D), jnp.float32),
        ],
    )(x_cat, x_cat, wself, wrel, bias)


def _sc_body(table_hbm, base_hbm, src_hbm, dst_hbm, val_hbm, out_hbm,
             src_v, dst_v, val_v, rows_a, rows_b, acc_sh, sem_a, sem_b):
    c = lax.axis_index("c")
    s = lax.axis_index("s")
    row0 = s * ROWS_PER_TILE

    pltpu.sync_copy(base_hbm.at[c, pl.ds(row0, ROWS_PER_TILE)],
                    acc_sh.at[pl.ds(row0, ROWS_PER_TILE)])

    @pl.when(s == NUM_TILES - 1)
    def _init_tail():
        pltpu.sync_copy(base_hbm.at[c, pl.ds(TAIL_ROW0, TAIL_ROWS)],
                        acc_sh.at[pl.ds(TAIL_ROW0, TAIL_ROWS)])
    plsc.subcore_barrier()

    def scale_chunk(k, rows_ref):
        def group_body(g, carry):
            vv = val_v[k, pl.ds(g * 16, 16)]
            for i in range(16):
                e = g * 16 + i
                v = vv[i]
                for q in range(D // 16):
                    sl = pl.ds(q * 16, 16)
                    rows_ref[e, sl] = rows_ref[e, sl] * v
            return carry

        lax.fori_loop(0, CHUNK // 16, group_body, 0)

    def block_body(b, carry):
        pltpu.sync_copy(src_hbm.at[c, s, pl.ds(b * NB, NB)], src_v)
        pltpu.sync_copy(dst_hbm.at[c, s, pl.ds(b * NB, NB)], dst_v)
        pltpu.sync_copy(val_hbm.at[c, s, pl.ds(b * NB, NB)], val_v)
        pltpu.async_copy(table_hbm.at[src_v.at[0]], rows_a, sem_a)

        def pair_body(q, carry2):
            k0 = 2 * q
            pltpu.make_async_copy(table_hbm.at[src_v.at[k0]], rows_a,
                                  sem_a).wait()
            pltpu.async_copy(table_hbm.at[src_v.at[k0 + 1]], rows_b, sem_b)
            scale_chunk(k0, rows_a)
            pltpu.sync_copy(rows_a, acc_sh.at[dst_v.at[k0]], add=True)
            pltpu.make_async_copy(table_hbm.at[src_v.at[k0 + 1]], rows_b,
                                  sem_b).wait()

            @pl.when(k0 + 2 < NB)
            def _prefetch_next():
                pltpu.async_copy(table_hbm.at[src_v.at[k0 + 2]], rows_a,
                                 sem_a)

            scale_chunk(k0 + 1, rows_b)
            pltpu.sync_copy(rows_b, acc_sh.at[dst_v.at[k0 + 1]], add=True)
            return carry2

        lax.fori_loop(0, NB // 2, pair_body, 0)
        return carry

    lax.fori_loop(0, NUM_BLOCKS, block_body, 0)
    plsc.subcore_barrier()
    pltpu.sync_copy(acc_sh.at[pl.ds(row0, ROWS_PER_TILE)],
                    out_hbm.at[c, pl.ds(row0, ROWS_PER_TILE)])

    @pl.when(s == NUM_TILES - 1)
    def _write_tail():
        pltpu.sync_copy(acc_sh.at[pl.ds(TAIL_ROW0, TAIL_ROWS)],
                        out_hbm.at[c, pl.ds(TAIL_ROW0, TAIL_ROWS)])


_sc_spmm = functools.partial(
    pl.kernel,
    out_type=jax.ShapeDtypeStruct((2, N, D), jnp.float32),
    mesh=plsc.VectorSubcoreMesh(core_axis_name="c", subcore_axis_name="s"),
    scratch_types=[
        pltpu.VMEM((NB, CHUNK), jnp.int32),
        pltpu.VMEM((NB, CHUNK), jnp.int32),
        pltpu.VMEM((NB, CHUNK), jnp.float32),
        pltpu.VMEM((CHUNK, D), jnp.float32),
        pltpu.VMEM((CHUNK, D), jnp.float32),
        pltpu.VMEM_SHARED((N, D), jnp.float32),
        pltpu.SemaphoreType.DMA,
        pltpu.SemaphoreType.DMA,
    ],
)(_sc_body)


def kernel(x_a, x_b, adj_ab_indices, adj_ab_values, adj_ba_indices,
           adj_ba_values, W_rel_ab, w_self_a, bias_a, W_rel_ba, w_self_b,
           bias_b):
    x_cat = jnp.stack([x_a, x_b])
    wself = jnp.stack([w_self_a, w_self_b]) * 0.5
    wrel = jnp.stack([W_rel_ab, W_rel_ba]) * 0.5
    bias = jnp.stack([bias_a, bias_b])

    base, table = _tc_matmuls(x_cat, wself, wrel, bias)
    table_flat = table.reshape(2 * N, D)

    pad = E_PAD - E
    zpad_i = jnp.zeros((pad,), jnp.int32)
    zpad_f = jnp.zeros((pad,), jnp.float32)
    src = jnp.stack([
        jnp.concatenate([adj_ab_indices[1].astype(jnp.int32), zpad_i]),
        jnp.concatenate([adj_ba_indices[1].astype(jnp.int32) + N, zpad_i]),
    ]).reshape(2, NUM_TILES, NUM_CHUNKS, CHUNK)
    dst = jnp.stack([
        jnp.concatenate([adj_ab_indices[0].astype(jnp.int32), zpad_i]),
        jnp.concatenate([adj_ba_indices[0].astype(jnp.int32), zpad_i]),
    ]).reshape(2, NUM_TILES, NUM_CHUNKS, CHUNK)
    val = jnp.stack([
        jnp.concatenate([adj_ab_values, zpad_f]),
        jnp.concatenate([adj_ba_values, zpad_f]),
    ]).reshape(2, NUM_TILES, NUM_CHUNKS, CHUNK)

    out = _sc_spmm(table_flat, base, src, dst, val)
    return (out[0], out[1])

# --- scband reference (transcript-rebuilt; emitter-appended) ---
"""Pipeline reference for scband-hete-gcnlayer-32452772888834 (READ-ONLY COPY).

The authoritative reference and input builder live on the scoring server;
editing this copy changes nothing except your own understanding.
"""

import jax, jax.numpy as jnp
import numpy as np

N = 10000   # nodes per type
E = 320000  # edges per relation
D = 128     # feature / output dim


def _xavier_uniform(key, shape, gain=1.414):
    fan_in, fan_out = shape[0], shape[1]
    bound = gain * np.sqrt(6.0 / (fan_in + fan_out))
    return jax.random.uniform(key, shape, jnp.float32, minval=-bound, maxval=bound)


def setup_inputs(seed: int = 0) -> dict:
    key = jax.random.key(seed)
    ks = jax.random.split(key, 12)
    x_a = jax.random.normal(ks[0], (N, D), jnp.float32)
    x_b = jax.random.normal(ks[1], (N, D), jnp.float32)
    # COO adjacency: row 0 = dst node index (in curr type), row 1 = src node index (in nb type)
    adj_ab_indices = jax.random.randint(ks[2], (2, E), 0, N).astype(jnp.int64)
    adj_ab_values = jax.random.uniform(ks[3], (E,), jnp.float32)
    adj_ba_indices = jax.random.randint(ks[4], (2, E), 0, N).astype(jnp.int64)
    adj_ba_values = jax.random.uniform(ks[5], (E,), jnp.float32)
    # learned parameters (HeteAggregateLayer for node type 'a' and node type 'b')
    W_rel_ab = _xavier_uniform(ks[6], (D, D))   # hete_agg['a'].W_rel['b']
    w_self_a = _xavier_uniform(ks[7], (D, D))   # hete_agg['a'].w_self
    bias_a = _xavier_uniform(ks[8], (1, D))     # hete_agg['a'].bias
    W_rel_ba = _xavier_uniform(ks[9], (D, D))   # hete_agg['b'].W_rel['a']
    w_self_b = _xavier_uniform(ks[10], (D, D))  # hete_agg['b'].w_self
    bias_b = _xavier_uniform(ks[11], (1, D))    # hete_agg['b'].bias
    return {
        "x_a": x_a, "x_b": x_b,
        "adj_ab_indices": adj_ab_indices, "adj_ab_values": adj_ab_values,
        "adj_ba_indices": adj_ba_indices, "adj_ba_values": adj_ba_values,
        "W_rel_ab": W_rel_ab, "w_self_a": w_self_a, "bias_a": bias_a,
        "W_rel_ba": W_rel_ba, "w_self_b": w_self_b, "bias_b": bias_b,
    }


def _spmm(indices, values, dense, n_rows):
    # sparse (n_rows x n_src) COO  @  dense (n_src x D)
    dst = indices[0]
    src = indices[1]
    gathered = dense[src] * values[:, None]
    return jax.ops.segment_sum(gathered, dst, num_segments=n_rows)


def reference(x_a, x_b, adj_ab_indices, adj_ab_values, adj_ba_indices, adj_ba_values,
              W_rel_ab, w_self_a, bias_a, W_rel_ba, w_self_b, bias_b):
    # HeteGCNLayer with net_schema {'a': ['b'], 'b': ['a']}, type_fusion='mean'
    # --- node type 'a' aggregator ---
    self_ft_a = x_a @ w_self_a
    nb_ft_a = _spmm(adj_ab_indices, adj_ab_values, x_b @ W_rel_ab, N)
    agg_a = (self_ft_a + nb_ft_a) / 2.0  # mean over [self_ft, nb_ft]
    out_a = agg_a + bias_a
    # --- node type 'b' aggregator ---
    self_ft_b = x_b @ w_self_b
    nb_ft_b = _spmm(adj_ba_indices, adj_ba_values, x_a @ W_rel_ba, N)
    agg_b = (self_ft_b + nb_ft_b) / 2.0
    out_b = agg_b + bias_b
    return (out_a, out_b)

if __name__ == "__main__":
    import jax
    _d = setup_inputs()
    print(jax.jit(kernel)(*tuple(_d.values())))

</pallas_src>

<mosaic_0001>
#map = affine_map<(d0, d1) -> (0, 0)>
#map1 = affine_map<(d0, d1) -> (0, 0, 0)>
#map2 = affine_map<(d0, d1) -> (0, 0, 0, 0)>
module attributes {stable_mosaic.version = 14 : i64} {
  func.func @_sc_body(%arg0: i32, %arg1: i32, %arg2: memref<20000x128xf32, #tpu.memory_space<hbm>>, %arg3: memref<2x10000x128xf32, #tpu.memory_space<hbm>>, %arg4: memref<2x16x160x128xi32, #tpu.memory_space<hbm>>, %arg5: memref<2x16x160x128xi32, #tpu.memory_space<hbm>>, %arg6: memref<2x16x160x128xf32, #tpu.memory_space<hbm>>, %arg7: memref<2x10000x128xf32, #tpu.memory_space<hbm>>, %arg8: memref<40x128xi32, #tpu.memory_space<vmem>>, %arg9: memref<40x128xi32, #tpu.memory_space<vmem>>, %arg10: memref<40x128xf32, #tpu.memory_space<vmem>>, %arg11: memref<128x128xf32, #tpu.memory_space<vmem>>, %arg12: memref<128x128xf32, #tpu.memory_space<vmem>>, %arg13: memref<10000x128xf32, #tpu.memory_space<vmem_shared>>, %arg14: memref<!tpu.dma_semaphore, #tpu.memory_space<semaphore_mem>>, %arg15: memref<!tpu.dma_semaphore, #tpu.memory_space<semaphore_mem>>) attributes {dimension_semantics = [#tpu.dimension_semantics<core_parallel>, #tpu.dimension_semantics<subcore_parallel>], iteration_bounds = array<i64: 2, 16>, scalar_prefetch = 0 : i64, scratch_operands = 8 : i64, tpu.core_type = #tpu.core_type<sc_vector_subcore>, window_params = [{transform_indices = #map}, {transform_indices = #map1}, {transform_indices = #map2}, {transform_indices = #map2}, {transform_indices = #map2}, {transform_indices = #map1}]} {
    %mul3A = arith.constant 624 : i32
    %mul3A_0 = arith.muli %arg1, %mul3A : i32
    "tpu.region"() ({
      %run_scoped3A = tpu.sem_alloc : memref<!tpu.dma_semaphore, #tpu.memory_space<semaphore_mem>>
      %dma_start3A = arith.constant 0 : i32
      %dma_start3A_14 = tpu.memref_slice %arg13[%mul3A_0, %dma_start3A] : memref<10000x128xf32, #tpu.memory_space<vmem_shared>> -> memref<624x128xf32, #tpu.memory_space<vmem_shared>>
      %dma_start3A_15 = arith.constant 0 : i32
      %dma_start3A_16 = tpu.memref_slice %arg3[%arg0, %mul3A_0, %dma_start3A_15] : memref<2x10000x128xf32, #tpu.memory_space<hbm>> -> memref<1x624x128xf32, #tpu.memory_space<hbm>>
      %dma_start3A_17 = tpu.memref_squeeze %dma_start3A_16 : memref<1x624x128xf32, #tpu.memory_space<hbm>> -> memref<624x128xf32, #tpu.memory_space<hbm>>
      tpu.enqueue_dma source(%dma_start3A_17 : memref<624x128xf32, #tpu.memory_space<hbm>>) target(%dma_start3A_14 : memref<624x128xf32, #tpu.memory_space<vmem_shared>>) target_semaphore(%run_scoped3A : memref<!tpu.dma_semaphore, #tpu.memory_space<semaphore_mem>>)
      %dma_wait3A = arith.constant 0 : i32
      %dma_wait3A_18 = tpu.memref_slice %arg13[%mul3A_0, %dma_wait3A] : memref<10000x128xf32, #tpu.memory_space<vmem_shared>> -> memref<624x128xf32, #tpu.memory_space<vmem_shared>>
      %dma_wait3A_19 = arith.constant 0 : i32
      %dma_wait3A_20 = tpu.memref_slice %arg3[%arg0, %mul3A_0, %dma_wait3A_19] : memref<2x10000x128xf32, #tpu.memory_space<hbm>> -> memref<1x624x128xf32, #tpu.memory_space<hbm>>
      %dma_wait3A_21 = tpu.memref_squeeze %dma_wait3A_20 : memref<1x624x128xf32, #tpu.memory_space<hbm>> -> memref<624x128xf32, #tpu.memory_space<hbm>>
      tpu.wait_dma2 semaphore(%run_scoped3A : memref<!tpu.dma_semaphore, #tpu.memory_space<semaphore_mem>>) src(%dma_wait3A_21 : memref<624x128xf32, #tpu.memory_space<hbm>>) dst(%dma_wait3A_18 : memref<624x128xf32, #tpu.memory_space<vmem_shared>>)
      tpu.yield
    }) : () -> ()
    %eq3A = arith.constant 15 : i32
    %eq3A_1 = arith.cmpi eq, %arg1, %eq3A : i32
    %convert_element_type3A = arith.extui %eq3A_1 : i1 to i32
    %cond3A = arith.constant 0 : i32
    %cond3A_2 = arith.cmpi ne, %convert_element_type3A, %cond3A : i32
    scf.if %cond3A_2 {
      "tpu.region"() ({
        %run_scoped3A = tpu.sem_alloc : memref<!tpu.dma_semaphore, #tpu.memory_space<semaphore_mem>>
        %dma_start3A = arith.constant 9984 : i32
        %dma_start3A_14 = arith.constant 0 : i32
        %dma_start3A_15 = tpu.memref_slice %arg13[%dma_start3A, %dma_start3A_14] : memref<10000x128xf32, #tpu.memory_space<vmem_shared>> -> memref<16x128xf32, #tpu.memory_space<vmem_shared>>
        %dma_start3A_16 = arith.constant 9984 : i32
        %dma_start3A_17 = arith.constant 0 : i32
        %dma_start3A_18 = tpu.memref_slice %arg3[%arg0, %dma_start3A_16, %dma_start3A_17] : memref<2x10000x128xf32, #tpu.memory_space<hbm>> -> memref<1x16x128xf32, #tpu.memory_space<hbm>>
        %dma_start3A_19 = tpu.memref_squeeze %dma_start3A_18 : memref<1x16x128xf32, #tpu.memory_space<hbm>> -> memref<16x128xf32, #tpu.memory_space<hbm>>
        tpu.enqueue_dma source(%dma_start3A_19 : memref<16x128xf32, #tpu.memory_space<hbm>>) target(%dma_start3A_15 : memref<16x128xf32, #tpu.memory_space<vmem_shared>>) target_semaphore(%run_scoped3A : memref<!tpu.dma_semaphore, #tpu.memory_space<semaphore_mem>>)
        %dma_wait3A = arith.constant 9984 : i32
        %dma_wait3A_20 = arith.constant 0 : i32
        %dma_wait3A_21 = tpu.memref_slice %arg13[%dma_wait3A, %dma_wait3A_20] : memref<10000x128xf32, #tpu.memory_space<vmem_shared>> -> memref<16x128xf32, #tpu.memory_space<vmem_shared>>
        %dma_wait3A_22 = arith.constant 9984 : i32
        %dma_wait3A_23 = arith.constant 0 : i32
        %dma_wait3A_24 = tpu.memref_slice %arg3[%arg0, %dma_wait3A_22, %dma_wait3A_23] : memref<2x10000x128xf32, #tpu.memory_space<hbm>> -> memref<1x16x128xf32, #tpu.memory_space<hbm>>
        %dma_wait3A_25 = tpu.memref_squeeze %dma_wait3A_24 : memref<1x16x128xf32, #tpu.memory_space<hbm>> -> memref<16x128xf32, #tpu.memory_space<hbm>>
        tpu.wait_dma2 semaphore(%run_scoped3A : memref<!tpu.dma_semaphore, #tpu.memory_space<semaphore_mem>>) src(%dma_wait3A_25 : memref<16x128xf32, #tpu.memory_space<hbm>>) dst(%dma_wait3A_21 : memref<16x128xf32, #tpu.memory_space<vmem_shared>>)
        tpu.yield
      }) : () -> ()
    } else {
    }
    %barrier3A = arith.constant 0 : index
    tpu.barrier barrier_id(%barrier3A)
    %scan3A = arith.constant 0 : i32
    %scan3A_3 = arith.constant 0 : i32
    %scan3A_4 = arith.constant 4 : i32
    %scan3A_5 = arith.addi %scan3A_3, %scan3A_4 : i32
    %scan3A_6 = arith.constant 1 : i32
    scf.for %scan3A_14 = %scan3A_3 to %scan3A_5 step %scan3A_6  : i32 {
      %mul3A_15 = arith.constant 40 : i32
      %mul3A_16 = arith.muli %scan3A_14, %mul3A_15 : i32
      "tpu.region"() ({
        %run_scoped3A = tpu.sem_alloc : memref<!tpu.dma_semaphore, #tpu.memory_space<semaphore_mem>>
        %dma_start3A_33 = arith.constant 0 : i32
        %dma_start3A_34 = tpu.memref_slice %arg4[%arg0, %arg1, %mul3A_16, %dma_start3A_33] : memref<2x16x160x128xi32, #tpu.memory_space<hbm>> -> memref<1x1x40x128xi32, #tpu.memory_space<hbm>>
        %dma_start3A_35 = tpu.memref_squeeze %dma_start3A_34 : memref<1x1x40x128xi32, #tpu.memory_space<hbm>> -> memref<40x128xi32, #tpu.memory_space<hbm>>
        %dma_start3A_36 = arith.constant 0 : i32
        %dma_start3A_37 = tpu.memref_slice %arg4[%arg0, %arg1, %mul3A_16, %dma_start3A_36] : memref<2x16x160x128xi32, #tpu.memory_space<hbm>> -> memref<1x1x40x128xi32, #tpu.memory_space<hbm>>
        %dma_start3A_38 = tpu.memref_squeeze %dma_start3A_37 : memref<1x1x40x128xi32, #tpu.memory_space<hbm>> -> memref<40x128xi32, #tpu.memory_space<hbm>>
        tpu.enqueue_dma source(%dma_start3A_38 : memref<40x128xi32, #tpu.memory_space<hbm>>) target(%arg8 : memref<40x128xi32, #tpu.memory_space<vmem>>) target_semaphore(%run_scoped3A : memref<!tpu.dma_semaphore, #tpu.memory_space<semaphore_mem>>)
        %dma_wait3A = arith.constant 0 : i32
        %dma_wait3A_39 = tpu.memref_slice %arg4[%arg0, %arg1, %mul3A_16, %dma_wait3A] : memref<2x16x160x128xi32, #tpu.memory_space<hbm>> -> memref<1x1x40x128xi32, #tpu.memory_space<hbm>>
        %dma_wait3A_40 = tpu.memref_squeeze %dma_wait3A_39 : memref<1x1x40x128xi32, #tpu.memory_space<hbm>> -> memref<40x128xi32, #tpu.memory_space<hbm>>
        %dma_wait3A_41 = arith.constant 0 : i32
        %dma_wait3A_42 = tpu.memref_slice %arg4[%arg0, %arg1, %mul3A_16, %dma_wait3A_41] : memref<2x16x160x128xi32, #tpu.memory_space<hbm>> -> memref<1x1x40x128xi32, #tpu.memory_space<hbm>>
        %dma_wait3A_43 = tpu.memref_squeeze %dma_wait3A_42 : memref<1x1x40x128xi32, #tpu.memory_space<hbm>> -> memref<40x128xi32, #tpu.memory_space<hbm>>
        tpu.wait_dma2 semaphore(%run_scoped3A : memref<!tpu.dma_semaphore, #tpu.memory_space<semaphore_mem>>) src(%dma_wait3A_43 : memref<40x128xi32, #tpu.memory_space<hbm>>) dst(%arg8 : memref<40x128xi32, #tpu.memory_space<vmem>>)
        tpu.yield
      }) : () -> ()
      %mul3A_17 = arith.constant 40 : i32
      %mul3A_18 = arith.muli %scan3A_14, %mul3A_17 : i32
      "tpu.region"() ({
        %run_scoped3A = tpu.sem_alloc : memref<!tpu.dma_semaphore, #tpu.memory_space<semaphore_mem>>
        %dma_start3A_33 = arith.constant 0 : i32
        %dma_start3A_34 = tpu.memref_slice %arg5[%arg0, %arg1, %mul3A_18, %dma_start3A_33] : memref<2x16x160x128xi32, #tpu.memory_space<hbm>> -> memref<1x1x40x128xi32, #tpu.memory_space<hbm>>
        %dma_start3A_35 = tpu.memref_squeeze %dma_start3A_34 : memref<1x1x40x128xi32, #tpu.memory_space<hbm>> -> memref<40x128xi32, #tpu.memory_space<hbm>>
        %dma_start3A_36 = arith.constant 0 : i32
        %dma_start3A_37 = tpu.memref_slice %arg5[%arg0, %arg1, %mul3A_18, %dma_start3A_36] : memref<2x16x160x128xi32, #tpu.memory_space<hbm>> -> memref<1x1x40x128xi32, #tpu.memory_space<hbm>>
        %dma_start3A_38 = tpu.memref_squeeze %dma_start3A_37 : memref<1x1x40x128xi32, #tpu.memory_space<hbm>> -> memref<40x128xi32, #tpu.memory_space<hbm>>
        tpu.enqueue_dma source(%dma_start3A_38 : memref<40x128xi32, #tpu.memory_space<hbm>>) target(%arg9 : memref<40x128xi32, #tpu.memory_space<vmem>>) target_semaphore(%run_scoped3A : memref<!tpu.dma_semaphore, #tpu.memory_space<semaphore_mem>>)
        %dma_wait3A = arith.constant 0 : i32
        %dma_wait3A_39 = tpu.memref_slice %arg5[%arg0, %arg1, %mul3A_18, %dma_wait3A] : memref<2x16x160x128xi32, #tpu.memory_space<hbm>> -> memref<1x1x40x128xi32, #tpu.memory_space<hbm>>
        %dma_wait3A_40 = tpu.memref_squeeze %dma_wait3A_39 : memref<1x1x40x128xi32, #tpu.memory_space<hbm>> -> memref<40x128xi32, #tpu.memory_space<hbm>>
        %dma_wait3A_41 = arith.constant 0 : i32
        %dma_wait3A_42 = tpu.memref_slice %arg5[%arg0, %arg1, %mul3A_18, %dma_wait3A_41] : memref<2x16x160x128xi32, #tpu.memory_space<hbm>> -> memref<1x1x40x128xi32, #tpu.memory_space<hbm>>
        %dma_wait3A_43 = tpu.memref_squeeze %dma_wait3A_42 : memref<1x1x40x128xi32, #tpu.memory_space<hbm>> -> memref<40x128xi32, #tpu.memory_space<hbm>>
        tpu.wait_dma2 semaphore(%run_scoped3A : memref<!tpu.dma_semaphore, #tpu.memory_space<semaphore_mem>>) src(%dma_wait3A_43 : memref<40x128xi32, #tpu.memory_space<hbm>>) dst(%arg9 : memref<40x128xi32, #tpu.memory_space<vmem>>)
        tpu.yield
      }) : () -> ()
      %mul3A_19 = arith.constant 40 : i32
      %mul3A_20 = arith.muli %scan3A_14, %mul3A_19 : i32
      "tpu.region"() ({
        %run_scoped3A = tpu.sem_alloc : memref<!tpu.dma_semaphore, #tpu.memory_space<semaphore_mem>>
        %dma_start3A_33 = arith.constant 0 : i32
        %dma_start3A_34 = tpu.memref_slice %arg6[%arg0, %arg1, %mul3A_20, %dma_start3A_33] : memref<2x16x160x128xf32, #tpu.memory_space<hbm>> -> memref<1x1x40x128xf32, #tpu.memory_space<hbm>>
        %dma_start3A_35 = tpu.memref_squeeze %dma_start3A_34 : memref<1x1x40x128xf32, #tpu.memory_space<hbm>> -> memref<40x128xf32, #tpu.memory_space<hbm>>
        %dma_start3A_36 = arith.constant 0 : i32
        %dma_start3A_37 = tpu.memref_slice %arg6[%arg0, %arg1, %mul3A_20, %dma_start3A_36] : memref<2x16x160x128xf32, #tpu.memory_space<hbm>> -> memref<1x1x40x128xf32, #tpu.memory_space<hbm>>
        %dma_start3A_38 = tpu.memref_squeeze %dma_start3A_37 : memref<1x1x40x128xf32, #tpu.memory_space<hbm>> -> memref<40x128xf32, #tpu.memory_space<hbm>>
        tpu.enqueue_dma source(%dma_start3A_38 : memref<40x128xf32, #tpu.memory_space<hbm>>) target(%arg10 : memref<40x128xf32, #tpu.memory_space<vmem>>) target_semaphore(%run_scoped3A : memref<!tpu.dma_semaphore, #tpu.memory_space<semaphore_mem>>)
        %dma_wait3A = arith.constant 0 : i32
        %dma_wait3A_39 = tpu.memref_slice %arg6[%arg0, %arg1, %mul3A_20, %dma_wait3A] : memref<2x16x160x128xf32, #tpu.memory_space<hbm>> -> memref<1x1x40x128xf32, #tpu.memory_space<hbm>>
        %dma_wait3A_40 = tpu.memref_squeeze %dma_wait3A_39 : memref<1x1x40x128xf32, #tpu.memory_space<hbm>> -> memref<40x128xf32, #tpu.memory_space<hbm>>
        %dma_wait3A_41 = arith.constant 0 : i32
        %dma_wait3A_42 = tpu.memref_slice %arg6[%arg0, %arg1, %mul3A_20, %dma_wait3A_41] : memref<2x16x160x128xf32, #tpu.memory_space<hbm>> -> memref<1x1x40x128xf32, #tpu.memory_space<hbm>>
        %dma_wait3A_43 = tpu.memref_squeeze %dma_wait3A_42 : memref<1x1x40x128xf32, #tpu.memory_space<hbm>> -> memref<40x128xf32, #tpu.memory_space<hbm>>
        tpu.wait_dma2 semaphore(%run_scoped3A : memref<!tpu.dma_semaphore, #tpu.memory_space<semaphore_mem>>) src(%dma_wait3A_43 : memref<40x128xf32, #tpu.memory_space<hbm>>) dst(%arg10 : memref<40x128xf32, #tpu.memory_space<vmem>>)
        tpu.yield
      }) : () -> ()
      %dma_start3A = arith.constant 0 : i32
      %dma_start3A_21 = arith.constant 0 : i32
      %dma_start3A_22 = tpu.memref_slice %arg8[%dma_start3A, %dma_start3A_21] : memref<40x128xi32, #tpu.memory_space<vmem>> -> memref<1x128xi32, #tpu.memory_space<vmem>>
      %dma_start3A_23 = tpu.memref_squeeze %dma_start3A_22 : memref<1x128xi32, #tpu.memory_space<vmem>> -> memref<128xi32, #tpu.memory_space<vmem>>
      %dma_start3A_24 = arith.constant 0 : i32
      %dma_start3A_25 = arith.constant 0 : i32
      %dma_start3A_26 = tpu.memref_slice %arg2[%dma_start3A_24, %dma_start3A_25] : memref<20000x128xf32, #tpu.memory_space<hbm>> -> memref<20000x128xf32, #tpu.memory_space<hbm>>
      tpu.enqueue_indirect_dma source(%dma_start3A_26 : memref<20000x128xf32, #tpu.memory_space<hbm>>) target(%arg11 : memref<128x128xf32, #tpu.memory_space<vmem>>) offsets(%dma_start3A_23 : memref<128xi32, #tpu.memory_space<vmem>>) semaphore(%arg14 : memref<!tpu.dma_semaphore, #tpu.memory_space<semaphore_mem>>)
      %scan3A_27 = arith.constant 0 : i32
      %scan3A_28 = arith.constant 0 : i32
      %scan3A_29 = arith.constant 20 : i32
      %scan3A_30 = arith.addi %scan3A_28, %scan3A_29 : i32
      %scan3A_31 = arith.constant 1 : i32
      scf.for %scan3A_33 = %scan3A_28 to %scan3A_30 step %scan3A_31  : i32 {
        %mul3A_34 = arith.constant 2 : i32
        %mul3A_35 = arith.muli %mul3A_34, %scan3A_33 : i32
        %dma_wait3A = arith.constant 0 : i32
        %dma_wait3A_36 = tpu.memref_slice %arg8[%mul3A_35, %dma_wait3A] : memref<40x128xi32, #tpu.memory_space<vmem>> -> memref<1x128xi32, #tpu.memory_space<vmem>>
        %dma_wait3A_37 = tpu.memref_squeeze %dma_wait3A_36 : memref<1x128xi32, #tpu.memory_space<vmem>> -> memref<128xi32, #tpu.memory_space<vmem>>
        %dma_wait3A_38 = arith.constant 0 : i32
        %dma_wait3A_39 = arith.constant 0 : i32
        %dma_wait3A_40 = tpu.memref_slice %arg2[%dma_wait3A_38, %dma_wait3A_39] : memref<20000x128xf32, #tpu.memory_space<hbm>> -> memref<20000x128xf32, #tpu.memory_space<hbm>>
        tpu.wait_indirect_dma semaphore(%arg14 : memref<!tpu.dma_semaphore, #tpu.memory_space<semaphore_mem>>) src(%dma_wait3A_40 : memref<20000x128xf32, #tpu.memory_space<hbm>>) dst(%arg11 : memref<128x128xf32, #tpu.memory_space<vmem>>)
        %add3A = arith.constant 1 : i32
        %add3A_41 = arith.addi %mul3A_35, %add3A : i32
        %dma_start3A_42 = arith.constant 0 : i32
        %dma_start3A_43 = tpu.memref_slice %arg8[%add3A_41, %dma_start3A_42] : memref<40x128xi32, #tpu.memory_space<vmem>> -> memref<1x128xi32, #tpu.memory_space<vmem>>
        %dma_start3A_44 = tpu.memref_squeeze %dma_start3A_43 : memref<1x128xi32, #tpu.memory_space<vmem>> -> memref<128xi32, #tpu.memory_space<vmem>>
        %dma_start3A_45 = arith.constant 0 : i32
        %dma_start3A_46 = arith.constant 0 : i32
        %dma_start3A_47 = tpu.memref_slice %arg2[%dma_start3A_45, %dma_start3A_46] : memref<20000x128xf32, #tpu.memory_space<hbm>> -> memref<20000x128xf32, #tpu.memory_space<hbm>>
        tpu.enqueue_indirect_dma source(%dma_start3A_47 : memref<20000x128xf32, #tpu.memory_space<hbm>>) target(%arg12 : memref<128x128xf32, #tpu.memory_space<vmem>>) offsets(%dma_start3A_44 : memref<128xi32, #tpu.memory_space<vmem>>) semaphore(%arg15 : memref<!tpu.dma_semaphore, #tpu.memory_space<semaphore_mem>>)
        %scan3A_48 = arith.constant 0 : i32
        %scan3A_49 = arith.constant 0 : i32
        %scan3A_50 = arith.constant 8 : i32
        %scan3A_51 = arith.addi %scan3A_49, %scan3A_50 : i32
        %scan3A_52 = arith.constant 1 : i32
        scf.for %scan3A_78 = %scan3A_49 to %scan3A_51 step %scan3A_52  : i32 {
          %mul3A_79 = arith.constant 16 : i32
          %mul3A_80 = arith.muli %scan3A_78, %mul3A_79 : i32
          %get3A = arith.index_cast %mul3A_35 : i32 to index
          %get3A_81 = arith.index_cast %mul3A_80 : i32 to index
          %get3A_82 = tpu.vector_load %arg10[%get3A, %get3A_81] {strides = array<i32>} : memref<40x128xf32, #tpu.memory_space<vmem>>, vector<1x16xf32>,
          %get3A_83 = vector.shape_cast %get3A_82 : vector<1x16xf32> to vector<16xf32>
          %mul3A_84 = arith.constant 16 : i32
          %mul3A_85 = arith.muli %scan3A_78, %mul3A_84 : i32
          %add3A_86 = arith.constant 0 : i32
          %add3A_87 = arith.addi %mul3A_85, %add3A_86 : i32
          %slice3A = vector.extract_strided_slice %get3A_83 {offsets = [0], sizes = [1], strides = [1]} : vector<16xf32> to vector<1xf32>
          %squeeze3A = vector.extract %slice3A[0] : f32 from vector<1xf32>
          %get3A_88 = arith.index_cast %add3A_87 : i32 to index
          %get3A_89 = arith.constant 0 : index
          %get3A_90 = tpu.vector_load %arg11[%get3A_88, %get3A_89] {strides = array<i32>} : memref<128x128xf32, #tpu.memory_space<vmem>>, vector<1x16xf32>,
          %get3A_91 = vector.shape_cast %get3A_90 : vector<1x16xf32> to vector<16xf32>
          %mul3A_92 = vector.broadcast %squeeze3A : f32 to vector<16xf32>
          %mul3A_93 = arith.mulf %get3A_91, %mul3A_92 : vector<16xf32>
          %swap3A = arith.index_cast %add3A_87 : i32 to index
          %swap3A_94 = arith.constant 0 : index
          %swap3A_95 = tpu.vector_load %arg11[%swap3A, %swap3A_94] {strides = array<i32>} : memref<128x128xf32, #tpu.memory_space<vmem>>, vector<1x16xf32>,
          %swap3A_96 = vector.shape_cast %swap3A_95 : vector<1x16xf32> to vector<16xf32>
          %swap3A_97 = vector.shape_cast %mul3A_93 : vector<16xf32> to vector<1x16xf32>
          tpu.vector_store %arg11[%swap3A, %swap3A_94], %swap3A_97 {strides = array<i32>} : memref<128x128xf32, #tpu.memory_space<vmem>>, vector<1x16xf32>,
          %get3A_98 = arith.index_cast %add3A_87 : i32 to index
          %get3A_99 = arith.constant 16 : index
          %get3A_100 = tpu.vector_load %arg11[%get3A_98, %get3A_99] {strides = array<i32>} : memref<128x128xf32, #tpu.memory_space<vmem>>, vector<1x16xf32>,
          %get3A_101 = vector.shape_cast %get3A_100 : vector<1x16xf32> to vector<16xf32>
          %mul3A_102 = vector.broadcast %squeeze3A : f32 to vector<16xf32>
          %mul3A_103 = arith.mulf %get3A_101, %mul3A_102 : vector<16xf32>
          %swap3A_104 = arith.index_cast %add3A_87 : i32 to index
          %swap3A_105 = arith.constant 16 : index
          %swap3A_106 = tpu.vector_load %arg11[%swap3A_104, %swap3A_105] {strides = array<i32>} : memref<128x128xf32, #tpu.memory_space<vmem>>, vector<1x16xf32>,
          %swap3A_107 = vector.shape_cast %swap3A_106 : vector<1x16xf32> to vector<16xf32>
          %swap3A_108 = vector.shape_cast %mul3A_103 : vector<16xf32> to vector<1x16xf32>
          tpu.vector_store %arg11[%swap3A_104, %swap3A_105], %swap3A_108 {strides = array<i32>} : memref<128x128xf32, #tpu.memory_space<vmem>>, vector<1x16xf32>,
          %get3A_109 = arith.index_cast %add3A_87 : i32 to index
          %get3A_110 = arith.constant 32 : index
          %get3A_111 = tpu.vector_load %arg11[%get3A_109, %get3A_110] {strides = array<i32>} : memref<128x128xf32, #tpu.memory_space<vmem>>, vector<1x16xf32>,
          %get3A_112 = vector.shape_cast %get3A_111 : vector<1x16xf32> to vector<16xf32>
          %mul3A_113 = vector.broadcast %squeeze3A : f32 to vector<16xf32>
          %mul3A_114 = arith.mulf %get3A_112, %mul3A_113 : vector<16xf32>
          %swap3A_115 = arith.index_cast %add3A_87 : i32 to index
          %swap3A_116 = arith.constant 32 : index
          %swap3A_117 = tpu.vector_load %arg11[%swap3A_115, %swap3A_116] {strides = array<i32>} : memref<128x128xf32, #tpu.memory_space<vmem>>, vector<1x16xf32>,
          %swap3A_118 = vector.shape_cast %swap3A_117 : vector<1x16xf32> to vector<16xf32>
          %swap3A_119 = vector.shape_cast %mul3A_114 : vector<16xf32> to vector<1x16xf32>
          tpu.vector_store %arg11[%swap3A_115, %swap3A_116], %swap3A_119 {strides = array<i32>} : memref<128x128xf32, #tpu.memory_space<vmem>>, vector<1x16xf32>,
          %get3A_120 = arith.index_cast %add3A_87 : i32 to index
          %get3A_121 = arith.constant 48 : index
          %get3A_122 = tpu.vector_load %arg11[%get3A_120, %get3A_121] {strides = array<i32>} : memref<128x128xf32, #tpu.memory_space<vmem>>, vector<1x16xf32>,
          %get3A_123 = vector.shape_cast %get3A_122 : vector<1x16xf32> to vector<16xf32>
          %mul3A_124 = vector.broadcast %squeeze3A : f32 to vector<16xf32>
          %mul3A_125 = arith.mulf %get3A_123, %mul3A_124 : vector<16xf32>
          %swap3A_126 = arith.index_cast %add3A_87 : i32 to index
          %swap3A_127 = arith.constant 48 : index
          %swap3A_128 = tpu.vector_load %arg11[%swap3A_126, %swap3A_127] {strides = array<i32>} : memref<128x128xf32, #tpu.memory_space<vmem>>, vector<1x16xf32>,
          %swap3A_129 = vector.shape_cast %swap3A_128 : vector<1x16xf32> to vector<16xf32>
          %swap3A_130 = vector.shape_cast %mul3A_125 : vector<16xf32> to vector<1x16xf32>
          tpu.vector_store %arg11[%swap3A_126, %swap3A_127], %swap3A_130 {strides = array<i32>} : memref<128x128xf32, #tpu.memory_space<vmem>>, vector<1x16xf32>,
          %get3A_131 = arith.index_cast %add3A_87 : i32 to index
          %get3A_132 = arith.constant 64 : index
          %get3A_133 = tpu.vector_load %arg11[%get3A_131, %get3A_132] {strides = array<i32>} : memref<128x128xf32, #tpu.memory_space<vmem>>, vector<1x16xf32>,
          %get3A_134 = vector.shape_cast %get3A_133 : vector<1x16xf32> to vector<16xf32>
          %mul3A_135 = vector.broadcast %squeeze3A : f32 to vector<16xf32>
          %mul3A_136 = arith.mulf %get3A_134, %mul3A_135 : vector<16xf32>
          %swap3A_137 = arith.index_cast %add3A_87 : i32 to index
          %swap3A_138 = arith.constant 64 : index
          %swap3A_139 = tpu.vector_load %arg11[%swap3A_137, %swap3A_138] {strides = array<i32>} : memref<128x128xf32, #tpu.memory_space<vmem>>, vector<1x16xf32>,
          %swap3A_140 = vector.shape_cast %swap3A_139 : vector<1x16xf32> to vector<16xf32>
          %swap3A_141 = vector.shape_cast %mul3A_136 : vector<16xf32> to vector<1x16xf32>
          tpu.vector_store %arg11[%swap3A_137, %swap3A_138], %swap3A_141 {strides = array<i32>} : memref<128x128xf32, #tpu.memory_space<vmem>>, vector<1x16xf32>,
          %get3A_142 = arith.index_cast %add3A_87 : i32 to index
          %get3A_143 = arith.constant 80 : index
          %get3A_144 = tpu.vector_load %arg11[%get3A_142, %get3A_143] {strides = array<i32>} : memref<128x128xf32, #tpu.memory_space<vmem>>, vector<1x16xf32>,
          %get3A_145 = vector.shape_cast %get3A_144 : vector<1x16xf32> to vector<16xf32>
          %mul3A_146 = vector.broadcast %squeeze3A : f32 to vector<16xf32>
          %mul3A_147 = arith.mulf %get3A_145, %mul3A_146 : vector<16xf32>
          %swap3A_148 = arith.index_cast %add3A_87 : i32 to index
          %swap3A_149 = arith.constant 80 : index
          %swap3A_150 = tpu.vector_load %arg11[%swap3A_148, %swap3A_149] {strides = array<i32>} : memref<128x128xf32, #tpu.memory_space<vmem>>, vector<1x16xf32>,
          %swap3A_151 = vector.shape_cast %swap3A_150 : vector<1x16xf32> to vector<16xf32>
          %swap3A_152 = vector.shape_cast %mul3A_147 : vector<16xf32> to vector<1x16xf32>
          tpu.vector_store %arg11[%swap3A_148, %swap3A_149], %swap3A_152 {strides = array<i32>} : memref<128x128xf32, #tpu.memory_space<vmem>>, vector<1x16xf32>,
          %get3A_153 = arith.index_cast %add3A_87 : i32 to index
          %get3A_154 = arith.constant 96 : index
          %get3A_155 = tpu.vector_load %arg11[%get3A_153, %get3A_154] {strides = array<i32>} : memref<128x128xf32, #tpu.memory_space<vmem>>, vector<1x16xf32>,
          %get3A_156 = vector.shape_cast %get3A_155 : vector<1x16xf32> to vector<16xf32>
          %mul3A_157 = vector.broadcast %squeeze3A : f32 to vector<16xf32>
          %mul3A_158 = arith.mulf %get3A_156, %mul3A_157 : vector<16xf32>
          %swap3A_159 = arith.index_cast %add3A_87 : i32 to index
          %swap3A_160 = arith.constant 96 : index
          %swap3A_161 = tpu.vector_load %arg11[%swap3A_159, %swap3A_160] {strides = array<i32>} : memref<128x128xf32, #tpu.memory_space<vmem>>, vector<1x16xf32>,
          %swap3A_162 = vector.shape_cast %swap3A_161 : vector<1x16xf32> to vector<16xf32>
          %swap3A_163 = vector.shape_cast %mul3A_158 : vector<16xf32> to vector<1x16xf32>
          tpu.vector_store %arg11[%swap3A_159, %swap3A_160], %swap3A_163 {strides = array<i32>} : memref<128x128xf32, #tpu.memory_space<vmem>>, vector<1x16xf32>,
          %get3A_164 = arith.index_cast %add3A_87 : i32 to index
          %get3A_165 = arith.constant 112 : index
          %get3A_166 = tpu.vector_load %arg11[%get3A_164, %get3A_165] {strides = array<i32>} : memref<128x128xf32, #tpu.memory_space<vmem>>, vector<1x16xf32>,
          %get3A_167 = vector.shape_cast %get3A_166 : vector<1x16xf32> to vector<16xf32>
          %mul3A_168 = vector.broadcast %squeeze3A : f32 to vector<16xf32>
          %mul3A_169 = arith.mulf %get3A_167, %mul3A_168 : vector<16xf32>
          %swap3A_170 = arith.index_cast %add3A_87 : i32 to index
          %swap3A_171 = arith.constant 112 : index
          %swap3A_172 = tpu.vector_load %arg11[%swap3A_170, %swap3A_171] {strides = array<i32>} : memref<128x128xf32, #tpu.memory_space<vmem>>, vector<1x16xf32>,
          %swap3A_173 = vector.shape_cast %swap3A_172 : vector<1x16xf32> to vector<16xf32>
          %swap3A_174 = vector.shape_cast %mul3A_169 : vector<16xf32> to vector<1x16xf32>
          tpu.vector_store %arg11[%swap3A_170, %swap3A_171], %swap3A_174 {strides = array<i32>} : memref<128x128xf32, #tpu.memory_space<vmem>>, vector<1x16xf32>,
          %mul3A_175 = arith.constant 16 : i32
          %mul3A_176 = arith.muli %scan3A_78, %mul3A_175 : i32
          %add3A_177 = arith.constant 1 : i32
          %add3A_178 = arith.addi %mul3A_176, %add3A_177 : i32
          %slice3A_179 = vector.extract_strided_slice %get3A_83 {offsets = [1], sizes = [1], strides = [1]} : vector<16xf32> to vector<1xf32>
          %squeeze3A_180 = vector.extract %slice3A_179[0] : f32 from vector<1xf32>
          %get3A_181 = arith.index_cast %add3A_178 : i32 to index
          %get3A_182 = arith.constant 0 : index
          %get3A_183 = tpu.vector_load %arg11[%get3A_181, %get3A_182] {strides = array<i32>} : memref<128x128xf32, #tpu.memory_space<vmem>>, vector<1x16xf32>,
          %get3A_184 = vector.shape_cast %get3A_183 : vector<1x16xf32> to vector<16xf32>
          %mul3A_185 = vector.broadcast %squeeze3A_180 : f32 to vector<16xf32>
          %mul3A_186 = arith.mulf %get3A_184, %mul3A_185 : vector<16xf32>
          %swap3A_187 = arith.index_cast %add3A_178 : i32 to index
          %swap3A_188 = arith.constant 0 : index
          %swap3A_189 = tpu.vector_load %arg11[%swap3A_187, %swap3A_188] {strides = array<i32>} : memref<128x128xf32, #tpu.memory_space<vmem>>, vector<1x16xf32>,
          %swap3A_190 = vector.shape_cast %swap3A_189 : vector<1x16xf32> to vector<16xf32>
          %swap3A_191 = vector.shape_cast %mul3A_186 : vector<16xf32> to vector<1x16xf32>
          tpu.vector_store %arg11[%swap3A_187, %swap3A_188], %swap3A_191 {strides = array<i32>} : memref<128x128xf32, #tpu.memory_space<vmem>>, vector<1x16xf32>,
          %get3A_192 = arith.index_cast %add3A_178 : i32 to index
          %get3A_193 = arith.constant 16 : index
          %get3A_194 = tpu.vector_load %arg11[%get3A_192, %get3A_193] {strides = array<i32>} : memref<128x128xf32, #tpu.memory_space<vmem>>, vector<1x16xf32>,
          %get3A_195 = vector.shape_cast %get3A_194 : vector<1x16xf32> to vector<16xf32>
          %mul3A_196 = vector.broadcast %squeeze3A_180 : f32 to vector<16xf32>
          %mul3A_197 = arith.mulf %get3A_195, %mul3A_196 : vector<16xf32>
          %swap3A_198 = arith.index_cast %add3A_178 : i32 to index
          %swap3A_199 = arith.constant 16 : index
          %swap3A_200 = tpu.vector_load %arg11[%swap3A_198, %swap3A_199] {strides = array<i32>} : memref<128x128xf32, #tpu.memory_space<vmem>>, vector<1x16xf32>,
          %swap3A_201 = vector.shape_cast %swap3A_200 : vector<1x16xf32> to vector<16xf32>
          %swap3A_202 = vector.shape_cast %mul3A_197 : vector<16xf32> to vector<1x16xf32>
          tpu.vector_store %arg11[%swap3A_198, %swap3A_199], %swap3A_202 {strides = array<i32>} : memref<128x128xf32, #tpu.memory_space<vmem>>, vector<1x16xf32>,
          %get3A_203 = arith.index_cast %add3A_178 : i32 to index
          %get3A_204 = arith.constant 32 : index
          %get3A_205 = tpu.vector_load %arg11[%get3A_203, %get3A_204] {strides = array<i32>} : memref<128x128xf32, #tpu.memory_space<vmem>>, vector<1x16xf32>,
          %get3A_206 = vector.shape_cast %get3A_205 : vector<1x16xf32> to vector<16xf32>
          %mul3A_207 = vector.broadcast %squeeze3A_180 : f32 to vector<16xf32>
          %mul3A_208 = arith.mulf %get3A_206, %mul3A_207 : vector<16xf32>
          %swap3A_209 = arith.index_cast %add3A_178 : i32 to index
          %swap3A_210 = arith.constant 32 : index
          %swap3A_211 = tpu.vector_load %arg11[%swap3A_209, %swap3A_210] {strides = array<i32>} : memref<128x128xf32, #tpu.memory_space<vmem>>, vector<1x16xf32>,
          %swap3A_212 = vector.shape_cast %swap3A_211 : vector<1x16xf32> to vector<16xf32>
          %swap3A_213 = vector.shape_cast %mul3A_208 : vector<16xf32> to vector<1x16xf32>
          tpu.vector_store %arg11[%swap3A_209, %swap3A_210], %swap3A_213 {strides = array<i32>} : memref<128x128xf32, #tpu.memory_space<vmem>>, vector<1x16xf32>,
          %get3A_214 = arith.index_cast %add3A_178 : i32 to index
          %get3A_215 = arith.constant 48 : index
          %get3A_216 = tpu.vector_load %arg11[%get3A_214, %get3A_215] {strides = array<i32>} : memref<128x128xf32, #tpu.memory_space<vmem>>, vector<1x16xf32>,
          %get3A_217 = vector.shape_cast %get3A_216 : vector<1x16xf32> to vector<16xf32>
          %mul3A_218 = vector.broadcast %squeeze3A_180 : f32 to vector<16xf32>
          %mul3A_219 = arith.mulf %get3A_217, %mul3A_218 : vector<16xf32>
          %swap3A_220 = arith.index_cast %add3A_178 : i32 to index
          %swap3A_221 = arith.constant 48 : index
          %swap3A_222 = tpu.vector_load %arg11[%swap3A_220, %swap3A_221] {strides = array<i32>} : memref<128x128xf32, #tpu.memory_space<vmem>>, vector<1x16xf32>,
          %swap3A_223 = vector.shape_cast %swap3A_222 : vector<1x16xf32> to vector<16xf32>
          %swap3A_224 = vector.shape_cast %mul3A_219 : vector<16xf32> to vector<1x16xf32>
          tpu.vector_store %arg11[%swap3A_220, %swap3A_221], %swap3A_224 {strides = array<i32>} : memref<128x128xf32, #tpu.memory_space<vmem>>, vector<1x16xf32>,
          %get3A_225 = arith.index_cast %add3A_178 : i32 to index
          %get3A_226 = arith.constant 64 : index
          %get3A_227 = tpu.vector_load %arg11[%get3A_225, %get3A_226] {strides = array<i32>} : memref<128x128xf32, #tpu.memory_space<vmem>>, vector<1x16xf32>,
          %get3A_228 = vector.shape_cast %get3A_227 : vector<1x16xf32> to vector<16xf32>
          %mul3A_229 = vector.broadcast %squeeze3A_180 : f32 to vector<16xf32>
          %mul3A_230 = arith.mulf %get3A_228, %mul3A_229 : vector<16xf32>
          %swap3A_231 = arith.index_cast %add3A_178 : i32 to index
          %swap3A_232 = arith.constant 64 : index
          %swap3A_233 = tpu.vector_load %arg11[%swap3A_231, %swap3A_232] {strides = array<i32>} : memref<128x128xf32, #tpu.memory_space<vmem>>, vector<1x16xf32>,
          %swap3A_234 = vector.shape_cast %swap3A_233 : vector<1x16xf32> to vector<16xf32>
          %swap3A_235 = vector.shape_cast %mul3A_230 : vector<16xf32> to vector<1x16xf32>
          tpu.vector_store %arg11[%swap3A_231, %swap3A_232], %swap3A_235 {strides = array<i32>} : memref<128x128xf32, #tpu.memory_space<vmem>>, vector<1x16xf32>,
          %get3A_236 = arith.index_cast %add3A_178 : i32 to index
          %get3A_237 = arith.constant 80 : index
          %get3A_238 = tpu.vector_load %arg11[%get3A_236, %get3A_237] {strides = array<i32>} : memref<128x128xf32, #tpu.memory_space<vmem>>, vector<1x16xf32>,
          %get3A_239 = vector.shape_cast %get3A_238 : vector<1x16xf32> to vector<16xf32>
          %mul3A_240 = vector.broadcast %squeeze3A_180 : f32 to vector<16xf32>
          %mul3A_241 = arith.mulf %get3A_239, %mul3A_240 : vector<16xf32>
          %swap3A_242 = arith.index_cast %add3A_178 : i32 to index
          %swap3A_243 = arith.constant 80 : index
          %swap3A_244 = tpu.vector_load %arg11[%swap3A_242, %swap3A_243] {strides = array<i32>} : memref<128x128xf32, #tpu.memory_space<vmem>>, vector<1x16xf32>,
          %swap3A_245 = vector.shape_cast %swap3A_244 : vector<1x16xf32> to vector<16xf32>
          %swap3A_246 = vector.shape_cast %mul3A_241 : vector<16xf32> to vector<1x16xf32>
          tpu.vector_store %arg11[%swap3A_242, %swap3A_243], %swap3A_246 {strides = array<i32>} : memref<128x128xf32, #tpu.memory_space<vmem>>, vector<1x16xf32>,
          %get3A_247 = arith.index_cast %add3A_178 : i32 to index
          %get3A_248 = arith.constant 96 : index
          %get3A_249 = tpu.vector_load %arg11[%get3A_247, %get3A_248] {strides = array<i32>} : memref<128x128xf32, #tpu.memory_space<vmem>>, vector<1x16xf32>,
          %get3A_250 = vector.shape_cast %get3A_249 : vector<1x16xf32> to vector<16xf32>
          %mul3A_251 = vector.broadcast %squeeze3A_180 : f32 to vector<16xf32>
          %mul3A_252 = arith.mulf %get3A_250, %mul3A_251 : vector<16xf32>
          %swap3A_253 = arith.index_cast %add3A_178 : i32 to index
          %swap3A_254 = arith.constant 96 : index
          %swap3A_255 = tpu.vector_load %arg11[%swap3A_253, %swap3A_254] {strides = array<i32>} : memref<128x128xf32, #tpu.memory_space<vmem>>, vector<1x16xf32>,
          %swap3A_256 = vector.shape_cast %swap3A_255 : vector<1x16xf32> to vector<16xf32>
          %swap3A_257 = vector.shape_cast %mul3A_252 : vector<16xf32> to vector<1x16xf32>
          tpu.vector_store %arg11[%swap3A_253, %swap3A_254], %swap3A_257 {strides = array<i32>} : memref<128x128xf32, #tpu.memory_space<vmem>>, vector<1x16xf32>,
          %get3A_258 = arith.index_cast %add3A_178 : i32 to index
          %get3A_259 = arith.constant 112 : index
          %get3A_260 = tpu.vector_load %arg11[%get3A_258, %get3A_259] {strides = array<i32>} : memref<128x128xf32, #tpu.memory_space<vmem>>, vector<1x16xf32>,
          %get3A_261 = vector.shape_cast %get3A_260 : vector<1x16xf32> to vector<16xf32>
          %mul3A_262 = vector.broadcast %squeeze3A_180 : f32 to vector<16xf32>
          %mul3A_263 = arith.mulf %get3A_261, %mul3A_262 : vector<16xf32>
          %swap3A_264 = arith.index_cast %add3A_178 : i32 to index
          %swap3A_265 = arith.constant 112 : index
          %swap3A_266 = tpu.vector_load %arg11[%swap3A_264, %swap3A_265] {strides = array<i32>} : memref<128x128xf32, #tpu.memory_space<vmem>>, vector<1x16xf32>,
          %swap3A_267 = vector.shape_cast %swap3A_266 : vector<1x16xf32> to vector<16xf32>
          %swap3A_268 = vector.shape_cast %mul3A_263 : vector<16xf32> to vector<1x16xf32>
          tpu.vector_store %arg11[%swap3A_264, %swap3A_265], %swap3A_268 {strides = array<i32>} : memref<128x128xf32, #tpu.memory_space<vmem>>, vector<1x16xf32>,
          %mul3A_269 = arith.constant 16 : i32
          %mul3A_270 = arith.muli %scan3A_78, %mul3A_269 : i32
          %add3A_271 = arith.constant 2 : i32
          %add3A_272 = arith.addi %mul3A_270, %add3A_271 : i32
          %slice3A_273 = vector.extract_strided_slice %get3A_83 {offsets = [2], sizes = [1], strides = [1]} : vector<16xf32> to vector<1xf32>
          %squeeze3A_274 = vector.extract %slice3A_273[0] : f32 from vector<1xf32>
          %get3A_275 = arith.index_cast %add3A_272 : i32 to index
          %get3A_276 = arith.constant 0 : index
          %get3A_277 = tpu.vector_load %arg11[%get3A_275, %get3A_276] {strides = array<i32>} : memref<128x128xf32, #tpu.memory_space<vmem>>, vector<1x16xf32>,
          %get3A_278 = vector.shape_cast %get3A_277 : vector<1x16xf32> to vector<16xf32>
          %mul3A_279 = vector.broadcast %squeeze3A_274 : f32 to vector<16xf32>
          %mul3A_280 = arith.mulf %get3A_278, %mul3A_279 : vector<16xf32>
          %swap3A_281 = arith.index_cast %add3A_272 : i32 to index
          %swap3A_282 = arith.constant 0 : index
          %swap3A_283 = tpu.vector_load %arg11[%swap3A_281, %swap3A_282] {strides = array<i32>} : memref<128x128xf32, #tpu.memory_space<vmem>>, vector<1x16xf32>,
          %swap3A_284 = vector.shape_cast %swap3A_283 : vector<1x16xf32> to vector<16xf32>
          %swap3A_285 = vector.shape_cast %mul3A_280 : vector<16xf32> to vector<1x16xf32>
          tpu.vector_store %arg11[%swap3A_281, %swap3A_282], %swap3A_285 {strides = array<i32>} : memref<128x128xf32, #tpu.memory_space<vmem>>, vector<1x16xf32>,
          %get3A_286 = arith.index_cast %add3A_272 : i32 to index
          %get3A_287 = arith.constant 16 : index
          %get3A_288 = tpu.vector_load %arg11[%get3A_286, %get3A_287] {strides = array<i32>} : memref<128x128xf32, #tpu.memory_space<vmem>>, vector<1x16xf32>,
          %get3A_289 = vector.shape_cast %get3A_288 : vector<1x16xf32> to vector<16xf32>
          %mul3A_290 = vector.broadcast %squeeze3A_274 : f32 to vector<16xf32>
          %mul3A_291 = arith.mulf %get3A_289, %mul3A_290 : vector<16xf32>
          %swap3A_292 = arith.index_cast %add3A_272 : i32 to index
          %swap3A_293 = arith.constant 16 : index
          %swap3A_294 = tpu.vector_load %arg11[%swap3A_292, %swap3A_293] {strides = array<i32>} : memref<128x128xf32, #tpu.memory_space<vmem>>, vector<1x16xf32>,
          %swap3A_295 = vector.shape_cast %swap3A_294 : vector<1x16xf32> to vector<16xf32>
          %swap3A_296 = vector.shape_cast %mul3A_291 : vector<16xf32> to vector<1x16xf32>
          tpu.vector_store %arg11[%swap3A_292, %swap3A_293], %swap3A_296 {strides = array<i32>} : memref<128x128xf32, #tpu.memory_space<vmem>>, vector<1x16xf32>,
          %get3A_297 = arith.index_cast %add3A_272 : i32 to index
          %get3A_298 = arith.constant 32 : index
          %get3A_299 = tpu.vector_load %arg11[%get3A_297, %get3A_298] {strides = array<i32>} : memref<128x128xf32, #tpu.memory_space<vmem>>, vector<1x16xf32>,
          %get3A_300 = vector.shape_cast %get3A_299 : vector<1x16xf32> to vector<16xf32>
          %mul3A_301 = vector.broadcast %squeeze3A_274 : f32 to vector<16xf32>
          %mul3A_302 = arith.mulf %get3A_300, %mul3A_301 : vector<16xf32>
          %swap3A_303 = arith.index_cast %add3A_272 : i32 to index
          %swap3A_304 = arith.constant 32 : index
          %swap3A_305 = tpu.vector_load %arg11[%swap3A_303, %swap3A_304] {strides = array<i32>} : memref<128x128xf32, #tpu.memory_space<vmem>>, vector<1x16xf32>,
          %swap3A_306 = vector.shape_cast %swap3A_305 : vector<1x16xf32> to vector<16xf32>
          %swap3A_307 = vector.shape_cast %mul3A_302 : vector<16xf32> to vector<1x16xf32>
          tpu.vector_store %arg11[%swap3A_303, %swap3A_304], %swap3A_307 {strides = array<i32>} : memref<128x128xf32, #tpu.memory_space<vmem>>, vector<1x16xf32>,
          %get3A_308 = arith.index_cast %add3A_272 : i32 to index
          %get3A_309 = arith.constant 48 : index
          %get3A_310 = tpu.vector_load %arg11[%get3A_308, %get3A_309] {strides = array<i32>} : memref<128x128xf32, #tpu.memory_space<vmem>>, vector<1x16xf32>,
          %get3A_311 = vector.shape_cast %get3A_310 : vector<1x16xf32> to vector<16xf32>
          %mul3A_312 = vector.broadcast %squeeze3A_274 : f32 to vector<16xf32>
          %mul3A_313 = arith.mulf %get3A_311, %mul3A_312 : vector<16xf32>
          %swap3A_314 = arith.index_cast %add3A_272 : i32 to index
          %swap3A_315 = arith.constant 48 : index
          %swap3A_316 = tpu.vector_load %arg11[%swap3A_314, %swap3A_315] {strides = array<i32>} : memref<128x128xf32, #tpu.memory_space<vmem>>, vector<1x16xf32>,
          %swap3A_317 = vector.shape_cast %swap3A_316 : vector<1x16xf32> to vector<16xf32>
          %swap3A_318 = vector.shape_cast %mul3A_313 : vector<16xf32> to vector<1x16xf32>
          tpu.vector_store %arg11[%swap3A_314, %swap3A_315], %swap3A_318 {strides = array<i32>} : memref<128x128xf32, #tpu.memory_space<vmem>>, vector<1x16xf32>,
          %get3A_319 = arith.index_cast %add3A_272 : i32 to index
          %get3A_320 = arith.constant 64 : index
          %get3A_321 = tpu.vector_load %arg11[%get3A_319, %get3A_320] {strides = array<i32>} : memref<128x128xf32, #tpu.memory_space<vmem>>, vector<1x16xf32>,
          %get3A_322 = vector.shape_cast %get3A_321 : vector<1x16xf32> to vector<16xf32>
          %mul3A_323 = vector.broadcast %squeeze3A_274 : f32 to vector<16xf32>
          %mul3A_324 = arith.mulf %get3A_322, %mul3A_323 : vector<16xf32>
          %swap3A_325 = arith.index_cast %add3A_272 : i32 to index
          %swap3A_326 = arith.constant 64 : index
          %swap3A_327 = tpu.vector_load %arg11[%swap3A_325, %swap3A_326] {strides = array<i32>} : memref<128x128xf32, #tpu.memory_space<vmem>>, vector<1x16xf32>,
          %swap3A_328 = vector.shape_cast %swap3A_327 : vector<1x16xf32> to vector<16xf32>
          %swap3A_329 = vector.shape_cast %mul3A_324 : vector<16xf32> to vector<1x16xf32>
          tpu.vector_store %arg11[%swap3A_325, %swap3A_326], %swap3A_329 {strides = array<i32>} : memref<128x128xf32, #tpu.memory_space<vmem>>, vector<1x16xf32>,
          %get3A_330 = arith.index_cast %add3A_272 : i32 to index
          %get3A_331 = arith.constant 80 : index
          %get3A_332 = tpu.vector_load %arg11[%get3A_330, %get3A_331] {strides = array<i32>} : memref<128x128xf32, #tpu.memory_space<vmem>>, vector<1x16xf32>,
          %get3A_333 = vector.shape_cast %get3A_332 : vector<1x16xf32> to vector<16xf32>
          %mul3A_334 = vector.broadcast %squeeze3A_274 : f32 to vector<16xf32>
          %mul3A_335 = arith.mulf %get3A_333, %mul3A_334 : vector<16xf32>
          %swap3A_336 = arith.index_cast %add3A_272 : i32 to index
          %swap3A_337 = arith.constant 80 : index
          %swap3A_338 = tpu.vector_load %arg11[%swap3A_336, %swap3A_337] {strides = array<i32>} : memref<128x128xf32, #tpu.memory_space<vmem>>, vector<1x16xf32>,
          %swap3A_339 = vector.shape_cast %swap3A_338 : vector<1x16xf32> to vector<16xf32>
          %swap3A_340 = vector.shape_cast %mul3A_335 : vector<16xf32> to vector<1x16xf32>
          tpu.vector_store %arg11[%swap3A_336, %swap3A_337], %swap3A_340 {strides = array<i32>} : memref<128x128xf32, #tpu.memory_space<vmem>>, vector<1x16xf32>,
          %get3A_341 = arith.index_cast %add3A_272 : i32 to index
          %get3A_342 = arith.constant 96 : index
          %get3A_343 = tpu.vector_load %arg11[%get3A_341, %get3A_342] {strides = array<i32>} : memref<128x128xf32, #tpu.memory_space<vmem>>, vector<1x16xf32>,
          %get3A_344 = vector.shape_cast %get3A_343 : vector<1x16xf32> to vector<16xf32>
          %mul3A_345 = vector.broadcast %squeeze3A_274 : f32 to vector<16xf32>
          %mul3A_346 = arith.mulf %get3A_344, %mul3A_345 : vector<16xf32>
          %swap3A_347 = arith.index_cast %add3A_272 : i32 to index
          %swap3A_348 = arith.constant 96 : index
          %swap3A_349 = tpu.vector_load %arg11[%swap3A_347, %swap3A_348] {strides = array<i32>} : memref<128x128xf32, #tpu.memory_space<vmem>>, vector<1x16xf32>,
          %swap3A_350 = vector.shape_cast %swap3A_349 : vector<1x16xf32> to vector<16xf32>
          %swap3A_351 = vector.shape_cast %mul3A_346 : vector<16xf32> to vector<1x16xf32>
          tpu.vector_store %arg11[%swap3A_347, %swap3A_348], %swap3A_351 {strides = array<i32>} : memref<128x128xf32, #tpu.memory_space<vmem>>, vector<1x16xf32>,
          %get3A_352 = arith.index_cast %add3A_272 : i32 to index
          %get3A_353 = arith.constant 112 : index
          %get3A_354 = tpu.vector_load %arg11[%get3A_352, %get3A_353] {strides = array<i32>} : memref<128x128xf32, #tpu.memory_space<vmem>>, vector<1x16xf32>,
          %get3A_355 = vector.shape_cast %get3A_354 : vector<1x16xf32> to vector<16xf32>
          %mul3A_356 = vector.broadcast %squeeze3A_274 : f32 to vector<16xf32>
          %mul3A_357 = arith.mulf %get3A_355, %mul3A_356 : vector<16xf32>
          %swap3A_358 = arith.index_cast %add3A_272 : i32 to index
          %swap3A_359 = arith.constant 112 : index
          %swap3A_360 = tpu.vector_load %arg11[%swap3A_358, %swap3A_359] {strides = array<i32>} : memref<128x128xf32, #tpu.memory_space<vmem>>, vector<1x16xf32>,
          %swap3A_361 = vector.shape_cast %swap3A_360 : vector<1x16xf32> to vector<16xf32>
          %swap3A_362 = vector.shape_cast %mul3A_357 : vector<16xf32> to vector<1x16xf32>
          tpu.vector_store %arg11[%swap3A_358, %swap3A_359], %swap3A_362 {strides = array<i32>} : memref<128x128xf32, #tpu.memory_space<vmem>>, vector<1x16xf32>,
          %mul3A_363 = arith.constant 16 : i32
          %mul3A_364 = arith.muli %scan3A_78, %mul3A_363 : i32
          %add3A_365 = arith.constant 3 : i32
          %add3A_366 = arith.addi %mul3A_364, %add3A_365 : i32
          %slice3A_367 = vector.extract_strided_slice %get3A_83 {offsets = [3], sizes = [1], strides = [1]} : vector<16xf32> to vector<1xf32>
          %squeeze3A_368 = vector.extract %slice3A_367[0] : f32 from vector<1xf32>
          %get3A_369 = arith.index_cast %add3A_366 : i32 to index
          %get3A_370 = arith.constant 0 : index
          %get3A_371 = tpu.vector_load %arg11[%get3A_369, %get3A_370] {strides = array<i32>} : memref<128x128xf32, #tpu.memory_space<vmem>>, vector<1x16xf32>,
          %get3A_372 = vector.shape_cast %get3A_371 : vector<1x16xf32> to vector<16xf32>
          %mul3A_373 = vector.broadcast %squeeze3A_368 : f32 to vector<16xf32>
          %mul3A_374 = arith.mulf %get3A_372, %mul3A_373 : vector<16xf32>
          %swap3A_375 = arith.index_cast %add3A_366 : i32 to index
          %swap3A_376 = arith.constant 0 : index
          %swap3A_377 = tpu.vector_load %arg11[%swap3A_375, %swap3A_376] {strides = array<i32>} : memref<128x128xf32, #tpu.memory_space<vmem>>, vector<1x16xf32>,
          %swap3A_378 = vector.shape_cast %swap3A_377 : vector<1x16xf32> to vector<16xf32>
          %swap3A_379 = vector.shape_cast %mul3A_374 : vector<16xf32> to vector<1x16xf32>
          tpu.vector_store %arg11[%swap3A_375, %swap3A_376], %swap3A_379 {strides = array<i32>} : memref<128x128xf32, #tpu.memory_space<vmem>>, vector<1x16xf32>,
          %get3A_380 = arith.index_cast %add3A_366 : i32 to index
          %get3A_381 = arith.constant 16 : index
          %get3A_382 = tpu.vector_load %arg11[%get3A_380, %get3A_381] {strides = array<i32>} : memref<128x128xf32, #tpu.memory_space<vmem>>, vector<1x16xf32>,
          %get3A_383 = vector.shape_cast %get3A_382 : vector<1x16xf32> to vector<16xf32>
          %mul3A_384 = vector.broadcast %squeeze3A_368 : f32 to vector<16xf32>
          %mul3A_385 = arith.mulf %get3A_383, %mul3A_384 : vector<16xf32>
          %swap3A_386 = arith.index_cast %add3A_366 : i32 to index
          %swap3A_387 = arith.constant 16 : index
          %swap3A_388 = tpu.vector_load %arg11[%swap3A_386, %swap3A_387] {strides = array<i32>} : memref<128x128xf32, #tpu.memory_space<vmem>>, vector<1x16xf32>,
          %swap3A_389 = vector.shape_cast %swap3A_388 : vector<1x16xf32> to vector<16xf32>
          %swap3A_390 = vector.shape_cast %mul3A_385 : vector<16xf32> to vector<1x16xf32>
          tpu.vector_store %arg11[%swap3A_386, %swap3A_387], %swap3A_390 {strides = array<i32>} : memref<128x128xf32, #tpu.memory_space<vmem>>, vector<1x16xf32>,
          %get3A_391 = arith.index_cast %add3A_366 : i32 to index
          %get3A_392 = arith.constant 32 : index
          %get3A_393 = tpu.vector_load %arg11[%get3A_391, %get3A_392] {strides = array<i32>} : memref<128x128xf32, #tpu.memory_space<vmem>>, vector<1x16xf32>,
          %get3A_394 = vector.shape_cast %get3A_393 : vector<1x16xf32> to vector<16xf32>
          %mul3A_395 = vector.broadcast %squeeze3A_368 : f32 to vector<16xf32>
          %mul3A_396 = arith.mulf %get3A_394, %mul3A_395 : vector<16xf32>
          %swap3A_397 = arith.index_cast %add3A_366 : i32 to index
          %swap3A_398 = arith.constant 32 : index
          %swap3A_399 = tpu.vector_load %arg11[%swap3A_397, %swap3A_398] {strides = array<i32>} : memref<128x128xf32, #tpu.memory_space<vmem>>, vector<1x16xf32>,
          %swap3A_400 = vector.shape_cast %swap3A_399 : vector<1x16xf32> to vector<16xf32>
          %swap3A_401 = vector.shape_cast %mul3A_396 : vector<16xf32> to vector<1x16xf32>
          tpu.vector_store %arg11[%swap3A_397, %swap3A_398], %swap3A_401 {strides = array<i32>} : memref<128x128xf32, #tpu.memory_space<vmem>>, vector<1x16xf32>,
          %get3A_402 = arith.index_cast %add3A_366 : i32 to index
          %get3A_403 = arith.constant 48 : index
          %get3A_404 = tpu.vector_load %arg11[%get3A_402, %get3A_403] {strides = array<i32>} : memref<128x128xf32, #tpu.memory_space<vmem>>, vector<1x16xf32>,
          %get3A_405 = vector.shape_cast %get3A_404 : vector<1x16xf32> to vector<16xf32>
          %mul3A_406 = vector.broadcast %squeeze3A_368 : f32 to vector<16xf32>
          %mul3A_407 = arith.mulf %get3A_405, %mul3A_406 : vector<16xf32>
          %swap3A_408 = arith.index_cast %add3A_366 : i32 to index
          %swap3A_409 = arith.constant 48 : index
          %swap3A_410 = tpu.vector_load %arg11[%swap3A_408, %swap3A_409] {strides = array<i32>} : memref<128x128xf32, #tpu.memory_space<vmem>>, vector<1x16xf32>,
          %swap3A_411 = vector.shape_cast %swap3A_410 : vector<1x16xf32> to vector<16xf32>
          %swap3A_412 = vector.shape_cast %mul3A_407 : vector<16xf32> to vector<1x16xf32>
          tpu.vector_store %arg11[%swap3A_408, %swap3A_409], %swap3A_412 {strides = array<i32>} : memref<128x128xf32, #tpu.memory_space<vmem>>, vector<1x16xf32>,
          %get3A_413 = arith.index_cast %add3A_366 : i32 to index
          %get3A_414 = arith.constant 64 : index
          %get3A_415 = tpu.vector_load %arg11[%get3A_413, %get3A_414] {strides = array<i32>} : memref<128x128xf32, #tpu.memory_space<vmem>>, vector<1x16xf32>,
          %get3A_416 = vector.shape_cast %get3A_415 : vector<1x16xf32> to vector<16xf32>
          %mul3A_417 = vector.broadcast %squeeze3A_368 : f32 to vector<16xf32>
          %mul3A_418 = arith.mulf %get3A_416, %mul3A_417 : vector<16xf32>
          %swap3A_419 = arith.index_cast %add3A_366 : i32 to index
          %swap3A_420 = arith.constant 64 : index
          %swap3A_421 = tpu.vector_load %arg11[%swap3A_419, %swap3A_420] {strides = array<i32>} : memref<128x128xf32, #tpu.memory_space<vmem>>, vector<1x16xf32>,
          %swap3A_422 = vector.shape_cast %swap3A_421 : vector<1x16xf32> to vector<16xf32>
          %swap3A_423 = vector.shape_cast %mul3A_418 : vector<16xf32> to vector<1x16xf32>
          tpu.vector_store %arg11[%swap3A_419, %swap3A_420], %swap3A_423 {strides = array<i32>} : memref<128x128xf32, #tpu.memory_space<vmem>>, vector<1x16xf32>,
          %get3A_424 = arith.index_cast %add3A_366 : i32 to index
          %get3A_425 = arith.constant 80 : index
          %get3A_426 = tpu.vector_load %arg11[%get3A_424, %get3A_425] {strides = array<i32>} : memref<128x128xf32, #tpu.memory_space<vmem>>, vector<1x16xf32>,
          %get3A_427 = vector.shape_cast %get3A_426 : vector<1x16xf32> to vector<16xf32>
          %mul3A_428 = vector.broadcast %squeeze3A_368 : f32 to vector<16xf32>
          %mul3A_429 = arith.mulf %get3A_427, %mul3A_428 : vector<16xf32>
          %swap3A_430 = arith.index_cast %add3A_366 : i32 to index
          %swap3A_431 = arith.constant 80 : index
          %swap3A_432 = tpu.vector_load %arg11[%swap3A_430, %swap3A_431] {strides = array<i32>} : memref<128x128xf32, #tpu.memory_space<vmem>>, vector<1x16xf32>,
          %swap3A_433 = vector.shape_cast %swap3A_432 : vector<1x16xf32> to vector<16xf32>
          %swap3A_434 = vector.shape_cast %mul3A_429 : vector<16xf32> to vector<1x16xf32>
          tpu.vector_store %arg11[%swap3A_430, %swap3A_431], %swap3A_434 {strides = array<i32>} : memref<128x128xf32, #tpu.memory_space<vmem>>, vector<1x16xf32>,
          %get3A_435 = arith.index_cast %add3A_366 : i32 to index
          %get3A_436 = arith.constant 96 : index
          %get3A_437 = tpu.vector_load %arg11[%get3A_435, %get3A_436] {strides = array<i32>} : memref<128x128xf32, #tpu.memory_space<vmem>>, vector<1x16xf32>,
          %get3A_438 = vector.shape_cast %get3A_437 : vector<1x16xf32> to vector<16xf32>
          %mul3A_439 = vector.broadcast %squeeze3A_368 : f32 to vector<16xf32>
          %mul3A_440 = arith.mulf %get3A_438, %mul3A_439 : vector<16xf32>
          %swap3A_441 = arith.index_cast %add3A_366 : i32 to index
          %swap3A_442 = arith.constant 96 : index
          %swap3A_443 = tpu.vector_load %arg11[%swap3A_441, %swap3A_442] {strides = array<i32>} : memref<128x128xf32, #tpu.memory_space<vmem>>, vector<1x16xf32>,
          %swap3A_444 = vector.shape_cast %swap3A_443 : vector<1x16xf32> to vector<16xf32>
          %swap3A_445 = vector.shape_cast %mul3A_440 : vector<16xf32> to vector<1x16xf32>
          tpu.vector_store %arg11[%swap3A_441, %swap3A_442], %swap3A_445 {strides = array<i32>} : memref<128x128xf32, #tpu.memory_space<vmem>>, vector<1x16xf32>,
          %get3A_446 = arith.index_cast %add3A_366 : i32 to index
          %get3A_447 = arith.constant 112 : index
          %get3A_448 = tpu.vector_load %arg11[%get3A_446, %get3A_447] {strides = array<i32>} : memref<128x128xf32, #tpu.memory_space<vmem>>, vector<1x16xf32>,
          %get3A_449 = vector.shape_cast %get3A_448 : vector<1x16xf32> to vector<16xf32>
          %mul3A_450 = vector.broadcast %squeeze3A_368 : f32 to vector<16xf32>
          %mul3A_451 = arith.mulf %get3A_449, %mul3A_450 : vector<16xf32>
          %swap3A_452 = arith.index_cast %add3A_366 : i32 to index
          %swap3A_453 = arith.constant 112 : index
          %swap3A_454 = tpu.vector_load %arg11[%swap3A_452, %swap3A_453] {strides = array<i32>} : memref<128x128xf32, #tpu.memory_space<vmem>>, vector<1x16xf32>,
          %swap3A_455 = vector.shape_cast %swap3A_454 : vector<1x16xf32> to vector<16xf32>
          %swap3A_456 = vector.shape_cast %mul3A_451 : vector<16xf32> to vector<1x16xf32>
          tpu.vector_store %arg11[%swap3A_452, %swap3A_453], %swap3A_456 {strides = array<i32>} : memref<128x128xf32, #tpu.memory_space<vmem>>, vector<1x16xf32>,
          %mul3A_457 = arith.constant 16 : i32
          %mul3A_458 = arith.muli %scan3A_78, %mul3A_457 : i32
          %add3A_459 = arith.constant 4 : i32
          %add3A_460 = arith.addi %mul3A_458, %add3A_459 : i32
          %slice3A_461 = vector.extract_strided_slice %get3A_83 {offsets = [4], sizes = [1], strides = [1]} : vector<16xf32> to vector<1xf32>
          %squeeze3A_462 = vector.extract %slice3A_461[0] : f32 from vector<1xf32>
          %get3A_463 = arith.index_cast %add3A_460 : i32 to index
          %get3A_464 = arith.constant 0 : index
          %get3A_465 = tpu.vector_load %arg11[%get3A_463, %get3A_464] {strides = array<i32>} : memref<128x128xf32, #tpu.memory_space<vmem>>, vector<1x16xf32>,
          %get3A_466 = vector.shape_cast %get3A_465 : vector<1x16xf32> to vector<16xf32>
          %mul3A_467 = vector.broadcast %squeeze3A_462 : f32 to vector<16xf32>
          %mul3A_468 = arith.mulf %get3A_466, %mul3A_467 : vector<16xf32>
          %swap3A_469 = arith.index_cast %add3A_460 : i32 to index
          %swap3A_470 = arith.constant 0 : index
          %swap3A_471 = tpu.vector_load %arg11[%swap3A_469, %swap3A_470] {strides = array<i32>} : memref<128x128xf32, #tpu.memory_space<vmem>>, vector<1x16xf32>,
          %swap3A_472 = vector.shape_cast %swap3A_471 : vector<1x16xf32> to vector<16xf32>
          %swap3A_473 = vector.shape_cast %mul3A_468 : vector<16xf32> to vector<1x16xf32>
          tpu.vector_store %arg11[%swap3A_469, %swap3A_470], %swap3A_473 {strides = array<i32>} : memref<128x128xf32, #tpu.memory_space<vmem>>, vector<1x16xf32>,
          %get3A_474 = arith.index_cast %add3A_460 : i32 to index
          %get3A_475 = arith.constant 16 : index
          %get3A_476 = tpu.vector_load %arg11[%get3A_474, %get3A_475] {strides = array<i32>} : memref<128x128xf32, #tpu.memory_space<vmem>>, vector<1x16xf32>,
          %get3A_477 = vector.shape_cast %get3A_476 : vector<1x16xf32> to vector<16xf32>
          %mul3A_478 = vector.broadcast %squeeze3A_462 : f32 to vector<16xf32>
          %mul3A_479 = arith.mulf %get3A_477, %mul3A_478 : vector<16xf32>
          %swap3A_480 = arith.index_cast %add3A_460 : i32 to index
          %swap3A_481 = arith.constant 16 : index
          %swap3A_482 = tpu.vector_load %arg11[%swap3A_480, %swap3A_481] {strides = array<i32>} : memref<128x128xf32, #tpu.memory_space<vmem>>, vector<1x16xf32>,
          %swap3A_483 = vector.shape_cast %swap3A_482 : vector<1x16xf32> to vector<16xf32>
          %swap3A_484 = vector.shape_cast %mul3A_479 : vector<16xf32> to vector<1x16xf32>
          tpu.vector_store %arg11[%swap3A_480, %swap3A_481], %swap3A_484 {strides = array<i32>} : memref<128x128xf32, #tpu.memory_space<vmem>>, vector<1x16xf32>,
          %get3A_485 = arith.index_cast %add3A_460 : i32 to index
          %get3A_486 = arith.constant 32 : index
          %get3A_487 = tpu.vector_load %arg11[%get3A_485, %get3A_486] {strides = array<i32>} : memref<128x128xf32, #tpu.memory_space<vmem>>, vector<1x16xf32>,
          %get3A_488 = vector.shape_cast %get3A_487 : vector<1x16xf32> to vector<16xf32>
          %mul3A_489 = vector.broadcast %squeeze3A_462 : f32 to vector<16xf32>
          %mul3A_490 = arith.mulf %get3A_488, %mul3A_489 : vector<16xf32>
          %swap3A_491 = arith.index_cast %add3A_460 : i32 to index
          %swap3A_492 = arith.constant 32 : index
          %swap3A_493 = tpu.vector_load %arg11[%swap3A_491, %swap3A_492] {strides = array<i32>} : memref<128x128xf32, #tpu.memory_space<vmem>>, vector<1x16xf32>,
          %swap3A_494 = vector.shape_cast %swap3A_493 : vector<1x16xf32> to vector<16xf32>
          %swap3A_495 = vector.shape_cast %mul3A_490 : vector<16xf32> to vector<1x16xf32>
          tpu.vector_store %arg11[%swap3A_491, %swap3A_492], %swap3A_495 {strides = array<i32>} : memref<128x128xf32, #tpu.memory_space<vmem>>, vector<1x16xf32>,
          %get3A_496 = arith.index_cast %add3A_460 : i32 to index
          %get3A_497 = arith.constant 48 : index
          %get3A_498 = tpu.vector_load %arg11[%get3A_496, %get3A_497] {strides = array<i32>} : memref<128x128xf32, #tpu.memory_space<vmem>>, vector<1x16xf32>,
          %get3A_499 = vector.shape_cast %get3A_498 : vector<1x16xf32> to vector<16xf32>
          %mul3A_500 = vector.broadcast %squeeze3A_462 : f32 to vector<16xf32>
          %mul3A_501 = arith.mulf %get3A_499, %mul3A_500 : vector<16xf32>
          %swap3A_502 = arith.index_cast %add3A_460 : i32 to index
          %swap3A_503 = arith.constant 48 : index
          %swap3A_504 = tpu.vector_load %arg11[%swap3A_502, %swap3A_503] {strides = array<i32>} : memref<128x128xf32, #tpu.memory_space<vmem>>, vector<1x16xf32>,
          %swap3A_505 = vector.shape_cast %swap3A_504 : vector<1x16xf32> to vector<16xf32>
          %swap3A_506 = vector.shape_cast %mul3A_501 : vector<16xf32> to vector<1x16xf32>
          tpu.vector_store %arg11[%swap3A_502, %swap3A_503], %swap3A_506 {strides = array<i32>} : memref<128x128xf32, #tpu.memory_space<vmem>>, vector<1x16xf32>,
          %get3A_507 = arith.index_cast %add3A_460 : i32 to index
          %get3A_508 = arith.constant 64 : index
          %get3A_509 = tpu.vector_load %arg11[%get3A_507, %get3A_508] {strides = array<i32>} : memref<128x128xf32, #tpu.memory_space<vmem>>, vector<1x16xf32>,
          %get3A_510 = vector.shape_cast %get3A_509 : vector<1x16xf32> to vector<16xf32>
          %mul3A_511 = vector.broadcast %squeeze3A_462 : f32 to vector<16xf32>
          %mul3A_512 = arith.mulf %get3A_510, %mul3A_511 : vector<16xf32>
          %swap3A_513 = arith.index_cast %add3A_460 : i32 to index
          %swap3A_514 = arith.constant 64 : index
          %swap3A_515 = tpu.vector_load %arg11[%swap3A_513, %swap3A_514] {strides = array<i32>} : memref<128x128xf32, #tpu.memory_space<vmem>>, vector<1x16xf32>,
          %swap3A_516 = vector.shape_cast %swap3A_515 : vector<1x16xf32> to vector<16xf32>
          %swap3A_517 = vector.shape_cast %mul3A_512 : vector<16xf32> to vector<1x16xf32>
          tpu.vector_store %arg11[%swap3A_513, %swap3A_514], %swap3A_517 {strides = array<i32>} : memref<128x128xf32, #tpu.memory_space<vmem>>, vector<1x16xf32>,
          %get3A_518 = arith.index_cast %add3A_460 : i32 to index
          %get3A_519 = arith.constant 80 : index
          %get3A_520 = tpu.vector_load %arg11[%get3A_518, %get3A_519] {strides = array<i32>} : memref<128x128xf32, #tpu.memory_space<vmem>>, vector<1x16xf32>,
          %get3A_521 = vector.shape_cast %get3A_520 : vector<1x16xf32> to vector<16xf32>
          %mul3A_522 = vector.broadcast %squeeze3A_462 : f32 to vector<16xf32>
          %mul3A_523 = arith.mulf %get3A_521, %mul3A_522 : vector<16xf32>
          %swap3A_524 = arith.index_cast %add3A_460 : i32 to index
          %swap3A_525 = arith.constant 80 : index
          %swap3A_526 = tpu.vector_load %arg11[%swap3A_524, %swap3A_525] {strides = array<i32>} : memref<128x128xf32, #tpu.memory_space<vmem>>, vector<1x16xf32>,
          %swap3A_527 = vector.shape_cast %swap3A_526 : vector<1x16xf32> to vector<16xf32>
          %swap3A_528 = vector.shape_cast %mul3A_523 : vector<16xf32> to vector<1x16xf32>
          tpu.vector_store %arg11[%swap3A_524, %swap3A_525], %swap3A_528 {strides = array<i32>} : memref<128x128xf32, #tpu.memory_space<vmem>>, vector<1x16xf32>,
          %get3A_529 = arith.index_cast %add3A_460 : i32 to index
          %get3A_530 = arith.constant 96 : index
          %get3A_531 = tpu.vector_load %arg11[%get3A_529, %get3A_530] {strides = array<i32>} : memref<128x128xf32, #tpu.memory_space<vmem>>, vector<1x16xf32>,
          %get3A_532 = vector.shape_cast %get3A_531 : vector<1x16xf32> to vector<16xf32>
          %mul3A_533 = vector.broadcast %squeeze3A_462 : f32 to vector<16xf32>
          %mul3A_534 = arith.mulf %get3A_532, %mul3A_533 : vector<16xf32>
          %swap3A_535 = arith.index_cast %add3A_460 : i32 to index
          %swap3A_536 = arith.constant 96 : index
          %swap3A_537 = tpu.vector_load %arg11[%swap3A_535, %swap3A_536] {strides = array<i32>} : memref<128x128xf32, #tpu.memory_space<vmem>>, vector<1x16xf32>,
          %swap3A_538 = vector.shape_cast %swap3A_537 : vector<1x16xf32> to vector<16xf32>
          %swap3A_539 = vector.shape_cast %mul3A_534 : vector<16xf32> to vector<1x16xf32>
          tpu.vector_store %arg11[%swap3A_535, %swap3A_536], %swap3A_539 {strides = array<i32>} : memref<128x128xf32, #tpu.memory_space<vmem>>, vector<1x16xf32>,
          %get3A_540 = arith.index_cast %add3A_460 : i32 to index
          %get3A_541 = arith.constant 112 : index
          %get3A_542 = tpu.vector_load %arg11[%get3A_540, %get3A_541] {strides = array<i32>} : memref<128x128xf32, #tpu.memory_space<vmem>>, vector<1x16xf32>,
          %get3A_543 = vector.shape_cast %get3A_542 : vector<1x16xf32> to vector<16xf32>
          %mul3A_544 = vector.broadcast %squeeze3A_462 : f32 to vector<16xf32>
          %mul3A_545 = arith.mulf %get3A_543, %mul3A_544 : vector<16xf32>
          %swap3A_546 = arith.index_cast %add3A_460 : i32 to index
          %swap3A_547 = arith.constant 112 : index
          %swap3A_548 = tpu.vector_load %arg11[%swap3A_546, %swap3A_547] {strides = array<i32>} : memref<128x128xf32, #tpu.memory_space<vmem>>, vector<1x16xf32>,
          %swap3A_549 = vector.shape_cast %swap3A_548 : vector<1x16xf32> to vector<16xf32>
          %swap3A_550 = vector.shape_cast %mul3A_545 : vector<16xf32> to vector<1x16xf32>
          tpu.vector_store %arg11[%swap3A_546, %swap3A_547], %swap3A_550 {strides = array<i32>} : memref<128x128xf32, #tpu.memory_space<vmem>>, vector<1x16xf32>,
          %mul3A_551 = arith.constant 16 : i32
          %mul3A_552 = arith.muli %scan3A_78, %mul3A_551 : i32
          %add3A_553 = arith.constant 5 : i32
          %add3A_554 = arith.addi %mul3A_552, %add3A_553 : i32
          %slice3A_555 = vector.extract_strided_slice %get3A_83 {offsets = [5], sizes = [1], strides = [1]} : vector<16xf32> to vector<1xf32>
          %squeeze3A_556 = vector.extract %slice3A_555[0] : f32 from vector<1xf32>
          %get3A_557 = arith.index_cast %add3A_554 : i32 to index
          %get3A_558 = arith.constant 0 : index
          %get3A_559 = tpu.vector_load %arg11[%get3A_557, %get3A_558] {strides = array<i32>} : memref<128x128xf32, #tpu.memory_space<vmem>>, vector<1x16xf32>,
          %get3A_560 = vector.shape_cast %get3A_559 : vector<1x16xf32> to vector<16xf32>
          %mul3A_561 = vector.broadcast %squeeze3A_556 : f32 to vector<16xf32>
          %mul3A_562 = arith.mulf %get3A_560, %mul3A_561 : vector<16xf32>
          %swap3A_563 = arith.index_cast %add3A_554 : i32 to index
          %swap3A_564 = arith.constant 0 : index
          %swap3A_565 = tpu.vector_load %arg11[%swap3A_563, %swap3A_564] {strides = array<i32>} : memref<128x128xf32, #tpu.memory_space<vmem>>, vector<1x16xf32>,
          %swap3A_566 = vector.shape_cast %swap3A_565 : vector<1x16xf32> to vector<16xf32>
          %swap3A_567 = vector.shape_cast %mul3A_562 : vector<16xf32> to vector<1x16xf32>
          tpu.vector_store %arg11[%swap3A_563, %swap3A_564], %swap3A_567 {strides = array<i32>} : memref<128x128xf32, #tpu.memory_space<vmem>>, vector<1x16xf32>,
          %get3A_568 = arith.index_cast %add3A_554 : i32 to index
          %get3A_569 = arith.constant 16 : index
          %get3A_570 = tpu.vector_load %arg11[%get3A_568, %get3A_569] {strides = array<i32>} : memref<128x128xf32, #tpu.memory_space<vmem>>, vector<1x16xf32>,
          %get3A_571 = vector.shape_cast %get3A_570 : vector<1x16xf32> to vector<16xf32>
          %mul3A_572 = vector.broadcast %squeeze3A_556 : f32 to vector<16xf32>
          %mul3A_573 = arith.mulf %get3A_571, %mul3A_572 : vector<16xf32>
          %swap3A_574 = arith.index_cast %add3A_554 : i32 to index
          %swap3A_575 = arith.constant 16 : index
          %swap3A_576 = tpu.vector_load %arg11[%swap3A_574, %swap3A_575] {strides = array<i32>} : memref<128x128xf32, #tpu.memory_space<vmem>>, vector<1x16xf32>,
          %swap3A_577 = vector.shape_cast %swap3A_576 : vector<1x16xf32> to vector<16xf32>
          %swap3A_578 = vector.shape_cast %mul3A_573 : vector<16xf32> to vector<1x16xf32>
          tpu.vector_store %arg11[%swap3A_574, %swap3A_575], %swap3A_578 {strides = array<i32>} : memref<128x128xf32, #tpu.memory_space<vmem>>, vector<1x16xf32>,
          %get3A_579 = arith.index_cast %add3A_554 : i32 to index
          %get3A_580 = arith.constant 32 : index
          %get3A_581 = tpu.vector_load %arg11[%get3A_579, %get3A_580] {strides = array<i32>} : memref<128x128xf32, #tpu.memory_space<vmem>>, vector<1x16xf32>,
          %get3A_582 = vector.shape_cast %get3A_581 : vector<1x16xf32> to vector<16xf32>
          %mul3A_583 = vector.broadcast %squeeze3A_556 : f32 to vector<16xf32>
          %mul3A_584 = arith.mulf %get3A_582, %mul3A_583 : vector<16xf32>
          %swap3A_585 = arith.index_cast %add3A_554 : i32 to index
          %swap3A_586 = arith.constant 32 : index
          %swap3A_587 = tpu.vector_load %arg11[%swap3A_585, %swap3A_586] {strides = array<i32>} : memref<128x128xf32, #tpu.memory_space<vmem>>, vector<1x16xf32>,
          %swap3A_588 = vector.shape_cast %swap3A_587 : vector<1x16xf32> to vector<16xf32>
          %swap3A_589 = vector.shape_cast %mul3A_584 : vector<16xf32> to vector<1x16xf32>
          tpu.vector_store %arg11[%swap3A_585, %swap3A_586], %swap3A_589 {strides = array<i32>} : memref<128x128xf32, #tpu.memory_space<vmem>>, vector<1x16xf32>,
          %get3A_590 = arith.index_cast %add3A_554 : i32 to index
          %get3A_591 = arith.constant 48 : index
          %get3A_592 = tpu.vector_load %arg11[%get3A_590, %get3A_591] {strides = array<i32>} : memref<128x128xf32, #tpu.memory_space<vmem>>, vector<1x16xf32>,
          %get3A_593 = vector.shape_cast %get3A_592 : vector<1x16xf32> to vector<16xf32>
          %mul3A_594 = vector.broadcast %squeeze3A_556 : f32 to vector<16xf32>
          %mul3A_595 = arith.mulf %get3A_593, %mul3A_594 : vector<16xf32>
          %swap3A_596 = arith.index_cast %add3A_554 : i32 to index
          %swap3A_597 = arith.constant 48 : index
          %swap3A_598 = tpu.vector_load %arg11[%swap3A_596, %swap3A_597] {strides = array<i32>} : memref<128x128xf32, #tpu.memory_space<vmem>>, vector<1x16xf32>,
          %swap3A_599 = vector.shape_cast %swap3A_598 : vector<1x16xf32> to vector<16xf32>
          %swap3A_600 = vector.shape_cast %mul3A_595 : vector<16xf32> to vector<1x16xf32>
          tpu.vector_store %arg11[%swap3A_596, %swap3A_597], %swap3A_600 {strides = array<i32>} : memref<128x128xf32, #tpu.memory_space<vmem>>, vector<1x16xf32>,
          %get3A_601 = arith.index_cast %add3A_554 : i32 to index
          %get3A_602 = arith.constant 64 : index
          %get3A_603 = tpu.vector_load %arg11[%get3A_601, %get3A_602] {strides = array<i32>} : memref<128x128xf32, #tpu.memory_space<vmem>>, vector<1x16xf32>,
          %get3A_604 = vector.shape_cast %get3A_603 : vector<1x16xf32> to vector<16xf32>
          %mul3A_605 = vector.broadcast %squeeze3A_556 : f32 to vector<16xf32>
          %mul3A_606 = arith.mulf %get3A_604, %mul3A_605 : vector<16xf32>
          %swap3A_607 = arith.index_cast %add3A_554 : i32 to index
          %swap3A_608 = arith.constant 64 : index
          %swap3A_609 = tpu.vector_load %arg11[%swap3A_607, %swap3A_608] {strides = array<i32>} : memref<128x128xf32, #tpu.memory_space<vmem>>, vector<1x16xf32>,
          %swap3A_610 = vector.shape_cast %swap3A_609 : vector<1x16xf32> to vector<16xf32>
          %swap3A_611 = vector.shape_cast %mul3A_606 : vector<16xf32> to vector<1x16xf32>
          tpu.vector_store %arg11[%swap3A_607, %swap3A_608], %swap3A_611 {strides = array<i32>} : memref<128x128xf32, #tpu.memory_space<vmem>>, vector<1x16xf32>,
          %get3A_612 = arith.index_cast %add3A_554 : i32 to index
          %get3A_613 = arith.constant 80 : index
          %get3A_614 = tpu.vector_load %arg11[%get3A_612, %get3A_613] {strides = array<i32>} : memref<128x128xf32, #tpu.memory_space<vmem>>, vector<1x16xf32>,
          %get3A_615 = vector.shape_cast %get3A_614 : vector<1x16xf32> to vector<16xf32>
          %mul3A_616 = vector.broadcast %squeeze3A_556 : f32 to vector<16xf32>
          %mul3A_617 = arith.mulf %get3A_615, %mul3A_616 : vector<16xf32>
          %swap3A_618 = arith.index_cast %add3A_554 : i32 to index
          %swap3A_619 = arith.constant 80 : index
          %swap3A_620 = tpu.vector_load %arg11[%swap3A_618, %swap3A_619] {strides = array<i32>} : memref<128x128xf32, #tpu.memory_space<vmem>>, vector<1x16xf32>,
          %swap3A_621 = vector.shape_cast %swap3A_620 : vector<1x16xf32> to vector<16xf32>
          %swap3A_622 = vector.shape_cast %mul3A_617 : vector<16xf32> to vector<1x16xf32>
          tpu.vector_store %arg11[%swap3A_618, %swap3A_619], %swap3A_622 {strides = array<i32>} : memref<128x128xf32, #tpu.memory_space<vmem>>, vector<1x16xf32>,
          %get3A_623 = arith.index_cast %add3A_554 : i32 to index
          %get3A_624 = arith.constant 96 : index
          %get3A_625 = tpu.vector_load %arg11[%get3A_623, %get3A_624] {strides = array<i32>} : memref<128x128xf32, #tpu.memory_space<vmem>>, vector<1x16xf32>,
          %get3A_626 = vector.shape_cast %get3A_625 : vector<1x16xf32> to vector<16xf32>
          %mul3A_627 = vector.broadcast %squeeze3A_556 : f32 to vector<16xf32>
          %mul3A_628 = arith.mulf %get3A_626, %mul3A_627 : vector<16xf32>
          %swap3A_629 = arith.index_cast %add3A_554 : i32 to index
          %swap3A_630 = arith.constant 96 : index
          %swap3A_631 = tpu.vector_load %arg11[%swap3A_629, %swap3A_630] {strides = array<i32>} : memref<128x128xf32, #tpu.memory_space<vmem>>, vector<1x16xf32>,
          %swap3A_632 = vector.shape_cast %swap3A_631 : vector<1x16xf32> to vector<16xf32>
          %swap3A_633 = vector.shape_cast %mul3A_628 : vector<16xf32> to vector<1x16xf32>
          tpu.vector_store %arg11[%swap3A_629, %swap3A_630], %swap3A_633 {strides = array<i32>} : memref<128x128xf32, #tpu.memory_space<vmem>>, vector<1x16xf32>,
          %get3A_634 = arith.index_cast %add3A_554 : i32 to index
          %get3A_635 = arith.constant 112 : index
          %get3A_636 = tpu.vector_load %arg11[%get3A_634, %get3A_635] {strides = array<i32>} : memref<128x128xf32, #tpu.memory_space<vmem>>, vector<1x16xf32>,
          %get3A_637 = vector.shape_cast %get3A_636 : vector<1x16xf32> to vector<16xf32>
          %mul3A_638 = vector.broadcast %squeeze3A_556 : f32 to vector<16xf32>
          %mul3A_639 = arith.mulf %get3A_637, %mul3A_638 : vector<16xf32>
          %swap3A_640 = arith.index_cast %add3A_554 : i32 to index
          %swap3A_641 = arith.constant 112 : index
          %swap3A_642 = tpu.vector_load %arg11[%swap3A_640, %swap3A_641] {strides = array<i32>} : memref<128x128xf32, #tpu.memory_space<vmem>>, vector<1x16xf32>,
          %swap3A_643 = vector.shape_cast %swap3A_642 : vector<1x16xf32> to vector<16xf32>
          %swap3A_644 = vector.shape_cast %mul3A_639 : vector<16xf32> to vector<1x16xf32>
          tpu.vector_store %arg11[%swap3A_640, %swap3A_641], %swap3A_644 {strides = array<i32>} : memref<128x128xf32, #tpu.memory_space<vmem>>, vector<1x16xf32>,
          %mul3A_645 = arith.constant 16 : i32
          %mul3A_646 = arith.muli %scan3A_78, %mul3A_645 : i32
          %add3A_647 = arith.constant 6 : i32
          %add3A_648 = arith.addi %mul3A_646, %add3A_647 : i32
          %slice3A_649 = vector.extract_strided_slice %get3A_83 {offsets = [6], sizes = [1], strides = [1]} : vector<16xf32> to vector<1xf32>
          %squeeze3A_650 = vector.extract %slice3A_649[0] : f32 from vector<1xf32>
          %get3A_651 = arith.index_cast %add3A_648 : i32 to index
          %get3A_652 = arith.constant 0 : index
          %get3A_653 = tpu.vector_load %arg11[%get3A_651, %get3A_652] {strides = array<i32>} : memref<128x128xf32, #tpu.memory_space<vmem>>, vector<1x16xf32>,
          %get3A_654 = vector.shape_cast %get3A_653 : vector<1x16xf32> to vector<16xf32>
          %mul3A_655 = vector.broadcast %squeeze3A_650 : f32 to vector<16xf32>
          %mul3A_656 = arith.mulf %get3A_654, %mul3A_655 : vector<16xf32>
          %swap3A_657 = arith.index_cast %add3A_648 : i32 to index
          %swap3A_658 = arith.constant 0 : index
          %swap3A_659 = tpu.vector_load %arg11[%swap3A_657, %swap3A_658] {strides = array<i32>} : memref<128x128xf32, #tpu.memory_space<vmem>>, vector<1x16xf32>,
          %swap3A_660 = vector.shape_cast %swap3A_659 : vector<1x16xf32> to vector<16xf32>
          %swap3A_661 = vector.shape_cast %mul3A_656 : vector<16xf32> to vector<1x16xf32>
          tpu.vector_store %arg11[%swap3A_657, %swap3A_658], %swap3A_661 {strides = array<i32>} : memref<128x128xf32, #tpu.memory_space<vmem>>, vector<1x16xf32>,
          %get3A_662 = arith.index_cast %add3A_648 : i32 to index
          %get3A_663 = arith.constant 16 : index
          %get3A_664 = tpu.vector_load %arg11[%get3A_662, %get3A_663] {strides = array<i32>} : memref<128x128xf32, #tpu.memory_space<vmem>>, vector<1x16xf32>,
          %get3A_665 = vector.shape_cast %get3A_664 : vector<1x16xf32> to vector<16xf32>
          %mul3A_666 = vector.broadcast %squeeze3A_650 : f32 to vector<16xf32>
          %mul3A_667 = arith.mulf %get3A_665, %mul3A_666 : vector<16xf32>
          %swap3A_668 = arith.index_cast %add3A_648 : i32 to index
          %swap3A_669 = arith.constant 16 : index
          %swap3A_670 = tpu.vector_load %arg11[%swap3A_668, %swap3A_669] {strides = array<i32>} : memref<128x128xf32, #tpu.memory_space<vmem>>, vector<1x16xf32>,
          %swap3A_671 = vector.shape_cast %swap3A_670 : vector<1x16xf32> to vector<16xf32>
          %swap3A_672 = vector.shape_cast %mul3A_667 : vector<16xf32> to vector<1x16xf32>
          tpu.vector_store %arg11[%swap3A_668, %swap3A_669], %swap3A_672 {strides = array<i32>} : memref<128x128xf32, #tpu.memory_space<vmem>>, vector<1x16xf32>,
          %get3A_673 = arith.index_cast %add3A_648 : i32 to index
          %get3A_674 = arith.constant 32 : index
          %get3A_675 = tpu.vector_load %arg11[%get3A_673, %get3A_674] {strides = array<i32>} : memref<128x128xf32, #tpu.memory_space<vmem>>, vector<1x16xf32>,
          %get3A_676 = vector.shape_cast %get3A_675 : vector<1x16xf32> to vector<16xf32>
          %mul3A_677 = vector.broadcast %squeeze3A_650 : f32 to vector<16xf32>
          %mul3A_678 = arith.mulf %get3A_676, %mul3A_677 : vector<16xf32>
          %swap3A_679 = arith.index_cast %add3A_648 : i32 to index
          %swap3A_680 = arith.constant 32 : index
          %swap3A_681 = tpu.vector_load %arg11[%swap3A_679, %swap3A_680] {strides = array<i32>} : memref<128x128xf32, #tpu.memory_space<vmem>>, vector<1x16xf32>,
          %swap3A_682 = vector.shape_cast %swap3A_681 : vector<1x16xf32> to vector<16xf32>
          %swap3A_683 = vector.shape_cast %mul3A_678 : vector<16xf32> to vector<1x16xf32>
          tpu.vector_store %arg11[%swap3A_679, %swap3A_680], %swap3A_683 {strides = array<i32>} : memref<128x128xf32, #tpu.memory_space<vmem>>, vector<1x16xf32>,
          %get3A_684 = arith.index_cast %add3A_648 : i32 to index
          %get3A_685 = arith.constant 48 : index
          %get3A_686 = tpu.vector_load %arg11[%get3A_684, %get3A_685] {strides = array<i32>} : memref<128x128xf32, #tpu.memory_space<vmem>>, vector<1x16xf32>,
          %get3A_687 = vector.shape_cast %get3A_686 : vector<1x16xf32> to vector<16xf32>
          %mul3A_688 = vector.broadcast %squeeze3A_650 : f32 to vector<16xf32>
          %mul3A_689 = arith.mulf %get3A_687, %mul3A_688 : vector<16xf32>
          %swap3A_690 = arith.index_cast %add3A_648 : i32 to index
          %swap3A_691 = arith.constant 48 : index
          %swap3A_692 = tpu.vector_load %arg11[%swap3A_690, %swap3A_691] {strides = array<i32>} : memref<128x128xf32, #tpu.memory_space<vmem>>, vector<1x16xf32>,
          %swap3A_693 = vector.shape_cast %swap3A_692 : vector<1x16xf32> to vector<16xf32>
          %swap3A_694 = vector.shape_cast %mul3A_689 : vector<16xf32> to vector<1x16xf32>
          tpu.vector_store %arg11[%swap3A_690, %swap3A_691], %swap3A_694 {strides = array<i32>} : memref<128x128xf32, #tpu.memory_space<vmem>>, vector<1x16xf32>,
          %get3A_695 = arith.index_cast %add3A_648 : i32 to index
          %get3A_696 = arith.constant 64 : index
          %get3A_697 = tpu.vector_load %arg11[%get3A_695, %get3A_696] {strides = array<i32>} : memref<128x128xf32, #tpu.memory_space<vmem>>, vector<1x16xf32>,
          %get3A_698 = vector.shape_cast %get3A_697 : vector<1x16xf32> to vector<16xf32>
          %mul3A_699 = vector.broadcast %squeeze3A_650 : f32 to vector<16xf32>
          %mul3A_700 = arith.mulf %get3A_698, %mul3A_699 : vector<16xf32>
          %swap3A_701 = arith.index_cast %add3A_648 : i32 to index
          %swap3A_702 = arith.constant 64 : index
          %swap3A_703 = tpu.vector_load %arg11[%swap3A_701, %swap3A_702] {strides = array<i32>} : memref<128x128xf32, #tpu.memory_space<vmem>>, vector<1x16xf32>,
          %swap3A_704 = vector.shape_cast %swap3A_703 : vector<1x16xf32> to vector<16xf32>
          %swap3A_705 = vector.shape_cast %mul3A_700 : vector<16xf32> to vector<1x16xf32>
          tpu.vector_store %arg11[%swap3A_701, %swap3A_702], %swap3A_705 {strides = array<i32>} : memref<128x128xf32, #tpu.memory_space<vmem>>, vector<1x16xf32>,
          %get3A_706 = arith.index_cast %add3A_648 : i32 to index
          %get3A_707 = arith.constant 80 : index
          %get3A_708 = tpu.vector_load %arg11[%get3A_706, %get3A_707] {strides = array<i32>} : memref<128x128xf32, #tpu.memory_space<vmem>>, vector<1x16xf32>,
          %get3A_709 = vector.shape_cast %get3A_708 : vector<1x16xf32> to vector<16xf32>
          %mul3A_710 = vector.broadcast %squeeze3A_650 : f32 to vector<16xf32>
          %mul3A_711 = arith.mulf %get3A_709, %mul3A_710 : vector<16xf32>
          %swap3A_712 = arith.index_cast %add3A_648 : i32 to index
          %swap3A_713 = arith.constant 80 : index
          %swap3A_714 = tpu.vector_load %arg11[%swap3A_712, %swap3A_713] {strides = array<i32>} : memref<128x128xf32, #tpu.memory_space<vmem>>, vector<1x16xf32>,
          %swap3A_715 = vector.shape_cast %swap3A_714 : vector<1x16xf32> to vector<16xf32>
          %swap3A_716 = vector.shape_cast %mul3A_711 : vector<16xf32> to vector<1x16xf32>
          tpu.vector_store %arg11[%swap3A_712, %swap3A_713], %swap3A_716 {strides = array<i32>} : memref<128x128xf32, #tpu.memory_space<vmem>>, vector<1x16xf32>,
          %get3A_717 = arith.index_cast %add3A_648 : i32 to index
          %get3A_718 = arith.constant 96 : index
          %get3A_719 = tpu.vector_load %arg11[%get3A_717, %get3A_718] {strides = array<i32>} : memref<128x128xf32, #tpu.memory_space<vmem>>, vector<1x16xf32>,
          %get3A_720 = vector.shape_cast %get3A_719 : vector<1x16xf32> to vector<16xf32>
          %mul3A_721 = vector.broadcast %squeeze3A_650 : f32 to vector<16xf32>
          %mul3A_722 = arith.mulf %get3A_720, %mul3A_721 : vector<16xf32>
          %swap3A_723 = arith.index_cast %add3A_648 : i32 to index
          %swap3A_724 = arith.constant 96 : index
          %swap3A_725 = tpu.vector_load %arg11[%swap3A_723, %swap3A_724] {strides = array<i32>} : memref<128x128xf32, #tpu.memory_space<vmem>>, vector<1x16xf32>,
          %swap3A_726 = vector.shape_cast %swap3A_725 : vector<1x16xf32> to vector<16xf32>
          %swap3A_727 = vector.shape_cast %mul3A_722 : vector<16xf32> to vector<1x16xf32>
          tpu.vector_store %arg11[%swap3A_723, %swap3A_724], %swap3A_727 {strides = array<i32>} : memref<128x128xf32, #tpu.memory_space<vmem>>, vector<1x16xf32>,
          %get3A_728 = arith.index_cast %add3A_648 : i32 to index
          %get3A_729 = arith.constant 112 : index
          %get3A_730 = tpu.vector_load %arg11[%get3A_728, %get3A_729] {strides = array<i32>} : memref<128x128xf32, #tpu.memory_space<vmem>>, vector<1x16xf32>,
          %get3A_731 = vector.shape_cast %get3A_730 : vector<1x16xf32> to vector<16xf32>
          %mul3A_732 = vector.broadcast %squeeze3A_650 : f32 to vector<16xf32>
          %mul3A_733 = arith.mulf %get3A_731, %mul3A_732 : vector<16xf32>
          %swap3A_734 = arith.index_cast %add3A_648 : i32 to index
          %swap3A_735 = arith.constant 112 : index
          %swap3A_736 = tpu.vector_load %arg11[%swap3A_734, %swap3A_735] {strides = array<i32>} : memref<128x128xf32, #tpu.memory_space<vmem>>, vector<1x16xf32>,
          %swap3A_737 = vector.shape_cast %swap3A_736 : vector<1x16xf32> to vector<16xf32>
          %swap3A_738 = vector.shape_cast %mul3A_733 : vector<16xf32> to vector<1x16xf32>
          tpu.vector_store %arg11[%swap3A_734, %swap3A_735], %swap3A_738 {strides = array<i32>} : memref<128x128xf32, #tpu.memory_space<vmem>>, vector<1x16xf32>,
          %mul3A_739 = arith.constant 16 : i32
          %mul3A_740 = arith.muli %scan3A_78, %mul3A_739 : i32
          %add3A_741 = arith.constant 7 : i32
          %add3A_742 = arith.addi %mul3A_740, %add3A_741 : i32
          %slice3A_743 = vector.extract_strided_slice %get3A_83 {offsets = [7], sizes = [1], strides = [1]} : vector<16xf32> to vector<1xf32>
          %squeeze3A_744 = vector.extract %slice3A_743[0] : f32 from vector<1xf32>
          %get3A_745 = arith.index_cast %add3A_742 : i32 to index
          %get3A_746 = arith.constant 0 : index
          %get3A_747 = tpu.vector_load %arg11[%get3A_745, %get3A_746] {strides = array<i32>} : memref<128x128xf32, #tpu.memory_space<vmem>>, vector<1x16xf32>,
          %get3A_748 = vector.shape_cast %get3A_747 : vector<1x16xf32> to vector<16xf32>
          %mul3A_749 = vector.broadcast %squeeze3A_744 : f32 to vector<16xf32>
          %mul3A_750 = arith.mulf %get3A_748, %mul3A_749 : vector<16xf32>
          %swap3A_751 = arith.index_cast %add3A_742 : i32 to index
          %swap3A_752 = arith.constant 0 : index
          %swap3A_753 = tpu.vector_load %arg11[%swap3A_751, %swap3A_752] {strides = array<i32>} : memref<128x128xf32, #tpu.memory_space<vmem>>, vector<1x16xf32>,
          %swap3A_754 = vector.shape_cast %swap3A_753 : vector<1x16xf32> to vector<16xf32>
          %swap3A_755 = vector.shape_cast %mul3A_750 : vector<16xf32> to vector<1x16xf32>
          tpu.vector_store %arg11[%swap3A_751, %swap3A_752], %swap3A_755 {strides = array<i32>} : memref<128x128xf32, #tpu.memory_space<vmem>>, vector<1x16xf32>,
          %get3A_756 = arith.index_cast %add3A_742 : i32 to index
          %get3A_757 = arith.constant 16 : index
          %get3A_758 = tpu.vector_load %arg11[%get3A_756, %get3A_757] {strides = array<i32>} : memref<128x128xf32, #tpu.memory_space<vmem>>, vector<1x16xf32>,
          %get3A_759 = vector.shape_cast %get3A_758 : vector<1x16xf32> to vector<16xf32>
          %mul3A_760 = vector.broadcast %squeeze3A_744 : f32 to vector<16xf32>
          %mul3A_761 = arith.mulf %get3A_759, %mul3A_760 : vector<16xf32>
          %swap3A_762 = arith.index_cast %add3A_742 : i32 to index
          %swap3A_763 = arith.constant 16 : index
          %swap3A_764 = tpu.vector_load %arg11[%swap3A_762, %swap3A_763] {strides = array<i32>} : memref<128x128xf32, #tpu.memory_space<vmem>>, vector<1x16xf32>,
          %swap3A_765 = vector.shape_cast %swap3A_764 : vector<1x16xf32> to vector<16xf32>
          %swap3A_766 = vector.shape_cast %mul3A_761 : vector<16xf32> to vector<1x16xf32>
          tpu.vector_store %arg11[%swap3A_762, %swap3A_763], %swap3A_766 {strides = array<i32>} : memref<128x128xf32, #tpu.memory_space<vmem>>, vector<1x16xf32>,
          %get3A_767 = arith.index_cast %add3A_742 : i32 to index
          %get3A_768 = arith.constant 32 : index
          %get3A_769 = tpu.vector_load %arg11[%get3A_767, %get3A_768] {strides = array<i32>} : memref<128x128xf32, #tpu.memory_space<vmem>>, vector<1x16xf32>,
          %get3A_770 = vector.shape_cast %get3A_769 : vector<1x16xf32> to vector<16xf32>
          %mul3A_771 = vector.broadcast %squeeze3A_744 : f32 to vector<16xf32>
          %mul3A_772 = arith.mulf %get3A_770, %mul3A_771 : vector<16xf32>
          %swap3A_773 = arith.index_cast %add3A_742 : i32 to index
          %swap3A_774 = arith.constant 32 : index
          %swap3A_775 = tpu.vector_load %arg11[%swap3A_773, %swap3A_774] {strides = array<i32>} : memref<128x128xf32, #tpu.memory_space<vmem>>, vector<1x16xf32>,
          %swap3A_776 = vector.shape_cast %swap3A_775 : vector<1x16xf32> to vector<16xf32>
          %swap3A_777 = vector.shape_cast %mul3A_772 : vector<16xf32> to vector<1x16xf32>
          tpu.vector_store %arg11[%swap3A_773, %swap3A_774], %swap3A_777 {strides = array<i32>} : memref<128x128xf32, #tpu.memory_space<vmem>>, vector<1x16xf32>,
          %get3A_778 = arith.index_cast %add3A_742 : i32 to index
          %get3A_779 = arith.constant 48 : index
          %get3A_780 = tpu.vector_load %arg11[%get3A_778, %get3A_779] {strides = array<i32>} : memref<128x128xf32, #tpu.memory_space<vmem>>, vector<1x16xf32>,
          %get3A_781 = vector.shape_cast %get3A_780 : vector<1x16xf32> to vector<16xf32>
          %mul3A_782 = vector.broadcast %squeeze3A_744 : f32 to vector<16xf32>
          %mul3A_783 = arith.mulf %get3A_781, %mul3A_782 : vector<16xf32>
          %swap3A_784 = arith.index_cast %add3A_742 : i32 to index
          %swap3A_785 = arith.constant 48 : index
          %swap3A_786 = tpu.vector_load %arg11[%swap3A_784, %swap3A_785] {strides = array<i32>} : memref<128x128xf32, #tpu.memory_space<vmem>>, vector<1x16xf32>,
          %swap3A_787 = vector.shape_cast %swap3A_786 : vector<1x16xf32> to vector<16xf32>
          %swap3A_788 = vector.shape_cast %mul3A_783 : vector<16xf32> to vector<1x16xf32>
          tpu.vector_store %arg11[%swap3A_784, %swap3A_785], %swap3A_788 {strides = array<i32>} : memref<128x128xf32, #tpu.memory_space<vmem>>, vector<1x16xf32>,
          %get3A_789 = arith.index_cast %add3A_742 : i32 to index
          %get3A_790 = arith.constant 64 : index
          %get3A_791 = tpu.vector_load %arg11[%get3A_789, %get3A_790] {strides = array<i32>} : memref<128x128xf32, #tpu.memory_space<vmem>>, vector<1x16xf32>,
          %get3A_792 = vector.shape_cast %get3A_791 : vector<1x16xf32> to vector<16xf32>
          %mul3A_793 = vector.broadcast %squeeze3A_744 : f32 to vector<16xf32>
          %mul3A_794 = arith.mulf %get3A_792, %mul3A_793 : vector<16xf32>
          %swap3A_795 = arith.index_cast %add3A_742 : i32 to index
          %swap3A_796 = arith.constant 64 : index
          %swap3A_797 = tpu.vector_load %arg11[%swap3A_795, %swap3A_796] {strides = array<i32>} : memref<128x128xf32, #tpu.memory_space<vmem>>, vector<1x16xf32>,
          %swap3A_798 = vector.shape_cast %swap3A_797 : vector<1x16xf32> to vector<16xf32>
          %swap3A_799 = vector.shape_cast %mul3A_794 : vector<16xf32> to vector<1x16xf32>
          tpu.vector_store %arg11[%swap3A_795, %swap3A_796], %swap3A_799 {strides = array<i32>} : memref<128x128xf32, #tpu.memory_space<vmem>>, vector<1x16xf32>,
          %get3A_800 = arith.index_cast %add3A_742 : i32 to index
          %get3A_801 = arith.constant 80 : index
          %get3A_802 = tpu.vector_load %arg11[%get3A_800, %get3A_801] {strides = array<i32>} : memref<128x128xf32, #tpu.memory_space<vmem>>, vector<1x16xf32>,
          %get3A_803 = vector.shape_cast %get3A_802 : vector<1x16xf32> to vector<16xf32>
          %mul3A_804 = vector.broadcast %squeeze3A_744 : f32 to vector<16xf32>
          %mul3A_805 = arith.mulf %get3A_803, %mul3A_804 : vector<16xf32>
          %swap3A_806 = arith.index_cast %add3A_742 : i32 to index
          %swap3A_807 = arith.constant 80 : index
          %swap3A_808 = tpu.vector_load %arg11[%swap3A_806, %swap3A_807] {strides = array<i32>} : memref<128x128xf32, #tpu.memory_space<vmem>>, vector<1x16xf32>,
          %swap3A_809 = vector.shape_cast %swap3A_808 : vector<1x16xf32> to vector<16xf32>
          %swap3A_810 = vector.shape_cast %mul3A_805 : vector<16xf32> to vector<1x16xf32>
          tpu.vector_store %arg11[%swap3A_806, %swap3A_807], %swap3A_810 {strides = array<i32>} : memref<128x128xf32, #tpu.memory_space<vmem>>, vector<1x16xf32>,
          %get3A_811 = arith.index_cast %add3A_742 : i32 to index
          %get3A_812 = arith.constant 96 : index
          %get3A_813 = tpu.vector_load %arg11[%get3A_811, %get3A_812] {strides = array<i32>} : memref<128x128xf32, #tpu.memory_space<vmem>>, vector<1x16xf32>,
          %get3A_814 = vector.shape_cast %get3A_813 : vector<1x16xf32> to vector<16xf32>
          %mul3A_815 = vector.broadcast %squeeze3A_744 : f32 to vector<16xf32>
          %mul3A_816 = arith.mulf %get3A_814, %mul3A_815 : vector<16xf32>
          %swap3A_817 = arith.index_cast %add3A_742 : i32 to index
          %swap3A_818 = arith.constant 96 : index
          %swap3A_819 = tpu.vector_load %arg11[%swap3A_817, %swap3A_818] {strides = array<i32>} : memref<128x128xf32, #tpu.memory_space<vmem>>, vector<1x16xf32>,
          %swap3A_820 = vector.shape_cast %swap3A_819 : vector<1x16xf32> to vector<16xf32>
          %swap3A_821 = vector.shape_cast %mul3A_816 : vector<16xf32> to vector<1x16xf32>
          tpu.vector_store %arg11[%swap3A_817, %swap3A_818], %swap3A_821 {strides = array<i32>} : memref<128x128xf32, #tpu.memory_space<vmem>>, vector<1x16xf32>,
          %get3A_822 = arith.index_cast %add3A_742 : i32 to index
          %get3A_823 = arith.constant 112 : index
          %get3A_824 = tpu.vector_load %arg11[%get3A_822, %get3A_823] {strides = array<i32>} : memref<128x128xf32, #tpu.memory_space<vmem>>, vector<1x16xf32>,
          %get3A_825 = vector.shape_cast %get3A_824 : vector<1x16xf32> to vector<16xf32>
          %mul3A_826 = vector.broadcast %squeeze3A_744 : f32 to vector<16xf32>
          %mul3A_827 = arith.mulf %get3A_825, %mul3A_826 : vector<16xf32>
          %swap3A_828 = arith.index_cast %add3A_742 : i32 to index
          %swap3A_829 = arith.constant 112 : index
          %swap3A_830 = tpu.vector_load %arg11[%swap3A_828, %swap3A_829] {strides = array<i32>} : memref<128x128xf32, #tpu.memory_space<vmem>>, vector<1x16xf32>,
          %swap3A_831 = vector.shape_cast %swap3A_830 : vector<1x16xf32> to vector<16xf32>
          %swap3A_832 = vector.shape_cast %mul3A_827 : vector<16xf32> to vector<1x16xf32>
          tpu.vector_store %arg11[%swap3A_828, %swap3A_829], %swap3A_832 {strides = array<i32>} : memref<128x128xf32, #tpu.memory_space<vmem>>, vector<1x16xf32>,
          %mul3A_833 = arith.constant 16 : i32
          %mul3A_834 = arith.muli %scan3A_78, %mul3A_833 : i32
          %add3A_835 = arith.constant 8 : i32
          %add3A_836 = arith.addi %mul3A_834, %add3A_835 : i32
          %slice3A_837 = vector.extract_strided_slice %get3A_83 {offsets = [8], sizes = [1], strides = [1]} : vector<16xf32> to vector<1xf32>
          %squeeze3A_838 = vector.extract %slice3A_837[0] : f32 from vector<1xf32>
          %get3A_839 = arith.index_cast %add3A_836 : i32 to index
          %get3A_840 = arith.constant 0 : index
          %get3A_841 = tpu.vector_load %arg11[%get3A_839, %get3A_840] {strides = array<i32>} : memref<128x128xf32, #tpu.memory_space<vmem>>, vector<1x16xf32>,
          %get3A_842 = vector.shape_cast %get3A_841 : vector<1x16xf32> to vector<16xf32>
          %mul3A_843 = vector.broadcast %squeeze3A_838 : f32 to vector<16xf32>
          %mul3A_844 = arith.mulf %get3A_842, %mul3A_843 : vector<16xf32>
          %swap3A_845 = arith.index_cast %add3A_836 : i32 to index
          %swap3A_846 = arith.constant 0 : index
          %swap3A_847 = tpu.vector_load %arg11[%swap3A_845, %swap3A_846] {strides = array<i32>} : memref<128x128xf32, #tpu.memory_space<vmem>>, vector<1x16xf32>,
          %swap3A_848 = vector.shape_cast %swap3A_847 : vector<1x16xf32> to vector<16xf32>
          %swap3A_849 = vector.shape_cast %mul3A_844 : vector<16xf32> to vector<1x16xf32>
          tpu.vector_store %arg11[%swap3A_845, %swap3A_846], %swap3A_849 {strides = array<i32>} : memref<128x128xf32, #tpu.memory_space<vmem>>, vector<1x16xf32>,
          %get3A_850 = arith.index_cast %add3A_836 : i32 to index
          %get3A_851 = arith.constant 16 : index
          %get3A_852 = tpu.vector_load %arg11[%get3A_850, %get3A_851] {strides = array<i32>} : memref<128x128xf32, #tpu.memory_space<vmem>>, vector<1x16xf32>,
          %get3A_853 = vector.shape_cast %get3A_852 : vector<1x16xf32> to vector<16xf32>
          %mul3A_854 = vector.broadcast %squeeze3A_838 : f32 to vector<16xf32>
          %mul3A_855 = arith.mulf %get3A_853, %mul3A_854 : vector<16xf32>
          %swap3A_856 = arith.index_cast %add3A_836 : i32 to index
          %swap3A_857 = arith.constant 16 : index
          %swap3A_858 = tpu.vector_load %arg11[%swap3A_856, %swap3A_857] {strides = array<i32>} : memref<128x128xf32, #tpu.memory_space<vmem>>, vector<1x16xf32>,
          %swap3A_859 = vector.shape_cast %swap3A_858 : vector<1x16xf32> to vector<16xf32>
          %swap3A_860 = vector.shape_cast %mul3A_855 : vector<16xf32> to vector<1x16xf32>
          tpu.vector_store %arg11[%swap3A_856, %swap3A_857], %swap3A_860 {strides = array<i32>} : memref<128x128xf32, #tpu.memory_space<vmem>>, vector<1x16xf32>,
          %get3A_861 = arith.index_cast %add3A_836 : i32 to index
          %get3A_862 = arith.constant 32 : index
          %get3A_863 = tpu.vector_load %arg11[%get3A_861, %get3A_862] {strides = array<i32>} : memref<128x128xf32, #tpu.memory_space<vmem>>, vector<1x16xf32>,
          %get3A_864 = vector.shape_cast %get3A_863 : vector<1x16xf32> to vector<16xf32>
          %mul3A_865 = vector.broadcast %squeeze3A_838 : f32 to vector<16xf32>
          %mul3A_866 = arith.mulf %get3A_864, %mul3A_865 : vector<16xf32>
          %swap3A_867 = arith.index_cast %add3A_836 : i32 to index
          %swap3A_868 = arith.constant 32 : index
          %swap3A_869 = tpu.vector_load %arg11[%swap3A_867, %swap3A_868] {strides = array<i32>} : memref<128x128xf32, #tpu.memory_space<vmem>>, vector<1x16xf32>,
          %swap3A_870 = vector.shape_cast %swap3A_869 : vector<1x16xf32> to vector<16xf32>
          %swap3A_871 = vector.shape_cast %mul3A_866 : vector<16xf32> to vector<1x16xf32>
          tpu.vector_store %arg11[%swap3A_867, %swap3A_868], %swap3A_871 {strides = array<i32>} : memref<128x128xf32, #tpu.memory_space<vmem>>, vector<1x16xf32>,
          %get3A_872 = arith.index_cast %add3A_836 : i32 to index
          %get3A_873 = arith.constant 48 : index
          %get3A_874 = tpu.vector_load %arg11[%get3A_872, %get3A_873] {strides = array<i32>} : memref<128x128xf32, #tpu.memory_space<vmem>>, vector<1x16xf32>,
          %get3A_875 = vector.shape_cast %get3A_874 : vector<1x16xf32> to vector<16xf32>
          %mul3A_876 = vector.broadcast %squeeze3A_838 : f32 to vector<16xf32>
          %mul3A_877 = arith.mulf %get3A_875, %mul3A_876 : vector<16xf32>
          %swap3A_878 = arith.index_cast %add3A_836 : i32 to index
          %swap3A_879 = arith.constant 48 : index
          %swap3A_880 = tpu.vector_load %arg11[%swap3A_878, %swap3A_879] {strides = array<i32>} : memref<128x128xf32, #tpu.memory_space<vmem>>, vector<1x16xf32>,
          %swap3A_881 = vector.shape_cast %swap3A_880 : vector<1x16xf32> to vector<16xf32>
          %swap3A_882 = vector.shape_cast %mul3A_877 : vector<16xf32> to vector<1x16xf32>
          tpu.vector_store %arg11[%swap3A_878, %swap3A_879], %swap3A_882 {strides = array<i32>} : memref<128x128xf32, #tpu.memory_space<vmem>>, vector<1x16xf32>,
          %get3A_883 = arith.index_cast %add3A_836 : i32 to index
          %get3A_884 = arith.constant 64 : index
          %get3A_885 = tpu.vector_load %arg11[%get3A_883, %get3A_884] {strides = array<i32>} : memref<128x128xf32, #tpu.memory_space<vmem>>, vector<1x16xf32>,
          %get3A_886 = vector.shape_cast %get3A_885 : vector<1x16xf32> to vector<16xf32>
          %mul3A_887 = vector.broadcast %squeeze3A_838 : f32 to vector<16xf32>
          %mul3A_888 = arith.mulf %get3A_886, %mul3A_887 : vector<16xf32>
          %swap3A_889 = arith.index_cast %add3A_836 : i32 to index
          %swap3A_890 = arith.constant 64 : index
          %swap3A_891 = tpu.vector_load %arg11[%swap3A_889, %swap3A_890] {strides = array<i32>} : memref<128x128xf32, #tpu.memory_space<vmem>>, vector<1x16xf32>,
          %swap3A_892 = vector.shape_cast %swap3A_891 : vector<1x16xf32> to vector<16xf32>
          %swap3A_893 = vector.shape_cast %mul3A_888 : vector<16xf32> to vector<1x16xf32>
          tpu.vector_store %arg11[%swap3A_889, %swap3A_890], %swap3A_893 {strides = array<i32>} : memref<128x128xf32, #tpu.memory_space<vmem>>, vector<1x16xf32>,
          %get3A_894 = arith.index_cast %add3A_836 : i32 to index
          %get3A_895 = arith.constant 80 : index
          %get3A_896 = tpu.vector_load %arg11[%get3A_894, %get3A_895] {strides = array<i32>} : memref<128x128xf32, #tpu.memory_space<vmem>>, vector<1x16xf32>,
          %get3A_897 = vector.shape_cast %get3A_896 : vector<1x16xf32> to vector<16xf32>
          %mul3A_898 = vector.broadcast %squeeze3A_838 : f32 to vector<16xf32>
          %mul3A_899 = arith.mulf %get3A_897, %mul3A_898 : vector<16xf32>
          %swap3A_900 = arith.index_cast %add3A_836 : i32 to index
          %swap3A_901 = arith.constant 80 : index
          %swap3A_902 = tpu.vector_load %arg11[%swap3A_900, %swap3A_901] {strides = array<i32>} : memref<128x128xf32, #tpu.memory_space<vmem>>, vector<1x16xf32>,
          %swap3A_903 = vector.shape_cast %swap3A_902 : vector<1x16xf32> to vector<16xf32>
          %swap3A_904 = vector.shape_cast %mul3A_899 : vector<16xf32> to vector<1x16xf32>
          tpu.vector_store %arg11[%swap3A_900, %swap3A_901], %swap3A_904 {strides = array<i32>} : memref<128x128xf32, #tpu.memory_space<vmem>>, vector<1x16xf32>,
          %get3A_905 = arith.index_cast %add3A_836 : i32 to index
          %get3A_906 = arith.constant 96 : index
          %get3A_907 = tpu.vector_load %arg11[%get3A_905, %get3A_906] {strides = array<i32>} : memref<128x128xf32, #tpu.memory_space<vmem>>, vector<1x16xf32>,
          %get3A_908 = vector.shape_cast %get3A_907 : vector<1x16xf32> to vector<16xf32>
          %mul3A_909 = vector.broadcast %squeeze3A_838 : f32 to vector<16xf32>
          %mul3A_910 = arith.mulf %get3A_908, %mul3A_909 : vector<16xf32>
          %swap3A_911 = arith.index_cast %add3A_836 : i32 to index
          %swap3A_912 = arith.constant 96 : index
          %swap3A_913 = tpu.vector_load %arg11[%swap3A_911, %swap3A_912] {strides = array<i32>} : memref<128x128xf32, #tpu.memory_space<vmem>>, vector<1x16xf32>,
          %swap3A_914 = vector.shape_cast %swap3A_913 : vector<1x16xf32> to vector<16xf32>
          %swap3A_915 = vector.shape_cast %mul3A_910 : vector<16xf32> to vector<1x16xf32>
          tpu.vector_store %arg11[%swap3A_911, %swap3A_912], %swap3A_915 {strides = array<i32>} : memref<128x128xf32, #tpu.memory_space<vmem>>, vector<1x16xf32>,
          %get3A_916 = arith.index_cast %add3A_836 : i32 to index
          %get3A_917 = arith.constant 112 : index
          %get3A_918 = tpu.vector_load %arg11[%get3A_916, %get3A_917] {strides = array<i32>} : memref<128x128xf32, #tpu.memory_space<vmem>>, vector<1x16xf32>,
          %get3A_919 = vector.shape_cast %get3A_918 : vector<1x16xf32> to vector<16xf32>
          %mul3A_920 = vector.broadcast %squeeze3A_838 : f32 to vector<16xf32>
          %mul3A_921 = arith.mulf %get3A_919, %mul3A_920 : vector<16xf32>
          %swap3A_922 = arith.index_cast %add3A_836 : i32 to index
          %swap3A_923 = arith.constant 112 : index
          %swap3A_924 = tpu.vector_load %arg11[%swap3A_922, %swap3A_923] {strides = array<i32>} : memref<128x128xf32, #tpu.memory_space<vmem>>, vector<1x16xf32>,
          %swap3A_925 = vector.shape_cast %swap3A_924 : vector<1x16xf32> to vector<16xf32>
          %swap3A_926 = vector.shape_cast %mul3A_921 : vector<16xf32> to vector<1x16xf32>
          tpu.vector_store %arg11[%swap3A_922, %swap3A_923], %swap3A_926 {strides = array<i32>} : memref<128x128xf32, #tpu.memory_space<vmem>>, vector<1x16xf32>,
          %mul3A_927 = arith.constant 16 : i32
          %mul3A_928 = arith.muli %scan3A_78, %mul3A_927 : i32
          %add3A_929 = arith.constant 9 : i32
          %add3A_930 = arith.addi %mul3A_928, %add3A_929 : i32
          %slice3A_931 = vector.extract_strided_slice %get3A_83 {offsets = [9], sizes = [1], strides = [1]} : vector<16xf32> to vector<1xf32>
          %squeeze3A_932 = vector.extract %slice3A_931[0] : f32 from vector<1xf32>
          %get3A_933 = arith.index_cast %add3A_930 : i32 to index
          %get3A_934 = arith.constant 0 : index
          %get3A_935 = tpu.vector_load %arg11[%get3A_933, %get3A_934] {strides = array<i32>} : memref<128x128xf32, #tpu.memory_space<vmem>>, vector<1x16xf32>,
          %get3A_936 = vector.shape_cast %get3A_935 : vector<1x16xf32> to vector<16xf32>
          %mul3A_937 = vector.broadcast %squeeze3A_932 : f32 to vector<16xf32>
          %mul3A_938 = arith.mulf %get3A_936, %mul3A_937 : vector<16xf32>
          %swap3A_939 = arith.index_cast %add3A_930 : i32 to index
          %swap3A_940 = arith.constant 0 : index
          %swap3A_941 = tpu.vector_load %arg11[%swap3A_939, %swap3A_940] {strides = array<i32>} : memref<128x128xf32, #tpu.memory_space<vmem>>, vector<1x16xf32>,
          %swap3A_942 = vector.shape_cast %swap3A_941 : vector<1x16xf32> to vector<16xf32>
          %swap3A_943 = vector.shape_cast %mul3A_938 : vector<16xf32> to vector<1x16xf32>
          tpu.vector_store %arg11[%swap3A_939, %swap3A_940], %swap3A_943 {strides = array<i32>} : memref<128x128xf32, #tpu.memory_space<vmem>>, vector<1x16xf32>,
          %get3A_944 = arith.index_cast %add3A_930 : i32 to index
          %get3A_945 = arith.constant 16 : index
          %get3A_946 = tpu.vector_load %arg11[%get3A_944, %get3A_945] {strides = array<i32>} : memref<128x128xf32, #tpu.memory_space<vmem>>, vector<1x16xf32>,
          %get3A_947 = vector.shape_cast %get3A_946 : vector<1x16xf32> to vector<16xf32>
          %mul3A_948 = vector.broadcast %squeeze3A_932 : f32 to vector<16xf32>
          %mul3A_949 = arith.mulf %get3A_947, %mul3A_948 : vector<16xf32>
          %swap3A_950 = arith.index_cast %add3A_930 : i32 to index
          %swap3A_951 = arith.constant 16 : index
          %swap3A_952 = tpu.vector_load %arg11[%swap3A_950, %swap3A_951] {strides = array<i32>} : memref<128x128xf32, #tpu.memory_space<vmem>>, vector<1x16xf32>,
          %swap3A_953 = vector.shape_cast %swap3A_952 : vector<1x16xf32> to vector<16xf32>
          %swap3A_954 = vector.shape_cast %mul3A_949 : vector<16xf32> to vector<1x16xf32>
          tpu.vector_store %arg11[%swap3A_950, %swap3A_951], %swap3A_954 {strides = array<i32>} : memref<128x128xf32, #tpu.memory_space<vmem>>, vector<1x16xf32>,
          %get3A_955 = arith.index_cast %add3A_930 : i32 to index
          %get3A_956 = arith.constant 32 : index
          %get3A_957 = tpu.vector_load %arg11[%get3A_955, %get3A_956] {strides = array<i32>} : memref<128x128xf32, #tpu.memory_space<vmem>>, vector<1x16xf32>,
          %get3A_958 = vector.shape_cast %get3A_957 : vector<1x16xf32> to vector<16xf32>
          %mul3A_959 = vector.broadcast %squeeze3A_932 : f32 to vector<16xf32>
          %mul3A_960 = arith.mulf %get3A_958, %mul3A_959 : vector<16xf32>
          %swap3A_961 = arith.index_cast %add3A_930 : i32 to index
          %swap3A_962 = arith.constant 32 : index
          %swap3A_963 = tpu.vector_load %arg11[%swap3A_961, %swap3A_962] {strides = array<i32>} : memref<128x128xf32, #tpu.memory_space<vmem>>, vector<1x16xf32>,
          %swap3A_964 = vector.shape_cast %swap3A_963 : vector<1x16xf32> to vector<16xf32>
          %swap3A_965 = vector.shape_cast %mul3A_960 : vector<16xf32> to vector<1x16xf32>
          tpu.vector_store %arg11[%swap3A_961, %swap3A_962], %swap3A_965 {strides = array<i32>} : memref<128x128xf32, #tpu.memory_space<vmem>>, vector<1x16xf32>,
          %get3A_966 = arith.index_cast %add3A_930 : i32 to index
          %get3A_967 = arith.constant 48 : index
          %get3A_968 = tpu.vector_load %arg11[%get3A_966, %get3A_967] {strides = array<i32>} : memref<128x128xf32, #tpu.memory_space<vmem>>, vector<1x16xf32>,
          %get3A_969 = vector.shape_cast %get3A_968 : vector<1x16xf32> to vector<16xf32>
          %mul3A_970 = vector.broadcast %squeeze3A_932 : f32 to vector<16xf32>
          %mul3A_971 = arith.mulf %get3A_969, %mul3A_970 : vector<16xf32>
          %swap3A_972 = arith.index_cast %add3A_930 : i32 to index
          %swap3A_973 = arith.constant 48 : index
          %swap3A_974 = tpu.vector_load %arg11[%swap3A_972, %swap3A_973] {strides = array<i32>} : memref<128x128xf32, #tpu.memory_space<vmem>>, vector<1x16xf32>,
          %swap3A_975 = vector.shape_cast %swap3A_974 : vector<1x16xf32> to vector<16xf32>
          %swap3A_976 = vector.shape_cast %mul3A_971 : vector<16xf32> to vector<1x16xf32>
          tpu.vector_store %arg11[%swap3A_972, %swap3A_973], %swap3A_976 {strides = array<i32>} : memref<128x128xf32, #tpu.memory_space<vmem>>, vector<1x16xf32>,
          %get3A_977 = arith.index_cast %add3A_930 : i32 to index
          %get3A_978 = arith.constant 64 : index
          %get3A_979 = tpu.vector_load %arg11[%get3A_977, %get3A_978] {strides = array<i32>} : memref<128x128xf32, #tpu.memory_space<vmem>>, vector<1x16xf32>,
          %get3A_980 = vector.shape_cast %get3A_979 : vector<1x16xf32> to vector<16xf32>
          %mul3A_981 = vector.broadcast %squeeze3A_932 : f32 to vector<16xf32>
          %mul3A_982 = arith.mulf %get3A_980, %mul3A_981 : vector<16xf32>
          %swap3A_983 = arith.index_cast %add3A_930 : i32 to index
          %swap3A_984 = arith.constant 64 : index
          %swap3A_985 = tpu.vector_load %arg11[%swap3A_983, %swap3A_984] {strides = array<i32>} : memref<128x128xf32, #tpu.memory_space<vmem>>, vector<1x16xf32>,
          %swap3A_986 = vector.shape_cast %swap3A_985 : vector<1x16xf32> to vector<16xf32>
          %swap3A_987 = vector.shape_cast %mul3A_982 : vector<16xf32> to vector<1x16xf32>
          tpu.vector_store %arg11[%swap3A_983, %swap3A_984], %swap3A_987 {strides = array<i32>} : memref<128x128xf32, #tpu.memory_space<vmem>>, vector<1x16xf32>,
          %get3A_988 = arith.index_cast %add3A_930 : i32 to index
          %get3A_989 = arith.constant 80 : index
          %get3A_990 = tpu.vector_load %arg11[%get3A_988, %get3A_989] {strides = array<i32>} : memref<128x128xf32, #tpu.memory_space<vmem>>, vector<1x16xf32>,
          %get3A_991 = vector.shape_cast %get3A_990 : vector<1x16xf32> to vector<16xf32>
          %mul3A_992 = vector.broadcast %squeeze3A_932 : f32 to vector<16xf32>
          %mul3A_993 = arith.mulf %get3A_991, %mul3A_992 : vector<16xf32>
          %swap3A_994 = arith.index_cast %add3A_930 : i32 to index
          %swap3A_995 = arith.constant 80 : index
          %swap3A_996 = tpu.vector_load %arg11[%swap3A_994, %swap3A_995] {strides = array<i32>} : memref<128x128xf32, #tpu.memory_space<vmem>>, vector<1x16xf32>,
          %swap3A_997 = vector.shape_cast %swap3A_996 : vector<1x16xf32> to vector<16xf32>
          %swap3A_998 = vector.shape_cast %mul3A_993 : vector<16xf32> to vector<1x16xf32>
          tpu.vector_store %arg11[%swap3A_994, %swap3A_995], %swap3A_998 {strides = array<i32>} : memref<128x128xf32, #tpu.memory_space<vmem>>, vector<1x16xf32>,
          %get3A_999 = arith.index_cast %add3A_930 : i32 to index
          %get3A_1000 = arith.constant 96 : index
          %get3A_1001 = tpu.vector_load %arg11[%get3A_999, %get3A_1000] {strides = array<i32>} : memref<128x128xf32, #tpu.memory_space<vmem>>, vector<1x16xf32>,
          %get3A_1002 = vector.shape_cast %get3A_1001 : vector<1x16xf32> to vector<16xf32>
          %mul3A_1003 = vector.broadcast %squeeze3A_932 : f32 to vector<16xf32>
          %mul3A_1004 = arith.mulf %get3A_1002, %mul3A_1003 : vector<16xf32>
          %swap3A_1005 = arith.index_cast %add3A_930 : i32 to index
          %swap3A_1006 = arith.constant 96 : index
          %swap3A_1007 = tpu.vector_load %arg11[%swap3A_1005, %swap3A_1006] {strides = array<i32>} : memref<128x128xf32, #tpu.memory_space<vmem>>, vector<1x16xf32>,
          %swap3A_1008 = vector.shape_cast %swap3A_1007 : vector<1x16xf32> to vector<16xf32>
          %swap3A_1009 = vector.shape_cast %mul3A_1004 : vector<16xf32> to vector<1x16xf32>
          tpu.vector_store %arg11[%swap3A_1005, %swap3A_1006], %swap3A_1009 {strides = array<i32>} : memref<128x128xf32, #tpu.memory_space<vmem>>, vector<1x16xf32>,
          %get3A_1010 = arith.index_cast %add3A_930 : i32 to index
          %get3A_1011 = arith.constant 112 : index
          %get3A_1012 = tpu.vector_load %arg11[%get3A_1010, %get3A_1011] {strides = array<i32>} : memref<128x128xf32, #tpu.memory_space<vmem>>, vector<1x16xf32>,
          %get3A_1013 = vector.shape_cast %get3A_1012 : vector<1x16xf32> to vector<16xf32>
          %mul3A_1014 = vector.broadcast %squeeze3A_932 : f32 to vector<16xf32>
          %mul3A_1015 = arith.mulf %get3A_1013, %mul3A_1014 : vector<16xf32>
          %swap3A_1016 = arith.index_cast %add3A_930 : i32 to index
          %swap3A_1017 = arith.constant 112 : index
          %swap3A_1018 = tpu.vector_load %arg11[%swap3A_1016, %swap3A_1017] {strides = array<i32>} : memref<128x128xf32, #tpu.memory_space<vmem>>, vector<1x16xf32>,
          %swap3A_1019 = vector.shape_cast %swap3A_1018 : vector<1x16xf32> to vector<16xf32>
          %swap3A_1020 = vector.shape_cast %mul3A_1015 : vector<16xf32> to vector<1x16xf32>
          tpu.vector_store %arg11[%swap3A_1016, %swap3A_1017], %swap3A_1020 {strides = array<i32>} : memref<128x128xf32, #tpu.memory_space<vmem>>, vector<1x16xf32>,
          %mul3A_1021 = arith.constant 16 : i32
          %mul3A_1022 = arith.muli %scan3A_78, %mul3A_1021 : i32
          %add3A_1023 = arith.constant 10 : i32
          %add3A_1024 = arith.addi %mul3A_1022, %add3A_1023 : i32
          %slice3A_1025 = vector.extract_strided_slice %get3A_83 {offsets = [10], sizes = [1], strides = [1]} : vector<16xf32> to vector<1xf32>
          %squeeze3A_1026 = vector.extract %slice3A_1025[0] : f32 from vector<1xf32>
          %get3A_1027 = arith.index_cast %add3A_1024 : i32 to index
          %get3A_1028 = arith.constant 0 : index
          %get3A_1029 = tpu.vector_load %arg11[%get3A_1027, %get3A_1028] {strides = array<i32>} : memref<128x128xf32, #tpu.memory_space<vmem>>, vector<1x16xf32>,
          %get3A_1030 = vector.shape_cast %get3A_1029 : vector<1x16xf32> to vector<16xf32>
          %mul3A_1031 = vector.broadcast %squeeze3A_1026 : f32 to vector<16xf32>
          %mul3A_1032 = arith.mulf %get3A_1030, %mul3A_1031 : vector<16xf32>
          %swap3A_1033 = arith.index_cast %add3A_1024 : i32 to index
          %swap3A_1034 = arith.constant 0 : index
          %swap3A_1035 = tpu.vector_load %arg11[%swap3A_1033, %swap3A_1034] {strides = array<i32>} : memref<128x128xf32, #tpu.memory_space<vmem>>, vector<1x16xf32>,
          %swap3A_1036 = vector.shape_cast %swap3A_1035 : vector<1x16xf32> to vector<16xf32>
          %swap3A_1037 = vector.shape_cast %mul3A_1032 : vector<16xf32> to vector<1x16xf32>
          tpu.vector_store %arg11[%swap3A_1033, %swap3A_1034], %swap3A_1037 {strides = array<i32>} : memref<128x128xf32, #tpu.memory_space<vmem>>, vector<1x16xf32>,
          %get3A_1038 = arith.index_cast %add3A_1024 : i32 to index
          %get3A_1039 = arith.constant 16 : index
          %get3A_1040 = tpu.vector_load %arg11[%get3A_1038, %get3A_1039] {strides = array<i32>} : memref<128x128xf32, #tpu.memory_space<vmem>>, vector<1x16xf32>,
          %get3A_1041 = vector.shape_cast %get3A_1040 : vector<1x16xf32> to vector<16xf32>
          %mul3A_1042 = vector.broadcast %squeeze3A_1026 : f32 to vector<16xf32>
          %mul3A_1043 = arith.mulf %get3A_1041, %mul3A_1042 : vector<16xf32>
          %swap3A_1044 = arith.index_cast %add3A_1024 : i32 to index
          %swap3A_1045 = arith.constant 16 : index
          %swap3A_1046 = tpu.vector_load %arg11[%swap3A_1044, %swap3A_1045] {strides = array<i32>} : memref<128x128xf32, #tpu.memory_space<vmem>>, vector<1x16xf32>,
          %swap3A_1047 = vector.shape_cast %swap3A_1046 : vector<1x16xf32> to vector<16xf32>
          %swap3A_1048 = vector.shape_cast %mul3A_1043 : vector<16xf32> to vector<1x16xf32>
          tpu.vector_store %arg11[%swap3A_1044, %swap3A_1045], %swap3A_1048 {strides = array<i32>} : memref<128x128xf32, #tpu.memory_space<vmem>>, vector<1x16xf32>,
          %get3A_1049 = arith.index_cast %add3A_1024 : i32 to index
          %get3A_1050 = arith.constant 32 : index
          %get3A_1051 = tpu.vector_load %arg11[%get3A_1049, %get3A_1050] {strides = array<i32>} : memref<128x128xf32, #tpu.memory_space<vmem>>, vector<1x16xf32>,
          %get3A_1052 = vector.shape_cast %get3A_1051 : vector<1x16xf32> to vector<16xf32>
          %mul3A_1053 = vector.broadcast %squeeze3A_1026 : f32 to vector<16xf32>
          %mul3A_1054 = arith.mulf %get3A_1052, %mul3A_1053 : vector<16xf32>
          %swap3A_1055 = arith.index_cast %add3A_1024 : i32 to index
          %swap3A_1056 = arith.constant 32 : index
          %swap3A_1057 = tpu.vector_load %arg11[%swap3A_1055, %swap3A_1056] {strides = array<i32>} : memref<128x128xf32, #tpu.memory_space<vmem>>, vector<1x16xf32>,
          %swap3A_1058 = vector.shape_cast %swap3A_1057 : vector<1x16xf32> to vector<16xf32>
          %swap3A_1059 = vector.shape_cast %mul3A_1054 : vector<16xf32> to vector<1x16xf32>
          tpu.vector_store %arg11[%swap3A_1055, %swap3A_1056], %swap3A_1059 {strides = array<i32>} : memref<128x128xf32, #tpu.memory_space<vmem>>, vector<1x16xf32>,
          %get3A_1060 = arith.index_cast %add3A_1024 : i32 to index
          %get3A_1061 = arith.constant 48 : index
          %get3A_1062 = tpu.vector_load %arg11[%get3A_1060, %get3A_1061] {strides = array<i32>} : memref<128x128xf32, #tpu.memory_space<vmem>>, vector<1x16xf32>,
          %get3A_1063 = vector.shape_cast %get3A_1062 : vector<1x16xf32> to vector<16xf32>
          %mul3A_1064 = vector.broadcast %squeeze3A_1026 : f32 to vector<16xf32>
          %mul3A_1065 = arith.mulf %get3A_1063, %mul3A_1064 : vector<16xf32>
          %swap3A_1066 = arith.index_cast %add3A_1024 : i32 to index
          %swap3A_1067 = arith.constant 48 : index
          %swap3A_1068 = tpu.vector_load %arg11[%swap3A_1066, %swap3A_1067] {strides = array<i32>} : memref<128x128xf32, #tpu.memory_space<vmem>>, vector<1x16xf32>,
          %swap3A_1069 = vector.shape_cast %swap3A_1068 : vector<1x16xf32> to vector<16xf32>
          %swap3A_1070 = vector.shape_cast %mul3A_1065 : vector<16xf32> to vector<1x16xf32>
          tpu.vector_store %arg11[%swap3A_1066, %swap3A_1067], %swap3A_1070 {strides = array<i32>} : memref<128x128xf32, #tpu.memory_space<vmem>>, vector<1x16xf32>,
          %get3A_1071 = arith.index_cast %add3A_1024 : i32 to index
          %get3A_1072 = arith.constant 64 : index
          %get3A_1073 = tpu.vector_load %arg11[%get3A_1071, %get3A_1072] {strides = array<i32>} : memref<128x128xf32, #tpu.memory_space<vmem>>, vector<1x16xf32>,
          %get3A_1074 = vector.shape_cast %get3A_1073 : vector<1x16xf32> to vector<16xf32>
          %mul3A_1075 = vector.broadcast %squeeze3A_1026 : f32 to vector<16xf32>
          %mul3A_1076 = arith.mulf %get3A_1074, %mul3A_1075 : vector<16xf32>
          %swap3A_1077 = arith.index_cast %add3A_1024 : i32 to index
          %swap3A_1078 = arith.constant 64 : index
          %swap3A_1079 = tpu.vector_load %arg11[%swap3A_1077, %swap3A_1078] {strides = array<i32>} : memref<128x128xf32, #tpu.memory_space<vmem>>, vector<1x16xf32>,
          %swap3A_1080 = vector.shape_cast %swap3A_1079 : vector<1x16xf32> to vector<16xf32>
          %swap3A_1081 = vector.shape_cast %mul3A_1076 : vector<16xf32> to vector<1x16xf32>
          tpu.vector_store %arg11[%swap3A_1077, %swap3A_1078], %swap3A_1081 {strides = array<i32>} : memref<128x128xf32, #tpu.memory_space<vmem>>, vector<1x16xf32>,
          %get3A_1082 = arith.index_cast %add3A_1024 : i32 to index
          %get3A_1083 = arith.constant 80 : index
          %get3A_1084 = tpu.vector_load %arg11[%get3A_1082, %get3A_1083] {strides = array<i32>} : memref<128x128xf32, #tpu.memory_space<vmem>>, vector<1x16xf32>,
          %get3A_1085 = vector.shape_cast %get3A_1084 : vector<1x16xf32> to vector<16xf32>
          %mul3A_1086 = vector.broadcast %squeeze3A_1026 : f32 to vector<16xf32>
          %mul3A_1087 = arith.mulf %get3A_1085, %mul3A_1086 : vector<16xf32>
          %swap3A_1088 = arith.index_cast %add3A_1024 : i32 to index
          %swap3A_1089 = arith.constant 80 : index
          %swap3A_1090 = tpu.vector_load %arg11[%swap3A_1088, %swap3A_1089] {strides = array<i32>} : memref<128x128xf32, #tpu.memory_space<vmem>>, vector<1x16xf32>,
          %swap3A_1091 = vector.shape_cast %swap3A_1090 : vector<1x16xf32> to vector<16xf32>
          %swap3A_1092 = vector.shape_cast %mul3A_1087 : vector<16xf32> to vector<1x16xf32>
          tpu.vector_store %arg11[%swap3A_1088, %swap3A_1089], %swap3A_1092 {strides = array<i32>} : memref<128x128xf32, #tpu.memory_space<vmem>>, vector<1x16xf32>,
          %get3A_1093 = arith.index_cast %add3A_1024 : i32 to index
          %get3A_1094 = arith.constant 96 : index
          %get3A_1095 = tpu.vector_load %arg11[%get3A_1093, %get3A_1094] {strides = array<i32>} : memref<128x128xf32, #tpu.memory_space<vmem>>, vector<1x16xf32>,
          %get3A_1096 = vector.shape_cast %get3A_1095 : vector<1x16xf32> to vector<16xf32>
          %mul3A_1097 = vector.broadcast %squeeze3A_1026 : f32 to vector<16xf32>
          %mul3A_1098 = arith.mulf %get3A_1096, %mul3A_1097 : vector<16xf32>
          %swap3A_1099 = arith.index_cast %add3A_1024 : i32 to index
          %swap3A_1100 = arith.constant 96 : index
          %swap3A_1101 = tpu.vector_load %arg11[%swap3A_1099, %swap3A_1100] {strides = array<i32>} : memref<128x128xf32, #tpu.memory_space<vmem>>, vector<1x16xf32>,
          %swap3A_1102 = vector.shape_cast %swap3A_1101 : vector<1x16xf32> to vector<16xf32>
          %swap3A_1103 = vector.shape_cast %mul3A_1098 : vector<16xf32> to vector<1x16xf32>
          tpu.vector_store %arg11[%swap3A_1099, %swap3A_1100], %swap3A_1103 {strides = array<i32>} : memref<128x128xf32, #tpu.memory_space<vmem>>, vector<1x16xf32>,
          %get3A_1104 = arith.index_cast %add3A_1024 : i32 to index
          %get3A_1105 = arith.constant 112 : index
          %get3A_1106 = tpu.vector_load %arg11[%get3A_1104, %get3A_1105] {strides = array<i32>} : memref<128x128xf32, #tpu.memory_space<vmem>>, vector<1x16xf32>,
          %get3A_1107 = vector.shape_cast %get3A_1106 : vector<1x16xf32> to vector<16xf32>
          %mul3A_1108 = vector.broadcast %squeeze3A_1026 : f32 to vector<16xf32>
          %mul3A_1109 = arith.mulf %get3A_1107, %mul3A_1108 : vector<16xf32>
          %swap3A_1110 = arith.index_cast %add3A_1024 : i32 to index
          %swap3A_1111 = arith.constant 112 : index
          %swap3A_1112 = tpu.vector_load %arg11[%swap3A_1110, %swap3A_1111] {strides = array<i32>} : memref<128x128xf32, #tpu.memory_space<vmem>>, vector<1x16xf32>,
          %swap3A_1113 = vector.shape_cast %swap3A_1112 : vector<1x16xf32> to vector<16xf32>
          %swap3A_1114 = vector.shape_cast %mul3A_1109 : vector<16xf32> to vector<1x16xf32>
          tpu.vector_store %arg11[%swap3A_1110, %swap3A_1111], %swap3A_1114 {strides = array<i32>} : memref<128x128xf32, #tpu.memory_space<vmem>>, vector<1x16xf32>,
          %mul3A_1115 = arith.constant 16 : i32
          %mul3A_1116 = arith.muli %scan3A_78, %mul3A_1115 : i32
          %add3A_1117 = arith.constant 11 : i32
          %add3A_1118 = arith.addi %mul3A_1116, %add3A_1117 : i32
          %slice3A_1119 = vector.extract_strided_slice %get3A_83 {offsets = [11], sizes = [1], strides = [1]} : vector<16xf32> to vector<1xf32>
          %squeeze3A_1120 = vector.extract %slice3A_1119[0] : f32 from vector<1xf32>
          %get3A_1121 = arith.index_cast %add3A_1118 : i32 to index
          %get3A_1122 = arith.constant 0 : index
          %get3A_1123 = tpu.vector_load %arg11[%get3A_1121, %get3A_1122] {strides = array<i32>} : memref<128x128xf32, #tpu.memory_space<vmem>>, vector<1x16xf32>,
          %get3A_1124 = vector.shape_cast %get3A_1123 : vector<1x16xf32> to vector<16xf32>
          %mul3A_1125 = vector.broadcast %squeeze3A_1120 : f32 to vector<16xf32>
          %mul3A_1126 = arith.mulf %get3A_1124, %mul3A_1125 : vector<16xf32>
          %swap3A_1127 = arith.index_cast %add3A_1118 : i32 to index
          %swap3A_1128 = arith.constant 0 : index
          %swap3A_1129 = tpu.vector_load %arg11[%swap3A_1127, %swap3A_1128] {strides = array<i32>} : memref<128x128xf32, #tpu.memory_space<vmem>>, vector<1x16xf32>,
          %swap3A_1130 = vector.shape_cast %swap3A_1129 : vector<1x16xf32> to vector<16xf32>
          %swap3A_1131 = vector.shape_cast %mul3A_1126 : vector<16xf32> to vector<1x16xf32>
          tpu.vector_store %arg11[%swap3A_1127, %swap3A_1128], %swap3A_1131 {strides = array<i32>} : memref<128x128xf32, #tpu.memory_space<vmem>>, vector<1x16xf32>,
          %get3A_1132 = arith.index_cast %add3A_1118 : i32 to index
          %get3A_1133 = arith.constant 16 : index
          %get3A_1134 = tpu.vector_load %arg11[%get3A_1132, %get3A_1133] {strides = array<i32>} : memref<128x128xf32, #tpu.memory_space<vmem>>, vector<1x16xf32>,
          %get3A_1135 = vector.shape_cast %get3A_1134 : vector<1x16xf32> to vector<16xf32>
          %mul3A_1136 = vector.broadcast %squeeze3A_1120 : f32 to vector<16xf32>
          %mul3A_1137 = arith.mulf %get3A_1135, %mul3A_1136 : vector<16xf32>
          %swap3A_1138 = arith.index_cast %add3A_1118 : i32 to index
          %swap3A_1139 = arith.constant 16 : index
          %swap3A_1140 = tpu.vector_load %arg11[%swap3A_1138, %swap3A_1139] {strides = array<i32>} : memref<128x128xf32, #tpu.memory_space<vmem>>, vector<1x16xf32>,
          %swap3A_1141 = vector.shape_cast %swap3A_1140 : vector<1x16xf32> to vector<16xf32>
          %swap3A_1142 = vector.shape_cast %mul3A_1137 : vector<16xf32> to vector<1x16xf32>
          tpu.vector_store %arg11[%swap3A_1138, %swap3A_1139], %swap3A_1142 {strides = array<i32>} : memref<128x128xf32, #tpu.memory_space<vmem>>, vector<1x16xf32>,
          %get3A_1143 = arith.index_cast %add3A_1118 : i32 to index
          %get3A_1144 = arith.constant 32 : index
          %get3A_1145 = tpu.vector_load %arg11[%get3A_1143, %get3A_1144] {strides = array<i32>} : memref<128x128xf32, #tpu.memory_space<vmem>>, vector<1x16xf32>,
          %get3A_1146 = vector.shape_cast %get3A_1145 : vector<1x16xf32> to vector<16xf32>
          %mul3A_1147 = vector.broadcast %squeeze3A_1120 : f32 to vector<16xf32>
          %mul3A_1148 = arith.mulf %get3A_1146, %mul3A_1147 : vector<16xf32>
          %swap3A_1149 = arith.index_cast %add3A_1118 : i32 to index
          %swap3A_1150 = arith.constant 32 : index
          %swap3A_1151 = tpu.vector_load %arg11[%swap3A_1149, %swap3A_1150] {strides = array<i32>} : memref<128x128xf32, #tpu.memory_space<vmem>>, vector<1x16xf32>,
          %swap3A_1152 = vector.shape_cast %swap3A_1151 : vector<1x16xf32> to vector<16xf32>
          %swap3A_1153 = vector.shape_cast %mul3A_1148 : vector<16xf32> to vector<1x16xf32>
          tpu.vector_store %arg11[%swap3A_1149, %swap3A_1150], %swap3A_1153 {strides = array<i32>} : memref<128x128xf32, #tpu.memory_space<vmem>>, vector<1x16xf32>,
          %get3A_1154 = arith.index_cast %add3A_1118 : i32 to index
          %get3A_1155 = arith.constant 48 : index
          %get3A_1156 = tpu.vector_load %arg11[%get3A_1154, %get3A_1155] {strides = array<i32>} : memref<128x128xf32, #tpu.memory_space<vmem>>, vector<1x16xf32>,
          %get3A_1157 = vector.shape_cast %get3A_1156 : vector<1x16xf32> to vector<16xf32>
          %mul3A_1158 = vector.broadcast %squeeze3A_1120 : f32 to vector<16xf32>
          %mul3A_1159 = arith.mulf %get3A_1157, %mul3A_1158 : vector<16xf32>
          %swap3A_1160 = arith.index_cast %add3A_1118 : i32 to index
          %swap3A_1161 = arith.constant 48 : index
          %swap3A_1162 = tpu.vector_load %arg11[%swap3A_1160, %swap3A_1161] {strides = array<i32>} : memref<128x128xf32, #tpu.memory_space<vmem>>, vector<1x16xf32>,
          %swap3A_1163 = vector.shape_cast %swap3A_1162 : vector<1x16xf32> to vector<16xf32>
          %swap3A_1164 = vector.shape_cast %mul3A_1159 : vector<16xf32> to vector<1x16xf32>
          tpu.vector_store %arg11[%swap3A_1160, %swap3A_1161], %swap3A_1164 {strides = array<i32>} : memref<128x128xf32, #tpu.memory_space<vmem>>, vector<1x16xf32>,
          %get3A_1165 = arith.index_cast %add3A_1118 : i32 to index
          %get3A_1166 = arith.constant 64 : index
          %get3A_1167 = tpu.vector_load %arg11[%get3A_1165, %get3A_1166] {strides = array<i32>} : memref<128x128xf32, #tpu.memory_space<vmem>>, vector<1x16xf32>,
          %get3A_1168 = vector.shape_cast %get3A_1167 : vector<1x16xf32> to vector<16xf32>
          %mul3A_1169 = vector.broadcast %squeeze3A_1120 : f32 to vector<16xf32>
          %mul3A_1170 = arith.mulf %get3A_1168, %mul3A_1169 : vector<16xf32>
          %swap3A_1171 = arith.index_cast %add3A_1118 : i32 to index
          %swap3A_1172 = arith.constant 64 : index
          %swap3A_1173 = tpu.vector_load %arg11[%swap3A_1171, %swap3A_1172] {strides = array<i32>} : memref<128x128xf32, #tpu.memory_space<vmem>>, vector<1x16xf32>,
          %swap3A_1174 = vector.shape_cast %swap3A_1173 : vector<1x16xf32> to vector<16xf32>
          %swap3A_1175 = vector.shape_cast %mul3A_1170 : vector<16xf32> to vector<1x16xf32>
          tpu.vector_store %arg11[%swap3A_1171, %swap3A_1172], %swap3A_1175 {strides = array<i32>} : memref<128x128xf32, #tpu.memory_space<vmem>>, vector<1x16xf32>,
          %get3A_1176 = arith.index_cast %add3A_1118 : i32 to index
          %get3A_1177 = arith.constant 80 : index
          %get3A_1178 = tpu.vector_load %arg11[%get3A_1176, %get3A_1177] {strides = array<i32>} : memref<128x128xf32, #tpu.memory_space<vmem>>, vector<1x16xf32>,
          %get3A_1179 = vector.shape_cast %get3A_1178 : vector<1x16xf32> to vector<16xf32>
          %mul3A_1180 = vector.broadcast %squeeze3A_1120 : f32 to vector<16xf32>
          %mul3A_1181 = arith.mulf %get3A_1179, %mul3A_1180 : vector<16xf32>
          %swap3A_1182 = arith.index_cast %add3A_1118 : i32 to index
          %swap3A_1183 = arith.constant 80 : index
          %swap3A_1184 = tpu.vector_load %arg11[%swap3A_1182, %swap3A_1183] {strides = array<i32>} : memref<128x128xf32, #tpu.memory_space<vmem>>, vector<1x16xf32>,
          %swap3A_1185 = vector.shape_cast %swap3A_1184 : vector<1x16xf32> to vector<16xf32>
          %swap3A_1186 = vector.shape_cast %mul3A_1181 : vector<16xf32> to vector<1x16xf32>
          tpu.vector_store %arg11[%swap3A_1182, %swap3A_1183], %swap3A_1186 {strides = array<i32>} : memref<128x128xf32, #tpu.memory_space<vmem>>, vector<1x16xf32>,
          %get3A_1187 = arith.index_cast %add3A_1118 : i32 to index
          %get3A_1188 = arith.constant 96 : index
          %get3A_1189 = tpu.vector_load %arg11[%get3A_1187, %get3A_1188] {strides = array<i32>} : memref<128x128xf32, #tpu.memory_space<vmem>>, vector<1x16xf32>,
          %get3A_1190 = vector.shape_cast %get3A_1189 : vector<1x16xf32> to vector<16xf32>
          %mul3A_1191 = vector.broadcast %squeeze3A_1120 : f32 to vector<16xf32>
          %mul3A_1192 = arith.mulf %get3A_1190, %mul3A_1191 : vector<16xf32>
          %swap3A_1193 = arith.index_cast %add3A_1118 : i32 to index
          %swap3A_1194 = arith.constant 96 : index
          %swap3A_1195 = tpu.vector_load %arg11[%swap3A_1193, %swap3A_1194] {strides = array<i32>} : memref<128x128xf32, #tpu.memory_space<vmem>>, vector<1x16xf32>,
          %swap3A_1196 = vector.shape_cast %swap3A_1195 : vector<1x16xf32> to vector<16xf32>
          %swap3A_1197 = vector.shape_cast %mul3A_1192 : vector<16xf32> to vector<1x16xf32>
          tpu.vector_store %arg11[%swap3A_1193, %swap3A_1194], %swap3A_1197 {strides = array<i32>} : memref<128x128xf32, #tpu.memory_space<vmem>>, vector<1x16xf32>,
          %get3A_1198 = arith.index_cast %add3A_1118 : i32 to index
          %get3A_1199 = arith.constant 112 : index
          %get3A_1200 = tpu.vector_load %arg11[%get3A_1198, %get3A_1199] {strides = array<i32>} : memref<128x128xf32, #tpu.memory_space<vmem>>, vector<1x16xf32>,
          %get3A_1201 = vector.shape_cast %get3A_1200 : vector<1x16xf32> to vector<16xf32>
          %mul3A_1202 = vector.broadcast %squeeze3A_1120 : f32 to vector<16xf32>
          %mul3A_1203 = arith.mulf %get3A_1201, %mul3A_1202 : vector<16xf32>
          %swap3A_1204 = arith.index_cast %add3A_1118 : i32 to index
          %swap3A_1205 = arith.constant 112 : index
          %swap3A_1206 = tpu.vector_load %arg11[%swap3A_1204, %swap3A_1205] {strides = array<i32>} : memref<128x128xf32, #tpu.memory_space<vmem>>, vector<1x16xf32>,
          %swap3A_1207 = vector.shape_cast %swap3A_1206 : vector<1x16xf32> to vector<16xf32>
          %swap3A_1208 = vector.shape_cast %mul3A_1203 : vector<16xf32> to vector<1x16xf32>
          tpu.vector_store %arg11[%swap3A_1204, %swap3A_1205], %swap3A_1208 {strides = array<i32>} : memref<128x128xf32, #tpu.memory_space<vmem>>, vector<1x16xf32>,
          %mul3A_1209 = arith.constant 16 : i32
          %mul3A_1210 = arith.muli %scan3A_78, %mul3A_1209 : i32
          %add3A_1211 = arith.constant 12 : i32
          %add3A_1212 = arith.addi %mul3A_1210, %add3A_1211 : i32
          %slice3A_1213 = vector.extract_strided_slice %get3A_83 {offsets = [12], sizes = [1], strides = [1]} : vector<16xf32> to vector<1xf32>
          %squeeze3A_1214 = vector.extract %slice3A_1213[0] : f32 from vector<1xf32>
          %get3A_1215 = arith.index_cast %add3A_1212 : i32 to index
          %get3A_1216 = arith.constant 0 : index
          %get3A_1217 = tpu.vector_load %arg11[%get3A_1215, %get3A_1216] {strides = array<i32>} : memref<128x128xf32, #tpu.memory_space<vmem>>, vector<1x16xf32>,
          %get3A_1218 = vector.shape_cast %get3A_1217 : vector<1x16xf32> to vector<16xf32>
          %mul3A_1219 = vector.broadcast %squeeze3A_1214 : f32 to vector<16xf32>
          %mul3A_1220 = arith.mulf %get3A_1218, %mul3A_1219 : vector<16xf32>
          %swap3A_1221 = arith.index_cast %add3A_1212 : i32 to index
          %swap3A_1222 = arith.constant 0 : index
          %swap3A_1223 = tpu.vector_load %arg11[%swap3A_1221, %swap3A_1222] {strides = array<i32>} : memref<128x128xf32, #tpu.memory_space<vmem>>, vector<1x16xf32>,
          %swap3A_1224 = vector.shape_cast %swap3A_1223 : vector<1x16xf32> to vector<16xf32>
          %swap3A_1225 = vector.shape_cast %mul3A_1220 : vector<16xf32> to vector<1x16xf32>
          tpu.vector_store %arg11[%swap3A_1221, %swap3A_1222], %swap3A_1225 {strides = array<i32>} : memref<128x128xf32, #tpu.memory_space<vmem>>, vector<1x16xf32>,
          %get3A_1226 = arith.index_cast %add3A_1212 : i32 to index
          %get3A_1227 = arith.constant 16 : index
          %get3A_1228 = tpu.vector_load %arg11[%get3A_1226, %get3A_1227] {strides = array<i32>} : memref<128x128xf32, #tpu.memory_space<vmem>>, vector<1x16xf32>,
          %get3A_1229 = vector.shape_cast %get3A_1228 : vector<1x16xf32> to vector<16xf32>
          %mul3A_1230 = vector.broadcast %squeeze3A_1214 : f32 to vector<16xf32>
          %mul3A_1231 = arith.mulf %get3A_1229, %mul3A_1230 : vector<16xf32>
          %swap3A_1232 = arith.index_cast %add3A_1212 : i32 to index
          %swap3A_1233 = arith.constant 16 : index
          %swap3A_1234 = tpu.vector_load %arg11[%swap3A_1232, %swap3A_1233] {strides = array<i32>} : memref<128x128xf32, #tpu.memory_space<vmem>>, vector<1x16xf32>,
          %swap3A_1235 = vector.shape_cast %swap3A_1234 : vector<1x16xf32> to vector<16xf32>
          %swap3A_1236 = vector.shape_cast %mul3A_1231 : vector<16xf32> to vector<1x16xf32>
          tpu.vector_store %arg11[%swap3A_1232, %swap3A_1233], %swap3A_1236 {strides = array<i32>} : memref<128x128xf32, #tpu.memory_space<vmem>>, vector<1x16xf32>,
          %get3A_1237 = arith.index_cast %add3A_1212 : i32 to index
          %get3A_1238 = arith.constant 32 : index
          %get3A_1239 = tpu.vector_load %arg11[%get3A_1237, %get3A_1238] {strides = array<i32>} : memref<128x128xf32, #tpu.memory_space<vmem>>, vector<1x16xf32>,
          %get3A_1240 = vector.shape_cast %get3A_1239 : vector<1x16xf32> to vector<16xf32>
          %mul3A_1241 = vector.broadcast %squeeze3A_1214 : f32 to vector<16xf32>
          %mul3A_1242 = arith.mulf %get3A_1240, %mul3A_1241 : vector<16xf32>
          %swap3A_1243 = arith.index_cast %add3A_1212 : i32 to index
          %swap3A_1244 = arith.constant 32 : index
          %swap3A_1245 = tpu.vector_load %arg11[%swap3A_1243, %swap3A_1244] {strides = array<i32>} : memref<128x128xf32, #tpu.memory_space<vmem>>, vector<1x16xf32>,
          %swap3A_1246 = vector.shape_cast %swap3A_1245 : vector<1x16xf32> to vector<16xf32>
          %swap3A_1247 = vector.shape_cast %mul3A_1242 : vector<16xf32> to vector<1x16xf32>
          tpu.vector_store %arg11[%swap3A_1243, %swap3A_1244], %swap3A_1247 {strides = array<i32>} : memref<128x128xf32, #tpu.memory_space<vmem>>, vector<1x16xf32>,
          %get3A_1248 = arith.index_cast %add3A_1212 : i32 to index
          %get3A_1249 = arith.constant 48 : index
          %get3A_1250 = tpu.vector_load %arg11[%get3A_1248, %get3A_1249] {strides = array<i32>} : memref<128x128xf32, #tpu.memory_space<vmem>>, vector<1x16xf32>,
          %get3A_1251 = vector.shape_cast %get3A_1250 : vector<1x16xf32> to vector<16xf32>
          %mul3A_1252 = vector.broadcast %squeeze3A_1214 : f32 to vector<16xf32>
          %mul3A_1253 = arith.mulf %get3A_1251, %mul3A_1252 : vector<16xf32>
          %swap3A_1254 = arith.index_cast %add3A_1212 : i32 to index
          %swap3A_1255 = arith.constant 48 : index
          %swap3A_1256 = tpu.vector_load %arg11[%swap3A_1254, %swap3A_1255] {strides = array<i32>} : memref<128x128xf32, #tpu.memory_space<vmem>>, vector<1x16xf32>,
          %swap3A_1257 = vector.shape_cast %swap3A_1256 : vector<1x16xf32> to vector<16xf32>
          %swap3A_1258 = vector.shape_cast %mul3A_1253 : vector<16xf32> to vector<1x16xf32>
          tpu.vector_store %arg11[%swap3A_1254, %swap3A_1255], %swap3A_1258 {strides = array<i32>} : memref<128x128xf32, #tpu.memory_space<vmem>>, vector<1x16xf32>,
          %get3A_1259 = arith.index_cast %add3A_1212 : i32 to index
          %get3A_1260 = arith.constant 64 : index
          %get3A_1261 = tpu.vector_load %arg11[%get3A_1259, %get3A_1260] {strides = array<i32>} : memref<128x128xf32, #tpu.memory_space<vmem>>, vector<1x16xf32>,
          %get3A_1262 = vector.shape_cast %get3A_1261 : vector<1x16xf32> to vector<16xf32>
          %mul3A_1263 = vector.broadcast %squeeze3A_1214 : f32 to vector<16xf32>
          %mul3A_1264 = arith.mulf %get3A_1262, %mul3A_1263 : vector<16xf32>
          %swap3A_1265 = arith.index_cast %add3A_1212 : i32 to index
          %swap3A_1266 = arith.constant 64 : index
          %swap3A_1267 = tpu.vector_load %arg11[%swap3A_1265, %swap3A_1266] {strides = array<i32>} : memref<128x128xf32, #tpu.memory_space<vmem>>, vector<1x16xf32>,
          %swap3A_1268 = vector.shape_cast %swap3A_1267 : vector<1x16xf32> to vector<16xf32>
          %swap3A_1269 = vector.shape_cast %mul3A_1264 : vector<16xf32> to vector<1x16xf32>
          tpu.vector_store %arg11[%swap3A_1265, %swap3A_1266], %swap3A_1269 {strides = array<i32>} : memref<128x128xf32, #tpu.memory_space<vmem>>, vector<1x16xf32>,
          %get3A_1270 = arith.index_cast %add3A_1212 : i32 to index
          %get3A_1271 = arith.constant 80 : index
          %get3A_1272 = tpu.vector_load %arg11[%get3A_1270, %get3A_1271] {strides = array<i32>} : memref<128x128xf32, #tpu.memory_space<vmem>>, vector<1x16xf32>,
          %get3A_1273 = vector.shape_cast %get3A_1272 : vector<1x16xf32> to vector<16xf32>
          %mul3A_1274 = vector.broadcast %squeeze3A_1214 : f32 to vector<16xf32>
          %mul3A_1275 = arith.mulf %get3A_1273, %mul3A_1274 : vector<16xf32>
          %swap3A_1276 = arith.index_cast %add3A_1212 : i32 to index
          %swap3A_1277 = arith.constant 80 : index
          %swap3A_1278 = tpu.vector_load %arg11[%swap3A_1276, %swap3A_1277] {strides = array<i32>} : memref<128x128xf32, #tpu.memory_space<vmem>>, vector<1x16xf32>,
          %swap3A_1279 = vector.shape_cast %swap3A_1278 : vector<1x16xf32> to vector<16xf32>
          %swap3A_1280 = vector.shape_cast %mul3A_1275 : vector<16xf32> to vector<1x16xf32>
          tpu.vector_store %arg11[%swap3A_1276, %swap3A_1277], %swap3A_1280 {strides = array<i32>} : memref<128x128xf32, #tpu.memory_space<vmem>>, vector<1x16xf32>,
          %get3A_1281 = arith.index_cast %add3A_1212 : i32 to index
          %get3A_1282 = arith.constant 96 : index
          %get3A_1283 = tpu.vector_load %arg11[%get3A_1281, %get3A_1282] {strides = array<i32>} : memref<128x128xf32, #tpu.memory_space<vmem>>, vector<1x16xf32>,
          %get3A_1284 = vector.shape_cast %get3A_1283 : vector<1x16xf32> to vector<16xf32>
          %mul3A_1285 = vector.broadcast %squeeze3A_1214 : f32 to vector<16xf32>
          %mul3A_1286 = arith.mulf %get3A_1284, %mul3A_1285 : vector<16xf32>
          %swap3A_1287 = arith.index_cast %add3A_1212 : i32 to index
          %swap3A_1288 = arith.constant 96 : index
          %swap3A_1289 = tpu.vector_load %arg11[%swap3A_1287, %swap3A_1288] {strides = array<i32>} : memref<128x128xf32, #tpu.memory_space<vmem>>, vector<1x16xf32>,
          %swap3A_1290 = vector.shape_cast %swap3A_1289 : vector<1x16xf32> to vector<16xf32>
          %swap3A_1291 = vector.shape_cast %mul3A_1286 : vector<16xf32> to vector<1x16xf32>
          tpu.vector_store %arg11[%swap3A_1287, %swap3A_1288], %swap3A_1291 {strides = array<i32>} : memref<128x128xf32, #tpu.memory_space<vmem>>, vector<1x16xf32>,
          %get3A_1292 = arith.index_cast %add3A_1212 : i32 to index
          %get3A_1293 = arith.constant 112 : index
          %get3A_1294 = tpu.vector_load %arg11[%get3A_1292, %get3A_1293] {strides = array<i32>} : memref<128x128xf32, #tpu.memory_space<vmem>>, vector<1x16xf32>,
          %get3A_1295 = vector.shape_cast %get3A_1294 : vector<1x16xf32> to vector<16xf32>
          %mul3A_1296 = vector.broadcast %squeeze3A_1214 : f32 to vector<16xf32>
          %mul3A_1297 = arith.mulf %get3A_1295, %mul3A_1296 : vector<16xf32>
          %swap3A_1298 = arith.index_cast %add3A_1212 : i32 to index
          %swap3A_1299 = arith.constant 112 : index
          %swap3A_1300 = tpu.vector_load %arg11[%swap3A_1298, %swap3A_1299] {strides = array<i32>} : memref<128x128xf32, #tpu.memory_space<vmem>>, vector<1x16xf32>,
          %swap3A_1301 = vector.shape_cast %swap3A_1300 : vector<1x16xf32> to vector<16xf32>
          %swap3A_1302 = vector.shape_cast %mul3A_1297 : vector<16xf32> to vector<1x16xf32>
          tpu.vector_store %arg11[%swap3A_1298, %swap3A_1299], %swap3A_1302 {strides = array<i32>} : memref<128x128xf32, #tpu.memory_space<vmem>>, vector<1x16xf32>,
          %mul3A_1303 = arith.constant 16 : i32
          %mul3A_1304 = arith.muli %scan3A_78, %mul3A_1303 : i32
          %add3A_1305 = arith.constant 13 : i32
          %add3A_1306 = arith.addi %mul3A_1304, %add3A_1305 : i32
          %slice3A_1307 = vector.extract_strided_slice %get3A_83 {offsets = [13], sizes = [1], strides = [1]} : vector<16xf32> to vector<1xf32>
          %squeeze3A_1308 = vector.extract %slice3A_1307[0] : f32 from vector<1xf32>
          %get3A_1309 = arith.index_cast %add3A_1306 : i32 to index
          %get3A_1310 = arith.constant 0 : index
          %get3A_1311 = tpu.vector_load %arg11[%get3A_1309, %get3A_1310] {strides = array<i32>} : memref<128x128xf32, #tpu.memory_space<vmem>>, vector<1x16xf32>,
          %get3A_1312 = vector.shape_cast %get3A_1311 : vector<1x16xf32> to vector<16xf32>
          %mul3A_1313 = vector.broadcast %squeeze3A_1308 : f32 to vector<16xf32>
          %mul3A_1314 = arith.mulf %get3A_1312, %mul3A_1313 : vector<16xf32>
          %swap3A_1315 = arith.index_cast %add3A_1306 : i32 to index
          %swap3A_1316 = arith.constant 0 : index
          %swap3A_1317 = tpu.vector_load %arg11[%swap3A_1315, %swap3A_1316] {strides = array<i32>} : memref<128x128xf32, #tpu.memory_space<vmem>>, vector<1x16xf32>,
          %swap3A_1318 = vector.shape_cast %swap3A_1317 : vector<1x16xf32> to vector<16xf32>
          %swap3A_1319 = vector.shape_cast %mul3A_1314 : vector<16xf32> to vector<1x16xf32>
          tpu.vector_store %arg11[%swap3A_1315, %swap3A_1316], %swap3A_1319 {strides = array<i32>} : memref<128x128xf32, #tpu.memory_space<vmem>>, vector<1x16xf32>,
          %get3A_1320 = arith.index_cast %add3A_1306 : i32 to index
          %get3A_1321 = arith.constant 16 : index
          %get3A_1322 = tpu.vector_load %arg11[%get3A_1320, %get3A_1321] {strides = array<i32>} : memref<128x128xf32, #tpu.memory_space<vmem>>, vector<1x16xf32>,
          %get3A_1323 = vector.shape_cast %get3A_1322 : vector<1x16xf32> to vector<16xf32>
          %mul3A_1324 = vector.broadcast %squeeze3A_1308 : f32 to vector<16xf32>
          %mul3A_1325 = arith.mulf %get3A_1323, %mul3A_1324 : vector<16xf32>
          %swap3A_1326 = arith.index_cast %add3A_1306 : i32 to index
          %swap3A_1327 = arith.constant 16 : index
          %swap3A_1328 = tpu.vector_load %arg11[%swap3A_1326, %swap3A_1327] {strides = array<i32>} : memref<128x128xf32, #tpu.memory_space<vmem>>, vector<1x16xf32>,
          %swap3A_1329 = vector.shape_cast %swap3A_1328 : vector<1x16xf32> to vector<16xf32>
          %swap3A_1330 = vector.shape_cast %mul3A_1325 : vector<16xf32> to vector<1x16xf32>
          tpu.vector_store %arg11[%swap3A_1326, %swap3A_1327], %swap3A_1330 {strides = array<i32>} : memref<128x128xf32, #tpu.memory_space<vmem>>, vector<1x16xf32>,
          %get3A_1331 = arith.index_cast %add3A_1306 : i32 to index
          %get3A_1332 = arith.constant 32 : index
          %get3A_1333 = tpu.vector_load %arg11[%get3A_1331, %get3A_1332] {strides = array<i32>} : memref<128x128xf32, #tpu.memory_space<vmem>>, vector<1x16xf32>,
          %get3A_1334 = vector.shape_cast %get3A_1333 : vector<1x16xf32> to vector<16xf32>
          %mul3A_1335 = vector.broadcast %squeeze3A_1308 : f32 to vector<16xf32>
          %mul3A_1336 = arith.mulf %get3A_1334, %mul3A_1335 : vector<16xf32>
          %swap3A_1337 = arith.index_cast %add3A_1306 : i32 to index
          %swap3A_1338 = arith.constant 32 : index
          %swap3A_1339 = tpu.vector_load %arg11[%swap3A_1337, %swap3A_1338] {strides = array<i32>} : memref<128x128xf32, #tpu.memory_space<vmem>>, vector<1x16xf32>,
          %swap3A_1340 = vector.shape_cast %swap3A_1339 : vector<1x16xf32> to vector<16xf32>
          %swap3A_1341 = vector.shape_cast %mul3A_1336 : vector<16xf32> to vector<1x16xf32>
          tpu.vector_store %arg11[%swap3A_1337, %swap3A_1338], %swap3A_1341 {strides = array<i32>} : memref<128x128xf32, #tpu.memory_space<vmem>>, vector<1x16xf32>,
          %get3A_1342 = arith.index_cast %add3A_1306 : i32 to index
          %get3A_1343 = arith.constant 48 : index
          %get3A_1344 = tpu.vector_load %arg11[%get3A_1342, %get3A_1343] {strides = array<i32>} : memref<128x128xf32, #tpu.memory_space<vmem>>, vector<1x16xf32>,
          %get3A_1345 = vector.shape_cast %get3A_1344 : vector<1x16xf32> to vector<16xf32>
          %mul3A_1346 = vector.broadcast %squeeze3A_1308 : f32 to vector<16xf32>
          %mul3A_1347 = arith.mulf %get3A_1345, %mul3A_1346 : vector<16xf32>
          %swap3A_1348 = arith.index_cast %add3A_1306 : i32 to index
          %swap3A_1349 = arith.constant 48 : index
          %swap3A_1350 = tpu.vector_load %arg11[%swap3A_1348, %swap3A_1349] {strides = array<i32>} : memref<128x128xf32, #tpu.memory_space<vmem>>, vector<1x16xf32>,
          %swap3A_1351 = vector.shape_cast %swap3A_1350 : vector<1x16xf32> to vector<16xf32>
          %swap3A_1352 = vector.shape_cast %mul3A_1347 : vector<16xf32> to vector<1x16xf32>
          tpu.vector_store %arg11[%swap3A_1348, %swap3A_1349], %swap3A_1352 {strides = array<i32>} : memref<128x128xf32, #tpu.memory_space<vmem>>, vector<1x16xf32>,
          %get3A_1353 = arith.index_cast %add3A_1306 : i32 to index
          %get3A_1354 = arith.constant 64 : index
          %get3A_1355 = tpu.vector_load %arg11[%get3A_1353, %get3A_1354] {strides = array<i32>} : memref<128x128xf32, #tpu.memory_space<vmem>>, vector<1x16xf32>,
          %get3A_1356 = vector.shape_cast %get3A_1355 : vector<1x16xf32> to vector<16xf32>
          %mul3A_1357 = vector.broadcast %squeeze3A_1308 : f32 to vector<16xf32>
          %mul3A_1358 = arith.mulf %get3A_1356, %mul3A_1357 : vector<16xf32>
          %swap3A_1359 = arith.index_cast %add3A_1306 : i32 to index
          %swap3A_1360 = arith.constant 64 : index
          %swap3A_1361 = tpu.vector_load %arg11[%swap3A_1359, %swap3A_1360] {strides = array<i32>} : memref<128x128xf32, #tpu.memory_space<vmem>>, vector<1x16xf32>,
          %swap3A_1362 = vector.shape_cast %swap3A_1361 : vector<1x16xf32> to vector<16xf32>
          %swap3A_1363 = vector.shape_cast %mul3A_1358 : vector<16xf32> to vector<1x16xf32>
          tpu.vector_store %arg11[%swap3A_1359, %swap3A_1360], %swap3A_1363 {strides = array<i32>} : memref<128x128xf32, #tpu.memory_space<vmem>>, vector<1x16xf32>,
          %get3A_1364 = arith.index_cast %add3A_1306 : i32 to index
          %get3A_1365 = arith.constant 80 : index
          %get3A_1366 = tpu.vector_load %arg11[%get3A_1364, %get3A_1365] {strides = array<i32>} : memref<128x128xf32, #tpu.memory_space<vmem>>, vector<1x16xf32>,
          %get3A_1367 = vector.shape_cast %get3A_1366 : vector<1x16xf32> to vector<16xf32>
          %mul3A_1368 = vector.broadcast %squeeze3A_1308 : f32 to vector<16xf32>
          %mul3A_1369 = arith.mulf %get3A_1367, %mul3A_1368 : vector<16xf32>
          %swap3A_1370 = arith.index_cast %add3A_1306 : i32 to index
          %swap3A_1371 = arith.constant 80 : index
          %swap3A_1372 = tpu.vector_load %arg11[%swap3A_1370, %swap3A_1371] {strides = array<i32>} : memref<128x128xf32, #tpu.memory_space<vmem>>, vector<1x16xf32>,
          %swap3A_1373 = vector.shape_cast %swap3A_1372 : vector<1x16xf32> to vector<16xf32>
          %swap3A_1374 = vector.shape_cast %mul3A_1369 : vector<16xf32> to vector<1x16xf32>
          tpu.vector_store %arg11[%swap3A_1370, %swap3A_1371], %swap3A_1374 {strides = array<i32>} : memref<128x128xf32, #tpu.memory_space<vmem>>, vector<1x16xf32>,
          %get3A_1375 = arith.index_cast %add3A_1306 : i32 to index
          %get3A_1376 = arith.constant 96 : index
          %get3A_1377 = tpu.vector_load %arg11[%get3A_1375, %get3A_1376] {strides = array<i32>} : memref<128x128xf32, #tpu.memory_space<vmem>>, vector<1x16xf32>,
          %get3A_1378 = vector.shape_cast %get3A_1377 : vector<1x16xf32> to vector<16xf32>
          %mul3A_1379 = vector.broadcast %squeeze3A_1308 : f32 to vector<16xf32>
          %mul3A_1380 = arith.mulf %get3A_1378, %mul3A_1379 : vector<16xf32>
          %swap3A_1381 = arith.index_cast %add3A_1306 : i32 to index
          %swap3A_1382 = arith.constant 96 : index
          %swap3A_1383 = tpu.vector_load %arg11[%swap3A_1381, %swap3A_1382] {strides = array<i32>} : memref<128x128xf32, #tpu.memory_space<vmem>>, vector<1x16xf32>,
          %swap3A_1384 = vector.shape_cast %swap3A_1383 : vector<1x16xf32> to vector<16xf32>
          %swap3A_1385 = vector.shape_cast %mul3A_1380 : vector<16xf32> to vector<1x16xf32>
          tpu.vector_store %arg11[%swap3A_1381, %swap3A_1382], %swap3A_1385 {strides = array<i32>} : memref<128x128xf32, #tpu.memory_space<vmem>>, vector<1x16xf32>,
          %get3A_1386 = arith.index_cast %add3A_1306 : i32 to index
          %get3A_1387 = arith.constant 112 : index
          %get3A_1388 = tpu.vector_load %arg11[%get3A_1386, %get3A_1387] {strides = array<i32>} : memref<128x128xf32, #tpu.memory_space<vmem>>, vector<1x16xf32>,
          %get3A_1389 = vector.shape_cast %get3A_1388 : vector<1x16xf32> to vector<16xf32>
          %mul3A_1390 = vector.broadcast %squeeze3A_1308 : f32 to vector<16xf32>
          %mul3A_1391 = arith.mulf %get3A_1389, %mul3A_1390 : vector<16xf32>
          %swap3A_1392 = arith.index_cast %add3A_1306 : i32 to index
          %swap3A_1393 = arith.constant 112 : index
          %swap3A_1394 = tpu.vector_load %arg11[%swap3A_1392, %swap3A_1393] {strides = array<i32>} : memref<128x128xf32, #tpu.memory_space<vmem>>, vector<1x16xf32>,
          %swap3A_1395 = vector.shape_cast %swap3A_1394 : vector<1x16xf32> to vector<16xf32>
          %swap3A_1396 = vector.shape_cast %mul3A_1391 : vector<16xf32> to vector<1x16xf32>
          tpu.vector_store %arg11[%swap3A_1392, %swap3A_1393], %swap3A_1396 {strides = array<i32>} : memref<128x128xf32, #tpu.memory_space<vmem>>, vector<1x16xf32>,
          %mul3A_1397 = arith.constant 16 : i32
          %mul3A_1398 = arith.muli %scan3A_78, %mul3A_1397 : i32
          %add3A_1399 = arith.constant 14 : i32
          %add3A_1400 = arith.addi %mul3A_1398, %add3A_1399 : i32
          %slice3A_1401 = vector.extract_strided_slice %get3A_83 {offsets = [14], sizes = [1], strides = [1]} : vector<16xf32> to vector<1xf32>
          %squeeze3A_1402 = vector.extract %slice3A_1401[0] : f32 from vector<1xf32>
          %get3A_1403 = arith.index_cast %add3A_1400 : i32 to index
          %get3A_1404 = arith.constant 0 : index
          %get3A_1405 = tpu.vector_load %arg11[%get3A_1403, %get3A_1404] {strides = array<i32>} : memref<128x128xf32, #tpu.memory_space<vmem>>, vector<1x16xf32>,
          %get3A_1406 = vector.shape_cast %get3A_1405 : vector<1x16xf32> to vector<16xf32>
          %mul3A_1407 = vector.broadcast %squeeze3A_1402 : f32 to vector<16xf32>
          %mul3A_1408 = arith.mulf %get3A_1406, %mul3A_1407 : vector<16xf32>
          %swap3A_1409 = arith.index_cast %add3A_1400 : i32 to index
          %swap3A_1410 = arith.constant 0 : index
          %swap3A_1411 = tpu.vector_load %arg11[%swap3A_1409, %swap3A_1410] {strides = array<i32>} : memref<128x128xf32, #tpu.memory_space<vmem>>, vector<1x16xf32>,
          %swap3A_1412 = vector.shape_cast %swap3A_1411 : vector<1x16xf32> to vector<16xf32>
          %swap3A_1413 = vector.shape_cast %mul3A_1408 : vector<16xf32> to vector<1x16xf32>
          tpu.vector_store %arg11[%swap3A_1409, %swap3A_1410], %swap3A_1413 {strides = array<i32>} : memref<128x128xf32, #tpu.memory_space<vmem>>, vector<1x16xf32>,
          %get3A_1414 = arith.index_cast %add3A_1400 : i32 to index
          %get3A_1415 = arith.constant 16 : index
          %get3A_1416 = tpu.vector_load %arg11[%get3A_1414, %get3A_1415] {strides = array<i32>} : memref<128x128xf32, #tpu.memory_space<vmem>>, vector<1x16xf32>,
          %get3A_1417 = vector.shape_cast %get3A_1416 : vector<1x16xf32> to vector<16xf32>
          %mul3A_1418 = vector.broadcast %squeeze3A_1402 : f32 to vector<16xf32>
          %mul3A_1419 = arith.mulf %get3A_1417, %mul3A_1418 : vector<16xf32>
          %swap3A_1420 = arith.index_cast %add3A_1400 : i32 to index
          %swap3A_1421 = arith.constant 16 : index
          %swap3A_1422 = tpu.vector_load %arg11[%swap3A_1420, %swap3A_1421] {strides = array<i32>} : memref<128x128xf32, #tpu.memory_space<vmem>>, vector<1x16xf32>,
          %swap3A_1423 = vector.shape_cast %swap3A_1422 : vector<1x16xf32> to vector<16xf32>
          %swap3A_1424 = vector.shape_cast %mul3A_1419 : vector<16xf32> to vector<1x16xf32>
          tpu.vector_store %arg11[%swap3A_1420, %swap3A_1421], %swap3A_1424 {strides = array<i32>} : memref<128x128xf32, #tpu.memory_space<vmem>>, vector<1x16xf32>,
          %get3A_1425 = arith.index_cast %add3A_1400 : i32 to index
          %get3A_1426 = arith.constant 32 : index
          %get3A_1427 = tpu.vector_load %arg11[%get3A_1425, %get3A_1426] {strides = array<i32>} : memref<128x128xf32, #tpu.memory_space<vmem>>, vector<1x16xf32>,
          %get3A_1428 = vector.shape_cast %get3A_1427 : vector<1x16xf32> to vector<16xf32>
          %mul3A_1429 = vector.broadcast %squeeze3A_1402 : f32 to vector<16xf32>
          %mul3A_1430 = arith.mulf %get3A_1428, %mul3A_1429 : vector<16xf32>
          %swap3A_1431 = arith.index_cast %add3A_1400 : i32 to index
          %swap3A_1432 = arith.constant 32 : index
          %swap3A_1433 = tpu.vector_load %arg11[%swap3A_1431, %swap3A_1432] {strides = array<i32>} : memref<128x128xf32, #tpu.memory_space<vmem>>, vector<1x16xf32>,
          %swap3A_1434 = vector.shape_cast %swap3A_1433 : vector<1x16xf32> to vector<16xf32>
          %swap3A_1435 = vector.shape_cast %mul3A_1430 : vector<16xf32> to vector<1x16xf32>
          tpu.vector_store %arg11[%swap3A_1431, %swap3A_1432], %swap3A_1435 {strides = array<i32>} : memref<128x128xf32, #tpu.memory_space<vmem>>, vector<1x16xf32>,
          %get3A_1436 = arith.index_cast %add3A_1400 : i32 to index
          %get3A_1437 = arith.constant 48 : index
          %get3A_1438 = tpu.vector_load %arg11[%get3A_1436, %get3A_1437] {strides = array<i32>} : memref<128x128xf32, #tpu.memory_space<vmem>>, vector<1x16xf32>,
          %get3A_1439 = vector.shape_cast %get3A_1438 : vector<1x16xf32> to vector<16xf32>
          %mul3A_1440 = vector.broadcast %squeeze3A_1402 : f32 to vector<16xf32>
          %mul3A_1441 = arith.mulf %get3A_1439, %mul3A_1440 : vector<16xf32>
          %swap3A_1442 = arith.index_cast %add3A_1400 : i32 to index
          %swap3A_1443 = arith.constant 48 : index
          %swap3A_1444 = tpu.vector_load %arg11[%swap3A_1442, %swap3A_1443] {strides = array<i32>} : memref<128x128xf32, #tpu.memory_space<vmem>>, vector<1x16xf32>,
          %swap3A_1445 = vector.shape_cast %swap3A_1444 : vector<1x16xf32> to vector<16xf32>
          %swap3A_1446 = vector.shape_cast %mul3A_1441 : vector<16xf32> to vector<1x16xf32>
          tpu.vector_store %arg11[%swap3A_1442, %swap3A_1443], %swap3A_1446 {strides = array<i32>} : memref<128x128xf32, #tpu.memory_space<vmem>>, vector<1x16xf32>,
          %get3A_1447 = arith.index_cast %add3A_1400 : i32 to index
          %get3A_1448 = arith.constant 64 : index
          %get3A_1449 = tpu.vector_load %arg11[%get3A_1447, %get3A_1448] {strides = array<i32>} : memref<128x128xf32, #tpu.memory_space<vmem>>, vector<1x16xf32>,
          %get3A_1450 = vector.shape_cast %get3A_1449 : vector<1x16xf32> to vector<16xf32>
          %mul3A_1451 = vector.broadcast %squeeze3A_1402 : f32 to vector<16xf32>
          %mul3A_1452 = arith.mulf %get3A_1450, %mul3A_1451 : vector<16xf32>
          %swap3A_1453 = arith.index_cast %add3A_1400 : i32 to index
          %swap3A_1454 = arith.constant 64 : index
          %swap3A_1455 = tpu.vector_load %arg11[%swap3A_1453, %swap3A_1454] {strides = array<i32>} : memref<128x128xf32, #tpu.memory_space<vmem>>, vector<1x16xf32>,
          %swap3A_1456 = vector.shape_cast %swap3A_1455 : vector<1x16xf32> to vector<16xf32>
          %swap3A_1457 = vector.shape_cast %mul3A_1452 : vector<16xf32> to vector<1x16xf32>
          tpu.vector_store %arg11[%swap3A_1453, %swap3A_1454], %swap3A_1457 {strides = array<i32>} : memref<128x128xf32, #tpu.memory_space<vmem>>, vector<1x16xf32>,
          %get3A_1458 = arith.index_cast %add3A_1400 : i32 to index
          %get3A_1459 = arith.constant 80 : index
          %get3A_1460 = tpu.vector_load %arg11[%get3A_1458, %get3A_1459] {strides = array<i32>} : memref<128x128xf32, #tpu.memory_space<vmem>>, vector<1x16xf32>,
          %get3A_1461 = vector.shape_cast %get3A_1460 : vector<1x16xf32> to vector<16xf32>
          %mul3A_1462 = vector.broadcast %squeeze3A_1402 : f32 to vector<16xf32>
          %mul3A_1463 = arith.mulf %get3A_1461, %mul3A_1462 : vector<16xf32>
          %swap3A_1464 = arith.index_cast %add3A_1400 : i32 to index
          %swap3A_1465 = arith.constant 80 : index
          %swap3A_1466 = tpu.vector_load %arg11[%swap3A_1464, %swap3A_1465] {strides = array<i32>} : memref<128x128xf32, #tpu.memory_space<vmem>>, vector<1x16xf32>,
          %swap3A_1467 = vector.shape_cast %swap3A_1466 : vector<1x16xf32> to vector<16xf32>
          %swap3A_1468 = vector.shape_cast %mul3A_1463 : vector<16xf32> to vector<1x16xf32>
          tpu.vector_store %arg11[%swap3A_1464, %swap3A_1465], %swap3A_1468 {strides = array<i32>} : memref<128x128xf32, #tpu.memory_space<vmem>>, vector<1x16xf32>,
          %get3A_1469 = arith.index_cast %add3A_1400 : i32 to index
          %get3A_1470 = arith.constant 96 : index
          %get3A_1471 = tpu.vector_load %arg11[%get3A_1469, %get3A_1470] {strides = array<i32>} : memref<128x128xf32, #tpu.memory_space<vmem>>, vector<1x16xf32>,
          %get3A_1472 = vector.shape_cast %get3A_1471 : vector<1x16xf32> to vector<16xf32>
          %mul3A_1473 = vector.broadcast %squeeze3A_1402 : f32 to vector<16xf32>
          %mul3A_1474 = arith.mulf %get3A_1472, %mul3A_1473 : vector<16xf32>
          %swap3A_1475 = arith.index_cast %add3A_1400 : i32 to index
          %swap3A_1476 = arith.constant 96 : index
          %swap3A_1477 = tpu.vector_load %arg11[%swap3A_1475, %swap3A_1476] {strides = array<i32>} : memref<128x128xf32, #tpu.memory_space<vmem>>, vector<1x16xf32>,
          %swap3A_1478 = vector.shape_cast %swap3A_1477 : vector<1x16xf32> to vector<16xf32>
          %swap3A_1479 = vector.shape_cast %mul3A_1474 : vector<16xf32> to vector<1x16xf32>
          tpu.vector_store %arg11[%swap3A_1475, %swap3A_1476], %swap3A_1479 {strides = array<i32>} : memref<128x128xf32, #tpu.memory_space<vmem>>, vector<1x16xf32>,
          %get3A_1480 = arith.index_cast %add3A_1400 : i32 to index
          %get3A_1481 = arith.constant 112 : index
          %get3A_1482 = tpu.vector_load %arg11[%get3A_1480, %get3A_1481] {strides = array<i32>} : memref<128x128xf32, #tpu.memory_space<vmem>>, vector<1x16xf32>,
          %get3A_1483 = vector.shape_cast %get3A_1482 : vector<1x16xf32> to vector<16xf32>
          %mul3A_1484 = vector.broadcast %squeeze3A_1402 : f32 to vector<16xf32>
          %mul3A_1485 = arith.mulf %get3A_1483, %mul3A_1484 : vector<16xf32>
          %swap3A_1486 = arith.index_cast %add3A_1400 : i32 to index
          %swap3A_1487 = arith.constant 112 : index
          %swap3A_1488 = tpu.vector_load %arg11[%swap3A_1486, %swap3A_1487] {strides = array<i32>} : memref<128x128xf32, #tpu.memory_space<vmem>>, vector<1x16xf32>,
          %swap3A_1489 = vector.shape_cast %swap3A_1488 : vector<1x16xf32> to vector<16xf32>
          %swap3A_1490 = vector.shape_cast %mul3A_1485 : vector<16xf32> to vector<1x16xf32>
          tpu.vector_store %arg11[%swap3A_1486, %swap3A_1487], %swap3A_1490 {strides = array<i32>} : memref<128x128xf32, #tpu.memory_space<vmem>>, vector<1x16xf32>,
          %mul3A_1491 = arith.constant 16 : i32
          %mul3A_1492 = arith.muli %scan3A_78, %mul3A_1491 : i32
          %add3A_1493 = arith.constant 15 : i32
          %add3A_1494 = arith.addi %mul3A_1492, %add3A_1493 : i32
          %slice3A_1495 = vector.extract_strided_slice %get3A_83 {offsets = [15], sizes = [1], strides = [1]} : vector<16xf32> to vector<1xf32>
          %squeeze3A_1496 = vector.extract %slice3A_1495[0] : f32 from vector<1xf32>
          %get3A_1497 = arith.index_cast %add3A_1494 : i32 to index
          %get3A_1498 = arith.constant 0 : index
          %get3A_1499 = tpu.vector_load %arg11[%get3A_1497, %get3A_1498] {strides = array<i32>} : memref<128x128xf32, #tpu.memory_space<vmem>>, vector<1x16xf32>,
          %get3A_1500 = vector.shape_cast %get3A_1499 : vector<1x16xf32> to vector<16xf32>
          %mul3A_1501 = vector.broadcast %squeeze3A_1496 : f32 to vector<16xf32>
          %mul3A_1502 = arith.mulf %get3A_1500, %mul3A_1501 : vector<16xf32>
          %swap3A_1503 = arith.index_cast %add3A_1494 : i32 to index
          %swap3A_1504 = arith.constant 0 : index
          %swap3A_1505 = tpu.vector_load %arg11[%swap3A_1503, %swap3A_1504] {strides = array<i32>} : memref<128x128xf32, #tpu.memory_space<vmem>>, vector<1x16xf32>,
          %swap3A_1506 = vector.shape_cast %swap3A_1505 : vector<1x16xf32> to vector<16xf32>
          %swap3A_1507 = vector.shape_cast %mul3A_1502 : vector<16xf32> to vector<1x16xf32>
          tpu.vector_store %arg11[%swap3A_1503, %swap3A_1504], %swap3A_1507 {strides = array<i32>} : memref<128x128xf32, #tpu.memory_space<vmem>>, vector<1x16xf32>,
          %get3A_1508 = arith.index_cast %add3A_1494 : i32 to index
          %get3A_1509 = arith.constant 16 : index
          %get3A_1510 = tpu.vector_load %arg11[%get3A_1508, %get3A_1509] {strides = array<i32>} : memref<128x128xf32, #tpu.memory_space<vmem>>, vector<1x16xf32>,
          %get3A_1511 = vector.shape_cast %get3A_1510 : vector<1x16xf32> to vector<16xf32>
          %mul3A_1512 = vector.broadcast %squeeze3A_1496 : f32 to vector<16xf32>
          %mul3A_1513 = arith.mulf %get3A_1511, %mul3A_1512 : vector<16xf32>
          %swap3A_1514 = arith.index_cast %add3A_1494 : i32 to index
          %swap3A_1515 = arith.constant 16 : index
          %swap3A_1516 = tpu.vector_load %arg11[%swap3A_1514, %swap3A_1515] {strides = array<i32>} : memref<128x128xf32, #tpu.memory_space<vmem>>, vector<1x16xf32>,
          %swap3A_1517 = vector.shape_cast %swap3A_1516 : vector<1x16xf32> to vector<16xf32>
          %swap3A_1518 = vector.shape_cast %mul3A_1513 : vector<16xf32> to vector<1x16xf32>
          tpu.vector_store %arg11[%swap3A_1514, %swap3A_1515], %swap3A_1518 {strides = array<i32>} : memref<128x128xf32, #tpu.memory_space<vmem>>, vector<1x16xf32>,
          %get3A_1519 = arith.index_cast %add3A_1494 : i32 to index
          %get3A_1520 = arith.constant 32 : index
          %get3A_1521 = tpu.vector_load %arg11[%get3A_1519, %get3A_1520] {strides = array<i32>} : memref<128x128xf32, #tpu.memory_space<vmem>>, vector<1x16xf32>,
          %get3A_1522 = vector.shape_cast %get3A_1521 : vector<1x16xf32> to vector<16xf32>
          %mul3A_1523 = vector.broadcast %squeeze3A_1496 : f32 to vector<16xf32>
          %mul3A_1524 = arith.mulf %get3A_1522, %mul3A_1523 : vector<16xf32>
          %swap3A_1525 = arith.index_cast %add3A_1494 : i32 to index
          %swap3A_1526 = arith.constant 32 : index
          %swap3A_1527 = tpu.vector_load %arg11[%swap3A_1525, %swap3A_1526] {strides = array<i32>} : memref<128x128xf32, #tpu.memory_space<vmem>>, vector<1x16xf32>,
          %swap3A_1528 = vector.shape_cast %swap3A_1527 : vector<1x16xf32> to vector<16xf32>
          %swap3A_1529 = vector.shape_cast %mul3A_1524 : vector<16xf32> to vector<1x16xf32>
          tpu.vector_store %arg11[%swap3A_1525, %swap3A_1526], %swap3A_1529 {strides = array<i32>} : memref<128x128xf32, #tpu.memory_space<vmem>>, vector<1x16xf32>,
          %get3A_1530 = arith.index_cast %add3A_1494 : i32 to index
          %get3A_1531 = arith.constant 48 : index
          %get3A_1532 = tpu.vector_load %arg11[%get3A_1530, %get3A_1531] {strides = array<i32>} : memref<128x128xf32, #tpu.memory_space<vmem>>, vector<1x16xf32>,
          %get3A_1533 = vector.shape_cast %get3A_1532 : vector<1x16xf32> to vector<16xf32>
          %mul3A_1534 = vector.broadcast %squeeze3A_1496 : f32 to vector<16xf32>
          %mul3A_1535 = arith.mulf %get3A_1533, %mul3A_1534 : vector<16xf32>
          %swap3A_1536 = arith.index_cast %add3A_1494 : i32 to index
          %swap3A_1537 = arith.constant 48 : index
          %swap3A_1538 = tpu.vector_load %arg11[%swap3A_1536, %swap3A_1537] {strides = array<i32>} : memref<128x128xf32, #tpu.memory_space<vmem>>, vector<1x16xf32>,
          %swap3A_1539 = vector.shape_cast %swap3A_1538 : vector<1x16xf32> to vector<16xf32>
          %swap3A_1540 = vector.shape_cast %mul3A_1535 : vector<16xf32> to vector<1x16xf32>
          tpu.vector_store %arg11[%swap3A_1536, %swap3A_1537], %swap3A_1540 {strides = array<i32>} : memref<128x128xf32, #tpu.memory_space<vmem>>, vector<1x16xf32>,
          %get3A_1541 = arith.index_cast %add3A_1494 : i32 to index
          %get3A_1542 = arith.constant 64 : index
          %get3A_1543 = tpu.vector_load %arg11[%get3A_1541, %get3A_1542] {strides = array<i32>} : memref<128x128xf32, #tpu.memory_space<vmem>>, vector<1x16xf32>,
          %get3A_1544 = vector.shape_cast %get3A_1543 : vector<1x16xf32> to vector<16xf32>
          %mul3A_1545 = vector.broadcast %squeeze3A_1496 : f32 to vector<16xf32>
          %mul3A_1546 = arith.mulf %get3A_1544, %mul3A_1545 : vector<16xf32>
          %swap3A_1547 = arith.index_cast %add3A_1494 : i32 to index
          %swap3A_1548 = arith.constant 64 : index
          %swap3A_1549 = tpu.vector_load %arg11[%swap3A_1547, %swap3A_1548] {strides = array<i32>} : memref<128x128xf32, #tpu.memory_space<vmem>>, vector<1x16xf32>,
          %swap3A_1550 = vector.shape_cast %swap3A_1549 : vector<1x16xf32> to vector<16xf32>
          %swap3A_1551 = vector.shape_cast %mul3A_1546 : vector<16xf32> to vector<1x16xf32>
          tpu.vector_store %arg11[%swap3A_1547, %swap3A_1548], %swap3A_1551 {strides = array<i32>} : memref<128x128xf32, #tpu.memory_space<vmem>>, vector<1x16xf32>,
          %get3A_1552 = arith.index_cast %add3A_1494 : i32 to index
          %get3A_1553 = arith.constant 80 : index
          %get3A_1554 = tpu.vector_load %arg11[%get3A_1552, %get3A_1553] {strides = array<i32>} : memref<128x128xf32, #tpu.memory_space<vmem>>, vector<1x16xf32>,
          %get3A_1555 = vector.shape_cast %get3A_1554 : vector<1x16xf32> to vector<16xf32>
          %mul3A_1556 = vector.broadcast %squeeze3A_1496 : f32 to vector<16xf32>
          %mul3A_1557 = arith.mulf %get3A_1555, %mul3A_1556 : vector<16xf32>
          %swap3A_1558 = arith.index_cast %add3A_1494 : i32 to index
          %swap3A_1559 = arith.constant 80 : index
          %swap3A_1560 = tpu.vector_load %arg11[%swap3A_1558, %swap3A_1559] {strides = array<i32>} : memref<128x128xf32, #tpu.memory_space<vmem>>, vector<1x16xf32>,
          %swap3A_1561 = vector.shape_cast %swap3A_1560 : vector<1x16xf32> to vector<16xf32>
          %swap3A_1562 = vector.shape_cast %mul3A_1557 : vector<16xf32> to vector<1x16xf32>
          tpu.vector_store %arg11[%swap3A_1558, %swap3A_1559], %swap3A_1562 {strides = array<i32>} : memref<128x128xf32, #tpu.memory_space<vmem>>, vector<1x16xf32>,
          %get3A_1563 = arith.index_cast %add3A_1494 : i32 to index
          %get3A_1564 = arith.constant 96 : index
          %get3A_1565 = tpu.vector_load %arg11[%get3A_1563, %get3A_1564] {strides = array<i32>} : memref<128x128xf32, #tpu.memory_space<vmem>>, vector<1x16xf32>,
          %get3A_1566 = vector.shape_cast %get3A_1565 : vector<1x16xf32> to vector<16xf32>
          %mul3A_1567 = vector.broadcast %squeeze3A_1496 : f32 to vector<16xf32>
          %mul3A_1568 = arith.mulf %get3A_1566, %mul3A_1567 : vector<16xf32>
          %swap3A_1569 = arith.index_cast %add3A_1494 : i32 to index
          %swap3A_1570 = arith.constant 96 : index
          %swap3A_1571 = tpu.vector_load %arg11[%swap3A_1569, %swap3A_1570] {strides = array<i32>} : memref<128x128xf32, #tpu.memory_space<vmem>>, vector<1x16xf32>,
          %swap3A_1572 = vector.shape_cast %swap3A_1571 : vector<1x16xf32> to vector<16xf32>
          %swap3A_1573 = vector.shape_cast %mul3A_1568 : vector<16xf32> to vector<1x16xf32>
          tpu.vector_store %arg11[%swap3A_1569, %swap3A_1570], %swap3A_1573 {strides = array<i32>} : memref<128x128xf32, #tpu.memory_space<vmem>>, vector<1x16xf32>,
          %get3A_1574 = arith.index_cast %add3A_1494 : i32 to index
          %get3A_1575 = arith.constant 112 : index
          %get3A_1576 = tpu.vector_load %arg11[%get3A_1574, %get3A_1575] {strides = array<i32>} : memref<128x128xf32, #tpu.memory_space<vmem>>, vector<1x16xf32>,
          %get3A_1577 = vector.shape_cast %get3A_1576 : vector<1x16xf32> to vector<16xf32>
          %mul3A_1578 = vector.broadcast %squeeze3A_1496 : f32 to vector<16xf32>
          %mul3A_1579 = arith.mulf %get3A_1577, %mul3A_1578 : vector<16xf32>
          %swap3A_1580 = arith.index_cast %add3A_1494 : i32 to index
          %swap3A_1581 = arith.constant 112 : index
          %swap3A_1582 = tpu.vector_load %arg11[%swap3A_1580, %swap3A_1581] {strides = array<i32>} : memref<128x128xf32, #tpu.memory_space<vmem>>, vector<1x16xf32>,
          %swap3A_1583 = vector.shape_cast %swap3A_1582 : vector<1x16xf32> to vector<16xf32>
          %swap3A_1584 = vector.shape_cast %mul3A_1579 : vector<16xf32> to vector<1x16xf32>
          tpu.vector_store %arg11[%swap3A_1580, %swap3A_1581], %swap3A_1584 {strides = array<i32>} : memref<128x128xf32, #tpu.memory_space<vmem>>, vector<1x16xf32>,
        }
        %scan3A_53 = arith.constant 8 : i32
        "tpu.region"() ({
          %run_scoped3A = tpu.sem_alloc : memref<!tpu.dma_semaphore, #tpu.memory_space<semaphore_mem>>
          %dma_start3A_78 = arith.constant 0 : i32
          %dma_start3A_79 = tpu.memref_slice %arg9[%mul3A_35, %dma_start3A_78] : memref<40x128xi32, #tpu.memory_space<vmem>> -> memref<1x128xi32, #tpu.memory_space<vmem>>
          %dma_start3A_80 = tpu.memref_squeeze %dma_start3A_79 : memref<1x128xi32, #tpu.memory_space<vmem>> -> memref<128xi32, #tpu.memory_space<vmem>>
          %dma_start3A_81 = arith.constant 0 : i32
          %dma_start3A_82 = arith.constant 0 : i32
          %dma_start3A_83 = tpu.memref_slice %arg13[%dma_start3A_81, %dma_start3A_82] : memref<10000x128xf32, #tpu.memory_space<vmem_shared>> -> memref<10000x128xf32, #tpu.memory_space<vmem_shared>>
          tpu.enqueue_indirect_dma source(%arg11 : memref<128x128xf32, #tpu.memory_space<vmem>>) target(%dma_start3A_83 : memref<10000x128xf32, #tpu.memory_space<vmem_shared>>) offsets(%dma_start3A_80 : memref<128xi32, #tpu.memory_space<vmem>>) semaphore(%run_scoped3A : memref<!tpu.dma_semaphore, #tpu.memory_space<semaphore_mem>>) {add = true}
          %dma_wait3A_84 = arith.constant 0 : i32
          %dma_wait3A_85 = tpu.memref_slice %arg9[%mul3A_35, %dma_wait3A_84] : memref<40x128xi32, #tpu.memory_space<vmem>> -> memref<1x128xi32, #tpu.memory_space<vmem>>
          %dma_wait3A_86 = tpu.memref_squeeze %dma_wait3A_85 : memref<1x128xi32, #tpu.memory_space<vmem>> -> memref<128xi32, #tpu.memory_space<vmem>>
          %dma_wait3A_87 = arith.constant 0 : i32
          %dma_wait3A_88 = arith.constant 0 : i32
          %dma_wait3A_89 = tpu.memref_slice %arg13[%dma_wait3A_87, %dma_wait3A_88] : memref<10000x128xf32, #tpu.memory_space<vmem_shared>> -> memref<10000x128xf32, #tpu.memory_space<vmem_shared>>
          tpu.wait_indirect_dma semaphore(%run_scoped3A : memref<!tpu.dma_semaphore, #tpu.memory_space<semaphore_mem>>) src(%arg11 : memref<128x128xf32, #tpu.memory_space<vmem>>) dst(%dma_wait3A_89 : memref<10000x128xf32, #tpu.memory_space<vmem_shared>>)
          tpu.yield
        }) : () -> ()
        %add3A_54 = arith.constant 1 : i32
        %add3A_55 = arith.addi %mul3A_35, %add3A_54 : i32
        %dma_wait3A_56 = arith.constant 0 : i32
        %dma_wait3A_57 = tpu.memref_slice %arg8[%add3A_55, %dma_wait3A_56] : memref<40x128xi32, #tpu.memory_space<vmem>> -> memref<1x128xi32, #tpu.memory_space<vmem>>
        %dma_wait3A_58 = tpu.memref_squeeze %dma_wait3A_57 : memref<1x128xi32, #tpu.memory_space<vmem>> -> memref<128xi32, #tpu.memory_space<vmem>>
        %dma_wait3A_59 = arith.constant 0 : i32
        %dma_wait3A_60 = arith.constant 0 : i32
        %dma_wait3A_61 = tpu.memref_slice %arg2[%dma_wait3A_59, %dma_wait3A_60] : memref<20000x128xf32, #tpu.memory_space<hbm>> -> memref<20000x128xf32, #tpu.memory_space<hbm>>
        tpu.wait_indirect_dma semaphore(%arg15 : memref<!tpu.dma_semaphore, #tpu.memory_space<semaphore_mem>>) src(%dma_wait3A_61 : memref<20000x128xf32, #tpu.memory_space<hbm>>) dst(%arg12 : memref<128x128xf32, #tpu.memory_space<vmem>>)
        %add3A_62 = arith.constant 2 : i32
        %add3A_63 = arith.addi %mul3A_35, %add3A_62 : i32
        %lt3A = arith.constant 40 : i32
        %lt3A_64 = arith.cmpi slt, %add3A_63, %lt3A : i32
        %convert_element_type3A_65 = arith.extui %lt3A_64 : i1 to i32
        %cond3A_66 = arith.constant 0 : i32
        %cond3A_67 = arith.cmpi ne, %convert_element_type3A_65, %cond3A_66 : i32
        scf.if %cond3A_67 {
          %add3A_78 = arith.constant 2 : i32
          %add3A_79 = arith.addi %mul3A_35, %add3A_78 : i32
          %dma_start3A_80 = arith.constant 0 : i32
          %dma_start3A_81 = tpu.memref_slice %arg8[%add3A_79, %dma_start3A_80] : memref<40x128xi32, #tpu.memory_space<vmem>> -> memref<1x128xi32, #tpu.memory_space<vmem>>
          %dma_start3A_82 = tpu.memref_squeeze %dma_start3A_81 : memref<1x128xi32, #tpu.memory_space<vmem>> -> memref<128xi32, #tpu.memory_space<vmem>>
          %dma_start3A_83 = arith.constant 0 : i32
          %dma_start3A_84 = arith.constant 0 : i32
          %dma_start3A_85 = tpu.memref_slice %arg2[%dma_start3A_83, %dma_start3A_84] : memref<20000x128xf32, #tpu.memory_space<hbm>> -> memref<20000x128xf32, #tpu.memory_space<hbm>>
          tpu.enqueue_indirect_dma source(%dma_start3A_85 : memref<20000x128xf32, #tpu.memory_space<hbm>>) target(%arg11 : memref<128x128xf32, #tpu.memory_space<vmem>>) offsets(%dma_start3A_82 : memref<128xi32, #tpu.memory_space<vmem>>) semaphore(%arg14 : memref<!tpu.dma_semaphore, #tpu.memory_space<semaphore_mem>>)
        } else {
        }
        %add3A_68 = arith.constant 1 : i32
        %add3A_69 = arith.addi %mul3A_35, %add3A_68 : i32
        %scan3A_70 = arith.constant 0 : i32
        %scan3A_71 = arith.constant 0 : i32
        %scan3A_72 = arith.constant 8 : i32
        %scan3A_73 = arith.addi %scan3A_71, %scan3A_72 : i32
        %scan3A_74 = arith.constant 1 : i32
        scf.for %scan3A_78 = %scan3A_71 to %scan3A_73 step %scan3A_74  : i32 {
          %mul3A_79 = arith.constant 16 : i32
          %mul3A_80 = arith.muli %scan3A_78, %mul3A_79 : i32
          %get3A = arith.index_cast %add3A_69 : i32 to index
          %get3A_81 = arith.index_cast %mul3A_80 : i32 to index
          %get3A_82 = tpu.vector_load %arg10[%get3A, %get3A_81] {strides = array<i32>} : memref<40x128xf32, #tpu.memory_space<vmem>>, vector<1x16xf32>,
          %get3A_83 = vector.shape_cast %get3A_82 : vector<1x16xf32> to vector<16xf32>
          %mul3A_84 = arith.constant 16 : i32
          %mul3A_85 = arith.muli %scan3A_78, %mul3A_84 : i32
          %add3A_86 = arith.constant 0 : i32
          %add3A_87 = arith.addi %mul3A_85, %add3A_86 : i32
          %slice3A = vector.extract_strided_slice %get3A_83 {offsets = [0], sizes = [1], strides = [1]} : vector<16xf32> to vector<1xf32>
          %squeeze3A = vector.extract %slice3A[0] : f32 from vector<1xf32>
          %get3A_88 = arith.index_cast %add3A_87 : i32 to index
          %get3A_89 = arith.constant 0 : index
          %get3A_90 = tpu.vector_load %arg12[%get3A_88, %get3A_89] {strides = array<i32>} : memref<128x128xf32, #tpu.memory_space<vmem>>, vector<1x16xf32>,
          %get3A_91 = vector.shape_cast %get3A_90 : vector<1x16xf32> to vector<16xf32>
          %mul3A_92 = vector.broadcast %squeeze3A : f32 to vector<16xf32>
          %mul3A_93 = arith.mulf %get3A_91, %mul3A_92 : vector<16xf32>
          %swap3A = arith.index_cast %add3A_87 : i32 to index
          %swap3A_94 = arith.constant 0 : index
          %swap3A_95 = tpu.vector_load %arg12[%swap3A, %swap3A_94] {strides = array<i32>} : memref<128x128xf32, #tpu.memory_space<vmem>>, vector<1x16xf32>,
          %swap3A_96 = vector.shape_cast %swap3A_95 : vector<1x16xf32> to vector<16xf32>
          %swap3A_97 = vector.shape_cast %mul3A_93 : vector<16xf32> to vector<1x16xf32>
          tpu.vector_store %arg12[%swap3A, %swap3A_94], %swap3A_97 {strides = array<i32>} : memref<128x128xf32, #tpu.memory_space<vmem>>, vector<1x16xf32>,
          %get3A_98 = arith.index_cast %add3A_87 : i32 to index
          %get3A_99 = arith.constant 16 : index
          %get3A_100 = tpu.vector_load %arg12[%get3A_98, %get3A_99] {strides = array<i32>} : memref<128x128xf32, #tpu.memory_space<vmem>>, vector<1x16xf32>,
          %get3A_101 = vector.shape_cast %get3A_100 : vector<1x16xf32> to vector<16xf32>
          %mul3A_102 = vector.broadcast %squeeze3A : f32 to vector<16xf32>
          %mul3A_103 = arith.mulf %get3A_101, %mul3A_102 : vector<16xf32>
          %swap3A_104 = arith.index_cast %add3A_87 : i32 to index
          %swap3A_105 = arith.constant 16 : index
          %swap3A_106 = tpu.vector_load %arg12[%swap3A_104, %swap3A_105] {strides = array<i32>} : memref<128x128xf32, #tpu.memory_space<vmem>>, vector<1x16xf32>,
          %swap3A_107 = vector.shape_cast %swap3A_106 : vector<1x16xf32> to vector<16xf32>
          %swap3A_108 = vector.shape_cast %mul3A_103 : vector<16xf32> to vector<1x16xf32>
          tpu.vector_store %arg12[%swap3A_104, %swap3A_105], %swap3A_108 {strides = array<i32>} : memref<128x128xf32, #tpu.memory_space<vmem>>, vector<1x16xf32>,
          %get3A_109 = arith.index_cast %add3A_87 : i32 to index
          %get3A_110 = arith.constant 32 : index
          %get3A_111 = tpu.vector_load %arg12[%get3A_109, %get3A_110] {strides = array<i32>} : memref<128x128xf32, #tpu.memory_space<vmem>>, vector<1x16xf32>,
          %get3A_112 = vector.shape_cast %get3A_111 : vector<1x16xf32> to vector<16xf32>
          %mul3A_113 = vector.broadcast %squeeze3A : f32 to vector<16xf32>
          %mul3A_114 = arith.mulf %get3A_112, %mul3A_113 : vector<16xf32>
          %swap3A_115 = arith.index_cast %add3A_87 : i32 to index
          %swap3A_116 = arith.constant 32 : index
          %swap3A_117 = tpu.vector_load %arg12[%swap3A_115, %swap3A_116] {strides = array<i32>} : memref<128x128xf32, #tpu.memory_space<vmem>>, vector<1x16xf32>,
          %swap3A_118 = vector.shape_cast %swap3A_117 : vector<1x16xf32> to vector<16xf32>
          %swap3A_119 = vector.shape_cast %mul3A_114 : vector<16xf32> to vector<1x16xf32>
          tpu.vector_store %arg12[%swap3A_115, %swap3A_116], %swap3A_119 {strides = array<i32>} : memref<128x128xf32, #tpu.memory_space<vmem>>, vector<1x16xf32>,
          %get3A_120 = arith.index_cast %add3A_87 : i32 to index
          %get3A_121 = arith.constant 48 : index
          %get3A_122 = tpu.vector_load %arg12[%get3A_120, %get3A_121] {strides = array<i32>} : memref<128x128xf32, #tpu.memory_space<vmem>>, vector<1x16xf32>,
          %get3A_123 = vector.shape_cast %get3A_122 : vector<1x16xf32> to vector<16xf32>
          %mul3A_124 = vector.broadcast %squeeze3A : f32 to vector<16xf32>
          %mul3A_125 = arith.mulf %get3A_123, %mul3A_124 : vector<16xf32>
          %swap3A_126 = arith.index_cast %add3A_87 : i32 to index
          %swap3A_127 = arith.constant 48 : index
          %swap3A_128 = tpu.vector_load %arg12[%swap3A_126, %swap3A_127] {strides = array<i32>} : memref<128x128xf32, #tpu.memory_space<vmem>>, vector<1x16xf32>,
          %swap3A_129 = vector.shape_cast %swap3A_128 : vector<1x16xf32> to vector<16xf32>
          %swap3A_130 = vector.shape_cast %mul3A_125 : vector<16xf32> to vector<1x16xf32>
          tpu.vector_store %arg12[%swap3A_126, %swap3A_127], %swap3A_130 {strides = array<i32>} : memref<128x128xf32, #tpu.memory_space<vmem>>, vector<1x16xf32>,
          %get3A_131 = arith.index_cast %add3A_87 : i32 to index
          %get3A_132 = arith.constant 64 : index
          %get3A_133 = tpu.vector_load %arg12[%get3A_131, %get3A_132] {strides = array<i32>} : memref<128x128xf32, #tpu.memory_space<vmem>>, vector<1x16xf32>,
          %get3A_134 = vector.shape_cast %get3A_133 : vector<1x16xf32> to vector<16xf32>
          %mul3A_135 = vector.broadcast %squeeze3A : f32 to vector<16xf32>
          %mul3A_136 = arith.mulf %get3A_134, %mul3A_135 : vector<16xf32>
          %swap3A_137 = arith.index_cast %add3A_87 : i32 to index
          %swap3A_138 = arith.constant 64 : index
          %swap3A_139 = tpu.vector_load %arg12[%swap3A_137, %swap3A_138] {strides = array<i32>} : memref<128x128xf32, #tpu.memory_space<vmem>>, vector<1x16xf32>,
          %swap3A_140 = vector.shape_cast %swap3A_139 : vector<1x16xf32> to vector<16xf32>
          %swap3A_141 = vector.shape_cast %mul3A_136 : vector<16xf32> to vector<1x16xf32>
          tpu.vector_store %arg12[%swap3A_137, %swap3A_138], %swap3A_141 {strides = array<i32>} : memref<128x128xf32, #tpu.memory_space<vmem>>, vector<1x16xf32>,
          %get3A_142 = arith.index_cast %add3A_87 : i32 to index
          %get3A_143 = arith.constant 80 : index
          %get3A_144 = tpu.vector_load %arg12[%get3A_142, %get3A_143] {strides = array<i32>} : memref<128x128xf32, #tpu.memory_space<vmem>>, vector<1x16xf32>,
          %get3A_145 = vector.shape_cast %get3A_144 : vector<1x16xf32> to vector<16xf32>
          %mul3A_146 = vector.broadcast %squeeze3A : f32 to vector<16xf32>
          %mul3A_147 = arith.mulf %get3A_145, %mul3A_146 : vector<16xf32>
          %swap3A_148 = arith.index_cast %add3A_87 : i32 to index
          %swap3A_149 = arith.constant 80 : index
          %swap3A_150 = tpu.vector_load %arg12[%swap3A_148, %swap3A_149] {strides = array<i32>} : memref<128x128xf32, #tpu.memory_space<vmem>>, vector<1x16xf32>,
          %swap3A_151 = vector.shape_cast %swap3A_150 : vector<1x16xf32> to vector<16xf32>
          %swap3A_152 = vector.shape_cast %mul3A_147 : vector<16xf32> to vector<1x16xf32>
          tpu.vector_store %arg12[%swap3A_148, %swap3A_149], %swap3A_152 {strides = array<i32>} : memref<128x128xf32, #tpu.memory_space<vmem>>, vector<1x16xf32>,
          %get3A_153 = arith.index_cast %add3A_87 : i32 to index
          %get3A_154 = arith.constant 96 : index
          %get3A_155 = tpu.vector_load %arg12[%get3A_153, %get3A_154] {strides = array<i32>} : memref<128x128xf32, #tpu.memory_space<vmem>>, vector<1x16xf32>,
          %get3A_156 = vector.shape_cast %get3A_155 : vector<1x16xf32> to vector<16xf32>
          %mul3A_157 = vector.broadcast %squeeze3A : f32 to vector<16xf32>
          %mul3A_158 = arith.mulf %get3A_156, %mul3A_157 : vector<16xf32>
          %swap3A_159 = arith.index_cast %add3A_87 : i32 to index
          %swap3A_160 = arith.constant 96 : index
          %swap3A_161 = tpu.vector_load %arg12[%swap3A_159, %swap3A_160] {strides = array<i32>} : memref<128x128xf32, #tpu.memory_space<vmem>>, vector<1x16xf32>,
          %swap3A_162 = vector.shape_cast %swap3A_161 : vector<1x16xf32> to vector<16xf32>
          %swap3A_163 = vector.shape_cast %mul3A_158 : vector<16xf32> to vector<1x16xf32>
          tpu.vector_store %arg12[%swap3A_159, %swap3A_160], %swap3A_163 {strides = array<i32>} : memref<128x128xf32, #tpu.memory_space<vmem>>, vector<1x16xf32>,
          %get3A_164 = arith.index_cast %add3A_87 : i32 to index
          %get3A_165 = arith.constant 112 : index
          %get3A_166 = tpu.vector_load %arg12[%get3A_164, %get3A_165] {strides = array<i32>} : memref<128x128xf32, #tpu.memory_space<vmem>>, vector<1x16xf32>,
          %get3A_167 = vector.shape_cast %get3A_166 : vector<1x16xf32> to vector<16xf32>
          %mul3A_168 = vector.broadcast %squeeze3A : f32 to vector<16xf32>
          %mul3A_169 = arith.mulf %get3A_167, %mul3A_168 : vector<16xf32>
          %swap3A_170 = arith.index_cast %add3A_87 : i32 to index
          %swap3A_171 = arith.constant 112 : index
          %swap3A_172 = tpu.vector_load %arg12[%swap3A_170, %swap3A_171] {strides = array<i32>} : memref<128x128xf32, #tpu.memory_space<vmem>>, vector<1x16xf32>,
          %swap3A_173 = vector.shape_cast %swap3A_172 : vector<1x16xf32> to vector<16xf32>
          %swap3A_174 = vector.shape_cast %mul3A_169 : vector<16xf32> to vector<1x16xf32>
          tpu.vector_store %arg12[%swap3A_170, %swap3A_171], %swap3A_174 {strides = array<i32>} : memref<128x128xf32, #tpu.memory_space<vmem>>, vector<1x16xf32>,
          %mul3A_175 = arith.constant 16 : i32
          %mul3A_176 = arith.muli %scan3A_78, %mul3A_175 : i32
          %add3A_177 = arith.constant 1 : i32
          %add3A_178 = arith.addi %mul3A_176, %add3A_177 : i32
          %slice3A_179 = vector.extract_strided_slice %get3A_83 {offsets = [1], sizes = [1], strides = [1]} : vector<16xf32> to vector<1xf32>
          %squeeze3A_180 = vector.extract %slice3A_179[0] : f32 from vector<1xf32>
          %get3A_181 = arith.index_cast %add3A_178 : i32 to index
          %get3A_182 = arith.constant 0 : index
          %get3A_183 = tpu.vector_load %arg12[%get3A_181, %get3A_182] {strides = array<i32>} : memref<128x128xf32, #tpu.memory_space<vmem>>, vector<1x16xf32>,
          %get3A_184 = vector.shape_cast %get3A_183 : vector<1x16xf32> to vector<16xf32>
          %mul3A_185 = vector.broadcast %squeeze3A_180 : f32 to vector<16xf32>
          %mul3A_186 = arith.mulf %get3A_184, %mul3A_185 : vector<16xf32>
          %swap3A_187 = arith.index_cast %add3A_178 : i32 to index
          %swap3A_188 = arith.constant 0 : index
          %swap3A_189 = tpu.vector_load %arg12[%swap3A_187, %swap3A_188] {strides = array<i32>} : memref<128x128xf32, #tpu.memory_space<vmem>>, vector<1x16xf32>,
          %swap3A_190 = vector.shape_cast %swap3A_189 : vector<1x16xf32> to vector<16xf32>
          %swap3A_191 = vector.shape_cast %mul3A_186 : vector<16xf32> to vector<1x16xf32>
          tpu.vector_store %arg12[%swap3A_187, %swap3A_188], %swap3A_191 {strides = array<i32>} : memref<128x128xf32, #tpu.memory_space<vmem>>, vector<1x16xf32>,
          %get3A_192 = arith.index_cast %add3A_178 : i32 to index
          %get3A_193 = arith.constant 16 : index
          %get3A_194 = tpu.vector_load %arg12[%get3A_192, %get3A_193] {strides = array<i32>} : memref<128x128xf32, #tpu.memory_space<vmem>>, vector<1x16xf32>,
          %get3A_195 = vector.shape_cast %get3A_194 : vector<1x16xf32> to vector<16xf32>
          %mul3A_196 = vector.broadcast %squeeze3A_180 : f32 to vector<16xf32>
          %mul3A_197 = arith.mulf %get3A_195, %mul3A_196 : vector<16xf32>
          %swap3A_198 = arith.index_cast %add3A_178 : i32 to index
          %swap3A_199 = arith.constant 16 : index
          %swap3A_200 = tpu.vector_load %arg12[%swap3A_198, %swap3A_199] {strides = array<i32>} : memref<128x128xf32, #tpu.memory_space<vmem>>, vector<1x16xf32>,
          %swap3A_201 = vector.shape_cast %swap3A_200 : vector<1x16xf32> to vector<16xf32>
          %swap3A_202 = vector.shape_cast %mul3A_197 : vector<16xf32> to vector<1x16xf32>
          tpu.vector_store %arg12[%swap3A_198, %swap3A_199], %swap3A_202 {strides = array<i32>} : memref<128x128xf32, #tpu.memory_space<vmem>>, vector<1x16xf32>,
          %get3A_203 = arith.index_cast %add3A_178 : i32 to index
          %get3A_204 = arith.constant 32 : index
          %get3A_205 = tpu.vector_load %arg12[%get3A_203, %get3A_204] {strides = array<i32>} : memref<128x128xf32, #tpu.memory_space<vmem>>, vector<1x16xf32>,
          %get3A_206 = vector.shape_cast %get3A_205 : vector<1x16xf32> to vector<16xf32>
          %mul3A_207 = vector.broadcast %squeeze3A_180 : f32 to vector<16xf32>
          %mul3A_208 = arith.mulf %get3A_206, %mul3A_207 : vector<16xf32>
          %swap3A_209 = arith.index_cast %add3A_178 : i32 to index
          %swap3A_210 = arith.constant 32 : index
          %swap3A_211 = tpu.vector_load %arg12[%swap3A_209, %swap3A_210] {strides = array<i32>} : memref<128x128xf32, #tpu.memory_space<vmem>>, vector<1x16xf32>,
          %swap3A_212 = vector.shape_cast %swap3A_211 : vector<1x16xf32> to vector<16xf32>
          %swap3A_213 = vector.shape_cast %mul3A_208 : vector<16xf32> to vector<1x16xf32>
          tpu.vector_store %arg12[%swap3A_209, %swap3A_210], %swap3A_213 {strides = array<i32>} : memref<128x128xf32, #tpu.memory_space<vmem>>, vector<1x16xf32>,
          %get3A_214 = arith.index_cast %add3A_178 : i32 to index
          %get3A_215 = arith.constant 48 : index
          %get3A_216 = tpu.vector_load %arg12[%get3A_214, %get3A_215] {strides = array<i32>} : memref<128x128xf32, #tpu.memory_space<vmem>>, vector<1x16xf32>,
          %get3A_217 = vector.shape_cast %get3A_216 : vector<1x16xf32> to vector<16xf32>
          %mul3A_218 = vector.broadcast %squeeze3A_180 : f32 to vector<16xf32>
          %mul3A_219 = arith.mulf %get3A_217, %mul3A_218 : vector<16xf32>
          %swap3A_220 = arith.index_cast %add3A_178 : i32 to index
          %swap3A_221 = arith.constant 48 : index
          %swap3A_222 = tpu.vector_load %arg12[%swap3A_220, %swap3A_221] {strides = array<i32>} : memref<128x128xf32, #tpu.memory_space<vmem>>, vector<1x16xf32>,
          %swap3A_223 = vector.shape_cast %swap3A_222 : vector<1x16xf32> to vector<16xf32>
          %swap3A_224 = vector.shape_cast %mul3A_219 : vector<16xf32> to vector<1x16xf32>
          tpu.vector_store %arg12[%swap3A_220, %swap3A_221], %swap3A_224 {strides = array<i32>} : memref<128x128xf32, #tpu.memory_space<vmem>>, vector<1x16xf32>,
          %get3A_225 = arith.index_cast %add3A_178 : i32 to index
          %get3A_226 = arith.constant 64 : index
          %get3A_227 = tpu.vector_load %arg12[%get3A_225, %get3A_226] {strides = array<i32>} : memref<128x128xf32, #tpu.memory_space<vmem>>, vector<1x16xf32>,
          %get3A_228 = vector.shape_cast %get3A_227 : vector<1x16xf32> to vector<16xf32>
          %mul3A_229 = vector.broadcast %squeeze3A_180 : f32 to vector<16xf32>
          %mul3A_230 = arith.mulf %get3A_228, %mul3A_229 : vector<16xf32>
          %swap3A_231 = arith.index_cast %add3A_178 : i32 to index
          %swap3A_232 = arith.constant 64 : index
          %swap3A_233 = tpu.vector_load %arg12[%swap3A_231, %swap3A_232] {strides = array<i32>} : memref<128x128xf32, #tpu.memory_space<vmem>>, vector<1x16xf32>,
          %swap3A_234 = vector.shape_cast %swap3A_233 : vector<1x16xf32> to vector<16xf32>
          %swap3A_235 = vector.shape_cast %mul3A_230 : vector<16xf32> to vector<1x16xf32>
          tpu.vector_store %arg12[%swap3A_231, %swap3A_232], %swap3A_235 {strides = array<i32>} : memref<128x128xf32, #tpu.memory_space<vmem>>, vector<1x16xf32>,
          %get3A_236 = arith.index_cast %add3A_178 : i32 to index
          %get3A_237 = arith.constant 80 : index
          %get3A_238 = tpu.vector_load %arg12[%get3A_236, %get3A_237] {strides = array<i32>} : memref<128x128xf32, #tpu.memory_space<vmem>>, vector<1x16xf32>,
          %get3A_239 = vector.shape_cast %get3A_238 : vector<1x16xf32> to vector<16xf32>
          %mul3A_240 = vector.broadcast %squeeze3A_180 : f32 to vector<16xf32>
          %mul3A_241 = arith.mulf %get3A_239, %mul3A_240 : vector<16xf32>
          %swap3A_242 = arith.index_cast %add3A_178 : i32 to index
          %swap3A_243 = arith.constant 80 : index
          %swap3A_244 = tpu.vector_load %arg12[%swap3A_242, %swap3A_243] {strides = array<i32>} : memref<128x128xf32, #tpu.memory_space<vmem>>, vector<1x16xf32>,
          %swap3A_245 = vector.shape_cast %swap3A_244 : vector<1x16xf32> to vector<16xf32>
          %swap3A_246 = vector.shape_cast %mul3A_241 : vector<16xf32> to vector<1x16xf32>
          tpu.vector_store %arg12[%swap3A_242, %swap3A_243], %swap3A_246 {strides = array<i32>} : memref<128x128xf32, #tpu.memory_space<vmem>>, vector<1x16xf32>,
          %get3A_247 = arith.index_cast %add3A_178 : i32 to index
          %get3A_248 = arith.constant 96 : index
          %get3A_249 = tpu.vector_load %arg12[%get3A_247, %get3A_248] {strides = array<i32>} : memref<128x128xf32, #tpu.memory_space<vmem>>, vector<1x16xf32>,
          %get3A_250 = vector.shape_cast %get3A_249 : vector<1x16xf32> to vector<16xf32>
          %mul3A_251 = vector.broadcast %squeeze3A_180 : f32 to vector<16xf32>
          %mul3A_252 = arith.mulf %get3A_250, %mul3A_251 : vector<16xf32>
          %swap3A_253 = arith.index_cast %add3A_178 : i32 to index
          %swap3A_254 = arith.constant 96 : index
          %swap3A_255 = tpu.vector_load %arg12[%swap3A_253, %swap3A_254] {strides = array<i32>} : memref<128x128xf32, #tpu.memory_space<vmem>>, vector<1x16xf32>,
          %swap3A_256 = vector.shape_cast %swap3A_255 : vector<1x16xf32> to vector<16xf32>
          %swap3A_257 = vector.shape_cast %mul3A_252 : vector<16xf32> to vector<1x16xf32>
          tpu.vector_store %arg12[%swap3A_253, %swap3A_254], %swap3A_257 {strides = array<i32>} : memref<128x128xf32, #tpu.memory_space<vmem>>, vector<1x16xf32>,
          %get3A_258 = arith.index_cast %add3A_178 : i32 to index
          %get3A_259 = arith.constant 112 : index
          %get3A_260 = tpu.vector_load %arg12[%get3A_258, %get3A_259] {strides = array<i32>} : memref<128x128xf32, #tpu.memory_space<vmem>>, vector<1x16xf32>,
          %get3A_261 = vector.shape_cast %get3A_260 : vector<1x16xf32> to vector<16xf32>
          %mul3A_262 = vector.broadcast %squeeze3A_180 : f32 to vector<16xf32>
          %mul3A_263 = arith.mulf %get3A_261, %mul3A_262 : vector<16xf32>
          %swap3A_264 = arith.index_cast %add3A_178 : i32 to index
          %swap3A_265 = arith.constant 112 : index
          %swap3A_266 = tpu.vector_load %arg12[%swap3A_264, %swap3A_265] {strides = array<i32>} : memref<128x128xf32, #tpu.memory_space<vmem>>, vector<1x16xf32>,
          %swap3A_267 = vector.shape_cast %swap3A_266 : vector<1x16xf32> to vector<16xf32>
          %swap3A_268 = vector.shape_cast %mul3A_263 : vector<16xf32> to vector<1x16xf32>
          tpu.vector_store %arg12[%swap3A_264, %swap3A_265], %swap3A_268 {strides = array<i32>} : memref<128x128xf32, #tpu.memory_space<vmem>>, vector<1x16xf32>,
          %mul3A_269 = arith.constant 16 : i32
          %mul3A_270 = arith.muli %scan3A_78, %mul3A_269 : i32
          %add3A_271 = arith.constant 2 : i32
          %add3A_272 = arith.addi %mul3A_270, %add3A_271 : i32
          %slice3A_273 = vector.extract_strided_slice %get3A_83 {offsets = [2], sizes = [1], strides = [1]} : vector<16xf32> to vector<1xf32>
          %squeeze3A_274 = vector.extract %slice3A_273[0] : f32 from vector<1xf32>
          %get3A_275 = arith.index_cast %add3A_272 : i32 to index
          %get3A_276 = arith.constant 0 : index
          %get3A_277 = tpu.vector_load %arg12[%get3A_275, %get3A_276] {strides = array<i32>} : memref<128x128xf32, #tpu.memory_space<vmem>>, vector<1x16xf32>,
          %get3A_278 = vector.shape_cast %get3A_277 : vector<1x16xf32> to vector<16xf32>
          %mul3A_279 = vector.broadcast %squeeze3A_274 : f32 to vector<16xf32>
          %mul3A_280 = arith.mulf %get3A_278, %mul3A_279 : vector<16xf32>
          %swap3A_281 = arith.index_cast %add3A_272 : i32 to index
          %swap3A_282 = arith.constant 0 : index
          %swap3A_283 = tpu.vector_load %arg12[%swap3A_281, %swap3A_282] {strides = array<i32>} : memref<128x128xf32, #tpu.memory_space<vmem>>, vector<1x16xf32>,
          %swap3A_284 = vector.shape_cast %swap3A_283 : vector<1x16xf32> to vector<16xf32>
          %swap3A_285 = vector.shape_cast %mul3A_280 : vector<16xf32> to vector<1x16xf32>
          tpu.vector_store %arg12[%swap3A_281, %swap3A_282], %swap3A_285 {strides = array<i32>} : memref<128x128xf32, #tpu.memory_space<vmem>>, vector<1x16xf32>,
          %get3A_286 = arith.index_cast %add3A_272 : i32 to index
          %get3A_287 = arith.constant 16 : index
          %get3A_288 = tpu.vector_load %arg12[%get3A_286, %get3A_287] {strides = array<i32>} : memref<128x128xf32, #tpu.memory_space<vmem>>, vector<1x16xf32>,
          %get3A_289 = vector.shape_cast %get3A_288 : vector<1x16xf32> to vector<16xf32>
          %mul3A_290 = vector.broadcast %squeeze3A_274 : f32 to vector<16xf32>
          %mul3A_291 = arith.mulf %get3A_289, %mul3A_290 : vector<16xf32>
          %swap3A_292 = arith.index_cast %add3A_272 : i32 to index
          %swap3A_293 = arith.constant 16 : index
          %swap3A_294 = tpu.vector_load %arg12[%swap3A_292, %swap3A_293] {strides = array<i32>} : memref<128x128xf32, #tpu.memory_space<vmem>>, vector<1x16xf32>,
          %swap3A_295 = vector.shape_cast %swap3A_294 : vector<1x16xf32> to vector<16xf32>
          %swap3A_296 = vector.shape_cast %mul3A_291 : vector<16xf32> to vector<1x16xf32>
          tpu.vector_store %arg12[%swap3A_292, %swap3A_293], %swap3A_296 {strides = array<i32>} : memref<128x128xf32, #tpu.memory_space<vmem>>, vector<1x16xf32>,
          %get3A_297 = arith.index_cast %add3A_272 : i32 to index
          %get3A_298 = arith.constant 32 : index
          %get3A_299 = tpu.vector_load %arg12[%get3A_297, %get3A_298] {strides = array<i32>} : memref<128x128xf32, #tpu.memory_space<vmem>>, vector<1x16xf32>,
          %get3A_300 = vector.shape_cast %get3A_299 : vector<1x16xf32> to vector<16xf32>
          %mul3A_301 = vector.broadcast %squeeze3A_274 : f32 to vector<16xf32>
          %mul3A_302 = arith.mulf %get3A_300, %mul3A_301 : vector<16xf32>
          %swap3A_303 = arith.index_cast %add3A_272 : i32 to index
          %swap3A_304 = arith.constant 32 : index
          %swap3A_305 = tpu.vector_load %arg12[%swap3A_303, %swap3A_304] {strides = array<i32>} : memref<128x128xf32, #tpu.memory_space<vmem>>, vector<1x16xf32>,
          %swap3A_306 = vector.shape_cast %swap3A_305 : vector<1x16xf32> to vector<16xf32>
          %swap3A_307 = vector.shape_cast %mul3A_302 : vector<16xf32> to vector<1x16xf32>
          tpu.vector_store %arg12[%swap3A_303, %swap3A_304], %swap3A_307 {strides = array<i32>} : memref<128x128xf32, #tpu.memory_space<vmem>>, vector<1x16xf32>,
          %get3A_308 = arith.index_cast %add3A_272 : i32 to index
          %get3A_309 = arith.constant 48 : index
          %get3A_310 = tpu.vector_load %arg12[%get3A_308, %get3A_309] {strides = array<i32>} : memref<128x128xf32, #tpu.memory_space<vmem>>, vector<1x16xf32>,
          %get3A_311 = vector.shape_cast %get3A_310 : vector<1x16xf32> to vector<16xf32>
          %mul3A_312 = vector.broadcast %squeeze3A_274 : f32 to vector<16xf32>
          %mul3A_313 = arith.mulf %get3A_311, %mul3A_312 : vector<16xf32>
          %swap3A_314 = arith.index_cast %add3A_272 : i32 to index
          %swap3A_315 = arith.constant 48 : index
          %swap3A_316 = tpu.vector_load %arg12[%swap3A_314, %swap3A_315] {strides = array<i32>} : memref<128x128xf32, #tpu.memory_space<vmem>>, vector<1x16xf32>,
          %swap3A_317 = vector.shape_cast %swap3A_316 : vector<1x16xf32> to vector<16xf32>
          %swap3A_318 = vector.shape_cast %mul3A_313 : vector<16xf32> to vector<1x16xf32>
          tpu.vector_store %arg12[%swap3A_314, %swap3A_315], %swap3A_318 {strides = array<i32>} : memref<128x128xf32, #tpu.memory_space<vmem>>, vector<1x16xf32>,
          %get3A_319 = arith.index_cast %add3A_272 : i32 to index
          %get3A_320 = arith.constant 64 : index
          %get3A_321 = tpu.vector_load %arg12[%get3A_319, %get3A_320] {strides = array<i32>} : memref<128x128xf32, #tpu.memory_space<vmem>>, vector<1x16xf32>,
          %get3A_322 = vector.shape_cast %get3A_321 : vector<1x16xf32> to vector<16xf32>
          %mul3A_323 = vector.broadcast %squeeze3A_274 : f32 to vector<16xf32>
          %mul3A_324 = arith.mulf %get3A_322, %mul3A_323 : vector<16xf32>
          %swap3A_325 = arith.index_cast %add3A_272 : i32 to index
          %swap3A_326 = arith.constant 64 : index
          %swap3A_327 = tpu.vector_load %arg12[%swap3A_325, %swap3A_326] {strides = array<i32>} : memref<128x128xf32, #tpu.memory_space<vmem>>, vector<1x16xf32>,
          %swap3A_328 = vector.shape_cast %swap3A_327 : vector<1x16xf32> to vector<16xf32>
          %swap3A_329 = vector.shape_cast %mul3A_324 : vector<16xf32> to vector<1x16xf32>
          tpu.vector_store %arg12[%swap3A_325, %swap3A_326], %swap3A_329 {strides = array<i32>} : memref<128x128xf32, #tpu.memory_space<vmem>>, vector<1x16xf32>,
          %get3A_330 = arith.index_cast %add3A_272 : i32 to index
          %get3A_331 = arith.constant 80 : index
          %get3A_332 = tpu.vector_load %arg12[%get3A_330, %get3A_331] {strides = array<i32>} : memref<128x128xf32, #tpu.memory_space<vmem>>, vector<1x16xf32>,
          %get3A_333 = vector.shape_cast %get3A_332 : vector<1x16xf32> to vector<16xf32>
          %mul3A_334 = vector.broadcast %squeeze3A_274 : f32 to vector<16xf32>
          %mul3A_335 = arith.mulf %get3A_333, %mul3A_334 : vector<16xf32>
          %swap3A_336 = arith.index_cast %add3A_272 : i32 to index
          %swap3A_337 = arith.constant 80 : index
          %swap3A_338 = tpu.vector_load %arg12[%swap3A_336, %swap3A_337] {strides = array<i32>} : memref<128x128xf32, #tpu.memory_space<vmem>>, vector<1x16xf32>,
          %swap3A_339 = vector.shape_cast %swap3A_338 : vector<1x16xf32> to vector<16xf32>
          %swap3A_340 = vector.shape_cast %mul3A_335 : vector<16xf32> to vector<1x16xf32>
          tpu.vector_store %arg12[%swap3A_336, %swap3A_337], %swap3A_340 {strides = array<i32>} : memref<128x128xf32, #tpu.memory_space<vmem>>, vector<1x16xf32>,
          %get3A_341 = arith.index_cast %add3A_272 : i32 to index
          %get3A_342 = arith.constant 96 : index
          %get3A_343 = tpu.vector_load %arg12[%get3A_341, %get3A_342] {strides = array<i32>} : memref<128x128xf32, #tpu.memory_space<vmem>>, vector<1x16xf32>,
          %get3A_344 = vector.shape_cast %get3A_343 : vector<1x16xf32> to vector<16xf32>
          %mul3A_345 = vector.broadcast %squeeze3A_274 : f32 to vector<16xf32>
          %mul3A_346 = arith.mulf %get3A_344, %mul3A_345 : vector<16xf32>
          %swap3A_347 = arith.index_cast %add3A_272 : i32 to index
          %swap3A_348 = arith.constant 96 : index
          %swap3A_349 = tpu.vector_load %arg12[%swap3A_347, %swap3A_348] {strides = array<i32>} : memref<128x128xf32, #tpu.memory_space<vmem>>, vector<1x16xf32>,
          %swap3A_350 = vector.shape_cast %swap3A_349 : vector<1x16xf32> to vector<16xf32>
          %swap3A_351 = vector.shape_cast %mul3A_346 : vector<16xf32> to vector<1x16xf32>
          tpu.vector_store %arg12[%swap3A_347, %swap3A_348], %swap3A_351 {strides = array<i32>} : memref<128x128xf32, #tpu.memory_space<vmem>>, vector<1x16xf32>,
          %get3A_352 = arith.index_cast %add3A_272 : i32 to index
          %get3A_353 = arith.constant 112 : index
          %get3A_354 = tpu.vector_load %arg12[%get3A_352, %get3A_353] {strides = array<i32>} : memref<128x128xf32, #tpu.memory_space<vmem>>, vector<1x16xf32>,
          %get3A_355 = vector.shape_cast %get3A_354 : vector<1x16xf32> to vector<16xf32>
          %mul3A_356 = vector.broadcast %squeeze3A_274 : f32 to vector<16xf32>
          %mul3A_357 = arith.mulf %get3A_355, %mul3A_356 : vector<16xf32>
          %swap3A_358 = arith.index_cast %add3A_272 : i32 to index
          %swap3A_359 = arith.constant 112 : index
          %swap3A_360 = tpu.vector_load %arg12[%swap3A_358, %swap3A_359] {strides = array<i32>} : memref<128x128xf32, #tpu.memory_space<vmem>>, vector<1x16xf32>,
          %swap3A_361 = vector.shape_cast %swap3A_360 : vector<1x16xf32> to vector<16xf32>
          %swap3A_362 = vector.shape_cast %mul3A_357 : vector<16xf32> to vector<1x16xf32>
          tpu.vector_store %arg12[%swap3A_358, %swap3A_359], %swap3A_362 {strides = array<i32>} : memref<128x128xf32, #tpu.memory_space<vmem>>, vector<1x16xf32>,
          %mul3A_363 = arith.constant 16 : i32
          %mul3A_364 = arith.muli %scan3A_78, %mul3A_363 : i32
          %add3A_365 = arith.constant 3 : i32
          %add3A_366 = arith.addi %mul3A_364, %add3A_365 : i32
          %slice3A_367 = vector.extract_strided_slice %get3A_83 {offsets = [3], sizes = [1], strides = [1]} : vector<16xf32> to vector<1xf32>
          %squeeze3A_368 = vector.extract %slice3A_367[0] : f32 from vector<1xf32>
          %get3A_369 = arith.index_cast %add3A_366 : i32 to index
          %get3A_370 = arith.constant 0 : index
          %get3A_371 = tpu.vector_load %arg12[%get3A_369, %get3A_370] {strides = array<i32>} : memref<128x128xf32, #tpu.memory_space<vmem>>, vector<1x16xf32>,
          %get3A_372 = vector.shape_cast %get3A_371 : vector<1x16xf32> to vector<16xf32>
          %mul3A_373 = vector.broadcast %squeeze3A_368 : f32 to vector<16xf32>
          %mul3A_374 = arith.mulf %get3A_372, %mul3A_373 : vector<16xf32>
          %swap3A_375 = arith.index_cast %add3A_366 : i32 to index
          %swap3A_376 = arith.constant 0 : index
          %swap3A_377 = tpu.vector_load %arg12[%swap3A_375, %swap3A_376] {strides = array<i32>} : memref<128x128xf32, #tpu.memory_space<vmem>>, vector<1x16xf32>,
          %swap3A_378 = vector.shape_cast %swap3A_377 : vector<1x16xf32> to vector<16xf32>
          %swap3A_379 = vector.shape_cast %mul3A_374 : vector<16xf32> to vector<1x16xf32>
          tpu.vector_store %arg12[%swap3A_375, %swap3A_376], %swap3A_379 {strides = array<i32>} : memref<128x128xf32, #tpu.memory_space<vmem>>, vector<1x16xf32>,
          %get3A_380 = arith.index_cast %add3A_366 : i32 to index
          %get3A_381 = arith.constant 16 : index
          %get3A_382 = tpu.vector_load %arg12[%get3A_380, %get3A_381] {strides = array<i32>} : memref<128x128xf32, #tpu.memory_space<vmem>>, vector<1x16xf32>,
          %get3A_383 = vector.shape_cast %get3A_382 : vector<1x16xf32> to vector<16xf32>
          %mul3A_384 = vector.broadcast %squeeze3A_368 : f32 to vector<16xf32>
          %mul3A_385 = arith.mulf %get3A_383, %mul3A_384 : vector<16xf32>
          %swap3A_386 = arith.index_cast %add3A_366 : i32 to index
          %swap3A_387 = arith.constant 16 : index
          %swap3A_388 = tpu.vector_load %arg12[%swap3A_386, %swap3A_387] {strides = array<i32>} : memref<128x128xf32, #tpu.memory_space<vmem>>, vector<1x16xf32>,
          %swap3A_389 = vector.shape_cast %swap3A_388 : vector<1x16xf32> to vector<16xf32>
          %swap3A_390 = vector.shape_cast %mul3A_385 : vector<16xf32> to vector<1x16xf32>
          tpu.vector_store %arg12[%swap3A_386, %swap3A_387], %swap3A_390 {strides = array<i32>} : memref<128x128xf32, #tpu.memory_space<vmem>>, vector<1x16xf32>,
          %get3A_391 = arith.index_cast %add3A_366 : i32 to index
          %get3A_392 = arith.constant 32 : index
          %get3A_393 = tpu.vector_load %arg12[%get3A_391, %get3A_392] {strides = array<i32>} : memref<128x128xf32, #tpu.memory_space<vmem>>, vector<1x16xf32>,
          %get3A_394 = vector.shape_cast %get3A_393 : vector<1x16xf32> to vector<16xf32>
          %mul3A_395 = vector.broadcast %squeeze3A_368 : f32 to vector<16xf32>
          %mul3A_396 = arith.mulf %get3A_394, %mul3A_395 : vector<16xf32>
          %swap3A_397 = arith.index_cast %add3A_366 : i32 to index
          %swap3A_398 = arith.constant 32 : index
          %swap3A_399 = tpu.vector_load %arg12[%swap3A_397, %swap3A_398] {strides = array<i32>} : memref<128x128xf32, #tpu.memory_space<vmem>>, vector<1x16xf32>,
          %swap3A_400 = vector.shape_cast %swap3A_399 : vector<1x16xf32> to vector<16xf32>
          %swap3A_401 = vector.shape_cast %mul3A_396 : vector<16xf32> to vector<1x16xf32>
          tpu.vector_store %arg12[%swap3A_397, %swap3A_398], %swap3A_401 {strides = array<i32>} : memref<128x128xf32, #tpu.memory_space<vmem>>, vector<1x16xf32>,
          %get3A_402 = arith.index_cast %add3A_366 : i32 to index
          %get3A_403 = arith.constant 48 : index
          %get3A_404 = tpu.vector_load %arg12[%get3A_402, %get3A_403] {strides = array<i32>} : memref<128x128xf32, #tpu.memory_space<vmem>>, vector<1x16xf32>,
          %get3A_405 = vector.shape_cast %get3A_404 : vector<1x16xf32> to vector<16xf32>
          %mul3A_406 = vector.broadcast %squeeze3A_368 : f32 to vector<16xf32>
          %mul3A_407 = arith.mulf %get3A_405, %mul3A_406 : vector<16xf32>
          %swap3A_408 = arith.index_cast %add3A_366 : i32 to index
          %swap3A_409 = arith.constant 48 : index
          %swap3A_410 = tpu.vector_load %arg12[%swap3A_408, %swap3A_409] {strides = array<i32>} : memref<128x128xf32, #tpu.memory_space<vmem>>, vector<1x16xf32>,
          %swap3A_411 = vector.shape_cast %swap3A_410 : vector<1x16xf32> to vector<16xf32>
          %swap3A_412 = vector.shape_cast %mul3A_407 : vector<16xf32> to vector<1x16xf32>
          tpu.vector_store %arg12[%swap3A_408, %swap3A_409], %swap3A_412 {strides = array<i32>} : memref<128x128xf32, #tpu.memory_space<vmem>>, vector<1x16xf32>,
          %get3A_413 = arith.index_cast %add3A_366 : i32 to index
          %get3A_414 = arith.constant 64 : index
          %get3A_415 = tpu.vector_load %arg12[%get3A_413, %get3A_414] {strides = array<i32>} : memref<128x128xf32, #tpu.memory_space<vmem>>, vector<1x16xf32>,
          %get3A_416 = vector.shape_cast %get3A_415 : vector<1x16xf32> to vector<16xf32>
          %mul3A_417 = vector.broadcast %squeeze3A_368 : f32 to vector<16xf32>
          %mul3A_418 = arith.mulf %get3A_416, %mul3A_417 : vector<16xf32>
          %swap3A_419 = arith.index_cast %add3A_366 : i32 to index
          %swap3A_420 = arith.constant 64 : index
          %swap3A_421 = tpu.vector_load %arg12[%swap3A_419, %swap3A_420] {strides = array<i32>} : memref<128x128xf32, #tpu.memory_space<vmem>>, vector<1x16xf32>,
          %swap3A_422 = vector.shape_cast %swap3A_421 : vector<1x16xf32> to vector<16xf32>
          %swap3A_423 = vector.shape_cast %mul3A_418 : vector<16xf32> to vector<1x16xf32>
          tpu.vector_store %arg12[%swap3A_419, %swap3A_420], %swap3A_423 {strides = array<i32>} : memref<128x128xf32, #tpu.memory_space<vmem>>, vector<1x16xf32>,
          %get3A_424 = arith.index_cast %add3A_366 : i32 to index
          %get3A_425 = arith.constant 80 : index
          %get3A_426 = tpu.vector_load %arg12[%get3A_424, %get3A_425] {strides = array<i32>} : memref<128x128xf32, #tpu.memory_space<vmem>>, vector<1x16xf32>,
          %get3A_427 = vector.shape_cast %get3A_426 : vector<1x16xf32> to vector<16xf32>
          %mul3A_428 = vector.broadcast %squeeze3A_368 : f32 to vector<16xf32>
          %mul3A_429 = arith.mulf %get3A_427, %mul3A_428 : vector<16xf32>
          %swap3A_430 = arith.index_cast %add3A_366 : i32 to index
          %swap3A_431 = arith.constant 80 : index
          %swap3A_432 = tpu.vector_load %arg12[%swap3A_430, %swap3A_431] {strides = array<i32>} : memref<128x128xf32, #tpu.memory_space<vmem>>, vector<1x16xf32>,
          %swap3A_433 = vector.shape_cast %swap3A_432 : vector<1x16xf32> to vector<16xf32>
          %swap3A_434 = vector.shape_cast %mul3A_429 : vector<16xf32> to vector<1x16xf32>
          tpu.vector_store %arg12[%swap3A_430, %swap3A_431], %swap3A_434 {strides = array<i32>} : memref<128x128xf32, #tpu.memory_space<vmem>>, vector<1x16xf32>,
          %get3A_435 = arith.index_cast %add3A_366 : i32 to index
          %get3A_436 = arith.constant 96 : index
          %get3A_437 = tpu.vector_load %arg12[%get3A_435, %get3A_436] {strides = array<i32>} : memref<128x128xf32, #tpu.memory_space<vmem>>, vector<1x16xf32>,
          %get3A_438 = vector.shape_cast %get3A_437 : vector<1x16xf32> to vector<16xf32>
          %mul3A_439 = vector.broadcast %squeeze3A_368 : f32 to vector<16xf32>
          %mul3A_440 = arith.mulf %get3A_438, %mul3A_439 : vector<16xf32>
          %swap3A_441 = arith.index_cast %add3A_366 : i32 to index
          %swap3A_442 = arith.constant 96 : index
          %swap3A_443 = tpu.vector_load %arg12[%swap3A_441, %swap3A_442] {strides = array<i32>} : memref<128x128xf32, #tpu.memory_space<vmem>>, vector<1x16xf32>,
          %swap3A_444 = vector.shape_cast %swap3A_443 : vector<1x16xf32> to vector<16xf32>
          %swap3A_445 = vector.shape_cast %mul3A_440 : vector<16xf32> to vector<1x16xf32>
          tpu.vector_store %arg12[%swap3A_441, %swap3A_442], %swap3A_445 {strides = array<i32>} : memref<128x128xf32, #tpu.memory_space<vmem>>, vector<1x16xf32>,
          %get3A_446 = arith.index_cast %add3A_366 : i32 to index
          %get3A_447 = arith.constant 112 : index
          %get3A_448 = tpu.vector_load %arg12[%get3A_446, %get3A_447] {strides = array<i32>} : memref<128x128xf32, #tpu.memory_space<vmem>>, vector<1x16xf32>,
          %get3A_449 = vector.shape_cast %get3A_448 : vector<1x16xf32> to vector<16xf32>
          %mul3A_450 = vector.broadcast %squeeze3A_368 : f32 to vector<16xf32>
          %mul3A_451 = arith.mulf %get3A_449, %mul3A_450 : vector<16xf32>
          %swap3A_452 = arith.index_cast %add3A_366 : i32 to index
          %swap3A_453 = arith.constant 112 : index
          %swap3A_454 = tpu.vector_load %arg12[%swap3A_452, %swap3A_453] {strides = array<i32>} : memref<128x128xf32, #tpu.memory_space<vmem>>, vector<1x16xf32>,
          %swap3A_455 = vector.shape_cast %swap3A_454 : vector<1x16xf32> to vector<16xf32>
          %swap3A_456 = vector.shape_cast %mul3A_451 : vector<16xf32> to vector<1x16xf32>
          tpu.vector_store %arg12[%swap3A_452, %swap3A_453], %swap3A_456 {strides = array<i32>} : memref<128x128xf32, #tpu.memory_space<vmem>>, vector<1x16xf32>,
          %mul3A_457 = arith.constant 16 : i32
          %mul3A_458 = arith.muli %scan3A_78, %mul3A_457 : i32
          %add3A_459 = arith.constant 4 : i32
          %add3A_460 = arith.addi %mul3A_458, %add3A_459 : i32
          %slice3A_461 = vector.extract_strided_slice %get3A_83 {offsets = [4], sizes = [1], strides = [1]} : vector<16xf32> to vector<1xf32>
          %squeeze3A_462 = vector.extract %slice3A_461[0] : f32 from vector<1xf32>
          %get3A_463 = arith.index_cast %add3A_460 : i32 to index
          %get3A_464 = arith.constant 0 : index
          %get3A_465 = tpu.vector_load %arg12[%get3A_463, %get3A_464] {strides = array<i32>} : memref<128x128xf32, #tpu.memory_space<vmem>>, vector<1x16xf32>,
          %get3A_466 = vector.shape_cast %get3A_465 : vector<1x16xf32> to vector<16xf32>
          %mul3A_467 = vector.broadcast %squeeze3A_462 : f32 to vector<16xf32>
          %mul3A_468 = arith.mulf %get3A_466, %mul3A_467 : vector<16xf32>
          %swap3A_469 = arith.index_cast %add3A_460 : i32 to index
          %swap3A_470 = arith.constant 0 : index
          %swap3A_471 = tpu.vector_load %arg12[%swap3A_469, %swap3A_470] {strides = array<i32>} : memref<128x128xf32, #tpu.memory_space<vmem>>, vector<1x16xf32>,
          %swap3A_472 = vector.shape_cast %swap3A_471 : vector<1x16xf32> to vector<16xf32>
          %swap3A_473 = vector.shape_cast %mul3A_468 : vector<16xf32> to vector<1x16xf32>
          tpu.vector_store %arg12[%swap3A_469, %swap3A_470], %swap3A_473 {strides = array<i32>} : memref<128x128xf32, #tpu.memory_space<vmem>>, vector<1x16xf32>,
          %get3A_474 = arith.index_cast %add3A_460 : i32 to index
          %get3A_475 = arith.constant 16 : index
          %get3A_476 = tpu.vector_load %arg12[%get3A_474, %get3A_475] {strides = array<i32>} : memref<128x128xf32, #tpu.memory_space<vmem>>, vector<1x16xf32>,
          %get3A_477 = vector.shape_cast %get3A_476 : vector<1x16xf32> to vector<16xf32>
          %mul3A_478 = vector.broadcast %squeeze3A_462 : f32 to vector<16xf32>
          %mul3A_479 = arith.mulf %get3A_477, %mul3A_478 : vector<16xf32>
          %swap3A_480 = arith.index_cast %add3A_460 : i32 to index
          %swap3A_481 = arith.constant 16 : index
          %swap3A_482 = tpu.vector_load %arg12[%swap3A_480, %swap3A_481] {strides = array<i32>} : memref<128x128xf32, #tpu.memory_space<vmem>>, vector<1x16xf32>,
          %swap3A_483 = vector.shape_cast %swap3A_482 : vector<1x16xf32> to vector<16xf32>
          %swap3A_484 = vector.shape_cast %mul3A_479 : vector<16xf32> to vector<1x16xf32>
          tpu.vector_store %arg12[%swap3A_480, %swap3A_481], %swap3A_484 {strides = array<i32>} : memref<128x128xf32, #tpu.memory_space<vmem>>, vector<1x16xf32>,
          %get3A_485 = arith.index_cast %add3A_460 : i32 to index
          %get3A_486 = arith.constant 32 : index
          %get3A_487 = tpu.vector_load %arg12[%get3A_485, %get3A_486] {strides = array<i32>} : memref<128x128xf32, #tpu.memory_space<vmem>>, vector<1x16xf32>,
          %get3A_488 = vector.shape_cast %get3A_487 : vector<1x16xf32> to vector<16xf32>
          %mul3A_489 = vector.broadcast %squeeze3A_462 : f32 to vector<16xf32>
          %mul3A_490 = arith.mulf %get3A_488, %mul3A_489 : vector<16xf32>
          %swap3A_491 = arith.index_cast %add3A_460 : i32 to index
          %swap3A_492 = arith.constant 32 : index
          %swap3A_493 = tpu.vector_load %arg12[%swap3A_491, %swap3A_492] {strides = array<i32>} : memref<128x128xf32, #tpu.memory_space<vmem>>, vector<1x16xf32>,
          %swap3A_494 = vector.shape_cast %swap3A_493 : vector<1x16xf32> to vector<16xf32>
          %swap3A_495 = vector.shape_cast %mul3A_490 : vector<16xf32> to vector<1x16xf32>
          tpu.vector_store %arg12[%swap3A_491, %swap3A_492], %swap3A_495 {strides = array<i32>} : memref<128x128xf32, #tpu.memory_space<vmem>>, vector<1x16xf32>,
          %get3A_496 = arith.index_cast %add3A_460 : i32 to index
          %get3A_497 = arith.constant 48 : index
          %get3A_498 = tpu.vector_load %arg12[%get3A_496, %get3A_497] {strides = array<i32>} : memref<128x128xf32, #tpu.memory_space<vmem>>, vector<1x16xf32>,
          %get3A_499 = vector.shape_cast %get3A_498 : vector<1x16xf32> to vector<16xf32>
          %mul3A_500 = vector.broadcast %squeeze3A_462 : f32 to vector<16xf32>
          %mul3A_501 = arith.mulf %get3A_499, %mul3A_500 : vector<16xf32>
          %swap3A_502 = arith.index_cast %add3A_460 : i32 to index
          %swap3A_503 = arith.constant 48 : index
          %swap3A_504 = tpu.vector_load %arg12[%swap3A_502, %swap3A_503] {strides = array<i32>} : memref<128x128xf32, #tpu.memory_space<vmem>>, vector<1x16xf32>,
          %swap3A_505 = vector.shape_cast %swap3A_504 : vector<1x16xf32> to vector<16xf32>
          %swap3A_506 = vector.shape_cast %mul3A_501 : vector<16xf32> to vector<1x16xf32>
          tpu.vector_store %arg12[%swap3A_502, %swap3A_503], %swap3A_506 {strides = array<i32>} : memref<128x128xf32, #tpu.memory_space<vmem>>, vector<1x16xf32>,
          %get3A_507 = arith.index_cast %add3A_460 : i32 to index
          %get3A_508 = arith.constant 64 : index
          %get3A_509 = tpu.vector_load %arg12[%get3A_507, %get3A_508] {strides = array<i32>} : memref<128x128xf32, #tpu.memory_space<vmem>>, vector<1x16xf32>,
          %get3A_510 = vector.shape_cast %get3A_509 : vector<1x16xf32> to vector<16xf32>
          %mul3A_511 = vector.broadcast %squeeze3A_462 : f32 to vector<16xf32>
          %mul3A_512 = arith.mulf %get3A_510, %mul3A_511 : vector<16xf32>
          %swap3A_513 = arith.index_cast %add3A_460 : i32 to index
          %swap3A_514 = arith.constant 64 : index
          %swap3A_515 = tpu.vector_load %arg12[%swap3A_513, %swap3A_514] {strides = array<i32>} : memref<128x128xf32, #tpu.memory_space<vmem>>, vector<1x16xf32>,
          %swap3A_516 = vector.shape_cast %swap3A_515 : vector<1x16xf32> to vector<16xf32>
          %swap3A_517 = vector.shape_cast %mul3A_512 : vector<16xf32> to vector<1x16xf32>
          tpu.vector_store %arg12[%swap3A_513, %swap3A_514], %swap3A_517 {strides = array<i32>} : memref<128x128xf32, #tpu.memory_space<vmem>>, vector<1x16xf32>,
          %get3A_518 = arith.index_cast %add3A_460 : i32 to index
          %get3A_519 = arith.constant 80 : index
          %get3A_520 = tpu.vector_load %arg12[%get3A_518, %get3A_519] {strides = array<i32>} : memref<128x128xf32, #tpu.memory_space<vmem>>, vector<1x16xf32>,
          %get3A_521 = vector.shape_cast %get3A_520 : vector<1x16xf32> to vector<16xf32>
          %mul3A_522 = vector.broadcast %squeeze3A_462 : f32 to vector<16xf32>
          %mul3A_523 = arith.mulf %get3A_521, %mul3A_522 : vector<16xf32>
          %swap3A_524 = arith.index_cast %add3A_460 : i32 to index
          %swap3A_525 = arith.constant 80 : index
          %swap3A_526 = tpu.vector_load %arg12[%swap3A_524, %swap3A_525] {strides = array<i32>} : memref<128x128xf32, #tpu.memory_space<vmem>>, vector<1x16xf32>,
          %swap3A_527 = vector.shape_cast %swap3A_526 : vector<1x16xf32> to vector<16xf32>
          %swap3A_528 = vector.shape_cast %mul3A_523 : vector<16xf32> to vector<1x16xf32>
          tpu.vector_store %arg12[%swap3A_524, %swap3A_525], %swap3A_528 {strides = array<i32>} : memref<128x128xf32, #tpu.memory_space<vmem>>, vector<1x16xf32>,
          %get3A_529 = arith.index_cast %add3A_460 : i32 to index
          %get3A_530 = arith.constant 96 : index
          %get3A_531 = tpu.vector_load %arg12[%get3A_529, %get3A_530] {strides = array<i32>} : memref<128x128xf32, #tpu.memory_space<vmem>>, vector<1x16xf32>,
          %get3A_532 = vector.shape_cast %get3A_531 : vector<1x16xf32> to vector<16xf32>
          %mul3A_533 = vector.broadcast %squeeze3A_462 : f32 to vector<16xf32>
          %mul3A_534 = arith.mulf %get3A_532, %mul3A_533 : vector<16xf32>
          %swap3A_535 = arith.index_cast %add3A_460 : i32 to index
          %swap3A_536 = arith.constant 96 : index
          %swap3A_537 = tpu.vector_load %arg12[%swap3A_535, %swap3A_536] {strides = array<i32>} : memref<128x128xf32, #tpu.memory_space<vmem>>, vector<1x16xf32>,
          %swap3A_538 = vector.shape_cast %swap3A_537 : vector<1x16xf32> to vector<16xf32>
          %swap3A_539 = vector.shape_cast %mul3A_534 : vector<16xf32> to vector<1x16xf32>
          tpu.vector_store %arg12[%swap3A_535, %swap3A_536], %swap3A_539 {strides = array<i32>} : memref<128x128xf32, #tpu.memory_space<vmem>>, vector<1x16xf32>,
          %get3A_540 = arith.index_cast %add3A_460 : i32 to index
          %get3A_541 = arith.constant 112 : index
          %get3A_542 = tpu.vector_load %arg12[%get3A_540, %get3A_541] {strides = array<i32>} : memref<128x128xf32, #tpu.memory_space<vmem>>, vector<1x16xf32>,
          %get3A_543 = vector.shape_cast %get3A_542 : vector<1x16xf32> to vector<16xf32>
          %mul3A_544 = vector.broadcast %squeeze3A_462 : f32 to vector<16xf32>
          %mul3A_545 = arith.mulf %get3A_543, %mul3A_544 : vector<16xf32>
          %swap3A_546 = arith.index_cast %add3A_460 : i32 to index
          %swap3A_547 = arith.constant 112 : index
          %swap3A_548 = tpu.vector_load %arg12[%swap3A_546, %swap3A_547] {strides = array<i32>} : memref<128x128xf32, #tpu.memory_space<vmem>>, vector<1x16xf32>,
          %swap3A_549 = vector.shape_cast %swap3A_548 : vector<1x16xf32> to vector<16xf32>
          %swap3A_550 = vector.shape_cast %mul3A_545 : vector<16xf32> to vector<1x16xf32>
          tpu.vector_store %arg12[%swap3A_546, %swap3A_547], %swap3A_550 {strides = array<i32>} : memref<128x128xf32, #tpu.memory_space<vmem>>, vector<1x16xf32>,
          %mul3A_551 = arith.constant 16 : i32
          %mul3A_552 = arith.muli %scan3A_78, %mul3A_551 : i32
          %add3A_553 = arith.constant 5 : i32
          %add3A_554 = arith.addi %mul3A_552, %add3A_553 : i32
          %slice3A_555 = vector.extract_strided_slice %get3A_83 {offsets = [5], sizes = [1], strides = [1]} : vector<16xf32> to vector<1xf32>
          %squeeze3A_556 = vector.extract %slice3A_555[0] : f32 from vector<1xf32>
          %get3A_557 = arith.index_cast %add3A_554 : i32 to index
          %get3A_558 = arith.constant 0 : index
          %get3A_559 = tpu.vector_load %arg12[%get3A_557, %get3A_558] {strides = array<i32>} : memref<128x128xf32, #tpu.memory_space<vmem>>, vector<1x16xf32>,
          %get3A_560 = vector.shape_cast %get3A_559 : vector<1x16xf32> to vector<16xf32>
          %mul3A_561 = vector.broadcast %squeeze3A_556 : f32 to vector<16xf32>
          %mul3A_562 = arith.mulf %get3A_560, %mul3A_561 : vector<16xf32>
          %swap3A_563 = arith.index_cast %add3A_554 : i32 to index
          %swap3A_564 = arith.constant 0 : index
          %swap3A_565 = tpu.vector_load %arg12[%swap3A_563, %swap3A_564] {strides = array<i32>} : memref<128x128xf32, #tpu.memory_space<vmem>>, vector<1x16xf32>,
          %swap3A_566 = vector.shape_cast %swap3A_565 : vector<1x16xf32> to vector<16xf32>
          %swap3A_567 = vector.shape_cast %mul3A_562 : vector<16xf32> to vector<1x16xf32>
          tpu.vector_store %arg12[%swap3A_563, %swap3A_564], %swap3A_567 {strides = array<i32>} : memref<128x128xf32, #tpu.memory_space<vmem>>, vector<1x16xf32>,
          %get3A_568 = arith.index_cast %add3A_554 : i32 to index
          %get3A_569 = arith.constant 16 : index
          %get3A_570 = tpu.vector_load %arg12[%get3A_568, %get3A_569] {strides = array<i32>} : memref<128x128xf32, #tpu.memory_space<vmem>>, vector<1x16xf32>,
          %get3A_571 = vector.shape_cast %get3A_570 : vector<1x16xf32> to vector<16xf32>
          %mul3A_572 = vector.broadcast %squeeze3A_556 : f32 to vector<16xf32>
          %mul3A_573 = arith.mulf %get3A_571, %mul3A_572 : vector<16xf32>
          %swap3A_574 = arith.index_cast %add3A_554 : i32 to index
          %swap3A_575 = arith.constant 16 : index
          %swap3A_576 = tpu.vector_load %arg12[%swap3A_574, %swap3A_575] {strides = array<i32>} : memref<128x128xf32, #tpu.memory_space<vmem>>, vector<1x16xf32>,
          %swap3A_577 = vector.shape_cast %swap3A_576 : vector<1x16xf32> to vector<16xf32>
          %swap3A_578 = vector.shape_cast %mul3A_573 : vector<16xf32> to vector<1x16xf32>
          tpu.vector_store %arg12[%swap3A_574, %swap3A_575], %swap3A_578 {strides = array<i32>} : memref<128x128xf32, #tpu.memory_space<vmem>>, vector<1x16xf32>,
          %get3A_579 = arith.index_cast %add3A_554 : i32 to index
          %get3A_580 = arith.constant 32 : index
          %get3A_581 = tpu.vector_load %arg12[%get3A_579, %get3A_580] {strides = array<i32>} : memref<128x128xf32, #tpu.memory_space<vmem>>, vector<1x16xf32>,
          %get3A_582 = vector.shape_cast %get3A_581 : vector<1x16xf32> to vector<16xf32>
          %mul3A_583 = vector.broadcast %squeeze3A_556 : f32 to vector<16xf32>
          %mul3A_584 = arith.mulf %get3A_582, %mul3A_583 : vector<16xf32>
          %swap3A_585 = arith.index_cast %add3A_554 : i32 to index
          %swap3A_586 = arith.constant 32 : index
          %swap3A_587 = tpu.vector_load %arg12[%swap3A_585, %swap3A_586] {strides = array<i32>} : memref<128x128xf32, #tpu.memory_space<vmem>>, vector<1x16xf32>,
          %swap3A_588 = vector.shape_cast %swap3A_587 : vector<1x16xf32> to vector<16xf32>
          %swap3A_589 = vector.shape_cast %mul3A_584 : vector<16xf32> to vector<1x16xf32>
          tpu.vector_store %arg12[%swap3A_585, %swap3A_586], %swap3A_589 {strides = array<i32>} : memref<128x128xf32, #tpu.memory_space<vmem>>, vector<1x16xf32>,
          %get3A_590 = arith.index_cast %add3A_554 : i32 to index
          %get3A_591 = arith.constant 48 : index
          %get3A_592 = tpu.vector_load %arg12[%get3A_590, %get3A_591] {strides = array<i32>} : memref<128x128xf32, #tpu.memory_space<vmem>>, vector<1x16xf32>,
          %get3A_593 = vector.shape_cast %get3A_592 : vector<1x16xf32> to vector<16xf32>
          %mul3A_594 = vector.broadcast %squeeze3A_556 : f32 to vector<16xf32>
          %mul3A_595 = arith.mulf %get3A_593, %mul3A_594 : vector<16xf32>
          %swap3A_596 = arith.index_cast %add3A_554 : i32 to index
          %swap3A_597 = arith.constant 48 : index
          %swap3A_598 = tpu.vector_load %arg12[%swap3A_596, %swap3A_597] {strides = array<i32>} : memref<128x128xf32, #tpu.memory_space<vmem>>, vector<1x16xf32>,
          %swap3A_599 = vector.shape_cast %swap3A_598 : vector<1x16xf32> to vector<16xf32>
          %swap3A_600 = vector.shape_cast %mul3A_595 : vector<16xf32> to vector<1x16xf32>
          tpu.vector_store %arg12[%swap3A_596, %swap3A_597], %swap3A_600 {strides = array<i32>} : memref<128x128xf32, #tpu.memory_space<vmem>>, vector<1x16xf32>,
          %get3A_601 = arith.index_cast %add3A_554 : i32 to index
          %get3A_602 = arith.constant 64 : index
          %get3A_603 = tpu.vector_load %arg12[%get3A_601, %get3A_602] {strides = array<i32>} : memref<128x128xf32, #tpu.memory_space<vmem>>, vector<1x16xf32>,
          %get3A_604 = vector.shape_cast %get3A_603 : vector<1x16xf32> to vector<16xf32>
          %mul3A_605 = vector.broadcast %squeeze3A_556 : f32 to vector<16xf32>
          %mul3A_606 = arith.mulf %get3A_604, %mul3A_605 : vector<16xf32>
          %swap3A_607 = arith.index_cast %add3A_554 : i32 to index
          %swap3A_608 = arith.constant 64 : index
          %swap3A_609 = tpu.vector_load %arg12[%swap3A_607, %swap3A_608] {strides = array<i32>} : memref<128x128xf32, #tpu.memory_space<vmem>>, vector<1x16xf32>,
          %swap3A_610 = vector.shape_cast %swap3A_609 : vector<1x16xf32> to vector<16xf32>
          %swap3A_611 = vector.shape_cast %mul3A_606 : vector<16xf32> to vector<1x16xf32>
          tpu.vector_store %arg12[%swap3A_607, %swap3A_608], %swap3A_611 {strides = array<i32>} : memref<128x128xf32, #tpu.memory_space<vmem>>, vector<1x16xf32>,
          %get3A_612 = arith.index_cast %add3A_554 : i32 to index
          %get3A_613 = arith.constant 80 : index
          %get3A_614 = tpu.vector_load %arg12[%get3A_612, %get3A_613] {strides = array<i32>} : memref<128x128xf32, #tpu.memory_space<vmem>>, vector<1x16xf32>,
          %get3A_615 = vector.shape_cast %get3A_614 : vector<1x16xf32> to vector<16xf32>
          %mul3A_616 = vector.broadcast %squeeze3A_556 : f32 to vector<16xf32>
          %mul3A_617 = arith.mulf %get3A_615, %mul3A_616 : vector<16xf32>
          %swap3A_618 = arith.index_cast %add3A_554 : i32 to index
          %swap3A_619 = arith.constant 80 : index
          %swap3A_620 = tpu.vector_load %arg12[%swap3A_618, %swap3A_619] {strides = array<i32>} : memref<128x128xf32, #tpu.memory_space<vmem>>, vector<1x16xf32>,
          %swap3A_621 = vector.shape_cast %swap3A_620 : vector<1x16xf32> to vector<16xf32>
          %swap3A_622 = vector.shape_cast %mul3A_617 : vector<16xf32> to vector<1x16xf32>
          tpu.vector_store %arg12[%swap3A_618, %swap3A_619], %swap3A_622 {strides = array<i32>} : memref<128x128xf32, #tpu.memory_space<vmem>>, vector<1x16xf32>,
          %get3A_623 = arith.index_cast %add3A_554 : i32 to index
          %get3A_624 = arith.constant 96 : index
          %get3A_625 = tpu.vector_load %arg12[%get3A_623, %get3A_624] {strides = array<i32>} : memref<128x128xf32, #tpu.memory_space<vmem>>, vector<1x16xf32>,
          %get3A_626 = vector.shape_cast %get3A_625 : vector<1x16xf32> to vector<16xf32>
          %mul3A_627 = vector.broadcast %squeeze3A_556 : f32 to vector<16xf32>
          %mul3A_628 = arith.mulf %get3A_626, %mul3A_627 : vector<16xf32>
          %swap3A_629 = arith.index_cast %add3A_554 : i32 to index
          %swap3A_630 = arith.constant 96 : index
          %swap3A_631 = tpu.vector_load %arg12[%swap3A_629, %swap3A_630] {strides = array<i32>} : memref<128x128xf32, #tpu.memory_space<vmem>>, vector<1x16xf32>,
          %swap3A_632 = vector.shape_cast %swap3A_631 : vector<1x16xf32> to vector<16xf32>
          %swap3A_633 = vector.shape_cast %mul3A_628 : vector<16xf32> to vector<1x16xf32>
          tpu.vector_store %arg12[%swap3A_629, %swap3A_630], %swap3A_633 {strides = array<i32>} : memref<128x128xf32, #tpu.memory_space<vmem>>, vector<1x16xf32>,
          %get3A_634 = arith.index_cast %add3A_554 : i32 to index
          %get3A_635 = arith.constant 112 : index
          %get3A_636 = tpu.vector_load %arg12[%get3A_634, %get3A_635] {strides = array<i32>} : memref<128x128xf32, #tpu.memory_space<vmem>>, vector<1x16xf32>,
          %get3A_637 = vector.shape_cast %get3A_636 : vector<1x16xf32> to vector<16xf32>
          %mul3A_638 = vector.broadcast %squeeze3A_556 : f32 to vector<16xf32>
          %mul3A_639 = arith.mulf %get3A_637, %mul3A_638 : vector<16xf32>
          %swap3A_640 = arith.index_cast %add3A_554 : i32 to index
          %swap3A_641 = arith.constant 112 : index
          %swap3A_642 = tpu.vector_load %arg12[%swap3A_640, %swap3A_641] {strides = array<i32>} : memref<128x128xf32, #tpu.memory_space<vmem>>, vector<1x16xf32>,
          %swap3A_643 = vector.shape_cast %swap3A_642 : vector<1x16xf32> to vector<16xf32>
          %swap3A_644 = vector.shape_cast %mul3A_639 : vector<16xf32> to vector<1x16xf32>
          tpu.vector_store %arg12[%swap3A_640, %swap3A_641], %swap3A_644 {strides = array<i32>} : memref<128x128xf32, #tpu.memory_space<vmem>>, vector<1x16xf32>,
          %mul3A_645 = arith.constant 16 : i32
          %mul3A_646 = arith.muli %scan3A_78, %mul3A_645 : i32
          %add3A_647 = arith.constant 6 : i32
          %add3A_648 = arith.addi %mul3A_646, %add3A_647 : i32
          %slice3A_649 = vector.extract_strided_slice %get3A_83 {offsets = [6], sizes = [1], strides = [1]} : vector<16xf32> to vector<1xf32>
          %squeeze3A_650 = vector.extract %slice3A_649[0] : f32 from vector<1xf32>
          %get3A_651 = arith.index_cast %add3A_648 : i32 to index
          %get3A_652 = arith.constant 0 : index
          %get3A_653 = tpu.vector_load %arg12[%get3A_651, %get3A_652] {strides = array<i32>} : memref<128x128xf32, #tpu.memory_space<vmem>>, vector<1x16xf32>,
          %get3A_654 = vector.shape_cast %get3A_653 : vector<1x16xf32> to vector<16xf32>
          %mul3A_655 = vector.broadcast %squeeze3A_650 : f32 to vector<16xf32>
          %mul3A_656 = arith.mulf %get3A_654, %mul3A_655 : vector<16xf32>
          %swap3A_657 = arith.index_cast %add3A_648 : i32 to index
          %swap3A_658 = arith.constant 0 : index
          %swap3A_659 = tpu.vector_load %arg12[%swap3A_657, %swap3A_658] {strides = array<i32>} : memref<128x128xf32, #tpu.memory_space<vmem>>, vector<1x16xf32>,
          %swap3A_660 = vector.shape_cast %swap3A_659 : vector<1x16xf32> to vector<16xf32>
          %swap3A_661 = vector.shape_cast %mul3A_656 : vector<16xf32> to vector<1x16xf32>
          tpu.vector_store %arg12[%swap3A_657, %swap3A_658], %swap3A_661 {strides = array<i32>} : memref<128x128xf32, #tpu.memory_space<vmem>>, vector<1x16xf32>,
          %get3A_662 = arith.index_cast %add3A_648 : i32 to index
          %get3A_663 = arith.constant 16 : index
          %get3A_664 = tpu.vector_load %arg12[%get3A_662, %get3A_663] {strides = array<i32>} : memref<128x128xf32, #tpu.memory_space<vmem>>, vector<1x16xf32>,
          %get3A_665 = vector.shape_cast %get3A_664 : vector<1x16xf32> to vector<16xf32>
          %mul3A_666 = vector.broadcast %squeeze3A_650 : f32 to vector<16xf32>
          %mul3A_667 = arith.mulf %get3A_665, %mul3A_666 : vector<16xf32>
          %swap3A_668 = arith.index_cast %add3A_648 : i32 to index
          %swap3A_669 = arith.constant 16 : index
          %swap3A_670 = tpu.vector_load %arg12[%swap3A_668, %swap3A_669] {strides = array<i32>} : memref<128x128xf32, #tpu.memory_space<vmem>>, vector<1x16xf32>,
          %swap3A_671 = vector.shape_cast %swap3A_670 : vector<1x16xf32> to vector<16xf32>
          %swap3A_672 = vector.shape_cast %mul3A_667 : vector<16xf32> to vector<1x16xf32>
          tpu.vector_store %arg12[%swap3A_668, %swap3A_669], %swap3A_672 {strides = array<i32>} : memref<128x128xf32, #tpu.memory_space<vmem>>, vector<1x16xf32>,
          %get3A_673 = arith.index_cast %add3A_648 : i32 to index
          %get3A_674 = arith.constant 32 : index
          %get3A_675 = tpu.vector_load %arg12[%get3A_673, %get3A_674] {strides = array<i32>} : memref<128x128xf32, #tpu.memory_space<vmem>>, vector<1x16xf32>,
          %get3A_676 = vector.shape_cast %get3A_675 : vector<1x16xf32> to vector<16xf32>
          %mul3A_677 = vector.broadcast %squeeze3A_650 : f32 to vector<16xf32>
          %mul3A_678 = arith.mulf %get3A_676, %mul3A_677 : vector<16xf32>
          %swap3A_679 = arith.index_cast %add3A_648 : i32 to index
          %swap3A_680 = arith.constant 32 : index
          %swap3A_681 = tpu.vector_load %arg12[%swap3A_679, %swap3A_680] {strides = array<i32>} : memref<128x128xf32, #tpu.memory_space<vmem>>, vector<1x16xf32>,
          %swap3A_682 = vector.shape_cast %swap3A_681 : vector<1x16xf32> to vector<16xf32>
          %swap3A_683 = vector.shape_cast %mul3A_678 : vector<16xf32> to vector<1x16xf32>
          tpu.vector_store %arg12[%swap3A_679, %swap3A_680], %swap3A_683 {strides = array<i32>} : memref<128x128xf32, #tpu.memory_space<vmem>>, vector<1x16xf32>,
          %get3A_684 = arith.index_cast %add3A_648 : i32 to index
          %get3A_685 = arith.constant 48 : index
          %get3A_686 = tpu.vector_load %arg12[%get3A_684, %get3A_685] {strides = array<i32>} : memref<128x128xf32, #tpu.memory_space<vmem>>, vector<1x16xf32>,
          %get3A_687 = vector.shape_cast %get3A_686 : vector<1x16xf32> to vector<16xf32>
          %mul3A_688 = vector.broadcast %squeeze3A_650 : f32 to vector<16xf32>
          %mul3A_689 = arith.mulf %get3A_687, %mul3A_688 : vector<16xf32>
          %swap3A_690 = arith.index_cast %add3A_648 : i32 to index
          %swap3A_691 = arith.constant 48 : index
          %swap3A_692 = tpu.vector_load %arg12[%swap3A_690, %swap3A_691] {strides = array<i32>} : memref<128x128xf32, #tpu.memory_space<vmem>>, vector<1x16xf32>,
          %swap3A_693 = vector.shape_cast %swap3A_692 : vector<1x16xf32> to vector<16xf32>
          %swap3A_694 = vector.shape_cast %mul3A_689 : vector<16xf32> to vector<1x16xf32>
          tpu.vector_store %arg12[%swap3A_690, %swap3A_691], %swap3A_694 {strides = array<i32>} : memref<128x128xf32, #tpu.memory_space<vmem>>, vector<1x16xf32>,
          %get3A_695 = arith.index_cast %add3A_648 : i32 to index
          %get3A_696 = arith.constant 64 : index
          %get3A_697 = tpu.vector_load %arg12[%get3A_695, %get3A_696] {strides = array<i32>} : memref<128x128xf32, #tpu.memory_space<vmem>>, vector<1x16xf32>,
          %get3A_698 = vector.shape_cast %get3A_697 : vector<1x16xf32> to vector<16xf32>
          %mul3A_699 = vector.broadcast %squeeze3A_650 : f32 to vector<16xf32>
          %mul3A_700 = arith.mulf %get3A_698, %mul3A_699 : vector<16xf32>
          %swap3A_701 = arith.index_cast %add3A_648 : i32 to index
          %swap3A_702 = arith.constant 64 : index
          %swap3A_703 = tpu.vector_load %arg12[%swap3A_701, %swap3A_702] {strides = array<i32>} : memref<128x128xf32, #tpu.memory_space<vmem>>, vector<1x16xf32>,
          %swap3A_704 = vector.shape_cast %swap3A_703 : vector<1x16xf32> to vector<16xf32>
          %swap3A_705 = vector.shape_cast %mul3A_700 : vector<16xf32> to vector<1x16xf32>
          tpu.vector_store %arg12[%swap3A_701, %swap3A_702], %swap3A_705 {strides = array<i32>} : memref<128x128xf32, #tpu.memory_space<vmem>>, vector<1x16xf32>,
          %get3A_706 = arith.index_cast %add3A_648 : i32 to index
          %get3A_707 = arith.constant 80 : index
          %get3A_708 = tpu.vector_load %arg12[%get3A_706, %get3A_707] {strides = array<i32>} : memref<128x128xf32, #tpu.memory_space<vmem>>, vector<1x16xf32>,
          %get3A_709 = vector.shape_cast %get3A_708 : vector<1x16xf32> to vector<16xf32>
          %mul3A_710 = vector.broadcast %squeeze3A_650 : f32 to vector<16xf32>
          %mul3A_711 = arith.mulf %get3A_709, %mul3A_710 : vector<16xf32>
          %swap3A_712 = arith.index_cast %add3A_648 : i32 to index
          %swap3A_713 = arith.constant 80 : index
          %swap3A_714 = tpu.vector_load %arg12[%swap3A_712, %swap3A_713] {strides = array<i32>} : memref<128x128xf32, #tpu.memory_space<vmem>>, vector<1x16xf32>,
          %swap3A_715 = vector.shape_cast %swap3A_714 : vector<1x16xf32> to vector<16xf32>
          %swap3A_716 = vector.shape_cast %mul3A_711 : vector<16xf32> to vector<1x16xf32>
          tpu.vector_store %arg12[%swap3A_712, %swap3A_713], %swap3A_716 {strides = array<i32>} : memref<128x128xf32, #tpu.memory_space<vmem>>, vector<1x16xf32>,
          %get3A_717 = arith.index_cast %add3A_648 : i32 to index
          %get3A_718 = arith.constant 96 : index
          %get3A_719 = tpu.vector_load %arg12[%get3A_717, %get3A_718] {strides = array<i32>} : memref<128x128xf32, #tpu.memory_space<vmem>>, vector<1x16xf32>,
          %get3A_720 = vector.shape_cast %get3A_719 : vector<1x16xf32> to vector<16xf32>
          %mul3A_721 = vector.broadcast %squeeze3A_650 : f32 to vector<16xf32>
          %mul3A_722 = arith.mulf %get3A_720, %mul3A_721 : vector<16xf32>
          %swap3A_723 = arith.index_cast %add3A_648 : i32 to index
          %swap3A_724 = arith.constant 96 : index
          %swap3A_725 = tpu.vector_load %arg12[%swap3A_723, %swap3A_724] {strides = array<i32>} : memref<128x128xf32, #tpu.memory_space<vmem>>, vector<1x16xf32>,
          %swap3A_726 = vector.shape_cast %swap3A_725 : vector<1x16xf32> to vector<16xf32>
          %swap3A_727 = vector.shape_cast %mul3A_722 : vector<16xf32> to vector<1x16xf32>
          tpu.vector_store %arg12[%swap3A_723, %swap3A_724], %swap3A_727 {strides = array<i32>} : memref<128x128xf32, #tpu.memory_space<vmem>>, vector<1x16xf32>,
          %get3A_728 = arith.index_cast %add3A_648 : i32 to index
          %get3A_729 = arith.constant 112 : index
          %get3A_730 = tpu.vector_load %arg12[%get3A_728, %get3A_729] {strides = array<i32>} : memref<128x128xf32, #tpu.memory_space<vmem>>, vector<1x16xf32>,
          %get3A_731 = vector.shape_cast %get3A_730 : vector<1x16xf32> to vector<16xf32>
          %mul3A_732 = vector.broadcast %squeeze3A_650 : f32 to vector<16xf32>
          %mul3A_733 = arith.mulf %get3A_731, %mul3A_732 : vector<16xf32>
          %swap3A_734 = arith.index_cast %add3A_648 : i32 to index
          %swap3A_735 = arith.constant 112 : index
          %swap3A_736 = tpu.vector_load %arg12[%swap3A_734, %swap3A_735] {strides = array<i32>} : memref<128x128xf32, #tpu.memory_space<vmem>>, vector<1x16xf32>,
          %swap3A_737 = vector.shape_cast %swap3A_736 : vector<1x16xf32> to vector<16xf32>
          %swap3A_738 = vector.shape_cast %mul3A_733 : vector<16xf32> to vector<1x16xf32>
          tpu.vector_store %arg12[%swap3A_734, %swap3A_735], %swap3A_738 {strides = array<i32>} : memref<128x128xf32, #tpu.memory_space<vmem>>, vector<1x16xf32>,
          %mul3A_739 = arith.constant 16 : i32
          %mul3A_740 = arith.muli %scan3A_78, %mul3A_739 : i32
          %add3A_741 = arith.constant 7 : i32
          %add3A_742 = arith.addi %mul3A_740, %add3A_741 : i32
          %slice3A_743 = vector.extract_strided_slice %get3A_83 {offsets = [7], sizes = [1], strides = [1]} : vector<16xf32> to vector<1xf32>
          %squeeze3A_744 = vector.extract %slice3A_743[0] : f32 from vector<1xf32>
          %get3A_745 = arith.index_cast %add3A_742 : i32 to index
          %get3A_746 = arith.constant 0 : index
          %get3A_747 = tpu.vector_load %arg12[%get3A_745, %get3A_746] {strides = array<i32>} : memref<128x128xf32, #tpu.memory_space<vmem>>, vector<1x16xf32>,
          %get3A_748 = vector.shape_cast %get3A_747 : vector<1x16xf32> to vector<16xf32>
          %mul3A_749 = vector.broadcast %squeeze3A_744 : f32 to vector<16xf32>
          %mul3A_750 = arith.mulf %get3A_748, %mul3A_749 : vector<16xf32>
          %swap3A_751 = arith.index_cast %add3A_742 : i32 to index
          %swap3A_752 = arith.constant 0 : index
          %swap3A_753 = tpu.vector_load %arg12[%swap3A_751, %swap3A_752] {strides = array<i32>} : memref<128x128xf32, #tpu.memory_space<vmem>>, vector<1x16xf32>,
          %swap3A_754 = vector.shape_cast %swap3A_753 : vector<1x16xf32> to vector<16xf32>
          %swap3A_755 = vector.shape_cast %mul3A_750 : vector<16xf32> to vector<1x16xf32>
          tpu.vector_store %arg12[%swap3A_751, %swap3A_752], %swap3A_755 {strides = array<i32>} : memref<128x128xf32, #tpu.memory_space<vmem>>, vector<1x16xf32>,
          %get3A_756 = arith.index_cast %add3A_742 : i32 to index
          %get3A_757 = arith.constant 16 : index
          %get3A_758 = tpu.vector_load %arg12[%get3A_756, %get3A_757] {strides = array<i32>} : memref<128x128xf32, #tpu.memory_space<vmem>>, vector<1x16xf32>,
          %get3A_759 = vector.shape_cast %get3A_758 : vector<1x16xf32> to vector<16xf32>
          %mul3A_760 = vector.broadcast %squeeze3A_744 : f32 to vector<16xf32>
          %mul3A_761 = arith.mulf %get3A_759, %mul3A_760 : vector<16xf32>
          %swap3A_762 = arith.index_cast %add3A_742 : i32 to index
          %swap3A_763 = arith.constant 16 : index
          %swap3A_764 = tpu.vector_load %arg12[%swap3A_762, %swap3A_763] {strides = array<i32>} : memref<128x128xf32, #tpu.memory_space<vmem>>, vector<1x16xf32>,
          %swap3A_765 = vector.shape_cast %swap3A_764 : vector<1x16xf32> to vector<16xf32>
          %swap3A_766 = vector.shape_cast %mul3A_761 : vector<16xf32> to vector<1x16xf32>
          tpu.vector_store %arg12[%swap3A_762, %swap3A_763], %swap3A_766 {strides = array<i32>} : memref<128x128xf32, #tpu.memory_space<vmem>>, vector<1x16xf32>,
          %get3A_767 = arith.index_cast %add3A_742 : i32 to index
          %get3A_768 = arith.constant 32 : index
          %get3A_769 = tpu.vector_load %arg12[%get3A_767, %get3A_768] {strides = array<i32>} : memref<128x128xf32, #tpu.memory_space<vmem>>, vector<1x16xf32>,
          %get3A_770 = vector.shape_cast %get3A_769 : vector<1x16xf32> to vector<16xf32>
          %mul3A_771 = vector.broadcast %squeeze3A_744 : f32 to vector<16xf32>
          %mul3A_772 = arith.mulf %get3A_770, %mul3A_771 : vector<16xf32>
          %swap3A_773 = arith.index_cast %add3A_742 : i32 to index
          %swap3A_774 = arith.constant 32 : index
          %swap3A_775 = tpu.vector_load %arg12[%swap3A_773, %swap3A_774] {strides = array<i32>} : memref<128x128xf32, #tpu.memory_space<vmem>>, vector<1x16xf32>,
          %swap3A_776 = vector.shape_cast %swap3A_775 : vector<1x16xf32> to vector<16xf32>
          %swap3A_777 = vector.shape_cast %mul3A_772 : vector<16xf32> to vector<1x16xf32>
          tpu.vector_store %arg12[%swap3A_773, %swap3A_774], %swap3A_777 {strides = array<i32>} : memref<128x128xf32, #tpu.memory_space<vmem>>, vector<1x16xf32>,
          %get3A_778 = arith.index_cast %add3A_742 : i32 to index
          %get3A_779 = arith.constant 48 : index
          %get3A_780 = tpu.vector_load %arg12[%get3A_778, %get3A_779] {strides = array<i32>} : memref<128x128xf32, #tpu.memory_space<vmem>>, vector<1x16xf32>,
          %get3A_781 = vector.shape_cast %get3A_780 : vector<1x16xf32> to vector<16xf32>
          %mul3A_782 = vector.broadcast %squeeze3A_744 : f32 to vector<16xf32>
          %mul3A_783 = arith.mulf %get3A_781, %mul3A_782 : vector<16xf32>
          %swap3A_784 = arith.index_cast %add3A_742 : i32 to index
          %swap3A_785 = arith.constant 48 : index
          %swap3A_786 = tpu.vector_load %arg12[%swap3A_784, %swap3A_785] {strides = array<i32>} : memref<128x128xf32, #tpu.memory_space<vmem>>, vector<1x16xf32>,
          %swap3A_787 = vector.shape_cast %swap3A_786 : vector<1x16xf32> to vector<16xf32>
          %swap3A_788 = vector.shape_cast %mul3A_783 : vector<16xf32> to vector<1x16xf32>
          tpu.vector_store %arg12[%swap3A_784, %swap3A_785], %swap3A_788 {strides = array<i32>} : memref<128x128xf32, #tpu.memory_space<vmem>>, vector<1x16xf32>,
          %get3A_789 = arith.index_cast %add3A_742 : i32 to index
          %get3A_790 = arith.constant 64 : index
          %get3A_791 = tpu.vector_load %arg12[%get3A_789, %get3A_790] {strides = array<i32>} : memref<128x128xf32, #tpu.memory_space<vmem>>, vector<1x16xf32>,
          %get3A_792 = vector.shape_cast %get3A_791 : vector<1x16xf32> to vector<16xf32>
          %mul3A_793 = vector.broadcast %squeeze3A_744 : f32 to vector<16xf32>
          %mul3A_794 = arith.mulf %get3A_792, %mul3A_793 : vector<16xf32>
          %swap3A_795 = arith.index_cast %add3A_742 : i32 to index
          %swap3A_796 = arith.constant 64 : index
          %swap3A_797 = tpu.vector_load %arg12[%swap3A_795, %swap3A_796] {strides = array<i32>} : memref<128x128xf32, #tpu.memory_space<vmem>>, vector<1x16xf32>,
          %swap3A_798 = vector.shape_cast %swap3A_797 : vector<1x16xf32> to vector<16xf32>
          %swap3A_799 = vector.shape_cast %mul3A_794 : vector<16xf32> to vector<1x16xf32>
          tpu.vector_store %arg12[%swap3A_795, %swap3A_796], %swap3A_799 {strides = array<i32>} : memref<128x128xf32, #tpu.memory_space<vmem>>, vector<1x16xf32>,
          %get3A_800 = arith.index_cast %add3A_742 : i32 to index
          %get3A_801 = arith.constant 80 : index
          %get3A_802 = tpu.vector_load %arg12[%get3A_800, %get3A_801] {strides = array<i32>} : memref<128x128xf32, #tpu.memory_space<vmem>>, vector<1x16xf32>,
          %get3A_803 = vector.shape_cast %get3A_802 : vector<1x16xf32> to vector<16xf32>
          %mul3A_804 = vector.broadcast %squeeze3A_744 : f32 to vector<16xf32>
          %mul3A_805 = arith.mulf %get3A_803, %mul3A_804 : vector<16xf32>
          %swap3A_806 = arith.index_cast %add3A_742 : i32 to index
          %swap3A_807 = arith.constant 80 : index
          %swap3A_808 = tpu.vector_load %arg12[%swap3A_806, %swap3A_807] {strides = array<i32>} : memref<128x128xf32, #tpu.memory_space<vmem>>, vector<1x16xf32>,
          %swap3A_809 = vector.shape_cast %swap3A_808 : vector<1x16xf32> to vector<16xf32>
          %swap3A_810 = vector.shape_cast %mul3A_805 : vector<16xf32> to vector<1x16xf32>
          tpu.vector_store %arg12[%swap3A_806, %swap3A_807], %swap3A_810 {strides = array<i32>} : memref<128x128xf32, #tpu.memory_space<vmem>>, vector<1x16xf32>,
          %get3A_811 = arith.index_cast %add3A_742 : i32 to index
          %get3A_812 = arith.constant 96 : index
          %get3A_813 = tpu.vector_load %arg12[%get3A_811, %get3A_812] {strides = array<i32>} : memref<128x128xf32, #tpu.memory_space<vmem>>, vector<1x16xf32>,
          %get3A_814 = vector.shape_cast %get3A_813 : vector<1x16xf32> to vector<16xf32>
          %mul3A_815 = vector.broadcast %squeeze3A_744 : f32 to vector<16xf32>
          %mul3A_816 = arith.mulf %get3A_814, %mul3A_815 : vector<16xf32>
          %swap3A_817 = arith.index_cast %add3A_742 : i32 to index
          %swap3A_818 = arith.constant 96 : index
          %swap3A_819 = tpu.vector_load %arg12[%swap3A_817, %swap3A_818] {strides = array<i32>} : memref<128x128xf32, #tpu.memory_space<vmem>>, vector<1x16xf32>,
          %swap3A_820 = vector.shape_cast %swap3A_819 : vector<1x16xf32> to vector<16xf32>
          %swap3A_821 = vector.shape_cast %mul3A_816 : vector<16xf32> to vector<1x16xf32>
          tpu.vector_store %arg12[%swap3A_817, %swap3A_818], %swap3A_821 {strides = array<i32>} : memref<128x128xf32, #tpu.memory_space<vmem>>, vector<1x16xf32>,
          %get3A_822 = arith.index_cast %add3A_742 : i32 to index
          %get3A_823 = arith.constant 112 : index
          %get3A_824 = tpu.vector_load %arg12[%get3A_822, %get3A_823] {strides = array<i32>} : memref<128x128xf32, #tpu.memory_space<vmem>>, vector<1x16xf32>,
          %get3A_825 = vector.shape_cast %get3A_824 : vector<1x16xf32> to vector<16xf32>
          %mul3A_826 = vector.broadcast %squeeze3A_744 : f32 to vector<16xf32>
          %mul3A_827 = arith.mulf %get3A_825, %mul3A_826 : vector<16xf32>
          %swap3A_828 = arith.index_cast %add3A_742 : i32 to index
          %swap3A_829 = arith.constant 112 : index
          %swap3A_830 = tpu.vector_load %arg12[%swap3A_828, %swap3A_829] {strides = array<i32>} : memref<128x128xf32, #tpu.memory_space<vmem>>, vector<1x16xf32>,
          %swap3A_831 = vector.shape_cast %swap3A_830 : vector<1x16xf32> to vector<16xf32>
          %swap3A_832 = vector.shape_cast %mul3A_827 : vector<16xf32> to vector<1x16xf32>
          tpu.vector_store %arg12[%swap3A_828, %swap3A_829], %swap3A_832 {strides = array<i32>} : memref<128x128xf32, #tpu.memory_space<vmem>>, vector<1x16xf32>,
          %mul3A_833 = arith.constant 16 : i32
          %mul3A_834 = arith.muli %scan3A_78, %mul3A_833 : i32
          %add3A_835 = arith.constant 8 : i32
          %add3A_836 = arith.addi %mul3A_834, %add3A_835 : i32
          %slice3A_837 = vector.extract_strided_slice %get3A_83 {offsets = [8], sizes = [1], strides = [1]} : vector<16xf32> to vector<1xf32>
          %squeeze3A_838 = vector.extract %slice3A_837[0] : f32 from vector<1xf32>
          %get3A_839 = arith.index_cast %add3A_836 : i32 to index
          %get3A_840 = arith.constant 0 : index
          %get3A_841 = tpu.vector_load %arg12[%get3A_839, %get3A_840] {strides = array<i32>} : memref<128x128xf32, #tpu.memory_space<vmem>>, vector<1x16xf32>,
          %get3A_842 = vector.shape_cast %get3A_841 : vector<1x16xf32> to vector<16xf32>
          %mul3A_843 = vector.broadcast %squeeze3A_838 : f32 to vector<16xf32>
          %mul3A_844 = arith.mulf %get3A_842, %mul3A_843 : vector<16xf32>
          %swap3A_845 = arith.index_cast %add3A_836 : i32 to index
          %swap3A_846 = arith.constant 0 : index
          %swap3A_847 = tpu.vector_load %arg12[%swap3A_845, %swap3A_846] {strides = array<i32>} : memref<128x128xf32, #tpu.memory_space<vmem>>, vector<1x16xf32>,
          %swap3A_848 = vector.shape_cast %swap3A_847 : vector<1x16xf32> to vector<16xf32>
          %swap3A_849 = vector.shape_cast %mul3A_844 : vector<16xf32> to vector<1x16xf32>
          tpu.vector_store %arg12[%swap3A_845, %swap3A_846], %swap3A_849 {strides = array<i32>} : memref<128x128xf32, #tpu.memory_space<vmem>>, vector<1x16xf32>,
          %get3A_850 = arith.index_cast %add3A_836 : i32 to index
          %get3A_851 = arith.constant 16 : index
          %get3A_852 = tpu.vector_load %arg12[%get3A_850, %get3A_851] {strides = array<i32>} : memref<128x128xf32, #tpu.memory_space<vmem>>, vector<1x16xf32>,
          %get3A_853 = vector.shape_cast %get3A_852 : vector<1x16xf32> to vector<16xf32>
          %mul3A_854 = vector.broadcast %squeeze3A_838 : f32 to vector<16xf32>
          %mul3A_855 = arith.mulf %get3A_853, %mul3A_854 : vector<16xf32>
          %swap3A_856 = arith.index_cast %add3A_836 : i32 to index
          %swap3A_857 = arith.constant 16 : index
          %swap3A_858 = tpu.vector_load %arg12[%swap3A_856, %swap3A_857] {strides = array<i32>} : memref<128x128xf32, #tpu.memory_space<vmem>>, vector<1x16xf32>,
          %swap3A_859 = vector.shape_cast %swap3A_858 : vector<1x16xf32> to vector<16xf32>
          %swap3A_860 = vector.shape_cast %mul3A_855 : vector<16xf32> to vector<1x16xf32>
          tpu.vector_store %arg12[%swap3A_856, %swap3A_857], %swap3A_860 {strides = array<i32>} : memref<128x128xf32, #tpu.memory_space<vmem>>, vector<1x16xf32>,
          %get3A_861 = arith.index_cast %add3A_836 : i32 to index
          %get3A_862 = arith.constant 32 : index
          %get3A_863 = tpu.vector_load %arg12[%get3A_861, %get3A_862] {strides = array<i32>} : memref<128x128xf32, #tpu.memory_space<vmem>>, vector<1x16xf32>,
          %get3A_864 = vector.shape_cast %get3A_863 : vector<1x16xf32> to vector<16xf32>
          %mul3A_865 = vector.broadcast %squeeze3A_838 : f32 to vector<16xf32>
          %mul3A_866 = arith.mulf %get3A_864, %mul3A_865 : vector<16xf32>
          %swap3A_867 = arith.index_cast %add3A_836 : i32 to index
          %swap3A_868 = arith.constant 32 : index
          %swap3A_869 = tpu.vector_load %arg12[%swap3A_867, %swap3A_868] {strides = array<i32>} : memref<128x128xf32, #tpu.memory_space<vmem>>, vector<1x16xf32>,
          %swap3A_870 = vector.shape_cast %swap3A_869 : vector<1x16xf32> to vector<16xf32>
          %swap3A_871 = vector.shape_cast %mul3A_866 : vector<16xf32> to vector<1x16xf32>
          tpu.vector_store %arg12[%swap3A_867, %swap3A_868], %swap3A_871 {strides = array<i32>} : memref<128x128xf32, #tpu.memory_space<vmem>>, vector<1x16xf32>,
          %get3A_872 = arith.index_cast %add3A_836 : i32 to index
          %get3A_873 = arith.constant 48 : index
          %get3A_874 = tpu.vector_load %arg12[%get3A_872, %get3A_873] {strides = array<i32>} : memref<128x128xf32, #tpu.memory_space<vmem>>, vector<1x16xf32>,
          %get3A_875 = vector.shape_cast %get3A_874 : vector<1x16xf32> to vector<16xf32>
          %mul3A_876 = vector.broadcast %squeeze3A_838 : f32 to vector<16xf32>
          %mul3A_877 = arith.mulf %get3A_875, %mul3A_876 : vector<16xf32>
          %swap3A_878 = arith.index_cast %add3A_836 : i32 to index
          %swap3A_879 = arith.constant 48 : index
          %swap3A_880 = tpu.vector_load %arg12[%swap3A_878, %swap3A_879] {strides = array<i32>} : memref<128x128xf32, #tpu.memory_space<vmem>>, vector<1x16xf32>,
          %swap3A_881 = vector.shape_cast %swap3A_880 : vector<1x16xf32> to vector<16xf32>
          %swap3A_882 = vector.shape_cast %mul3A_877 : vector<16xf32> to vector<1x16xf32>
          tpu.vector_store %arg12[%swap3A_878, %swap3A_879], %swap3A_882 {strides = array<i32>} : memref<128x128xf32, #tpu.memory_space<vmem>>, vector<1x16xf32>,
          %get3A_883 = arith.index_cast %add3A_836 : i32 to index
          %get3A_884 = arith.constant 64 : index
          %get3A_885 = tpu.vector_load %arg12[%get3A_883, %get3A_884] {strides = array<i32>} : memref<128x128xf32, #tpu.memory_space<vmem>>, vector<1x16xf32>,
          %get3A_886 = vector.shape_cast %get3A_885 : vector<1x16xf32> to vector<16xf32>
          %mul3A_887 = vector.broadcast %squeeze3A_838 : f32 to vector<16xf32>
          %mul3A_888 = arith.mulf %get3A_886, %mul3A_887 : vector<16xf32>
          %swap3A_889 = arith.index_cast %add3A_836 : i32 to index
          %swap3A_890 = arith.constant 64 : index
          %swap3A_891 = tpu.vector_load %arg12[%swap3A_889, %swap3A_890] {strides = array<i32>} : memref<128x128xf32, #tpu.memory_space<vmem>>, vector<1x16xf32>,
          %swap3A_892 = vector.shape_cast %swap3A_891 : vector<1x16xf32> to vector<16xf32>
          %swap3A_893 = vector.shape_cast %mul3A_888 : vector<16xf32> to vector<1x16xf32>
          tpu.vector_store %arg12[%swap3A_889, %swap3A_890], %swap3A_893 {strides = array<i32>} : memref<128x128xf32, #tpu.memory_space<vmem>>, vector<1x16xf32>,
          %get3A_894 = arith.index_cast %add3A_836 : i32 to index
          %get3A_895 = arith.constant 80 : index
          %get3A_896 = tpu.vector_load %arg12[%get3A_894, %get3A_895] {strides = array<i32>} : memref<128x128xf32, #tpu.memory_space<vmem>>, vector<1x16xf32>,
          %get3A_897 = vector.shape_cast %get3A_896 : vector<1x16xf32> to vector<16xf32>
          %mul3A_898 = vector.broadcast %squeeze3A_838 : f32 to vector<16xf32>
          %mul3A_899 = arith.mulf %get3A_897, %mul3A_898 : vector<16xf32>
          %swap3A_900 = arith.index_cast %add3A_836 : i32 to index
          %swap3A_901 = arith.constant 80 : index
          %swap3A_902 = tpu.vector_load %arg12[%swap3A_900, %swap3A_901] {strides = array<i32>} : memref<128x128xf32, #tpu.memory_space<vmem>>, vector<1x16xf32>,
          %swap3A_903 = vector.shape_cast %swap3A_902 : vector<1x16xf32> to vector<16xf32>
          %swap3A_904 = vector.shape_cast %mul3A_899 : vector<16xf32> to vector<1x16xf32>
          tpu.vector_store %arg12[%swap3A_900, %swap3A_901], %swap3A_904 {strides = array<i32>} : memref<128x128xf32, #tpu.memory_space<vmem>>, vector<1x16xf32>,
          %get3A_905 = arith.index_cast %add3A_836 : i32 to index
          %get3A_906 = arith.constant 96 : index
          %get3A_907 = tpu.vector_load %arg12[%get3A_905, %get3A_906] {strides = array<i32>} : memref<128x128xf32, #tpu.memory_space<vmem>>, vector<1x16xf32>,
          %get3A_908 = vector.shape_cast %get3A_907 : vector<1x16xf32> to vector<16xf32>
          %mul3A_909 = vector.broadcast %squeeze3A_838 : f32 to vector<16xf32>
          %mul3A_910 = arith.mulf %get3A_908, %mul3A_909 : vector<16xf32>
          %swap3A_911 = arith.index_cast %add3A_836 : i32 to index
          %swap3A_912 = arith.constant 96 : index
          %swap3A_913 = tpu.vector_load %arg12[%swap3A_911, %swap3A_912] {strides = array<i32>} : memref<128x128xf32, #tpu.memory_space<vmem>>, vector<1x16xf32>,
          %swap3A_914 = vector.shape_cast %swap3A_913 : vector<1x16xf32> to vector<16xf32>
          %swap3A_915 = vector.shape_cast %mul3A_910 : vector<16xf32> to vector<1x16xf32>
          tpu.vector_store %arg12[%swap3A_911, %swap3A_912], %swap3A_915 {strides = array<i32>} : memref<128x128xf32, #tpu.memory_space<vmem>>, vector<1x16xf32>,
          %get3A_916 = arith.index_cast %add3A_836 : i32 to index
          %get3A_917 = arith.constant 112 : index
          %get3A_918 = tpu.vector_load %arg12[%get3A_916, %get3A_917] {strides = array<i32>} : memref<128x128xf32, #tpu.memory_space<vmem>>, vector<1x16xf32>,
          %get3A_919 = vector.shape_cast %get3A_918 : vector<1x16xf32> to vector<16xf32>
          %mul3A_920 = vector.broadcast %squeeze3A_838 : f32 to vector<16xf32>
          %mul3A_921 = arith.mulf %get3A_919, %mul3A_920 : vector<16xf32>
          %swap3A_922 = arith.index_cast %add3A_836 : i32 to index
          %swap3A_923 = arith.constant 112 : index
          %swap3A_924 = tpu.vector_load %arg12[%swap3A_922, %swap3A_923] {strides = array<i32>} : memref<128x128xf32, #tpu.memory_space<vmem>>, vector<1x16xf32>,
          %swap3A_925 = vector.shape_cast %swap3A_924 : vector<1x16xf32> to vector<16xf32>
          %swap3A_926 = vector.shape_cast %mul3A_921 : vector<16xf32> to vector<1x16xf32>
          tpu.vector_store %arg12[%swap3A_922, %swap3A_923], %swap3A_926 {strides = array<i32>} : memref<128x128xf32, #tpu.memory_space<vmem>>, vector<1x16xf32>,
          %mul3A_927 = arith.constant 16 : i32
          %mul3A_928 = arith.muli %scan3A_78, %mul3A_927 : i32
          %add3A_929 = arith.constant 9 : i32
          %add3A_930 = arith.addi %mul3A_928, %add3A_929 : i32
          %slice3A_931 = vector.extract_strided_slice %get3A_83 {offsets = [9], sizes = [1], strides = [1]} : vector<16xf32> to vector<1xf32>
          %squeeze3A_932 = vector.extract %slice3A_931[0] : f32 from vector<1xf32>
          %get3A_933 = arith.index_cast %add3A_930 : i32 to index
          %get3A_934 = arith.constant 0 : index
          %get3A_935 = tpu.vector_load %arg12[%get3A_933, %get3A_934] {strides = array<i32>} : memref<128x128xf32, #tpu.memory_space<vmem>>, vector<1x16xf32>,
          %get3A_936 = vector.shape_cast %get3A_935 : vector<1x16xf32> to vector<16xf32>
          %mul3A_937 = vector.broadcast %squeeze3A_932 : f32 to vector<16xf32>
          %mul3A_938 = arith.mulf %get3A_936, %mul3A_937 : vector<16xf32>
          %swap3A_939 = arith.index_cast %add3A_930 : i32 to index
          %swap3A_940 = arith.constant 0 : index
          %swap3A_941 = tpu.vector_load %arg12[%swap3A_939, %swap3A_940] {strides = array<i32>} : memref<128x128xf32, #tpu.memory_space<vmem>>, vector<1x16xf32>,
          %swap3A_942 = vector.shape_cast %swap3A_941 : vector<1x16xf32> to vector<16xf32>
          %swap3A_943 = vector.shape_cast %mul3A_938 : vector<16xf32> to vector<1x16xf32>
          tpu.vector_store %arg12[%swap3A_939, %swap3A_940], %swap3A_943 {strides = array<i32>} : memref<128x128xf32, #tpu.memory_space<vmem>>, vector<1x16xf32>,
          %get3A_944 = arith.index_cast %add3A_930 : i32 to index
          %get3A_945 = arith.constant 16 : index
          %get3A_946 = tpu.vector_load %arg12[%get3A_944, %get3A_945] {strides = array<i32>} : memref<128x128xf32, #tpu.memory_space<vmem>>, vector<1x16xf32>,
          %get3A_947 = vector.shape_cast %get3A_946 : vector<1x16xf32> to vector<16xf32>
          %mul3A_948 = vector.broadcast %squeeze3A_932 : f32 to vector<16xf32>
          %mul3A_949 = arith.mulf %get3A_947, %mul3A_948 : vector<16xf32>
          %swap3A_950 = arith.index_cast %add3A_930 : i32 to index
          %swap3A_951 = arith.constant 16 : index
          %swap3A_952 = tpu.vector_load %arg12[%swap3A_950, %swap3A_951] {strides = array<i32>} : memref<128x128xf32, #tpu.memory_space<vmem>>, vector<1x16xf32>,
          %swap3A_953 = vector.shape_cast %swap3A_952 : vector<1x16xf32> to vector<16xf32>
          %swap3A_954 = vector.shape_cast %mul3A_949 : vector<16xf32> to vector<1x16xf32>
          tpu.vector_store %arg12[%swap3A_950, %swap3A_951], %swap3A_954 {strides = array<i32>} : memref<128x128xf32, #tpu.memory_space<vmem>>, vector<1x16xf32>,
          %get3A_955 = arith.index_cast %add3A_930 : i32 to index
          %get3A_956 = arith.constant 32 : index
          %get3A_957 = tpu.vector_load %arg12[%get3A_955, %get3A_956] {strides = array<i32>} : memref<128x128xf32, #tpu.memory_space<vmem>>, vector<1x16xf32>,
          %get3A_958 = vector.shape_cast %get3A_957 : vector<1x16xf32> to vector<16xf32>
          %mul3A_959 = vector.broadcast %squeeze3A_932 : f32 to vector<16xf32>
          %mul3A_960 = arith.mulf %get3A_958, %mul3A_959 : vector<16xf32>
          %swap3A_961 = arith.index_cast %add3A_930 : i32 to index
          %swap3A_962 = arith.constant 32 : index
          %swap3A_963 = tpu.vector_load %arg12[%swap3A_961, %swap3A_962] {strides = array<i32>} : memref<128x128xf32, #tpu.memory_space<vmem>>, vector<1x16xf32>,
          %swap3A_964 = vector.shape_cast %swap3A_963 : vector<1x16xf32> to vector<16xf32>
          %swap3A_965 = vector.shape_cast %mul3A_960 : vector<16xf32> to vector<1x16xf32>
          tpu.vector_store %arg12[%swap3A_961, %swap3A_962], %swap3A_965 {strides = array<i32>} : memref<128x128xf32, #tpu.memory_space<vmem>>, vector<1x16xf32>,
          %get3A_966 = arith.index_cast %add3A_930 : i32 to index
          %get3A_967 = arith.constant 48 : index
          %get3A_968 = tpu.vector_load %arg12[%get3A_966, %get3A_967] {strides = array<i32>} : memref<128x128xf32, #tpu.memory_space<vmem>>, vector<1x16xf32>,
          %get3A_969 = vector.shape_cast %get3A_968 : vector<1x16xf32> to vector<16xf32>
          %mul3A_970 = vector.broadcast %squeeze3A_932 : f32 to vector<16xf32>
          %mul3A_971 = arith.mulf %get3A_969, %mul3A_970 : vector<16xf32>
          %swap3A_972 = arith.index_cast %add3A_930 : i32 to index
          %swap3A_973 = arith.constant 48 : index
          %swap3A_974 = tpu.vector_load %arg12[%swap3A_972, %swap3A_973] {strides = array<i32>} : memref<128x128xf32, #tpu.memory_space<vmem>>, vector<1x16xf32>,
          %swap3A_975 = vector.shape_cast %swap3A_974 : vector<1x16xf32> to vector<16xf32>
          %swap3A_976 = vector.shape_cast %mul3A_971 : vector<16xf32> to vector<1x16xf32>
          tpu.vector_store %arg12[%swap3A_972, %swap3A_973], %swap3A_976 {strides = array<i32>} : memref<128x128xf32, #tpu.memory_space<vmem>>, vector<1x16xf32>,
          %get3A_977 = arith.index_cast %add3A_930 : i32 to index
          %get3A_978 = arith.constant 64 : index
          %get3A_979 = tpu.vector_load %arg12[%get3A_977, %get3A_978] {strides = array<i32>} : memref<128x128xf32, #tpu.memory_space<vmem>>, vector<1x16xf32>,
          %get3A_980 = vector.shape_cast %get3A_979 : vector<1x16xf32> to vector<16xf32>
          %mul3A_981 = vector.broadcast %squeeze3A_932 : f32 to vector<16xf32>
          %mul3A_982 = arith.mulf %get3A_980, %mul3A_981 : vector<16xf32>
          %swap3A_983 = arith.index_cast %add3A_930 : i32 to index
          %swap3A_984 = arith.constant 64 : index
          %swap3A_985 = tpu.vector_load %arg12[%swap3A_983, %swap3A_984] {strides = array<i32>} : memref<128x128xf32, #tpu.memory_space<vmem>>, vector<1x16xf32>,
          %swap3A_986 = vector.shape_cast %swap3A_985 : vector<1x16xf32> to vector<16xf32>
          %swap3A_987 = vector.shape_cast %mul3A_982 : vector<16xf32> to vector<1x16xf32>
          tpu.vector_store %arg12[%swap3A_983, %swap3A_984], %swap3A_987 {strides = array<i32>} : memref<128x128xf32, #tpu.memory_space<vmem>>, vector<1x16xf32>,
          %get3A_988 = arith.index_cast %add3A_930 : i32 to index
          %get3A_989 = arith.constant 80 : index
          %get3A_990 = tpu.vector_load %arg12[%get3A_988, %get3A_989] {strides = array<i32>} : memref<128x128xf32, #tpu.memory_space<vmem>>, vector<1x16xf32>,
          %get3A_991 = vector.shape_cast %get3A_990 : vector<1x16xf32> to vector<16xf32>
          %mul3A_992 = vector.broadcast %squeeze3A_932 : f32 to vector<16xf32>
          %mul3A_993 = arith.mulf %get3A_991, %mul3A_992 : vector<16xf32>
          %swap3A_994 = arith.index_cast %add3A_930 : i32 to index
          %swap3A_995 = arith.constant 80 : index
          %swap3A_996 = tpu.vector_load %arg12[%swap3A_994, %swap3A_995] {strides = array<i32>} : memref<128x128xf32, #tpu.memory_space<vmem>>, vector<1x16xf32>,
          %swap3A_997 = vector.shape_cast %swap3A_996 : vector<1x16xf32> to vector<16xf32>
          %swap3A_998 = vector.shape_cast %mul3A_993 : vector<16xf32> to vector<1x16xf32>
          tpu.vector_store %arg12[%swap3A_994, %swap3A_995], %swap3A_998 {strides = array<i32>} : memref<128x128xf32, #tpu.memory_space<vmem>>, vector<1x16xf32>,
          %get3A_999 = arith.index_cast %add3A_930 : i32 to index
          %get3A_1000 = arith.constant 96 : index
          %get3A_1001 = tpu.vector_load %arg12[%get3A_999, %get3A_1000] {strides = array<i32>} : memref<128x128xf32, #tpu.memory_space<vmem>>, vector<1x16xf32>,
          %get3A_1002 = vector.shape_cast %get3A_1001 : vector<1x16xf32> to vector<16xf32>
          %mul3A_1003 = vector.broadcast %squeeze3A_932 : f32 to vector<16xf32>
          %mul3A_1004 = arith.mulf %get3A_1002, %mul3A_1003 : vector<16xf32>
          %swap3A_1005 = arith.index_cast %add3A_930 : i32 to index
          %swap3A_1006 = arith.constant 96 : index
          %swap3A_1007 = tpu.vector_load %arg12[%swap3A_1005, %swap3A_1006] {strides = array<i32>} : memref<128x128xf32, #tpu.memory_space<vmem>>, vector<1x16xf32>,
          %swap3A_1008 = vector.shape_cast %swap3A_1007 : vector<1x16xf32> to vector<16xf32>
          %swap3A_1009 = vector.shape_cast %mul3A_1004 : vector<16xf32> to vector<1x16xf32>
          tpu.vector_store %arg12[%swap3A_1005, %swap3A_1006], %swap3A_1009 {strides = array<i32>} : memref<128x128xf32, #tpu.memory_space<vmem>>, vector<1x16xf32>,
          %get3A_1010 = arith.index_cast %add3A_930 : i32 to index
          %get3A_1011 = arith.constant 112 : index
          %get3A_1012 = tpu.vector_load %arg12[%get3A_1010, %get3A_1011] {strides = array<i32>} : memref<128x128xf32, #tpu.memory_space<vmem>>, vector<1x16xf32>,
          %get3A_1013 = vector.shape_cast %get3A_1012 : vector<1x16xf32> to vector<16xf32>
          %mul3A_1014 = vector.broadcast %squeeze3A_932 : f32 to vector<16xf32>
          %mul3A_1015 = arith.mulf %get3A_1013, %mul3A_1014 : vector<16xf32>
          %swap3A_1016 = arith.index_cast %add3A_930 : i32 to index
          %swap3A_1017 = arith.constant 112 : index
          %swap3A_1018 = tpu.vector_load %arg12[%swap3A_1016, %swap3A_1017] {strides = array<i32>} : memref<128x128xf32, #tpu.memory_space<vmem>>, vector<1x16xf32>,
          %swap3A_1019 = vector.shape_cast %swap3A_1018 : vector<1x16xf32> to vector<16xf32>
          %swap3A_1020 = vector.shape_cast %mul3A_1015 : vector<16xf32> to vector<1x16xf32>
          tpu.vector_store %arg12[%swap3A_1016, %swap3A_1017], %swap3A_1020 {strides = array<i32>} : memref<128x128xf32, #tpu.memory_space<vmem>>, vector<1x16xf32>,
          %mul3A_1021 = arith.constant 16 : i32
          %mul3A_1022 = arith.muli %scan3A_78, %mul3A_1021 : i32
          %add3A_1023 = arith.constant 10 : i32
          %add3A_1024 = arith.addi %mul3A_1022, %add3A_1023 : i32
          %slice3A_1025 = vector.extract_strided_slice %get3A_83 {offsets = [10], sizes = [1], strides = [1]} : vector<16xf32> to vector<1xf32>
          %squeeze3A_1026 = vector.extract %slice3A_1025[0] : f32 from vector<1xf32>
          %get3A_1027 = arith.index_cast %add3A_1024 : i32 to index
          %get3A_1028 = arith.constant 0 : index
          %get3A_1029 = tpu.vector_load %arg12[%get3A_1027, %get3A_1028] {strides = array<i32>} : memref<128x128xf32, #tpu.memory_space<vmem>>, vector<1x16xf32>,
          %get3A_1030 = vector.shape_cast %get3A_1029 : vector<1x16xf32> to vector<16xf32>
          %mul3A_1031 = vector.broadcast %squeeze3A_1026 : f32 to vector<16xf32>
          %mul3A_1032 = arith.mulf %get3A_1030, %mul3A_1031 : vector<16xf32>
          %swap3A_1033 = arith.index_cast %add3A_1024 : i32 to index
          %swap3A_1034 = arith.constant 0 : index
          %swap3A_1035 = tpu.vector_load %arg12[%swap3A_1033, %swap3A_1034] {strides = array<i32>} : memref<128x128xf32, #tpu.memory_space<vmem>>, vector<1x16xf32>,
          %swap3A_1036 = vector.shape_cast %swap3A_1035 : vector<1x16xf32> to vector<16xf32>
          %swap3A_1037 = vector.shape_cast %mul3A_1032 : vector<16xf32> to vector<1x16xf32>
          tpu.vector_store %arg12[%swap3A_1033, %swap3A_1034], %swap3A_1037 {strides = array<i32>} : memref<128x128xf32, #tpu.memory_space<vmem>>, vector<1x16xf32>,
          %get3A_1038 = arith.index_cast %add3A_1024 : i32 to index
          %get3A_1039 = arith.constant 16 : index
          %get3A_1040 = tpu.vector_load %arg12[%get3A_1038, %get3A_1039] {strides = array<i32>} : memref<128x128xf32, #tpu.memory_space<vmem>>, vector<1x16xf32>,
          %get3A_1041 = vector.shape_cast %get3A_1040 : vector<1x16xf32> to vector<16xf32>
          %mul3A_1042 = vector.broadcast %squeeze3A_1026 : f32 to vector<16xf32>
          %mul3A_1043 = arith.mulf %get3A_1041, %mul3A_1042 : vector<16xf32>
          %swap3A_1044 = arith.index_cast %add3A_1024 : i32 to index
          %swap3A_1045 = arith.constant 16 : index
          %swap3A_1046 = tpu.vector_load %arg12[%swap3A_1044, %swap3A_1045] {strides = array<i32>} : memref<128x128xf32, #tpu.memory_space<vmem>>, vector<1x16xf32>,
          %swap3A_1047 = vector.shape_cast %swap3A_1046 : vector<1x16xf32> to vector<16xf32>
          %swap3A_1048 = vector.shape_cast %mul3A_1043 : vector<16xf32> to vector<1x16xf32>
          tpu.vector_store %arg12[%swap3A_1044, %swap3A_1045], %swap3A_1048 {strides = array<i32>} : memref<128x128xf32, #tpu.memory_space<vmem>>, vector<1x16xf32>,
          %get3A_1049 = arith.index_cast %add3A_1024 : i32 to index
          %get3A_1050 = arith.constant 32 : index
          %get3A_1051 = tpu.vector_load %arg12[%get3A_1049, %get3A_1050] {strides = array<i32>} : memref<128x128xf32, #tpu.memory_space<vmem>>, vector<1x16xf32>,
          %get3A_1052 = vector.shape_cast %get3A_1051 : vector<1x16xf32> to vector<16xf32>
          %mul3A_1053 = vector.broadcast %squeeze3A_1026 : f32 to vector<16xf32>
          %mul3A_1054 = arith.mulf %get3A_1052, %mul3A_1053 : vector<16xf32>
          %swap3A_1055 = arith.index_cast %add3A_1024 : i32 to index
          %swap3A_1056 = arith.constant 32 : index
          %swap3A_1057 = tpu.vector_load %arg12[%swap3A_1055, %swap3A_1056] {strides = array<i32>} : memref<128x128xf32, #tpu.memory_space<vmem>>, vector<1x16xf32>,
          %swap3A_1058 = vector.shape_cast %swap3A_1057 : vector<1x16xf32> to vector<16xf32>
          %swap3A_1059 = vector.shape_cast %mul3A_1054 : vector<16xf32> to vector<1x16xf32>
          tpu.vector_store %arg12[%swap3A_1055, %swap3A_1056], %swap3A_1059 {strides = array<i32>} : memref<128x128xf32, #tpu.memory_space<vmem>>, vector<1x16xf32>,
          %get3A_1060 = arith.index_cast %add3A_1024 : i32 to index
          %get3A_1061 = arith.constant 48 : index
          %get3A_1062 = tpu.vector_load %arg12[%get3A_1060, %get3A_1061] {strides = array<i32>} : memref<128x128xf32, #tpu.memory_space<vmem>>, vector<1x16xf32>,
          %get3A_1063 = vector.shape_cast %get3A_1062 : vector<1x16xf32> to vector<16xf32>
          %mul3A_1064 = vector.broadcast %squeeze3A_1026 : f32 to vector<16xf32>
          %mul3A_1065 = arith.mulf %get3A_1063, %mul3A_1064 : vector<16xf32>
          %swap3A_1066 = arith.index_cast %add3A_1024 : i32 to index
          %swap3A_1067 = arith.constant 48 : index
          %swap3A_1068 = tpu.vector_load %arg12[%swap3A_1066, %swap3A_1067] {strides = array<i32>} : memref<128x128xf32, #tpu.memory_space<vmem>>, vector<1x16xf32>,
          %swap3A_1069 = vector.shape_cast %swap3A_1068 : vector<1x16xf32> to vector<16xf32>
          %swap3A_1070 = vector.shape_cast %mul3A_1065 : vector<16xf32> to vector<1x16xf32>
          tpu.vector_store %arg12[%swap3A_1066, %swap3A_1067], %swap3A_1070 {strides = array<i32>} : memref<128x128xf32, #tpu.memory_space<vmem>>, vector<1x16xf32>,
          %get3A_1071 = arith.index_cast %add3A_1024 : i32 to index
          %get3A_1072 = arith.constant 64 : index
          %get3A_1073 = tpu.vector_load %arg12[%get3A_1071, %get3A_1072] {strides = array<i32>} : memref<128x128xf32, #tpu.memory_space<vmem>>, vector<1x16xf32>,
          %get3A_1074 = vector.shape_cast %get3A_1073 : vector<1x16xf32> to vector<16xf32>
          %mul3A_1075 = vector.broadcast %squeeze3A_1026 : f32 to vector<16xf32>
          %mul3A_1076 = arith.mulf %get3A_1074, %mul3A_1075 : vector<16xf32>
          %swap3A_1077 = arith.index_cast %add3A_1024 : i32 to index
          %swap3A_1078 = arith.constant 64 : index
          %swap3A_1079 = tpu.vector_load %arg12[%swap3A_1077, %swap3A_1078] {strides = array<i32>} : memref<128x128xf32, #tpu.memory_space<vmem>>, vector<1x16xf32>,
          %swap3A_1080 = vector.shape_cast %swap3A_1079 : vector<1x16xf32> to vector<16xf32>
          %swap3A_1081 = vector.shape_cast %mul3A_1076 : vector<16xf32> to vector<1x16xf32>
          tpu.vector_store %arg12[%swap3A_1077, %swap3A_1078], %swap3A_1081 {strides = array<i32>} : memref<128x128xf32, #tpu.memory_space<vmem>>, vector<1x16xf32>,
          %get3A_1082 = arith.index_cast %add3A_1024 : i32 to index
          %get3A_1083 = arith.constant 80 : index
          %get3A_1084 = tpu.vector_load %arg12[%get3A_1082, %get3A_1083] {strides = array<i32>} : memref<128x128xf32, #tpu.memory_space<vmem>>, vector<1x16xf32>,
          %get3A_1085 = vector.shape_cast %get3A_1084 : vector<1x16xf32> to vector<16xf32>
          %mul3A_1086 = vector.broadcast %squeeze3A_1026 : f32 to vector<16xf32>
          %mul3A_1087 = arith.mulf %get3A_1085, %mul3A_1086 : vector<16xf32>
          %swap3A_1088 = arith.index_cast %add3A_1024 : i32 to index
          %swap3A_1089 = arith.constant 80 : index
          %swap3A_1090 = tpu.vector_load %arg12[%swap3A_1088, %swap3A_1089] {strides = array<i32>} : memref<128x128xf32, #tpu.memory_space<vmem>>, vector<1x16xf32>,
          %swap3A_1091 = vector.shape_cast %swap3A_1090 : vector<1x16xf32> to vector<16xf32>
          %swap3A_1092 = vector.shape_cast %mul3A_1087 : vector<16xf32> to vector<1x16xf32>
          tpu.vector_store %arg12[%swap3A_1088, %swap3A_1089], %swap3A_1092 {strides = array<i32>} : memref<128x128xf32, #tpu.memory_space<vmem>>, vector<1x16xf32>,
          %get3A_1093 = arith.index_cast %add3A_1024 : i32 to index
          %get3A_1094 = arith.constant 96 : index
          %get3A_1095 = tpu.vector_load %arg12[%get3A_1093, %get3A_1094] {strides = array<i32>} : memref<128x128xf32, #tpu.memory_space<vmem>>, vector<1x16xf32>,
          %get3A_1096 = vector.shape_cast %get3A_1095 : vector<1x16xf32> to vector<16xf32>
          %mul3A_1097 = vector.broadcast %squeeze3A_1026 : f32 to vector<16xf32>
          %mul3A_1098 = arith.mulf %get3A_1096, %mul3A_1097 : vector<16xf32>
          %swap3A_1099 = arith.index_cast %add3A_1024 : i32 to index
          %swap3A_1100 = arith.constant 96 : index
          %swap3A_1101 = tpu.vector_load %arg12[%swap3A_1099, %swap3A_1100] {strides = array<i32>} : memref<128x128xf32, #tpu.memory_space<vmem>>, vector<1x16xf32>,
          %swap3A_1102 = vector.shape_cast %swap3A_1101 : vector<1x16xf32> to vector<16xf32>
          %swap3A_1103 = vector.shape_cast %mul3A_1098 : vector<16xf32> to vector<1x16xf32>
          tpu.vector_store %arg12[%swap3A_1099, %swap3A_1100], %swap3A_1103 {strides = array<i32>} : memref<128x128xf32, #tpu.memory_space<vmem>>, vector<1x16xf32>,
          %get3A_1104 = arith.index_cast %add3A_1024 : i32 to index
          %get3A_1105 = arith.constant 112 : index
          %get3A_1106 = tpu.vector_load %arg12[%get3A_1104, %get3A_1105] {strides = array<i32>} : memref<128x128xf32, #tpu.memory_space<vmem>>, vector<1x16xf32>,
          %get3A_1107 = vector.shape_cast %get3A_1106 : vector<1x16xf32> to vector<16xf32>
          %mul3A_1108 = vector.broadcast %squeeze3A_1026 : f32 to vector<16xf32>
          %mul3A_1109 = arith.mulf %get3A_1107, %mul3A_1108 : vector<16xf32>
          %swap3A_1110 = arith.index_cast %add3A_1024 : i32 to index
          %swap3A_1111 = arith.constant 112 : index
          %swap3A_1112 = tpu.vector_load %arg12[%swap3A_1110, %swap3A_1111] {strides = array<i32>} : memref<128x128xf32, #tpu.memory_space<vmem>>, vector<1x16xf32>,
          %swap3A_1113 = vector.shape_cast %swap3A_1112 : vector<1x16xf32> to vector<16xf32>
          %swap3A_1114 = vector.shape_cast %mul3A_1109 : vector<16xf32> to vector<1x16xf32>
          tpu.vector_store %arg12[%swap3A_1110, %swap3A_1111], %swap3A_1114 {strides = array<i32>} : memref<128x128xf32, #tpu.memory_space<vmem>>, vector<1x16xf32>,
          %mul3A_1115 = arith.constant 16 : i32
          %mul3A_1116 = arith.muli %scan3A_78, %mul3A_1115 : i32
          %add3A_1117 = arith.constant 11 : i32
          %add3A_1118 = arith.addi %mul3A_1116, %add3A_1117 : i32
          %slice3A_1119 = vector.extract_strided_slice %get3A_83 {offsets = [11], sizes = [1], strides = [1]} : vector<16xf32> to vector<1xf32>
          %squeeze3A_1120 = vector.extract %slice3A_1119[0] : f32 from vector<1xf32>
          %get3A_1121 = arith.index_cast %add3A_1118 : i32 to index
          %get3A_1122 = arith.constant 0 : index
          %get3A_1123 = tpu.vector_load %arg12[%get3A_1121, %get3A_1122] {strides = array<i32>} : memref<128x128xf32, #tpu.memory_space<vmem>>, vector<1x16xf32>,
          %get3A_1124 = vector.shape_cast %get3A_1123 : vector<1x16xf32> to vector<16xf32>
          %mul3A_1125 = vector.broadcast %squeeze3A_1120 : f32 to vector<16xf32>
          %mul3A_1126 = arith.mulf %get3A_1124, %mul3A_1125 : vector<16xf32>
          %swap3A_1127 = arith.index_cast %add3A_1118 : i32 to index
          %swap3A_1128 = arith.constant 0 : index
          %swap3A_1129 = tpu.vector_load %arg12[%swap3A_1127, %swap3A_1128] {strides = array<i32>} : memref<128x128xf32, #tpu.memory_space<vmem>>, vector<1x16xf32>,
          %swap3A_1130 = vector.shape_cast %swap3A_1129 : vector<1x16xf32> to vector<16xf32>
          %swap3A_1131 = vector.shape_cast %mul3A_1126 : vector<16xf32> to vector<1x16xf32>
          tpu.vector_store %arg12[%swap3A_1127, %swap3A_1128], %swap3A_1131 {strides = array<i32>} : memref<128x128xf32, #tpu.memory_space<vmem>>, vector<1x16xf32>,
          %get3A_1132 = arith.index_cast %add3A_1118 : i32 to index
          %get3A_1133 = arith.constant 16 : index
          %get3A_1134 = tpu.vector_load %arg12[%get3A_1132, %get3A_1133] {strides = array<i32>} : memref<128x128xf32, #tpu.memory_space<vmem>>, vector<1x16xf32>,
          %get3A_1135 = vector.shape_cast %get3A_1134 : vector<1x16xf32> to vector<16xf32>
          %mul3A_1136 = vector.broadcast %squeeze3A_1120 : f32 to vector<16xf32>
          %mul3A_1137 = arith.mulf %get3A_1135, %mul3A_1136 : vector<16xf32>
          %swap3A_1138 = arith.index_cast %add3A_1118 : i32 to index
          %swap3A_1139 = arith.constant 16 : index
          %swap3A_1140 = tpu.vector_load %arg12[%swap3A_1138, %swap3A_1139] {strides = array<i32>} : memref<128x128xf32, #tpu.memory_space<vmem>>, vector<1x16xf32>,
          %swap3A_1141 = vector.shape_cast %swap3A_1140 : vector<1x16xf32> to vector<16xf32>
          %swap3A_1142 = vector.shape_cast %mul3A_1137 : vector<16xf32> to vector<1x16xf32>
          tpu.vector_store %arg12[%swap3A_1138, %swap3A_1139], %swap3A_1142 {strides = array<i32>} : memref<128x128xf32, #tpu.memory_space<vmem>>, vector<1x16xf32>,
          %get3A_1143 = arith.index_cast %add3A_1118 : i32 to index
          %get3A_1144 = arith.constant 32 : index
          %get3A_1145 = tpu.vector_load %arg12[%get3A_1143, %get3A_1144] {strides = array<i32>} : memref<128x128xf32, #tpu.memory_space<vmem>>, vector<1x16xf32>,
          %get3A_1146 = vector.shape_cast %get3A_1145 : vector<1x16xf32> to vector<16xf32>
          %mul3A_1147 = vector.broadcast %squeeze3A_1120 : f32 to vector<16xf32>
          %mul3A_1148 = arith.mulf %get3A_1146, %mul3A_1147 : vector<16xf32>
          %swap3A_1149 = arith.index_cast %add3A_1118 : i32 to index
          %swap3A_1150 = arith.constant 32 : index
          %swap3A_1151 = tpu.vector_load %arg12[%swap3A_1149, %swap3A_1150] {strides = array<i32>} : memref<128x128xf32, #tpu.memory_space<vmem>>, vector<1x16xf32>,
          %swap3A_1152 = vector.shape_cast %swap3A_1151 : vector<1x16xf32> to vector<16xf32>
          %swap3A_1153 = vector.shape_cast %mul3A_1148 : vector<16xf32> to vector<1x16xf32>
          tpu.vector_store %arg12[%swap3A_1149, %swap3A_1150], %swap3A_1153 {strides = array<i32>} : memref<128x128xf32, #tpu.memory_space<vmem>>, vector<1x16xf32>,
          %get3A_1154 = arith.index_cast %add3A_1118 : i32 to index
          %get3A_1155 = arith.constant 48 : index
          %get3A_1156 = tpu.vector_load %arg12[%get3A_1154, %get3A_1155] {strides = array<i32>} : memref<128x128xf32, #tpu.memory_space<vmem>>, vector<1x16xf32>,
          %get3A_1157 = vector.shape_cast %get3A_1156 : vector<1x16xf32> to vector<16xf32>
          %mul3A_1158 = vector.broadcast %squeeze3A_1120 : f32 to vector<16xf32>
          %mul3A_1159 = arith.mulf %get3A_1157, %mul3A_1158 : vector<16xf32>
          %swap3A_1160 = arith.index_cast %add3A_1118 : i32 to index
          %swap3A_1161 = arith.constant 48 : index
          %swap3A_1162 = tpu.vector_load %arg12[%swap3A_1160, %swap3A_1161] {strides = array<i32>} : memref<128x128xf32, #tpu.memory_space<vmem>>, vector<1x16xf32>,
          %swap3A_1163 = vector.shape_cast %swap3A_1162 : vector<1x16xf32> to vector<16xf32>
          %swap3A_1164 = vector.shape_cast %mul3A_1159 : vector<16xf32> to vector<1x16xf32>
          tpu.vector_store %arg12[%swap3A_1160, %swap3A_1161], %swap3A_1164 {strides = array<i32>} : memref<128x128xf32, #tpu.memory_space<vmem>>, vector<1x16xf32>,
          %get3A_1165 = arith.index_cast %add3A_1118 : i32 to index
          %get3A_1166 = arith.constant 64 : index
          %get3A_1167 = tpu.vector_load %arg12[%get3A_1165, %get3A_1166] {strides = array<i32>} : memref<128x128xf32, #tpu.memory_space<vmem>>, vector<1x16xf32>,
          %get3A_1168 = vector.shape_cast %get3A_1167 : vector<1x16xf32> to vector<16xf32>
          %mul3A_1169 = vector.broadcast %squeeze3A_1120 : f32 to vector<16xf32>
          %mul3A_1170 = arith.mulf %get3A_1168, %mul3A_1169 : vector<16xf32>
          %swap3A_1171 = arith.index_cast %add3A_1118 : i32 to index
          %swap3A_1172 = arith.constant 64 : index
          %swap3A_1173 = tpu.vector_load %arg12[%swap3A_1171, %swap3A_1172] {strides = array<i32>} : memref<128x128xf32, #tpu.memory_space<vmem>>, vector<1x16xf32>,
          %swap3A_1174 = vector.shape_cast %swap3A_1173 : vector<1x16xf32> to vector<16xf32>
          %swap3A_1175 = vector.shape_cast %mul3A_1170 : vector<16xf32> to vector<1x16xf32>
          tpu.vector_store %arg12[%swap3A_1171, %swap3A_1172], %swap3A_1175 {strides = array<i32>} : memref<128x128xf32, #tpu.memory_space<vmem>>, vector<1x16xf32>,
          %get3A_1176 = arith.index_cast %add3A_1118 : i32 to index
          %get3A_1177 = arith.constant 80 : index
          %get3A_1178 = tpu.vector_load %arg12[%get3A_1176, %get3A_1177] {strides = array<i32>} : memref<128x128xf32, #tpu.memory_space<vmem>>, vector<1x16xf32>,
          %get3A_1179 = vector.shape_cast %get3A_1178 : vector<1x16xf32> to vector<16xf32>
          %mul3A_1180 = vector.broadcast %squeeze3A_1120 : f32 to vector<16xf32>
          %mul3A_1181 = arith.mulf %get3A_1179, %mul3A_1180 : vector<16xf32>
          %swap3A_1182 = arith.index_cast %add3A_1118 : i32 to index
          %swap3A_1183 = arith.constant 80 : index
          %swap3A_1184 = tpu.vector_load %arg12[%swap3A_1182, %swap3A_1183] {strides = array<i32>} : memref<128x128xf32, #tpu.memory_space<vmem>>, vector<1x16xf32>,
          %swap3A_1185 = vector.shape_cast %swap3A_1184 : vector<1x16xf32> to vector<16xf32>
          %swap3A_1186 = vector.shape_cast %mul3A_1181 : vector<16xf32> to vector<1x16xf32>
          tpu.vector_store %arg12[%swap3A_1182, %swap3A_1183], %swap3A_1186 {strides = array<i32>} : memref<128x128xf32, #tpu.memory_space<vmem>>, vector<1x16xf32>,
          %get3A_1187 = arith.index_cast %add3A_1118 : i32 to index
          %get3A_1188 = arith.constant 96 : index
          %get3A_1189 = tpu.vector_load %arg12[%get3A_1187, %get3A_1188] {strides = array<i32>} : memref<128x128xf32, #tpu.memory_space<vmem>>, vector<1x16xf32>,
          %get3A_1190 = vector.shape_cast %get3A_1189 : vector<1x16xf32> to vector<16xf32>
          %mul3A_1191 = vector.broadcast %squeeze3A_1120 : f32 to vector<16xf32>
          %mul3A_1192 = arith.mulf %get3A_1190, %mul3A_1191 : vector<16xf32>
          %swap3A_1193 = arith.index_cast %add3A_1118 : i32 to index
          %swap3A_1194 = arith.constant 96 : index
          %swap3A_1195 = tpu.vector_load %arg12[%swap3A_1193, %swap3A_1194] {strides = array<i32>} : memref<128x128xf32, #tpu.memory_space<vmem>>, vector<1x16xf32>,
          %swap3A_1196 = vector.shape_cast %swap3A_1195 : vector<1x16xf32> to vector<16xf32>
          %swap3A_1197 = vector.shape_cast %mul3A_1192 : vector<16xf32> to vector<1x16xf32>
          tpu.vector_store %arg12[%swap3A_1193, %swap3A_1194], %swap3A_1197 {strides = array<i32>} : memref<128x128xf32, #tpu.memory_space<vmem>>, vector<1x16xf32>,
          %get3A_1198 = arith.index_cast %add3A_1118 : i32 to index
          %get3A_1199 = arith.constant 112 : index
          %get3A_1200 = tpu.vector_load %arg12[%get3A_1198, %get3A_1199] {strides = array<i32>} : memref<128x128xf32, #tpu.memory_space<vmem>>, vector<1x16xf32>,
          %get3A_1201 = vector.shape_cast %get3A_1200 : vector<1x16xf32> to vector<16xf32>
          %mul3A_1202 = vector.broadcast %squeeze3A_1120 : f32 to vector<16xf32>
          %mul3A_1203 = arith.mulf %get3A_1201, %mul3A_1202 : vector<16xf32>
          %swap3A_1204 = arith.index_cast %add3A_1118 : i32 to index
          %swap3A_1205 = arith.constant 112 : index
          %swap3A_1206 = tpu.vector_load %arg12[%swap3A_1204, %swap3A_1205] {strides = array<i32>} : memref<128x128xf32, #tpu.memory_space<vmem>>, vector<1x16xf32>,
          %swap3A_1207 = vector.shape_cast %swap3A_1206 : vector<1x16xf32> to vector<16xf32>
          %swap3A_1208 = vector.shape_cast %mul3A_1203 : vector<16xf32> to vector<1x16xf32>
          tpu.vector_store %arg12[%swap3A_1204, %swap3A_1205], %swap3A_1208 {strides = array<i32>} : memref<128x128xf32, #tpu.memory_space<vmem>>, vector<1x16xf32>,
          %mul3A_1209 = arith.constant 16 : i32
          %mul3A_1210 = arith.muli %scan3A_78, %mul3A_1209 : i32
          %add3A_1211 = arith.constant 12 : i32
          %add3A_1212 = arith.addi %mul3A_1210, %add3A_1211 : i32
          %slice3A_1213 = vector.extract_strided_slice %get3A_83 {offsets = [12], sizes = [1], strides = [1]} : vector<16xf32> to vector<1xf32>
          %squeeze3A_1214 = vector.extract %slice3A_1213[0] : f32 from vector<1xf32>
          %get3A_1215 = arith.index_cast %add3A_1212 : i32 to index
          %get3A_1216 = arith.constant 0 : index
          %get3A_1217 = tpu.vector_load %arg12[%get3A_1215, %get3A_1216] {strides = array<i32>} : memref<128x128xf32, #tpu.memory_space<vmem>>, vector<1x16xf32>,
          %get3A_1218 = vector.shape_cast %get3A_1217 : vector<1x16xf32> to vector<16xf32>
          %mul3A_1219 = vector.broadcast %squeeze3A_1214 : f32 to vector<16xf32>
          %mul3A_1220 = arith.mulf %get3A_1218, %mul3A_1219 : vector<16xf32>
          %swap3A_1221 = arith.index_cast %add3A_1212 : i32 to index
          %swap3A_1222 = arith.constant 0 : index
          %swap3A_1223 = tpu.vector_load %arg12[%swap3A_1221, %swap3A_1222] {strides = array<i32>} : memref<128x128xf32, #tpu.memory_space<vmem>>, vector<1x16xf32>,
          %swap3A_1224 = vector.shape_cast %swap3A_1223 : vector<1x16xf32> to vector<16xf32>
          %swap3A_1225 = vector.shape_cast %mul3A_1220 : vector<16xf32> to vector<1x16xf32>
          tpu.vector_store %arg12[%swap3A_1221, %swap3A_1222], %swap3A_1225 {strides = array<i32>} : memref<128x128xf32, #tpu.memory_space<vmem>>, vector<1x16xf32>,
          %get3A_1226 = arith.index_cast %add3A_1212 : i32 to index
          %get3A_1227 = arith.constant 16 : index
          %get3A_1228 = tpu.vector_load %arg12[%get3A_1226, %get3A_1227] {strides = array<i32>} : memref<128x128xf32, #tpu.memory_space<vmem>>, vector<1x16xf32>,
          %get3A_1229 = vector.shape_cast %get3A_1228 : vector<1x16xf32> to vector<16xf32>
          %mul3A_1230 = vector.broadcast %squeeze3A_1214 : f32 to vector<16xf32>
          %mul3A_1231 = arith.mulf %get3A_1229, %mul3A_1230 : vector<16xf32>
          %swap3A_1232 = arith.index_cast %add3A_1212 : i32 to index
          %swap3A_1233 = arith.constant 16 : index
          %swap3A_1234 = tpu.vector_load %arg12[%swap3A_1232, %swap3A_1233] {strides = array<i32>} : memref<128x128xf32, #tpu.memory_space<vmem>>, vector<1x16xf32>,
          %swap3A_1235 = vector.shape_cast %swap3A_1234 : vector<1x16xf32> to vector<16xf32>
          %swap3A_1236 = vector.shape_cast %mul3A_1231 : vector<16xf32> to vector<1x16xf32>
          tpu.vector_store %arg12[%swap3A_1232, %swap3A_1233], %swap3A_1236 {strides = array<i32>} : memref<128x128xf32, #tpu.memory_space<vmem>>, vector<1x16xf32>,
          %get3A_1237 = arith.index_cast %add3A_1212 : i32 to index
          %get3A_1238 = arith.constant 32 : index
          %get3A_1239 = tpu.vector_load %arg12[%get3A_1237, %get3A_1238] {strides = array<i32>} : memref<128x128xf32, #tpu.memory_space<vmem>>, vector<1x16xf32>,
          %get3A_1240 = vector.shape_cast %get3A_1239 : vector<1x16xf32> to vector<16xf32>
          %mul3A_1241 = vector.broadcast %squeeze3A_1214 : f32 to vector<16xf32>
          %mul3A_1242 = arith.mulf %get3A_1240, %mul3A_1241 : vector<16xf32>
          %swap3A_1243 = arith.index_cast %add3A_1212 : i32 to index
          %swap3A_1244 = arith.constant 32 : index
          %swap3A_1245 = tpu.vector_load %arg12[%swap3A_1243, %swap3A_1244] {strides = array<i32>} : memref<128x128xf32, #tpu.memory_space<vmem>>, vector<1x16xf32>,
          %swap3A_1246 = vector.shape_cast %swap3A_1245 : vector<1x16xf32> to vector<16xf32>
          %swap3A_1247 = vector.shape_cast %mul3A_1242 : vector<16xf32> to vector<1x16xf32>
          tpu.vector_store %arg12[%swap3A_1243, %swap3A_1244], %swap3A_1247 {strides = array<i32>} : memref<128x128xf32, #tpu.memory_space<vmem>>, vector<1x16xf32>,
          %get3A_1248 = arith.index_cast %add3A_1212 : i32 to index
          %get3A_1249 = arith.constant 48 : index
          %get3A_1250 = tpu.vector_load %arg12[%get3A_1248, %get3A_1249] {strides = array<i32>} : memref<128x128xf32, #tpu.memory_space<vmem>>, vector<1x16xf32>,
          %get3A_1251 = vector.shape_cast %get3A_1250 : vector<1x16xf32> to vector<16xf32>
          %mul3A_1252 = vector.broadcast %squeeze3A_1214 : f32 to vector<16xf32>
          %mul3A_1253 = arith.mulf %get3A_1251, %mul3A_1252 : vector<16xf32>
          %swap3A_1254 = arith.index_cast %add3A_1212 : i32 to index
          %swap3A_1255 = arith.constant 48 : index
          %swap3A_1256 = tpu.vector_load %arg12[%swap3A_1254, %swap3A_1255] {strides = array<i32>} : memref<128x128xf32, #tpu.memory_space<vmem>>, vector<1x16xf32>,
          %swap3A_1257 = vector.shape_cast %swap3A_1256 : vector<1x16xf32> to vector<16xf32>
          %swap3A_1258 = vector.shape_cast %mul3A_1253 : vector<16xf32> to vector<1x16xf32>
          tpu.vector_store %arg12[%swap3A_1254, %swap3A_1255], %swap3A_1258 {strides = array<i32>} : memref<128x128xf32, #tpu.memory_space<vmem>>, vector<1x16xf32>,
          %get3A_1259 = arith.index_cast %add3A_1212 : i32 to index
          %get3A_1260 = arith.constant 64 : index
          %get3A_1261 = tpu.vector_load %arg12[%get3A_1259, %get3A_1260] {strides = array<i32>} : memref<128x128xf32, #tpu.memory_space<vmem>>, vector<1x16xf32>,
          %get3A_1262 = vector.shape_cast %get3A_1261 : vector<1x16xf32> to vector<16xf32>
          %mul3A_1263 = vector.broadcast %squeeze3A_1214 : f32 to vector<16xf32>
          %mul3A_1264 = arith.mulf %get3A_1262, %mul3A_1263 : vector<16xf32>
          %swap3A_1265 = arith.index_cast %add3A_1212 : i32 to index
          %swap3A_1266 = arith.constant 64 : index
          %swap3A_1267 = tpu.vector_load %arg12[%swap3A_1265, %swap3A_1266] {strides = array<i32>} : memref<128x128xf32, #tpu.memory_space<vmem>>, vector<1x16xf32>,
          %swap3A_1268 = vector.shape_cast %swap3A_1267 : vector<1x16xf32> to vector<16xf32>
          %swap3A_1269 = vector.shape_cast %mul3A_1264 : vector<16xf32> to vector<1x16xf32>
          tpu.vector_store %arg12[%swap3A_1265, %swap3A_1266], %swap3A_1269 {strides = array<i32>} : memref<128x128xf32, #tpu.memory_space<vmem>>, vector<1x16xf32>,
          %get3A_1270 = arith.index_cast %add3A_1212 : i32 to index
          %get3A_1271 = arith.constant 80 : index
          %get3A_1272 = tpu.vector_load %arg12[%get3A_1270, %get3A_1271] {strides = array<i32>} : memref<128x128xf32, #tpu.memory_space<vmem>>, vector<1x16xf32>,
          %get3A_1273 = vector.shape_cast %get3A_1272 : vector<1x16xf32> to vector<16xf32>
          %mul3A_1274 = vector.broadcast %squeeze3A_1214 : f32 to vector<16xf32>
          %mul3A_1275 = arith.mulf %get3A_1273, %mul3A_1274 : vector<16xf32>
          %swap3A_1276 = arith.index_cast %add3A_1212 : i32 to index
          %swap3A_1277 = arith.constant 80 : index
          %swap3A_1278 = tpu.vector_load %arg12[%swap3A_1276, %swap3A_1277] {strides = array<i32>} : memref<128x128xf32, #tpu.memory_space<vmem>>, vector<1x16xf32>,
          %swap3A_1279 = vector.shape_cast %swap3A_1278 : vector<1x16xf32> to vector<16xf32>
          %swap3A_1280 = vector.shape_cast %mul3A_1275 : vector<16xf32> to vector<1x16xf32>
          tpu.vector_store %arg12[%swap3A_1276, %swap3A_1277], %swap3A_1280 {strides = array<i32>} : memref<128x128xf32, #tpu.memory_space<vmem>>, vector<1x16xf32>,
          %get3A_1281 = arith.index_cast %add3A_1212 : i32 to index
          %get3A_1282 = arith.constant 96 : index
          %get3A_1283 = tpu.vector_load %arg12[%get3A_1281, %get3A_1282] {strides = array<i32>} : memref<128x128xf32, #tpu.memory_space<vmem>>, vector<1x16xf32>,
          %get3A_1284 = vector.shape_cast %get3A_1283 : vector<1x16xf32> to vector<16xf32>
          %mul3A_1285 = vector.broadcast %squeeze3A_1214 : f32 to vector<16xf32>
          %mul3A_1286 = arith.mulf %get3A_1284, %mul3A_1285 : vector<16xf32>
          %swap3A_1287 = arith.index_cast %add3A_1212 : i32 to index
          %swap3A_1288 = arith.constant 96 : index
          %swap3A_1289 = tpu.vector_load %arg12[%swap3A_1287, %swap3A_1288] {strides = array<i32>} : memref<128x128xf32, #tpu.memory_space<vmem>>, vector<1x16xf32>,
          %swap3A_1290 = vector.shape_cast %swap3A_1289 : vector<1x16xf32> to vector<16xf32>
          %swap3A_1291 = vector.shape_cast %mul3A_1286 : vector<16xf32> to vector<1x16xf32>
          tpu.vector_store %arg12[%swap3A_1287, %swap3A_1288], %swap3A_1291 {strides = array<i32>} : memref<128x128xf32, #tpu.memory_space<vmem>>, vector<1x16xf32>,
          %get3A_1292 = arith.index_cast %add3A_1212 : i32 to index
          %get3A_1293 = arith.constant 112 : index
          %get3A_1294 = tpu.vector_load %arg12[%get3A_1292, %get3A_1293] {strides = array<i32>} : memref<128x128xf32, #tpu.memory_space<vmem>>, vector<1x16xf32>,
          %get3A_1295 = vector.shape_cast %get3A_1294 : vector<1x16xf32> to vector<16xf32>
          %mul3A_1296 = vector.broadcast %squeeze3A_1214 : f32 to vector<16xf32>
          %mul3A_1297 = arith.mulf %get3A_1295, %mul3A_1296 : vector<16xf32>
          %swap3A_1298 = arith.index_cast %add3A_1212 : i32 to index
          %swap3A_1299 = arith.constant 112 : index
          %swap3A_1300 = tpu.vector_load %arg12[%swap3A_1298, %swap3A_1299] {strides = array<i32>} : memref<128x128xf32, #tpu.memory_space<vmem>>, vector<1x16xf32>,
          %swap3A_1301 = vector.shape_cast %swap3A_1300 : vector<1x16xf32> to vector<16xf32>
          %swap3A_1302 = vector.shape_cast %mul3A_1297 : vector<16xf32> to vector<1x16xf32>
          tpu.vector_store %arg12[%swap3A_1298, %swap3A_1299], %swap3A_1302 {strides = array<i32>} : memref<128x128xf32, #tpu.memory_space<vmem>>, vector<1x16xf32>,
          %mul3A_1303 = arith.constant 16 : i32
          %mul3A_1304 = arith.muli %scan3A_78, %mul3A_1303 : i32
          %add3A_1305 = arith.constant 13 : i32
          %add3A_1306 = arith.addi %mul3A_1304, %add3A_1305 : i32
          %slice3A_1307 = vector.extract_strided_slice %get3A_83 {offsets = [13], sizes = [1], strides = [1]} : vector<16xf32> to vector<1xf32>
          %squeeze3A_1308 = vector.extract %slice3A_1307[0] : f32 from vector<1xf32>
          %get3A_1309 = arith.index_cast %add3A_1306 : i32 to index
          %get3A_1310 = arith.constant 0 : index
          %get3A_1311 = tpu.vector_load %arg12[%get3A_1309, %get3A_1310] {strides = array<i32>} : memref<128x128xf32, #tpu.memory_space<vmem>>, vector<1x16xf32>,
          %get3A_1312 = vector.shape_cast %get3A_1311 : vector<1x16xf32> to vector<16xf32>
          %mul3A_1313 = vector.broadcast %squeeze3A_1308 : f32 to vector<16xf32>
          %mul3A_1314 = arith.mulf %get3A_1312, %mul3A_1313 : vector<16xf32>
          %swap3A_1315 = arith.index_cast %add3A_1306 : i32 to index
          %swap3A_1316 = arith.constant 0 : index
          %swap3A_1317 = tpu.vector_load %arg12[%swap3A_1315, %swap3A_1316] {strides = array<i32>} : memref<128x128xf32, #tpu.memory_space<vmem>>, vector<1x16xf32>,
          %swap3A_1318 = vector.shape_cast %swap3A_1317 : vector<1x16xf32> to vector<16xf32>
          %swap3A_1319 = vector.shape_cast %mul3A_1314 : vector<16xf32> to vector<1x16xf32>
          tpu.vector_store %arg12[%swap3A_1315, %swap3A_1316], %swap3A_1319 {strides = array<i32>} : memref<128x128xf32, #tpu.memory_space<vmem>>, vector<1x16xf32>,
          %get3A_1320 = arith.index_cast %add3A_1306 : i32 to index
          %get3A_1321 = arith.constant 16 : index
          %get3A_1322 = tpu.vector_load %arg12[%get3A_1320, %get3A_1321] {strides = array<i32>} : memref<128x128xf32, #tpu.memory_space<vmem>>, vector<1x16xf32>,
          %get3A_1323 = vector.shape_cast %get3A_1322 : vector<1x16xf32> to vector<16xf32>
          %mul3A_1324 = vector.broadcast %squeeze3A_1308 : f32 to vector<16xf32>
          %mul3A_1325 = arith.mulf %get3A_1323, %mul3A_1324 : vector<16xf32>
          %swap3A_1326 = arith.index_cast %add3A_1306 : i32 to index
          %swap3A_1327 = arith.constant 16 : index
          %swap3A_1328 = tpu.vector_load %arg12[%swap3A_1326, %swap3A_1327] {strides = array<i32>} : memref<128x128xf32, #tpu.memory_space<vmem>>, vector<1x16xf32>,
          %swap3A_1329 = vector.shape_cast %swap3A_1328 : vector<1x16xf32> to vector<16xf32>
          %swap3A_1330 = vector.shape_cast %mul3A_1325 : vector<16xf32> to vector<1x16xf32>
          tpu.vector_store %arg12[%swap3A_1326, %swap3A_1327], %swap3A_1330 {strides = array<i32>} : memref<128x128xf32, #tpu.memory_space<vmem>>, vector<1x16xf32>,
          %get3A_1331 = arith.index_cast %add3A_1306 : i32 to index
          %get3A_1332 = arith.constant 32 : index
          %get3A_1333 = tpu.vector_load %arg12[%get3A_1331, %get3A_1332] {strides = array<i32>} : memref<128x128xf32, #tpu.memory_space<vmem>>, vector<1x16xf32>,
          %get3A_1334 = vector.shape_cast %get3A_1333 : vector<1x16xf32> to vector<16xf32>
          %mul3A_1335 = vector.broadcast %squeeze3A_1308 : f32 to vector<16xf32>
          %mul3A_1336 = arith.mulf %get3A_1334, %mul3A_1335 : vector<16xf32>
          %swap3A_1337 = arith.index_cast %add3A_1306 : i32 to index
          %swap3A_1338 = arith.constant 32 : index
          %swap3A_1339 = tpu.vector_load %arg12[%swap3A_1337, %swap3A_1338] {strides = array<i32>} : memref<128x128xf32, #tpu.memory_space<vmem>>, vector<1x16xf32>,
          %swap3A_1340 = vector.shape_cast %swap3A_1339 : vector<1x16xf32> to vector<16xf32>
          %swap3A_1341 = vector.shape_cast %mul3A_1336 : vector<16xf32> to vector<1x16xf32>
          tpu.vector_store %arg12[%swap3A_1337, %swap3A_1338], %swap3A_1341 {strides = array<i32>} : memref<128x128xf32, #tpu.memory_space<vmem>>, vector<1x16xf32>,
          %get3A_1342 = arith.index_cast %add3A_1306 : i32 to index
          %get3A_1343 = arith.constant 48 : index
          %get3A_1344 = tpu.vector_load %arg12[%get3A_1342, %get3A_1343] {strides = array<i32>} : memref<128x128xf32, #tpu.memory_space<vmem>>, vector<1x16xf32>,
          %get3A_1345 = vector.shape_cast %get3A_1344 : vector<1x16xf32> to vector<16xf32>
          %mul3A_1346 = vector.broadcast %squeeze3A_1308 : f32 to vector<16xf32>
          %mul3A_1347 = arith.mulf %get3A_1345, %mul3A_1346 : vector<16xf32>
          %swap3A_1348 = arith.index_cast %add3A_1306 : i32 to index
          %swap3A_1349 = arith.constant 48 : index
          %swap3A_1350 = tpu.vector_load %arg12[%swap3A_1348, %swap3A_1349] {strides = array<i32>} : memref<128x128xf32, #tpu.memory_space<vmem>>, vector<1x16xf32>,
          %swap3A_1351 = vector.shape_cast %swap3A_1350 : vector<1x16xf32> to vector<16xf32>
          %swap3A_1352 = vector.shape_cast %mul3A_1347 : vector<16xf32> to vector<1x16xf32>
          tpu.vector_store %arg12[%swap3A_1348, %swap3A_1349], %swap3A_1352 {strides = array<i32>} : memref<128x128xf32, #tpu.memory_space<vmem>>, vector<1x16xf32>,
          %get3A_1353 = arith.index_cast %add3A_1306 : i32 to index
          %get3A_1354 = arith.constant 64 : index
          %get3A_1355 = tpu.vector_load %arg12[%get3A_1353, %get3A_1354] {strides = array<i32>} : memref<128x128xf32, #tpu.memory_space<vmem>>, vector<1x16xf32>,
          %get3A_1356 = vector.shape_cast %get3A_1355 : vector<1x16xf32> to vector<16xf32>
          %mul3A_1357 = vector.broadcast %squeeze3A_1308 : f32 to vector<16xf32>
          %mul3A_1358 = arith.mulf %get3A_1356, %mul3A_1357 : vector<16xf32>
          %swap3A_1359 = arith.index_cast %add3A_1306 : i32 to index
          %swap3A_1360 = arith.constant 64 : index
          %swap3A_1361 = tpu.vector_load %arg12[%swap3A_1359, %swap3A_1360] {strides = array<i32>} : memref<128x128xf32, #tpu.memory_space<vmem>>, vector<1x16xf32>,
          %swap3A_1362 = vector.shape_cast %swap3A_1361 : vector<1x16xf32> to vector<16xf32>
          %swap3A_1363 = vector.shape_cast %mul3A_1358 : vector<16xf32> to vector<1x16xf32>
          tpu.vector_store %arg12[%swap3A_1359, %swap3A_1360], %swap3A_1363 {strides = array<i32>} : memref<128x128xf32, #tpu.memory_space<vmem>>, vector<1x16xf32>,
          %get3A_1364 = arith.index_cast %add3A_1306 : i32 to index
          %get3A_1365 = arith.constant 80 : index
          %get3A_1366 = tpu.vector_load %arg12[%get3A_1364, %get3A_1365] {strides = array<i32>} : memref<128x128xf32, #tpu.memory_space<vmem>>, vector<1x16xf32>,
          %get3A_1367 = vector.shape_cast %get3A_1366 : vector<1x16xf32> to vector<16xf32>
          %mul3A_1368 = vector.broadcast %squeeze3A_1308 : f32 to vector<16xf32>
          %mul3A_1369 = arith.mulf %get3A_1367, %mul3A_1368 : vector<16xf32>
          %swap3A_1370 = arith.index_cast %add3A_1306 : i32 to index
          %swap3A_1371 = arith.constant 80 : index
          %swap3A_1372 = tpu.vector_load %arg12[%swap3A_1370, %swap3A_1371] {strides = array<i32>} : memref<128x128xf32, #tpu.memory_space<vmem>>, vector<1x16xf32>,
          %swap3A_1373 = vector.shape_cast %swap3A_1372 : vector<1x16xf32> to vector<16xf32>
          %swap3A_1374 = vector.shape_cast %mul3A_1369 : vector<16xf32> to vector<1x16xf32>
          tpu.vector_store %arg12[%swap3A_1370, %swap3A_1371], %swap3A_1374 {strides = array<i32>} : memref<128x128xf32, #tpu.memory_space<vmem>>, vector<1x16xf32>,
          %get3A_1375 = arith.index_cast %add3A_1306 : i32 to index
          %get3A_1376 = arith.constant 96 : index
          %get3A_1377 = tpu.vector_load %arg12[%get3A_1375, %get3A_1376] {strides = array<i32>} : memref<128x128xf32, #tpu.memory_space<vmem>>, vector<1x16xf32>,
          %get3A_1378 = vector.shape_cast %get3A_1377 : vector<1x16xf32> to vector<16xf32>
          %mul3A_1379 = vector.broadcast %squeeze3A_1308 : f32 to vector<16xf32>
          %mul3A_1380 = arith.mulf %get3A_1378, %mul3A_1379 : vector<16xf32>
          %swap3A_1381 = arith.index_cast %add3A_1306 : i32 to index
          %swap3A_1382 = arith.constant 96 : index
          %swap3A_1383 = tpu.vector_load %arg12[%swap3A_1381, %swap3A_1382] {strides = array<i32>} : memref<128x128xf32, #tpu.memory_space<vmem>>, vector<1x16xf32>,
          %swap3A_1384 = vector.shape_cast %swap3A_1383 : vector<1x16xf32> to vector<16xf32>
          %swap3A_1385 = vector.shape_cast %mul3A_1380 : vector<16xf32> to vector<1x16xf32>
          tpu.vector_store %arg12[%swap3A_1381, %swap3A_1382], %swap3A_1385 {strides = array<i32>} : memref<128x128xf32, #tpu.memory_space<vmem>>, vector<1x16xf32>,
          %get3A_1386 = arith.index_cast %add3A_1306 : i32 to index
          %get3A_1387 = arith.constant 112 : index
          %get3A_1388 = tpu.vector_load %arg12[%get3A_1386, %get3A_1387] {strides = array<i32>} : memref<128x128xf32, #tpu.memory_space<vmem>>, vector<1x16xf32>,
          %get3A_1389 = vector.shape_cast %get3A_1388 : vector<1x16xf32> to vector<16xf32>
          %mul3A_1390 = vector.broadcast %squeeze3A_1308 : f32 to vector<16xf32>
          %mul3A_1391 = arith.mulf %get3A_1389, %mul3A_1390 : vector<16xf32>
          %swap3A_1392 = arith.index_cast %add3A_1306 : i32 to index
          %swap3A_1393 = arith.constant 112 : index
          %swap3A_1394 = tpu.vector_load %arg12[%swap3A_1392, %swap3A_1393] {strides = array<i32>} : memref<128x128xf32, #tpu.memory_space<vmem>>, vector<1x16xf32>,
          %swap3A_1395 = vector.shape_cast %swap3A_1394 : vector<1x16xf32> to vector<16xf32>
          %swap3A_1396 = vector.shape_cast %mul3A_1391 : vector<16xf32> to vector<1x16xf32>
          tpu.vector_store %arg12[%swap3A_1392, %swap3A_1393], %swap3A_1396 {strides = array<i32>} : memref<128x128xf32, #tpu.memory_space<vmem>>, vector<1x16xf32>,
          %mul3A_1397 = arith.constant 16 : i32
          %mul3A_1398 = arith.muli %scan3A_78, %mul3A_1397 : i32
          %add3A_1399 = arith.constant 14 : i32
          %add3A_1400 = arith.addi %mul3A_1398, %add3A_1399 : i32
          %slice3A_1401 = vector.extract_strided_slice %get3A_83 {offsets = [14], sizes = [1], strides = [1]} : vector<16xf32> to vector<1xf32>
          %squeeze3A_1402 = vector.extract %slice3A_1401[0] : f32 from vector<1xf32>
          %get3A_1403 = arith.index_cast %add3A_1400 : i32 to index
          %get3A_1404 = arith.constant 0 : index
          %get3A_1405 = tpu.vector_load %arg12[%get3A_1403, %get3A_1404] {strides = array<i32>} : memref<128x128xf32, #tpu.memory_space<vmem>>, vector<1x16xf32>,
          %get3A_1406 = vector.shape_cast %get3A_1405 : vector<1x16xf32> to vector<16xf32>
          %mul3A_1407 = vector.broadcast %squeeze3A_1402 : f32 to vector<16xf32>
          %mul3A_1408 = arith.mulf %get3A_1406, %mul3A_1407 : vector<16xf32>
          %swap3A_1409 = arith.index_cast %add3A_1400 : i32 to index
          %swap3A_1410 = arith.constant 0 : index
          %swap3A_1411 = tpu.vector_load %arg12[%swap3A_1409, %swap3A_1410] {strides = array<i32>} : memref<128x128xf32, #tpu.memory_space<vmem>>, vector<1x16xf32>,
          %swap3A_1412 = vector.shape_cast %swap3A_1411 : vector<1x16xf32> to vector<16xf32>
          %swap3A_1413 = vector.shape_cast %mul3A_1408 : vector<16xf32> to vector<1x16xf32>
          tpu.vector_store %arg12[%swap3A_1409, %swap3A_1410], %swap3A_1413 {strides = array<i32>} : memref<128x128xf32, #tpu.memory_space<vmem>>, vector<1x16xf32>,
          %get3A_1414 = arith.index_cast %add3A_1400 : i32 to index
          %get3A_1415 = arith.constant 16 : index
          %get3A_1416 = tpu.vector_load %arg12[%get3A_1414, %get3A_1415] {strides = array<i32>} : memref<128x128xf32, #tpu.memory_space<vmem>>, vector<1x16xf32>,
          %get3A_1417 = vector.shape_cast %get3A_1416 : vector<1x16xf32> to vector<16xf32>
          %mul3A_1418 = vector.broadcast %squeeze3A_1402 : f32 to vector<16xf32>
          %mul3A_1419 = arith.mulf %get3A_1417, %mul3A_1418 : vector<16xf32>
          %swap3A_1420 = arith.index_cast %add3A_1400 : i32 to index
          %swap3A_1421 = arith.constant 16 : index
          %swap3A_1422 = tpu.vector_load %arg12[%swap3A_1420, %swap3A_1421] {strides = array<i32>} : memref<128x128xf32, #tpu.memory_space<vmem>>, vector<1x16xf32>,
          %swap3A_1423 = vector.shape_cast %swap3A_1422 : vector<1x16xf32> to vector<16xf32>
          %swap3A_1424 = vector.shape_cast %mul3A_1419 : vector<16xf32> to vector<1x16xf32>
          tpu.vector_store %arg12[%swap3A_1420, %swap3A_1421], %swap3A_1424 {strides = array<i32>} : memref<128x128xf32, #tpu.memory_space<vmem>>, vector<1x16xf32>,
          %get3A_1425 = arith.index_cast %add3A_1400 : i32 to index
          %get3A_1426 = arith.constant 32 : index
          %get3A_1427 = tpu.vector_load %arg12[%get3A_1425, %get3A_1426] {strides = array<i32>} : memref<128x128xf32, #tpu.memory_space<vmem>>, vector<1x16xf32>,
          %get3A_1428 = vector.shape_cast %get3A_1427 : vector<1x16xf32> to vector<16xf32>
          %mul3A_1429 = vector.broadcast %squeeze3A_1402 : f32 to vector<16xf32>
          %mul3A_1430 = arith.mulf %get3A_1428, %mul3A_1429 : vector<16xf32>
          %swap3A_1431 = arith.index_cast %add3A_1400 : i32 to index
          %swap3A_1432 = arith.constant 32 : index
          %swap3A_1433 = tpu.vector_load %arg12[%swap3A_1431, %swap3A_1432] {strides = array<i32>} : memref<128x128xf32, #tpu.memory_space<vmem>>, vector<1x16xf32>,
          %swap3A_1434 = vector.shape_cast %swap3A_1433 : vector<1x16xf32> to vector<16xf32>
          %swap3A_1435 = vector.shape_cast %mul3A_1430 : vector<16xf32> to vector<1x16xf32>
          tpu.vector_store %arg12[%swap3A_1431, %swap3A_1432], %swap3A_1435 {strides = array<i32>} : memref<128x128xf32, #tpu.memory_space<vmem>>, vector<1x16xf32>,
          %get3A_1436 = arith.index_cast %add3A_1400 : i32 to index
          %get3A_1437 = arith.constant 48 : index
          %get3A_1438 = tpu.vector_load %arg12[%get3A_1436, %get3A_1437] {strides = array<i32>} : memref<128x128xf32, #tpu.memory_space<vmem>>, vector<1x16xf32>,
          %get3A_1439 = vector.shape_cast %get3A_1438 : vector<1x16xf32> to vector<16xf32>
          %mul3A_1440 = vector.broadcast %squeeze3A_1402 : f32 to vector<16xf32>
          %mul3A_1441 = arith.mulf %get3A_1439, %mul3A_1440 : vector<16xf32>
          %swap3A_1442 = arith.index_cast %add3A_1400 : i32 to index
          %swap3A_1443 = arith.constant 48 : index
          %swap3A_1444 = tpu.vector_load %arg12[%swap3A_1442, %swap3A_1443] {strides = array<i32>} : memref<128x128xf32, #tpu.memory_space<vmem>>, vector<1x16xf32>,
          %swap3A_1445 = vector.shape_cast %swap3A_1444 : vector<1x16xf32> to vector<16xf32>
          %swap3A_1446 = vector.shape_cast %mul3A_1441 : vector<16xf32> to vector<1x16xf32>
          tpu.vector_store %arg12[%swap3A_1442, %swap3A_1443], %swap3A_1446 {strides = array<i32>} : memref<128x128xf32, #tpu.memory_space<vmem>>, vector<1x16xf32>,
          %get3A_1447 = arith.index_cast %add3A_1400 : i32 to index
          %get3A_1448 = arith.constant 64 : index
          %get3A_1449 = tpu.vector_load %arg12[%get3A_1447, %get3A_1448] {strides = array<i32>} : memref<128x128xf32, #tpu.memory_space<vmem>>, vector<1x16xf32>,
          %get3A_1450 = vector.shape_cast %get3A_1449 : vector<1x16xf32> to vector<16xf32>
          %mul3A_1451 = vector.broadcast %squeeze3A_1402 : f32 to vector<16xf32>
          %mul3A_1452 = arith.mulf %get3A_1450, %mul3A_1451 : vector<16xf32>
          %swap3A_1453 = arith.index_cast %add3A_1400 : i32 to index
          %swap3A_1454 = arith.constant 64 : index
          %swap3A_1455 = tpu.vector_load %arg12[%swap3A_1453, %swap3A_1454] {strides = array<i32>} : memref<128x128xf32, #tpu.memory_space<vmem>>, vector<1x16xf32>,
          %swap3A_1456 = vector.shape_cast %swap3A_1455 : vector<1x16xf32> to vector<16xf32>
          %swap3A_1457 = vector.shape_cast %mul3A_1452 : vector<16xf32> to vector<1x16xf32>
          tpu.vector_store %arg12[%swap3A_1453, %swap3A_1454], %swap3A_1457 {strides = array<i32>} : memref<128x128xf32, #tpu.memory_space<vmem>>, vector<1x16xf32>,
          %get3A_1458 = arith.index_cast %add3A_1400 : i32 to index
          %get3A_1459 = arith.constant 80 : index
          %get3A_1460 = tpu.vector_load %arg12[%get3A_1458, %get3A_1459] {strides = array<i32>} : memref<128x128xf32, #tpu.memory_space<vmem>>, vector<1x16xf32>,
          %get3A_1461 = vector.shape_cast %get3A_1460 : vector<1x16xf32> to vector<16xf32>
          %mul3A_1462 = vector.broadcast %squeeze3A_1402 : f32 to vector<16xf32>
          %mul3A_1463 = arith.mulf %get3A_1461, %mul3A_1462 : vector<16xf32>
          %swap3A_1464 = arith.index_cast %add3A_1400 : i32 to index
          %swap3A_1465 = arith.constant 80 : index
          %swap3A_1466 = tpu.vector_load %arg12[%swap3A_1464, %swap3A_1465] {strides = array<i32>} : memref<128x128xf32, #tpu.memory_space<vmem>>, vector<1x16xf32>,
          %swap3A_1467 = vector.shape_cast %swap3A_1466 : vector<1x16xf32> to vector<16xf32>
          %swap3A_1468 = vector.shape_cast %mul3A_1463 : vector<16xf32> to vector<1x16xf32>
          tpu.vector_store %arg12[%swap3A_1464, %swap3A_1465], %swap3A_1468 {strides = array<i32>} : memref<128x128xf32, #tpu.memory_space<vmem>>, vector<1x16xf32>,
          %get3A_1469 = arith.index_cast %add3A_1400 : i32 to index
          %get3A_1470 = arith.constant 96 : index
          %get3A_1471 = tpu.vector_load %arg12[%get3A_1469, %get3A_1470] {strides = array<i32>} : memref<128x128xf32, #tpu.memory_space<vmem>>, vector<1x16xf32>,
          %get3A_1472 = vector.shape_cast %get3A_1471 : vector<1x16xf32> to vector<16xf32>
          %mul3A_1473 = vector.broadcast %squeeze3A_1402 : f32 to vector<16xf32>
          %mul3A_1474 = arith.mulf %get3A_1472, %mul3A_1473 : vector<16xf32>
          %swap3A_1475 = arith.index_cast %add3A_1400 : i32 to index
          %swap3A_1476 = arith.constant 96 : index
          %swap3A_1477 = tpu.vector_load %arg12[%swap3A_1475, %swap3A_1476] {strides = array<i32>} : memref<128x128xf32, #tpu.memory_space<vmem>>, vector<1x16xf32>,
          %swap3A_1478 = vector.shape_cast %swap3A_1477 : vector<1x16xf32> to vector<16xf32>
          %swap3A_1479 = vector.shape_cast %mul3A_1474 : vector<16xf32> to vector<1x16xf32>
          tpu.vector_store %arg12[%swap3A_1475, %swap3A_1476], %swap3A_1479 {strides = array<i32>} : memref<128x128xf32, #tpu.memory_space<vmem>>, vector<1x16xf32>,
          %get3A_1480 = arith.index_cast %add3A_1400 : i32 to index
          %get3A_1481 = arith.constant 112 : index
          %get3A_1482 = tpu.vector_load %arg12[%get3A_1480, %get3A_1481] {strides = array<i32>} : memref<128x128xf32, #tpu.memory_space<vmem>>, vector<1x16xf32>,
          %get3A_1483 = vector.shape_cast %get3A_1482 : vector<1x16xf32> to vector<16xf32>
          %mul3A_1484 = vector.broadcast %squeeze3A_1402 : f32 to vector<16xf32>
          %mul3A_1485 = arith.mulf %get3A_1483, %mul3A_1484 : vector<16xf32>
          %swap3A_1486 = arith.index_cast %add3A_1400 : i32 to index
          %swap3A_1487 = arith.constant 112 : index
          %swap3A_1488 = tpu.vector_load %arg12[%swap3A_1486, %swap3A_1487] {strides = array<i32>} : memref<128x128xf32, #tpu.memory_space<vmem>>, vector<1x16xf32>,
          %swap3A_1489 = vector.shape_cast %swap3A_1488 : vector<1x16xf32> to vector<16xf32>
          %swap3A_1490 = vector.shape_cast %mul3A_1485 : vector<16xf32> to vector<1x16xf32>
          tpu.vector_store %arg12[%swap3A_1486, %swap3A_1487], %swap3A_1490 {strides = array<i32>} : memref<128x128xf32, #tpu.memory_space<vmem>>, vector<1x16xf32>,
          %mul3A_1491 = arith.constant 16 : i32
          %mul3A_1492 = arith.muli %scan3A_78, %mul3A_1491 : i32
          %add3A_1493 = arith.constant 15 : i32
          %add3A_1494 = arith.addi %mul3A_1492, %add3A_1493 : i32
          %slice3A_1495 = vector.extract_strided_slice %get3A_83 {offsets = [15], sizes = [1], strides = [1]} : vector<16xf32> to vector<1xf32>
          %squeeze3A_1496 = vector.extract %slice3A_1495[0] : f32 from vector<1xf32>
          %get3A_1497 = arith.index_cast %add3A_1494 : i32 to index
          %get3A_1498 = arith.constant 0 : index
          %get3A_1499 = tpu.vector_load %arg12[%get3A_1497, %get3A_1498] {strides = array<i32>} : memref<128x128xf32, #tpu.memory_space<vmem>>, vector<1x16xf32>,
          %get3A_1500 = vector.shape_cast %get3A_1499 : vector<1x16xf32> to vector<16xf32>
          %mul3A_1501 = vector.broadcast %squeeze3A_1496 : f32 to vector<16xf32>
          %mul3A_1502 = arith.mulf %get3A_1500, %mul3A_1501 : vector<16xf32>
          %swap3A_1503 = arith.index_cast %add3A_1494 : i32 to index
          %swap3A_1504 = arith.constant 0 : index
          %swap3A_1505 = tpu.vector_load %arg12[%swap3A_1503, %swap3A_1504] {strides = array<i32>} : memref<128x128xf32, #tpu.memory_space<vmem>>, vector<1x16xf32>,
          %swap3A_1506 = vector.shape_cast %swap3A_1505 : vector<1x16xf32> to vector<16xf32>
          %swap3A_1507 = vector.shape_cast %mul3A_1502 : vector<16xf32> to vector<1x16xf32>
          tpu.vector_store %arg12[%swap3A_1503, %swap3A_1504], %swap3A_1507 {strides = array<i32>} : memref<128x128xf32, #tpu.memory_space<vmem>>, vector<1x16xf32>,
          %get3A_1508 = arith.index_cast %add3A_1494 : i32 to index
          %get3A_1509 = arith.constant 16 : index
          %get3A_1510 = tpu.vector_load %arg12[%get3A_1508, %get3A_1509] {strides = array<i32>} : memref<128x128xf32, #tpu.memory_space<vmem>>, vector<1x16xf32>,
          %get3A_1511 = vector.shape_cast %get3A_1510 : vector<1x16xf32> to vector<16xf32>
          %mul3A_1512 = vector.broadcast %squeeze3A_1496 : f32 to vector<16xf32>
          %mul3A_1513 = arith.mulf %get3A_1511, %mul3A_1512 : vector<16xf32>
          %swap3A_1514 = arith.index_cast %add3A_1494 : i32 to index
          %swap3A_1515 = arith.constant 16 : index
          %swap3A_1516 = tpu.vector_load %arg12[%swap3A_1514, %swap3A_1515] {strides = array<i32>} : memref<128x128xf32, #tpu.memory_space<vmem>>, vector<1x16xf32>,
          %swap3A_1517 = vector.shape_cast %swap3A_1516 : vector<1x16xf32> to vector<16xf32>
          %swap3A_1518 = vector.shape_cast %mul3A_1513 : vector<16xf32> to vector<1x16xf32>
          tpu.vector_store %arg12[%swap3A_1514, %swap3A_1515], %swap3A_1518 {strides = array<i32>} : memref<128x128xf32, #tpu.memory_space<vmem>>, vector<1x16xf32>,
          %get3A_1519 = arith.index_cast %add3A_1494 : i32 to index
          %get3A_1520 = arith.constant 32 : index
          %get3A_1521 = tpu.vector_load %arg12[%get3A_1519, %get3A_1520] {strides = array<i32>} : memref<128x128xf32, #tpu.memory_space<vmem>>, vector<1x16xf32>,
          %get3A_1522 = vector.shape_cast %get3A_1521 : vector<1x16xf32> to vector<16xf32>
          %mul3A_1523 = vector.broadcast %squeeze3A_1496 : f32 to vector<16xf32>
          %mul3A_1524 = arith.mulf %get3A_1522, %mul3A_1523 : vector<16xf32>
          %swap3A_1525 = arith.index_cast %add3A_1494 : i32 to index
          %swap3A_1526 = arith.constant 32 : index
          %swap3A_1527 = tpu.vector_load %arg12[%swap3A_1525, %swap3A_1526] {strides = array<i32>} : memref<128x128xf32, #tpu.memory_space<vmem>>, vector<1x16xf32>,
          %swap3A_1528 = vector.shape_cast %swap3A_1527 : vector<1x16xf32> to vector<16xf32>
          %swap3A_1529 = vector.shape_cast %mul3A_1524 : vector<16xf32> to vector<1x16xf32>
          tpu.vector_store %arg12[%swap3A_1525, %swap3A_1526], %swap3A_1529 {strides = array<i32>} : memref<128x128xf32, #tpu.memory_space<vmem>>, vector<1x16xf32>,
          %get3A_1530 = arith.index_cast %add3A_1494 : i32 to index
          %get3A_1531 = arith.constant 48 : index
          %get3A_1532 = tpu.vector_load %arg12[%get3A_1530, %get3A_1531] {strides = array<i32>} : memref<128x128xf32, #tpu.memory_space<vmem>>, vector<1x16xf32>,
          %get3A_1533 = vector.shape_cast %get3A_1532 : vector<1x16xf32> to vector<16xf32>
          %mul3A_1534 = vector.broadcast %squeeze3A_1496 : f32 to vector<16xf32>
          %mul3A_1535 = arith.mulf %get3A_1533, %mul3A_1534 : vector<16xf32>
          %swap3A_1536 = arith.index_cast %add3A_1494 : i32 to index
          %swap3A_1537 = arith.constant 48 : index
          %swap3A_1538 = tpu.vector_load %arg12[%swap3A_1536, %swap3A_1537] {strides = array<i32>} : memref<128x128xf32, #tpu.memory_space<vmem>>, vector<1x16xf32>,
          %swap3A_1539 = vector.shape_cast %swap3A_1538 : vector<1x16xf32> to vector<16xf32>
          %swap3A_1540 = vector.shape_cast %mul3A_1535 : vector<16xf32> to vector<1x16xf32>
          tpu.vector_store %arg12[%swap3A_1536, %swap3A_1537], %swap3A_1540 {strides = array<i32>} : memref<128x128xf32, #tpu.memory_space<vmem>>, vector<1x16xf32>,
          %get3A_1541 = arith.index_cast %add3A_1494 : i32 to index
          %get3A_1542 = arith.constant 64 : index
          %get3A_1543 = tpu.vector_load %arg12[%get3A_1541, %get3A_1542] {strides = array<i32>} : memref<128x128xf32, #tpu.memory_space<vmem>>, vector<1x16xf32>,
          %get3A_1544 = vector.shape_cast %get3A_1543 : vector<1x16xf32> to vector<16xf32>
          %mul3A_1545 = vector.broadcast %squeeze3A_1496 : f32 to vector<16xf32>
          %mul3A_1546 = arith.mulf %get3A_1544, %mul3A_1545 : vector<16xf32>
          %swap3A_1547 = arith.index_cast %add3A_1494 : i32 to index
          %swap3A_1548 = arith.constant 64 : index
          %swap3A_1549 = tpu.vector_load %arg12[%swap3A_1547, %swap3A_1548] {strides = array<i32>} : memref<128x128xf32, #tpu.memory_space<vmem>>, vector<1x16xf32>,
          %swap3A_1550 = vector.shape_cast %swap3A_1549 : vector<1x16xf32> to vector<16xf32>
          %swap3A_1551 = vector.shape_cast %mul3A_1546 : vector<16xf32> to vector<1x16xf32>
          tpu.vector_store %arg12[%swap3A_1547, %swap3A_1548], %swap3A_1551 {strides = array<i32>} : memref<128x128xf32, #tpu.memory_space<vmem>>, vector<1x16xf32>,
          %get3A_1552 = arith.index_cast %add3A_1494 : i32 to index
          %get3A_1553 = arith.constant 80 : index
          %get3A_1554 = tpu.vector_load %arg12[%get3A_1552, %get3A_1553] {strides = array<i32>} : memref<128x128xf32, #tpu.memory_space<vmem>>, vector<1x16xf32>,
          %get3A_1555 = vector.shape_cast %get3A_1554 : vector<1x16xf32> to vector<16xf32>
          %mul3A_1556 = vector.broadcast %squeeze3A_1496 : f32 to vector<16xf32>
          %mul3A_1557 = arith.mulf %get3A_1555, %mul3A_1556 : vector<16xf32>
          %swap3A_1558 = arith.index_cast %add3A_1494 : i32 to index
          %swap3A_1559 = arith.constant 80 : index
          %swap3A_1560 = tpu.vector_load %arg12[%swap3A_1558, %swap3A_1559] {strides = array<i32>} : memref<128x128xf32, #tpu.memory_space<vmem>>, vector<1x16xf32>,
          %swap3A_1561 = vector.shape_cast %swap3A_1560 : vector<1x16xf32> to vector<16xf32>
          %swap3A_1562 = vector.shape_cast %mul3A_1557 : vector<16xf32> to vector<1x16xf32>
          tpu.vector_store %arg12[%swap3A_1558, %swap3A_1559], %swap3A_1562 {strides = array<i32>} : memref<128x128xf32, #tpu.memory_space<vmem>>, vector<1x16xf32>,
          %get3A_1563 = arith.index_cast %add3A_1494 : i32 to index
          %get3A_1564 = arith.constant 96 : index
          %get3A_1565 = tpu.vector_load %arg12[%get3A_1563, %get3A_1564] {strides = array<i32>} : memref<128x128xf32, #tpu.memory_space<vmem>>, vector<1x16xf32>,
          %get3A_1566 = vector.shape_cast %get3A_1565 : vector<1x16xf32> to vector<16xf32>
          %mul3A_1567 = vector.broadcast %squeeze3A_1496 : f32 to vector<16xf32>
          %mul3A_1568 = arith.mulf %get3A_1566, %mul3A_1567 : vector<16xf32>
          %swap3A_1569 = arith.index_cast %add3A_1494 : i32 to index
          %swap3A_1570 = arith.constant 96 : index
          %swap3A_1571 = tpu.vector_load %arg12[%swap3A_1569, %swap3A_1570] {strides = array<i32>} : memref<128x128xf32, #tpu.memory_space<vmem>>, vector<1x16xf32>,
          %swap3A_1572 = vector.shape_cast %swap3A_1571 : vector<1x16xf32> to vector<16xf32>
          %swap3A_1573 = vector.shape_cast %mul3A_1568 : vector<16xf32> to vector<1x16xf32>
          tpu.vector_store %arg12[%swap3A_1569, %swap3A_1570], %swap3A_1573 {strides = array<i32>} : memref<128x128xf32, #tpu.memory_space<vmem>>, vector<1x16xf32>,
          %get3A_1574 = arith.index_cast %add3A_1494 : i32 to index
          %get3A_1575 = arith.constant 112 : index
          %get3A_1576 = tpu.vector_load %arg12[%get3A_1574, %get3A_1575] {strides = array<i32>} : memref<128x128xf32, #tpu.memory_space<vmem>>, vector<1x16xf32>,
          %get3A_1577 = vector.shape_cast %get3A_1576 : vector<1x16xf32> to vector<16xf32>
          %mul3A_1578 = vector.broadcast %squeeze3A_1496 : f32 to vector<16xf32>
          %mul3A_1579 = arith.mulf %get3A_1577, %mul3A_1578 : vector<16xf32>
          %swap3A_1580 = arith.index_cast %add3A_1494 : i32 to index
          %swap3A_1581 = arith.constant 112 : index
          %swap3A_1582 = tpu.vector_load %arg12[%swap3A_1580, %swap3A_1581] {strides = array<i32>} : memref<128x128xf32, #tpu.memory_space<vmem>>, vector<1x16xf32>,
          %swap3A_1583 = vector.shape_cast %swap3A_1582 : vector<1x16xf32> to vector<16xf32>
          %swap3A_1584 = vector.shape_cast %mul3A_1579 : vector<16xf32> to vector<1x16xf32>
          tpu.vector_store %arg12[%swap3A_1580, %swap3A_1581], %swap3A_1584 {strides = array<i32>} : memref<128x128xf32, #tpu.memory_space<vmem>>, vector<1x16xf32>,
        }
        %scan3A_75 = arith.constant 8 : i32
        %add3A_76 = arith.constant 1 : i32
        %add3A_77 = arith.addi %mul3A_35, %add3A_76 : i32
        "tpu.region"() ({
          %run_scoped3A = tpu.sem_alloc : memref<!tpu.dma_semaphore, #tpu.memory_space<semaphore_mem>>
          %dma_start3A_78 = arith.constant 0 : i32
          %dma_start3A_79 = tpu.memref_slice %arg9[%add3A_77, %dma_start3A_78] : memref<40x128xi32, #tpu.memory_space<vmem>> -> memref<1x128xi32, #tpu.memory_space<vmem>>
          %dma_start3A_80 = tpu.memref_squeeze %dma_start3A_79 : memref<1x128xi32, #tpu.memory_space<vmem>> -> memref<128xi32, #tpu.memory_space<vmem>>
          %dma_start3A_81 = arith.constant 0 : i32
          %dma_start3A_82 = arith.constant 0 : i32
          %dma_start3A_83 = tpu.memref_slice %arg13[%dma_start3A_81, %dma_start3A_82] : memref<10000x128xf32, #tpu.memory_space<vmem_shared>> -> memref<10000x128xf32, #tpu.memory_space<vmem_shared>>
          tpu.enqueue_indirect_dma source(%arg12 : memref<128x128xf32, #tpu.memory_space<vmem>>) target(%dma_start3A_83 : memref<10000x128xf32, #tpu.memory_space<vmem_shared>>) offsets(%dma_start3A_80 : memref<128xi32, #tpu.memory_space<vmem>>) semaphore(%run_scoped3A : memref<!tpu.dma_semaphore, #tpu.memory_space<semaphore_mem>>) {add = true}
          %dma_wait3A_84 = arith.constant 0 : i32
          %dma_wait3A_85 = tpu.memref_slice %arg9[%add3A_77, %dma_wait3A_84] : memref<40x128xi32, #tpu.memory_space<vmem>> -> memref<1x128xi32, #tpu.memory_space<vmem>>
          %dma_wait3A_86 = tpu.memref_squeeze %dma_wait3A_85 : memref<1x128xi32, #tpu.memory_space<vmem>> -> memref<128xi32, #tpu.memory_space<vmem>>
          %dma_wait3A_87 = arith.constant 0 : i32
          %dma_wait3A_88 = arith.constant 0 : i32
          %dma_wait3A_89 = tpu.memref_slice %arg13[%dma_wait3A_87, %dma_wait3A_88] : memref<10000x128xf32, #tpu.memory_space<vmem_shared>> -> memref<10000x128xf32, #tpu.memory_space<vmem_shared>>
          tpu.wait_indirect_dma semaphore(%run_scoped3A : memref<!tpu.dma_semaphore, #tpu.memory_space<semaphore_mem>>) src(%arg12 : memref<128x128xf32, #tpu.memory_space<vmem>>) dst(%dma_wait3A_89 : memref<10000x128xf32, #tpu.memory_space<vmem_shared>>)
          tpu.yield
        }) : () -> ()
      }
      %scan3A_32 = arith.constant 20 : i32
    }
    %scan3A_7 = arith.constant 4 : i32
    %barrier3A_8 = arith.constant 0 : index
    tpu.barrier barrier_id(%barrier3A_8)
    "tpu.region"() ({
      %run_scoped3A = tpu.sem_alloc : memref<!tpu.dma_semaphore, #tpu.memory_space<semaphore_mem>>
      %dma_start3A = arith.constant 0 : i32
      %dma_start3A_14 = tpu.memref_slice %arg7[%arg0, %mul3A_0, %dma_start3A] : memref<2x10000x128xf32, #tpu.memory_space<hbm>> -> memref<1x624x128xf32, #tpu.memory_space<hbm>>
      %dma_start3A_15 = tpu.memref_squeeze %dma_start3A_14 : memref<1x624x128xf32, #tpu.memory_space<hbm>> -> memref<624x128xf32, #tpu.memory_space<hbm>>
      %dma_start3A_16 = arith.constant 0 : i32
      %dma_start3A_17 = tpu.memref_slice %arg13[%mul3A_0, %dma_start3A_16] : memref<10000x128xf32, #tpu.memory_space<vmem_shared>> -> memref<624x128xf32, #tpu.memory_space<vmem_shared>>
      tpu.enqueue_dma source(%dma_start3A_17 : memref<624x128xf32, #tpu.memory_space<vmem_shared>>) target(%dma_start3A_15 : memref<624x128xf32, #tpu.memory_space<hbm>>) target_semaphore(%run_scoped3A : memref<!tpu.dma_semaphore, #tpu.memory_space<semaphore_mem>>)
      %dma_wait3A = arith.constant 0 : i32
      %dma_wait3A_18 = tpu.memref_slice %arg7[%arg0, %mul3A_0, %dma_wait3A] : memref<2x10000x128xf32, #tpu.memory_space<hbm>> -> memref<1x624x128xf32, #tpu.memory_space<hbm>>
      %dma_wait3A_19 = tpu.memref_squeeze %dma_wait3A_18 : memref<1x624x128xf32, #tpu.memory_space<hbm>> -> memref<624x128xf32, #tpu.memory_space<hbm>>
      %dma_wait3A_20 = arith.constant 0 : i32
      %dma_wait3A_21 = tpu.memref_slice %arg13[%mul3A_0, %dma_wait3A_20] : memref<10000x128xf32, #tpu.memory_space<vmem_shared>> -> memref<624x128xf32, #tpu.memory_space<vmem_shared>>
      tpu.wait_dma2 semaphore(%run_scoped3A : memref<!tpu.dma_semaphore, #tpu.memory_space<semaphore_mem>>) src(%dma_wait3A_21 : memref<624x128xf32, #tpu.memory_space<vmem_shared>>) dst(%dma_wait3A_19 : memref<624x128xf32, #tpu.memory_space<hbm>>)
      tpu.yield
    }) : () -> ()
    %eq3A_9 = arith.constant 15 : i32
    %eq3A_10 = arith.cmpi eq, %arg1, %eq3A_9 : i32
    %convert_element_type3A_11 = arith.extui %eq3A_10 : i1 to i32
    %cond3A_12 = arith.constant 0 : i32
    %cond3A_13 = arith.cmpi ne, %convert_element_type3A_11, %cond3A_12 : i32
    scf.if %cond3A_13 {
      "tpu.region"() ({
        %run_scoped3A = tpu.sem_alloc : memref<!tpu.dma_semaphore, #tpu.memory_space<semaphore_mem>>
        %dma_start3A = arith.constant 9984 : i32
        %dma_start3A_14 = arith.constant 0 : i32
        %dma_start3A_15 = tpu.memref_slice %arg7[%arg0, %dma_start3A, %dma_start3A_14] : memref<2x10000x128xf32, #tpu.memory_space<hbm>> -> memref<1x16x128xf32, #tpu.memory_space<hbm>>
        %dma_start3A_16 = tpu.memref_squeeze %dma_start3A_15 : memref<1x16x128xf32, #tpu.memory_space<hbm>> -> memref<16x128xf32, #tpu.memory_space<hbm>>
        %dma_start3A_17 = arith.constant 9984 : i32
        %dma_start3A_18 = arith.constant 0 : i32
        %dma_start3A_19 = tpu.memref_slice %arg13[%dma_start3A_17, %dma_start3A_18] : memref<10000x128xf32, #tpu.memory_space<vmem_shared>> -> memref<16x128xf32, #tpu.memory_space<vmem_shared>>
        tpu.enqueue_dma source(%dma_start3A_19 : memref<16x128xf32, #tpu.memory_space<vmem_shared>>) target(%dma_start3A_16 : memref<16x128xf32, #tpu.memory_space<hbm>>) target_semaphore(%run_scoped3A : memref<!tpu.dma_semaphore, #tpu.memory_space<semaphore_mem>>)
        %dma_wait3A = arith.constant 9984 : i32
        %dma_wait3A_20 = arith.constant 0 : i32
        %dma_wait3A_21 = tpu.memref_slice %arg7[%arg0, %dma_wait3A, %dma_wait3A_20] : memref<2x10000x128xf32, #tpu.memory_space<hbm>> -> memref<1x16x128xf32, #tpu.memory_space<hbm>>
        %dma_wait3A_22 = tpu.memref_squeeze %dma_wait3A_21 : memref<1x16x128xf32, #tpu.memory_space<hbm>> -> memref<16x128xf32, #tpu.memory_space<hbm>>
        %dma_wait3A_23 = arith.constant 9984 : i32
        %dma_wait3A_24 = arith.constant 0 : i32
        %dma_wait3A_25 = tpu.memref_slice %arg13[%dma_wait3A_23, %dma_wait3A_24] : memref<10000x128xf32, #tpu.memory_space<vmem_shared>> -> memref<16x128xf32, #tpu.memory_space<vmem_shared>>
        tpu.wait_dma2 semaphore(%run_scoped3A : memref<!tpu.dma_semaphore, #tpu.memory_space<semaphore_mem>>) src(%dma_wait3A_25 : memref<16x128xf32, #tpu.memory_space<vmem_shared>>) dst(%dma_wait3A_22 : memref<16x128xf32, #tpu.memory_space<hbm>>)
        tpu.yield
      }) : () -> ()
    } else {
    }
    return
  }
}

module attributes {stable_mosaic.version = 14 : i64} {
  func.func @_mm_body(%arg0: i32, %arg1: i32, %arg2: memref<1x2000x128xf32, #tpu.memory_space<vmem>>, %arg3: memref<1x2000x128xf32, #tpu.memory_space<vmem>>, %arg4: memref<1x128x128xf32, #tpu.memory_space<vmem>>, %arg5: memref<1x128x128xf32, #tpu.memory_space<vmem>>, %arg6: memref<1x1x128xf32, #tpu.memory_space<vmem>>, %arg7: memref<1x2000x128xf32, #tpu.memory_space<vmem>>, %arg8: memref<1x2000x128xf32, #tpu.memory_space<vmem>>) attributes {dimension_semantics = [#tpu.dimension_semantics<arbitrary>, #tpu.dimension_semantics<arbitrary>], iteration_bounds = array<i64: 2, 5>, scalar_prefetch = 0 : i64, scratch_operands = 0 : i64, tpu.core_type = #tpu.core_type<tc>, window_params = [{transform_indices = @transform_0, window_bounds = array<i64: 1, 2000, 128>}, {transform_indices = @transform_1, window_bounds = array<i64: 1, 2000, 128>}, {transform_indices = @transform_2, window_bounds = array<i64: 1, 128, 128>}, {transform_indices = @transform_3, window_bounds = array<i64: 1, 128, 128>}, {transform_indices = @transform_4, window_bounds = array<i64: 1, 1, 128>}, {transform_indices = @transform_5, window_bounds = array<i64: 1, 2000, 128>}, {transform_indices = @transform_6, window_bounds = array<i64: 1, 2000, 128>}]} {
    %get3A = arith.constant 0 : index
    %get3A_0 = arith.constant 0 : index
    %get3A_1 = arith.constant 0 : index
    %get3A_2 = vector.load %arg2[%get3A, %get3A_0, %get3A_1] : memref<1x2000x128xf32, #tpu.memory_space<vmem>>, vector<1x2000x128xf32>
    %get3A_3 = vector.shape_cast %get3A_2 : vector<1x2000x128xf32> to vector<2000x128xf32>
    %get3A_4 = arith.constant 0 : index
    %get3A_5 = arith.constant 0 : index
    %get3A_6 = arith.constant 0 : index
    %get3A_7 = vector.load %arg3[%get3A_4, %get3A_5, %get3A_6] : memref<1x2000x128xf32, #tpu.memory_space<vmem>>, vector<1x2000x128xf32>
    %get3A_8 = vector.shape_cast %get3A_7 : vector<1x2000x128xf32> to vector<2000x128xf32>
    %get3A_9 = arith.constant 0 : index
    %get3A_10 = arith.constant 0 : index
    %get3A_11 = arith.constant 0 : index
    %get3A_12 = vector.load %arg4[%get3A_9, %get3A_10, %get3A_11] : memref<1x128x128xf32, #tpu.memory_space<vmem>>, vector<1x128x128xf32>
    %get3A_13 = vector.shape_cast %get3A_12 : vector<1x128x128xf32> to vector<128x128xf32>
    %dot_general3A = arith.constant dense<0.000000e+00> : vector<2000x128xf32>
    %dot_general3A_14 = tpu.matmul %get3A_3, %get3A_13, %dot_general3A {dimension_numbers = #tpu.dot_dimension_numbers<[1], [0], [0], [1], [0, 0, 1, 1], [], []>, transpose_lhs_hint = false} : vector<2000x128xf32>, vector<128x128xf32>, vector<2000x128xf32> -> vector<2000x128xf32>
    %get3A_15 = arith.constant 0 : index
    %get3A_16 = arith.constant 0 : index
    %get3A_17 = arith.constant 0 : index
    %get3A_18 = vector.load %arg6[%get3A_15, %get3A_16, %get3A_17] : memref<1x1x128xf32, #tpu.memory_space<vmem>>, vector<1x1x128xf32>
    %get3A_19 = vector.shape_cast %get3A_18 : vector<1x1x128xf32> to vector<1x128xf32>
    %add3A = vector.broadcast %get3A_19 : vector<1x128xf32> to vector<2000x128xf32>
    %add3A_20 = arith.addf %dot_general3A_14, %add3A : vector<2000x128xf32>
    %swap3A = arith.constant 0 : index
    %swap3A_21 = arith.constant 0 : index
    %swap3A_22 = arith.constant 0 : index
    %swap3A_23 = vector.load %arg7[%swap3A, %swap3A_21, %swap3A_22] : memref<1x2000x128xf32, #tpu.memory_space<vmem>>, vector<1x2000x128xf32>
    %swap3A_24 = vector.shape_cast %swap3A_23 : vector<1x2000x128xf32> to vector<2000x128xf32>
    %swap3A_25 = vector.shape_cast %add3A_20 : vector<2000x128xf32> to vector<1x2000x128xf32>
    tpu.vector_store %arg7[%swap3A, %swap3A_21, %swap3A_22], %swap3A_25 {strides = array<i32>} : memref<1x2000x128xf32, #tpu.memory_space<vmem>>, vector<1x2000x128xf32>,
    %get3A_26 = arith.constant 0 : index
    %get3A_27 = arith.constant 0 : index
    %get3A_28 = arith.constant 0 : index
    %get3A_29 = vector.load %arg5[%get3A_26, %get3A_27, %get3A_28] : memref<1x128x128xf32, #tpu.memory_space<vmem>>, vector<1x128x128xf32>
    %get3A_30 = vector.shape_cast %get3A_29 : vector<1x128x128xf32> to vector<128x128xf32>
    %dot_general3A_31 = arith.constant dense<0.000000e+00> : vector<2000x128xf32>
    %dot_general3A_32 = tpu.matmul %get3A_8, %get3A_30, %dot_general3A_31 {dimension_numbers = #tpu.dot_dimension_numbers<[1], [0], [0], [1], [0, 0, 1, 1], [], []>, transpose_lhs_hint = false} : vector<2000x128xf32>, vector<128x128xf32>, vector<2000x128xf32> -> vector<2000x128xf32>
    %swap3A_33 = arith.constant 0 : index
    %swap3A_34 = arith.constant 0 : index
    %swap3A_35 = arith.constant 0 : index
    %swap3A_36 = vector.load %arg8[%swap3A_33, %swap3A_34, %swap3A_35] : memref<1x2000x128xf32, #tpu.memory_space<vmem>>, vector<1x2000x128xf32>
    %swap3A_37 = vector.shape_cast %swap3A_36 : vector<1x2000x128xf32> to vector<2000x128xf32>
    %swap3A_38 = vector.shape_cast %dot_general3A_32 : vector<2000x128xf32> to vector<1x2000x128xf32>
    tpu.vector_store %arg8[%swap3A_33, %swap3A_34, %swap3A_35], %swap3A_38 {strides = array<i32>} : memref<1x2000x128xf32, #tpu.memory_space<vmem>>, vector<1x2000x128xf32>,
    return
  }
  func.func @transform_0(%arg0: i32, %arg1: i32) -> (i32, i32, i32) {
    %c0_i32 = arith.constant 0 : i32
    %c0_i32_0 = arith.constant 0 : i32
    return %arg0, %arg1, %c0_i32 : i32, i32, i32
  }
  func.func @transform_1(%arg0: i32, %arg1: i32) -> (i32, i32, i32) {
    %sub3A = arith.constant 1 : i32
    %sub3A_0 = arith.subi %sub3A, %arg0 : i32
    %c0_i32 = arith.constant 0 : i32
    %c0_i32_1 = arith.constant 0 : i32
    return %sub3A_0, %arg1, %c0_i32 : i32, i32, i32
  }
  func.func @transform_2(%arg0: i32, %arg1: i32) -> (i32, i32, i32) {
    %c0_i32 = arith.constant 0 : i32
    %c0_i32_0 = arith.constant 0 : i32
    %c0_i32_1 = arith.constant 0 : i32
    return %arg0, %c0_i32, %c0_i32_0 : i32, i32, i32
  }
  func.func @transform_3(%arg0: i32, %arg1: i32) -> (i32, i32, i32) {
    %c0_i32 = arith.constant 0 : i32
    %c0_i32_0 = arith.constant 0 : i32
    %c0_i32_1 = arith.constant 0 : i32
    return %arg0, %c0_i32, %c0_i32_0 : i32, i32, i32
  }
  func.func @transform_4(%arg0: i32, %arg1: i32) -> (i32, i32, i32) {
    %c0_i32 = arith.constant 0 : i32
    %c0_i32_0 = arith.constant 0 : i32
    %c0_i32_1 = arith.constant 0 : i32
    return %arg0, %c0_i32, %c0_i32_0 : i32, i32, i32
  }
  func.func @transform_5(%arg0: i32, %arg1: i32) -> (i32, i32, i32) {
    %c0_i32 = arith.constant 0 : i32
    %c0_i32_0 = arith.constant 0 : i32
    return %arg0, %arg1, %c0_i32 : i32, i32, i32
  }
  func.func @transform_6(%arg0: i32, %arg1: i32) -> (i32, i32, i32) {
    %c0_i32 = arith.constant 0 : i32
    %c0_i32_0 = arith.constant 0 : i32
    return %arg0, %arg1, %c0_i32 : i32, i32, i32
  }
}

</mosaic_0001>

<sc_bundles>
// kernel: kernel.4.cloned.1.call-start
scs
__scs_entry_jumppad:
0x0: {  	(pc) =	sbr.rel $0x88, $3  }
0x1: {  	(tag) =	ssettag $0x0;
	lr =	simm.s32 $0x1  }
0x2: {  	[smem:$0x3F95] =	sst lr;
	_ =	strace $0xD0000000  }
0x3: {  	_ = 	snop  }
0x4: {  	_ = 	snop  }
0x5: {  	_ = 	snop  }
0x6: {  	_ = 	snop  }
0x7: {  	_ = 	snop  }
__scs_overlays_trampoline_lowered:
0x8: {  	[smem:$0x3FA4] =	sst s0  }
0x9: {  	[smem:$0x3FA5] =	sst s1  }
0xa: {  	[smem:$0x3FA6] =	sst s2  }
0xb: {  	[smem:$0x3FA7] =	sst s3  }
0xc: {  	[smem:$0x3FA8] =	sst s4  }
0xd: {  	[smem:$0x3FA9] =	sst s5  }
0xe: {  	[smem:$0x3FAA] =	sst s6  }
0xf: {  	[smem:$0x3FAB] =	sst s7  }
0x10: {  	[smem:$0x3FAC] =	sst s8  }
0x11: {  	[smem:$0x3FAD] =	sst s9;
	s0 =	simm.s32 @!p0 $0x0  }
0x12: {  	s1 =	sld [smem:$0x3F93];
	s0 =	simm.s32 @p0 $0x1  }
0x13: {  	[smem:$0x3FAE] =	sst s0;
	s0 =	simm.s32 @!p1 $0x0  }
0x14: {  	s2 =	sld [smem:$0x3F92];
	s0 =	simm.s32 @p1 $0x1  }
0x15: {  	[smem:$0x3FAF] =	sst s0;
	s0 =	simm.s32 @!p2 $0x0  }
0x16: {  	s3 =	sld [smem:$0x3FDB];
	s0 =	simm.s32 @p2 $0x1  }
0x17: {  	s4 =	simm.s32 $0x1BF5;
	[smem:$0x3FB1] =	sst s0  }
0x18: {  	s0 =	sld [smem:$0x3F94];
	_ =	swait.ge [sflag:s4], $0x0  }
0x19: {  	s7 =	sld [smem:$0x3F95]  }
0x1a: {  	s8 =	sadd.s32 $0xFFFFE003, lr  }
0x1b: {  	s9 =	sadd.s32 $0xFFFFFEF7, lr;
	s5 =	simm.s32 $0xFFFFFFFF;
	p2 =	slt.u32 s8, $0xFFFFF086  }
0x1c: {  	p1 =	slt.u32 s9, $0xF7A;
	s5 =	simm.s32 @!p2 $0x0  }
0x1d: {  	s5 =	simm.s32 @p1 $0x1;
	p0 =	seq.s32 s7, s2  }
0x1e: {  	s7 =	smul.u32 @!p0 $0xF7A, s2;
	p2 =	seq.s32 @!p0 s5, $0x0  }
0x1f: {  	s9 =	smul.u32 $0xF7A, s1;
	s8 =	simm.s32 @!p0 $0x1BF5;
	p2 =	por !p2, p0  }
0x20: {  	[sflag:s8] =	ssyncset.s32 @!p0 $0xFFFFF086;
	s6 =	sadd.s32 @!p0 s3, s7;
	s7 =	simm.s32 @!p0 $0x108  }
0x21: {  	s3 =	sadd.s32 s3, s9;
	s6 =	sadd.s32 @!p0 $0x88, s6;
	s7 =	simm.s32 @p2 $0x1082  }
0x22: {  	[simem:s7], [sflag:s8] =	dma.local @!p0 [hbm:s6], $0xF7A  }
0x23: {  	s9 =	sor.u32 $0xD0000000, s2;
	s6 =	simm.s32 $0x108;
	_ =	swait.ge @!p0 [sflag:s8], $0x0  }
0x24: {  	s3 =	sadd.s32 $0x88, s3;
	s6 =	simm.s32 @!p1 $0x1082;
	[sflag:s4] =	ssyncset.s32 $0xFFFFF086  }
0x25: {  	[simem:s6], [sflag:s4] =	dma.local [hbm:s3], $0xF7A  }
0x26: {  	[smem:$0x3F95] =	sst s1;
	(tag) =	ssettag s2;
	_ =	strace s9  }
0x27: {  	s1 =	sld [smem:$0x3FA5]  }
0x28: {  	s2 =	sld [smem:$0x3FA6]  }
0x29: {  	s4 =	sld [smem:$0x3FA8]  }
0x2a: {  	p0 =	seq.s32 s5, $0x0;
	s5 =	sld [smem:$0x3FA9]  }
0x2b: {  	s6 =	sld [smem:$0x3FAA]  }
0x2c: {  	s7 =	sld [smem:$0x3FAB]  }
0x2d: {  	s3 =	simm.s32 $0x108;
	s8 =	sld [smem:$0x3FAC]  }
0x2e: {  	s3 =	simm.s32 @!p0 $0x1082;
	s9 =	sld [smem:$0x3FAD]  }
0x2f: {  	lr =	sadd.s32 s0, s3;
	s0 =	sld [smem:$0x3FA4]  }
0x30: {  	s3 =	sld [smem:$0x3FA7]  }
0x31: {  	[smem:$0x3FB0] =	sst s10  }
0x32: {  	s10 =	sld [smem:$0x3FAE];
	_ =	sdelay $0x3  }
0x33: {  	p0 =	seq.s32 s10, $0x1;
	s10 =	sld [smem:$0x3FB0];
	_ =	sdelay $0x3  }
0x34: {  	[smem:$0x3FB0] =	sst s10  }
0x35: {  	s10 =	sld [smem:$0x3FAF];
	_ =	sdelay $0x3  }
0x36: {  	p1 =	seq.s32 s10, $0x1;
	s10 =	sld [smem:$0x3FB0];
	_ =	sdelay $0x3  }
0x37: {  	[smem:$0x3FB0] =	sst s10  }
0x38: {  	s10 =	sld [smem:$0x3FB1]  }
0x39: {  	_ = 	snop;
	(pc) =	sbr.ind lr, $3  }
0x3a: {  	_ = 	snop  }
0x3b: {  	_ = 	snop  }
0x3c: {  	p2 =	seq.s32 s10, $0x1;
	s10 =	sld [smem:$0x3FB0]  }
0x3d: {  	_ =	shalt  }
0x3e: {  	_ =	shalt  }
0x3f: {  	_ =	shalt  }
0x40: {  	_ =	shalt  }
0x41: {  	_ =	shalt  }
0x42: {  	_ =	shalt  }
0x43: {  	_ =	shalt  }
0x44: {  	_ =	shalt  }
0x45: {  	_ =	shalt  }
0x46: {  	_ =	shalt  }
0x47: {  	_ =	shalt  }
0x48: {  	_ =	shalt  }
0x49: {  	_ =	shalt  }
0x4a: {  	_ =	shalt  }
0x4b: {  	_ =	shalt  }
0x4c: {  	_ =	shalt  }
0x4d: {  	_ =	shalt  }
0x4e: {  	_ =	shalt  }
0x4f: {  	_ =	shalt  }
0x50: {  	_ =	shalt  }
0x51: {  	_ =	shalt  }
0x52: {  	_ =	shalt  }
0x53: {  	_ =	shalt  }
0x54: {  	_ =	shalt  }
0x55: {  	_ =	shalt  }
0x56: {  	_ =	shalt  }
0x57: {  	_ =	shalt  }
0x58: {  	_ =	shalt  }
0x59: {  	_ =	shalt  }
0x5a: {  	_ =	shalt  }
0x5b: {  	_ =	shalt  }
0x5c: {  	_ =	shalt  }
0x5d: {  	_ =	shalt  }
0x5e: {  	_ =	shalt  }
0x5f: {  	_ =	shalt  }
0x60: {  	_ =	shalt  }
0x61: {  	_ =	shalt  }
0x62: {  	_ =	shalt  }
0x63: {  	_ =	shalt  }
0x64: {  	_ =	shalt  }
0x65: {  	_ =	shalt  }
0x66: {  	_ =	shalt  }
0x67: {  	_ =	shalt  }
0x68: {  	_ =	shalt  }
0x69: {  	_ =	shalt  }
0x6a: {  	_ =	shalt  }
0x6b: {  	_ =	shalt  }
0x6c: {  	_ =	shalt  }
0x6d: {  	_ =	shalt  }
0x6e: {  	_ =	shalt  }
0x6f: {  	_ =	shalt  }
0x70: {  	_ =	shalt  }
0x71: {  	_ =	shalt  }
0x72: {  	_ =	shalt  }
0x73: {  	_ =	shalt  }
0x74: {  	_ =	shalt  }
0x75: {  	_ =	shalt  }
0x76: {  	_ =	shalt  }
0x77: {  	_ =	shalt  }
0x78: {  	_ =	shalt  }
0x79: {  	_ =	shalt  }
0x7a: {  	_ =	shalt  }
0x7b: {  	_ =	shalt  }
0x7c: {  	_ =	shalt  }
0x7d: {  	_ =	shalt  }
0x7e: {  	_ =	shalt  }
0x7f: {  	_ =	shalt  }
0x80: {  	_ =	shalt  }
0x81: {  	_ =	shalt  }
0x82: {  	_ =	shalt  }
0x83: {  	_ =	shalt  }
0x84: {  	_ =	shalt  }
0x85: {  	_ =	shalt  }
0x86: {  	_ =	shalt  }
0x87: {  	_ =	shalt  }
.Lfunc_end0:
.L_simem_size_0:
called_computation_lowered:
.L_overlay_start_0:
0x88: {  	s2 =	sld [smem:$0x3FD9]  }
0x89: {  	s3 =	sld [smem:$0x3FFE];
	_ =	sdelay $0x1  }
0x8a: {  	s1 =	srdreg.scid  }
0x8b: {  	s0 =	sand.u32 $0x1, s1  }
0x8c: {  	s14 =	sshll.u32 s0, $0xA;
	s2 =	sadd.s32 s3, s2  }
0x8d: {  	s2 =	sadd.s32 s2, s14  }
0x8e: {  	[smem:$0x3FBC] =	sst s2  }
0x8f: {  	_ = 	snop  }
0x90: {  	s2 =	sld [smem:$0x3FD0];
	_ =	sdelay $0x2  }
0x91: {  	s15 =	simm.s32 $0xA;
	s4 =	simm.s32 $0x10  }
0x92: {  	[smem:s4], [sflag:s15] =	dma.local [hbm:s2], $0x1  }
0x93: {  	_ =	swait.eq [sflag:s15], $0x1  }
0x94: {  	[sflag:s15] =	ssyncset.done $0x0  }
0x95: {  	s16 =	sld [smem:$0x10];
	[sflag:s15] =	ssyncadd.s32 $0xFFFFFFFF  }
0x96: {  	s17 =	sld [smem:$0x11];
	(tm) =	ssettm $0x1  }
0x97: {  	s18 =	sld [smem:$0x3FFB];
	_ =	sdelay $0x3  }
0x98: {  	_ =	strace s18  }
0x99: {  	s4 =	sld [smem:$0x3FFC];
	_ =	sdelay $0x3  }
0x9a: {  	_ =	strace s4  }
0x9b: {  	s4 =	sld [smem:$0x3FFD];
	_ =	sdelay $0x3  }
0x9c: {  	_ =	strace s4  }
0x9d: {  	_ =	strace $0x8FFFFFFF  }
0x9e: {  	s19 =	sld [smem:$0x3FDB];
	_ =	sdelay $0x1  }
0x9f: {  	s5 =	simm.s32 $_scs_section_size  }
0xa0: {  	s6 =	simm.s32 $_size__tile_overlayer_lowered;
	s7 =	simm.s32 $_tile_overlayer_lowered  }
0xa1: {  	s22 =	simm.s32 $0x1BFF;
	s21 =	sshll.u32 s7, $0x1;
	s4 =	sadd.s32 s5, s19  }
0xa2: {  	s8 =	simm.s32 $0x0;
	s20 =	sshll.u32 s6, $0x1;
	s6 =	sadd.s32 s21, s4  }
0xa3: {  	[timem:s8], [sflag:s22] =	dma.local [hbm:s6], s20  }
0xa4: {  	_ =	swait.ge [sflag:s22], s20  }
0xa5: {  	s5 =	ssub.s32 $0x0, s20;
	[sflag:s22] =	ssyncset.done $0x0  }
0xa6: {  	[sflag:s22] =	ssyncadd.s32 s5;
	_ =	sdelay $0x1  }
0xa7: {  	s23 =	simm.s32 $0x1B8B  }
0xa8: {  	_ =	swait.ge [sflag:s23], $0x1  }
0xa9: {  	[sflag:s23] =	ssyncset.done $0x0  }
0xaa: {  	s25 =	simm.s32 $0x1B8E;
	s24 =	sld [smem:$0x3FFE];
	[sflag:s23] =	ssyncadd.s32 $0xFFFFFFFF  }
0xab: {  	s26 =	simm.s32 $execute0_lowered;
	[smem:$0x3FD2] =	sst s25  }
0xac: {  	s6 =	sshll.u32 s26, $0x1;
	_ =	strace $0x80000046;
	[dreg:$0x1] =	wrdreg $0xFFFFFFFF  }
0xad: {  	s28 =	simm.s32 $_size_execute0_lowered;
	s4 =	sadd.s32 s4, s6;
	[dreg:$0x0] =	wrdreg $0x0  }
0xae: {  	s6 =	sshll.u32 s28, $0x1;
	[dreg:$0x2] =	wrdreg s4  }
0xaf: {  	[dreg:$0x3] =	wrdreg s6  }
0xb0: {  	[dreg:$0x4] =	wrdreg $0xC0  }
0xb1: {  	_ =	task [dreg:s8], $0x5FFFF  }
0xb2: {  	[dreg:$0x1] =	wrdreg $0xFFFFFFFF  }
0xb3: {  	[dreg:$0x0] =	wrdreg $0x60  }
0xb4: {  	[dreg:$0x2] =	wrdreg s24  }
0xb5: {  	[dreg:$0x3] =	wrdreg s16  }
0xb6: {  	[dreg:$0x4] =	wrdreg s17  }
0xb7: {  	[dreg:$0x5] =	wrdreg $0xBC000  }
0xb8: {  	[dreg:$0x6] =	wrdreg $0x9  }
0xb9: {  	_ =	task.clear_ibuf [dreg:s8], $0x7FFFF;
	_ =	strace $0x90000046  }
0xba: {  	s29 =	simm.s32 $0x9;
	_ =	strace $0x80000048  }
0xbb: {  	_ =	swait.ge [sflag:s29], $0x1  }
0xbc: {  	[sflag:s29] =	ssyncadd.s32 $0xFFFFFFFF  }
0xbd: {  	_ =	strace $0x90000048  }
0xbe: {  	_ =	sfence  }
0xbf: {  	s30 =	sld [smem:$0x0];
	_ =	sdelay $0x2  }
0xc0: {  	s31 =	sshll.u32 s1, $0xD;
	s1 =	sshrl.u32 s1, $0x2  }
0xc1: {  	s3 =	sand.u32 $0x4000, s31;
	s1 =	sadd.s32 s1, s30  }
0xc2: {  	s0 =	sor.u32 s3, s0;
	s1 =	sshll.u32 s1, $0x11  }
0xc3: {  	s0 =	sor.u32 s1, s0  }
0xc4: {  	s0 =	sadd.s32 $0x8F2B, s0  }
0xc5: {  	[sflag:s0] =	ssyncadd.remote.s32 $0x1  }
0xc6: {  	_ =	sfence.sel $0xFFFF  }
0xc7: {  	[dreg:$0x0] =	wrdreg $0xFFFFFFFF;
	(pc) =	sbr.abs _section_cstart, $3  }
0xc8: {  	[dreg:$0x1] =	wrdreg $0xFFFFFFFF  }
0xc9: {  	_ =	task.clear_ibuf [dreg:s8], $0x2FFFF;
	_ =	strace $0x9FFFFFFF  }
0xca: {  	(tm) =	ssettm $0x7FFFFFFF  }
0xcb: {  	_ =	shalt  }
tec
execute0_lowered:
.L_overlay_start_1:
0x0: {  	(tag) =	ssettag $0x1  }
0x1: {  	s0 =	rddreg [dreg:$0x0]  }
0x2: {  	s1 =	rddreg [dreg:$0x1]  }
0x3: {  	s2 =	rddreg [dreg:$0x2]  }
0x4: {  	s4 =	rddreg [dreg:$0x3];
	s5 =	simm.s32 $0x0;
	s6 =	srdreg.scid  }
0x5: {  	s3 =	stileid.u32;
	s19 =	simm.s32 $0x2800;
	s20 =	simm.s32 $0x80  }
0x6: {  	s21 =	simm.s32 $0x3C00;
	s22 =	simm.s32 $0x1;
	s23 =	simm.s32 $0x7C00  }
0x7: {  	s24 =	simm.s32 $0x2;
	[smem:$0x7FF] =	sst s5;
	s9 =	sand.u32 $0x1, s6  }
0x8: {  	s8 =	smul.u32 $0x4E000, s3;
	s6 =	sadd.s32 $0x2000, s0;
	s11 =	sadd.s32 $0x64200, s0  }
0x9: {  	s12 =	smul.u32 $0x13800, s3;
	s7 =	sadd.s32 $0x50200, s0;
	s0 =	sadd.s32 $0xB2400, s0  }
0xa: {  	s17 =	smul.u32 $0x5000, s3;
	s18 =	sadd.s32 $0x138000, s4;
	p0 =	sne.s32 s3, $0xF  }
0xb: {  	s31 =	sshll.u32 s3, $0x6;
	_ =	strace $0x80000047;
	s10 =	smul.u32 $0x138800, s9  }
0xc: {  	s13 =	ssub.s32 $0x2, s9;
	s30 =	smul.u32 $0x50000, s9;
	s9 =	sor.u32 $0x1C03, s31  }
0xd: {  	s14 =	sshrl.u32 s13, $0x1;
	s8 =	sshrl.u32 s8, $0x2;
	s12 =	sadd.s32 s12, s10  }
0xe: {  	s14 =	ssub.s32 s13, s14;
	s15 =	sadd.s32 s8, s4;
	s10 =	sshrl.u32 s10, $0x3  }
0xf: {  	s12 =	sshrl.u32 s12, $0x3;
	s16 =	sadd.s32 $0x27000, s10;
	s14 =	smax.u32 s14, $0x1  }
0x10: {  	s15 =	sshrl.u32 s15, $0x3;
	s8 =	sadd.s32 s11, s12;
	s10 =	sadd.s32 s11, s16  }
0x11: {  	s11 =	sadd.s32 s17, s30;
	s12 =	sadd.s32 s0, s12;
	s13 =	sadd.s32 s0, s16  }
0x12: {  	s16 =	simm.s32 $0x3;
	s17 =	sshrl.u32 @!p0 s18, $0x3;
	s18 =	simm.s32 $0x1400  }
.LBB2_1:
0x13: {  	[spmem:s15], [sflag:s9] =	dma.local [hbm:s8], $0x2700  }
0x14: {  	_ =	swait.ge [sflag:s16], $0x2700  }
0x15: {  	[sflag:s16] =	ssyncset.done $0x0  }
0x16: {  	s0 =	simm.s32 @!p0 $0x3;
	[sflag:s16] =	ssyncadd.s32 $0xFFFFD900  }
0x17: {  	[spmem:s17], [sflag:s9] =	dma.local @!p0 [hbm:s10], $0x100  }
0x18: {  	_ =	swait.ge @!p0 [sflag:s0], $0x100  }
0x19: {  	[sflag:s0] =	ssyncset.done @!p0 $0x0  }
0x1a: {  	[sflag:s0] =	ssyncadd.s32 @!p0 $0xFFFFFF00  }
0x1b: {  	s25 =	simm.s32 $0x0;
	[bflag:$0x0] =	sbarrier.arrive $0xFFFF  }
.LBB2_2:
0x1c: {  	s0 =	smul.u32 $0x1400, s25;
	_ =	sdelay $0x1  }
0x1d: {  	s0 =	sadd.s32 s0, s11  }
0x1e: {  	s0 =	sshrl.u32 s0, $0x3  }
0x1f: {  	s26 =	simm.s32 $0x0;
	s28 =	sadd.s32 s1, s0  }
0x20: {  	[tilespmem:s26], [sflag:$0x3] =	stream.linear.gather [hbm4b:s28+s26], $0x1400, $0x38;
	[tilespmem:$0x1F480] =	vst v63  }
0x21: {  	_ =	swait.ge [sflag:s16], $0x1400  }
0x22: {  	[sflag:s16] =	ssyncset.done $0x0  }
0x23: {  	s31 =	sadd.s32 s2, s0;
	[sflag:s16] =	ssyncadd.s32 $0xFFFFEC00  }
0x24: {  	[tilespmem:s18], [sflag:$0x3] =	stream.linear.gather [hbm4b:s31+s26], $0x1400, $0x38;
	[tilespmem:$0x1F480] =	vst v63  }
0x25: {  	_ =	swait.ge [sflag:s16], $0x1400  }
0x26: {  	[sflag:s16] =	ssyncset.done $0x0  }
0x27: {  	s0 =	sadd.s32 s7, s0;
	[sflag:s16] =	ssyncadd.s32 $0xFFFFEC00  }
0x28: {  	[tilespmem:s19], [sflag:$0x3] =	stream.linear.gather [hbm4b:s0+s26], $0x1400, $0x38;
	[tilespmem:$0x1F480] =	vst v63  }
0x29: {  	_ =	swait.ge [sflag:s16], $0x1400  }
0x2a: {  	[sflag:s16] =	ssyncset.done $0x0  }
0x2b: {  	[sflag:s16] =	ssyncadd.s32 $0xFFFFEC00  }
0x2c: {  	[tilespmem:s21], [sflag:$0x1] =	stream.indirect.gather [hbm4b:s6+s20], $0x80, s26, s20, $0xb8;
	[tilespmem:$0x1F480] =	vst v63  }
.LBB2_3:
0x2d: {  	s29 =	sshll.u32 s26, $0xA  }
0x2e: {  	s30 =	sshrl.u32 s29, $0x2  }
0x2f: {  	s0 =	sadd.s32 $0x2800, s30  }
0x30: {  	_ =	swait.ge [sflag:s22], $0x4000;
	v0 =	vmov s0  }
0x31: {  	s28 =	sshll.u32 s26, $0x8;
	[sflag:s22] =	ssyncset.done $0x0  }
0x32: {  	s3 =	simm.s32 $0x0;
	s28 =	sor.u32 $0x80, s28;
	[sflag:s22] =	ssyncadd.s32 $0xFFFFC000  }
0x33: {  	[tilespmem:s23], [sflag:$0x2] =	stream.indirect.gather [hbm4b:s6+s20], $0x80, s28, s20, $0xb8;
	[tilespmem:$0x1F480] =	vst v63  }
0x34: {  	s0 =	sand.u32 $0x3FFFFFF0, s3  }
0x35: {  	s31 =	simm.s32 $0x0;
	v1 =	vld.idx.msk [tilespmem:v0+s0+$0x0 ss:$0x1], $0xffff  }
0x36: {  	s31 =	sand.u32 $0x3FFFF800, s31  }
0x37: {  	v3 =	vld [tilespmem:s31+$0x3C20]  }
0x38: {  	v4 =	vld [tilespmem:s31+$0x3C30]  }
0x39: {  	v10 =	vld [tilespmem:s31+$0x3C60]  }
0x3a: {  	v11 =	vld [tilespmem:s31+$0x3C70];
	v2 =	vbroadcast v1, $0x0  }
0x3b: {  	v12 =	vld [tilespmem:s31+$0x3C80]  }
0x3c: {  	v13 =	vld [tilespmem:s31+$0x3C90];
	v3 =	vmul.f32 v3, v2  }
0x3d: {  	v14 =	vld [tilespmem:s31+$0x3CA0];
	v4 =	vmul.f32 v4, v2  }
0x3e: {  	v9 =	vld [tilespmem:s31+$0x3CB0];
	v23 =	vbroadcast v1, $0x1;
	v22 =	vmul.f32 v10, v2;
	[tilespmem:s31+$0x3C20] =	vst v3  }
0x3f: {  	v7 =	vld [tilespmem:s31+$0x3CC0];
	v11 =	vmul.f32 v11, v2;
	[tilespmem:s31+$0x3C30] =	vst v4  }
0x40: {  	v8 =	vld [tilespmem:s31+$0x3CD0];
	v12 =	vmul.f32 v12, v23;
	[tilespmem:s31+$0x3C60] =	vst v22  }
0x41: {  	v25 =	vld [tilespmem:s31+$0x3CF0];
	v13 =	vmul.f32 v13, v23;
	[tilespmem:s31+$0x3C70] =	vst v11  }
0x42: {  	v26 =	vld [tilespmem:s31+$0x3D00];
	v14 =	vmul.f32 v14, v23;
	[tilespmem:s31+$0x3C80] =	vst v12  }
0x43: {  	v27 =	vld [tilespmem:s31+$0x3D10];
	v9 =	vmul.f32 v9, v23;
	[tilespmem:s31+$0x3C90] =	vst v13  }
0x44: {  	v6 =	vld [tilespmem:s31+$0x4170];
	v7 =	vmul.f32 v7, v23;
	[tilespmem:s31+$0x3CA0] =	vst v14  }
0x45: {  	v24 =	vld [tilespmem:s31+$0x3CE0];
	v15 =	vbroadcast v1, $0x2;
	v8 =	vmul.f32 v8, v23;
	[tilespmem:s31+$0x3CB0] =	vst v9  }
0x46: {  	v28 =	vld [tilespmem:s31+$0x3D20];
	v10 =	vmul.f32 v25, v23;
	[tilespmem:s31+$0x3CC0] =	vst v7  }
0x47: {  	v29 =	vld [tilespmem:s31+$0x3D30];
	v5 =	vbroadcast v1, $0xA;
	v32 =	vmul.f32 v26, v15;
	[tilespmem:s31+$0x3CD0] =	vst v8  }
0x48: {  	v30 =	vld [tilespmem:s31+$0x3D40];
	v34 =	vmul.f32 v27, v15;
	[tilespmem:s31+$0x3CF0] =	vst v10  }
0x49: {  	v33 =	vld [tilespmem:s31+$0x3D60];
	v3 =	vmul.f32 v6, v5;
	[tilespmem:s31+$0x3D00] =	vst v32  }
0x4a: {  	v35 =	vld [tilespmem:s31+$0x3D70];
	v11 =	vmul.f32 v24, v23;
	[tilespmem:s31+$0x3D10] =	vst v34  }
0x4b: {  	v36 =	vld [tilespmem:s31+$0x3D80];
	v9 =	vmul.f32 v28, v15;
	[tilespmem:s31+$0x4170] =	vst v3  }
0x4c: {  	v31 =	vld [tilespmem:s31+$0x3D50];
	v7 =	vmul.f32 v29, v15;
	[tilespmem:s31+$0x3CE0] =	vst v11  }
0x4d: {  	v37 =	vld [tilespmem:s31+$0x3D90];
	v8 =	vmul.f32 v30, v15;
	[tilespmem:s31+$0x3D20] =	vst v9  }
0x4e: {  	v38 =	vld [tilespmem:s31+$0x3DA0];
	v41 =	vbroadcast v1, $0x3;
	v10 =	vmul.f32 v33, v15;
	[tilespmem:s31+$0x3D30] =	vst v7  }
0x4f: {  	v39 =	vld [tilespmem:s31+$0x3DB0];
	v12 =	vmul.f32 v35, v15;
	[tilespmem:s31+$0x3D40] =	vst v8  }
0x50: {  	v42 =	vld [tilespmem:s31+$0x3DD0];
	v13 =	vmul.f32 v36, v41;
	[tilespmem:s31+$0x3D60] =	vst v10  }
0x51: {  	v43 =	vld [tilespmem:s31+$0x3DE0];
	v11 =	vmul.f32 v31, v15;
	[tilespmem:s31+$0x3D70] =	vst v12  }
0x52: {  	v44 =	vld [tilespmem:s31+$0x3DF0];
	v9 =	vmul.f32 v37, v41;
	[tilespmem:s31+$0x3D80] =	vst v13  }
0x53: {  	v40 =	vld [tilespmem:s31+$0x3DC0];
	v7 =	vmul.f32 v38, v41;
	[tilespmem:s31+$0x3D50] =	vst v11  }
0x54: {  	v45 =	vld [tilespmem:s31+$0x3E00];
	v8 =	vmul.f32 v39, v41;
	[tilespmem:s31+$0x3D90] =	vst v9  }
0x55: {  	v46 =	vld [tilespmem:s31+$0x3E10];
	v10 =	vmul.f32 v42, v41;
	[tilespmem:s31+$0x3DA0] =	vst v7  }
0x56: {  	v47 =	vld [tilespmem:s31+$0x3E20];
	v12 =	vmul.f32 v43, v41;
	[tilespmem:s31+$0x3DB0] =	vst v8  }
0x57: {  	v49 =	vld [tilespmem:s31+$0x3E40];
	v50 =	vbroadcast v1, $0x4;
	v13 =	vmul.f32 v44, v41;
	[tilespmem:s31+$0x3DD0] =	vst v10  }
0x58: {  	v51 =	vld [tilespmem:s31+$0x3E50];
	v11 =	vmul.f32 v40, v41;
	[tilespmem:s31+$0x3DE0] =	vst v12  }
0x59: {  	v52 =	vld [tilespmem:s31+$0x3E60];
	v9 =	vmul.f32 v45, v50;
	[tilespmem:s31+$0x3DF0] =	vst v13  }
0x5a: {  	v48 =	vld [tilespmem:s31+$0x3E30];
	v7 =	vmul.f32 v46, v50;
	[tilespmem:s31+$0x3DC0] =	vst v11  }
0x5b: {  	v53 =	vld [tilespmem:s31+$0x3E70];
	v8 =	vmul.f32 v47, v50;
	[tilespmem:s31+$0x3E00] =	vst v9  }
0x5c: {  	v54 =	vld [tilespmem:s31+$0x3E80];
	v10 =	vmul.f32 v49, v50;
	[tilespmem:s31+$0x3E10] =	vst v7  }
0x5d: {  	v55 =	vld [tilespmem:s31+$0x3E90];
	v12 =	vmul.f32 v51, v50;
	[tilespmem:s31+$0x3E20] =	vst v8  }
0x5e: {  	v57 =	vld [tilespmem:s31+$0x3EB0];
	v13 =	vmul.f32 v52, v50;
	[tilespmem:s31+$0x3E40] =	vst v10  }
0x5f: {  	v58 =	vld [tilespmem:s31+$0x3EC0];
	v59 =	vbroadcast v1, $0x5;
	v11 =	vmul.f32 v48, v50;
	[tilespmem:s31+$0x3E50] =	vst v12  }
0x60: {  	v60 =	vld [tilespmem:s31+$0x3ED0];
	v9 =	vmul.f32 v53, v50;
	[tilespmem:s31+$0x3E60] =	vst v13  }
0x61: {  	v56 =	vld [tilespmem:s31+$0x3EA0];
	v7 =	vmul.f32 v54, v59;
	[tilespmem:s31+$0x3E30] =	vst v11  }
0x62: {  	v61 =	vld [tilespmem:s31+$0x3EE0];
	v8 =	vmul.f32 v55, v59;
	[tilespmem:s31+$0x3E70] =	vst v9  }
0x63: {  	v62 =	vld [tilespmem:s31+$0x3EF0];
	v10 =	vmul.f32 v57, v59;
	[tilespmem:s31+$0x3E80] =	vst v7  }
0x64: {  	v63 =	vld [tilespmem:s31+$0x3F00];
	v12 =	vmul.f32 v58, v59;
	[tilespmem:s31+$0x3E90] =	vst v8  }
0x65: {  	v19 =	vld [tilespmem:s31+$0x3F20];
	v13 =	vmul.f32 v60, v59;
	[tilespmem:s31+$0x3EB0] =	vst v10  }
0x66: {  	v20 =	vld [tilespmem:s31+$0x3F30];
	v11 =	vmul.f32 v56, v59;
	[tilespmem:s31+$0x3EC0] =	vst v12  }
0x67: {  	v21 =	vld [tilespmem:s31+$0x3F40];
	v22 =	vbroadcast v1, $0x6;
	v9 =	vmul.f32 v61, v59;
	[tilespmem:s31+$0x3ED0] =	vst v13  }
0x68: {  	v18 =	vld [tilespmem:s31+$0x3F10];
	v7 =	vmul.f32 v62, v59;
	[tilespmem:s31+$0x3EA0] =	vst v11  }
0x69: {  	v23 =	vld [tilespmem:s31+$0x3F50];
	v8 =	vmul.f32 v63, v22;
	[tilespmem:s31+$0x3EE0] =	vst v9  }
0x6a: {  	v24 =	vld [tilespmem:s31+$0x3F60];
	v10 =	vmul.f32 v19, v22;
	[tilespmem:s31+$0x3EF0] =	vst v7  }
0x6b: {  	v25 =	vld [tilespmem:s31+$0x3F70];
	v12 =	vmul.f32 v20, v22;
	[tilespmem:s31+$0x3F00] =	vst v8  }
0x6c: {  	v27 =	vld [tilespmem:s31+$0x3F90];
	v13 =	vmul.f32 v21, v22;
	[tilespmem:s31+$0x3F20] =	vst v10  }
0x6d: {  	v28 =	vld [tilespmem:s31+$0x3FA0];
	v11 =	vmul.f32 v18, v22;
	[tilespmem:s31+$0x3F30] =	vst v12  }
0x6e: {  	v29 =	vld [tilespmem:s31+$0x3FB0];
	v9 =	vmul.f32 v23, v22;
	[tilespmem:s31+$0x3F40] =	vst v13  }
0x6f: {  	v31 =	vbroadcast v1, $0x7;
	v53 =	vld [tilespmem:s31+$0x4100];
	v7 =	vmul.f32 v24, v22;
	[tilespmem:s31+$0x3F10] =	vst v11  }
0x70: {  	v57 =	vld [tilespmem:s31+$0x4140];
	v8 =	vmul.f32 v25, v22;
	[tilespmem:s31+$0x3F50] =	vst v9  }
0x71: {  	v58 =	vld [tilespmem:s31+$0x4150];
	v10 =	vmul.f32 v27, v31;
	[tilespmem:s31+$0x3F60] =	vst v7  }
0x72: {  	v26 =	vld [tilespmem:s31+$0x3F80];
	v12 =	vmul.f32 v28, v31;
	[tilespmem:s31+$0x3F70] =	vst v8  }
0x73: {  	v30 =	vld [tilespmem:s31+$0x3FC0];
	v13 =	vmul.f32 v29, v31;
	[tilespmem:s31+$0x3F90] =	vst v10  }
0x74: {  	v32 =	vld [tilespmem:s31+$0x3FD0];
	v59 =	vmul.f32 v53, v5;
	[tilespmem:s31+$0x3FA0] =	vst v12  }
0x75: {  	v33 =	vld [tilespmem:s31+$0x3FE0];
	v18 =	vmul.f32 v57, v5;
	[tilespmem:s31+$0x3FB0] =	vst v13  }
0x76: {  	v35 =	vld [tilespmem:s31+$0x4000];
	v20 =	vmul.f32 v58, v5;
	[tilespmem:s31+$0x4100] =	vst v59  }
0x77: {  	v36 =	vld [tilespmem:s31+$0x4010];
	v11 =	vmul.f32 v26, v31;
	[tilespmem:s31+$0x4140] =	vst v18  }
0x78: {  	v37 =	vld [tilespmem:s31+$0x4020];
	v9 =	vmul.f32 v30, v31;
	[tilespmem:s31+$0x4150] =	vst v20  }
0x79: {  	v4 =	vld [tilespmem:s31+$0x4180];
	v40 =	vbroadcast v1, $0x8;
	v7 =	vmul.f32 v32, v31;
	[tilespmem:s31+$0x3F80] =	vst v11  }
0x7a: {  	v6 =	vld [tilespmem:s31+$0x4190];
	v8 =	vmul.f32 v33, v31;
	[tilespmem:s31+$0x3FC0] =	vst v9  }
0x7b: {  	v3 =	vld [tilespmem:s31+$0x43D0];
	v10 =	vmul.f32 v35, v40;
	[tilespmem:s31+$0x3FD0] =	vst v7  }
0x7c: {  	v61 =	vld [tilespmem:s31+$0x3C00];
	v23 =	vbroadcast v1, $0xB;
	v12 =	vmul.f32 v36, v40;
	[tilespmem:s31+$0x3FE0] =	vst v8  }
0x7d: {  	v34 =	vld [tilespmem:s31+$0x3FF0];
	v13 =	vmul.f32 v37, v40;
	[tilespmem:s31+$0x4000] =	vst v10  }
0x7e: {  	v38 =	vld [tilespmem:s31+$0x4030];
	v27 =	vbroadcast v1, $0xF;
	v4 =	vmul.f32 v4, v23;
	[tilespmem:s31+$0x4010] =	vst v12  }
0x7f: {  	v39 =	vld [tilespmem:s31+$0x4040];
	v6 =	vmul.f32 v6, v23;
	[tilespmem:s31+$0x4020] =	vst v13  }
0x80: {  	v41 =	vld [tilespmem:s31+$0x4050];
	v3 =	vmul.f32 v3, v27;
	[tilespmem:s31+$0x4180] =	vst v4  }
0x81: {  	v43 =	vld [tilespmem:s31+$0x4070];
	v24 =	vmul.f32 v2, v61;
	[tilespmem:s31+$0x4190] =	vst v6  }
0x82: {  	v44 =	vld [tilespmem:s31+$0x4080];
	v11 =	vmul.f32 v34, v31;
	[tilespmem:s31+$0x43D0] =	vst v3  }
0x83: {  	v45 =	vld [tilespmem:s31+$0x4090];
	v9 =	vmul.f32 v38, v40;
	[tilespmem:s31+$0x3C00] =	vst v24  }
0x84: {  	v63 =	vld [tilespmem:s31+$0x3C40];
	v7 =	vmul.f32 v39, v40;
	[tilespmem:s31+$0x3FF0] =	vst v11  }
0x85: {  	v49 =	vbroadcast v1, $0x9;
	v29 =	vld [tilespmem:s31+$0x41F0];
	v8 =	vmul.f32 v41, v40;
	[tilespmem:s31+$0x4030] =	vst v9  }
0x86: {  	v42 =	vld [tilespmem:s31+$0x4060];
	v10 =	vmul.f32 v43, v40;
	[tilespmem:s31+$0x4040] =	vst v7  }
0x87: {  	v46 =	vld [tilespmem:s31+$0x40A0];
	v12 =	vmul.f32 v44, v49;
	[tilespmem:s31+$0x4050] =	vst v8  }
0x88: {  	v47 =	vld [tilespmem:s31+$0x40B0];
	v13 =	vmul.f32 v45, v49;
	[tilespmem:s31+$0x4070] =	vst v10  }
0x89: {  	v48 =	vld [tilespmem:s31+$0x40C0];
	v3 =	vmul.f32 v63, v2;
	[tilespmem:s31+$0x4080] =	vst v12  }
0x8a: {  	v51 =	vld [tilespmem:s31+$0x40E0];
	v6 =	vmul.f32 v29, v23;
	[tilespmem:s31+$0x4090] =	vst v13  }
0x8b: {  	v52 =	vld [tilespmem:s31+$0x40F0];
	v11 =	vmul.f32 v42, v40;
	[tilespmem:s31+$0x3C40] =	vst v3  }
0x8c: {  	v28 =	vld [tilespmem:s31+$0x41E0];
	v9 =	vmul.f32 v46, v49;
	[tilespmem:s31+$0x41F0] =	vst v6  }
0x8d: {  	v26 =	vld [tilespmem:s31+$0x41D0];
	v7 =	vmul.f32 v47, v49;
	[tilespmem:s31+$0x4060] =	vst v11  }
0x8e: {  	v30 =	vld [tilespmem:s31+$0x4200];
	v8 =	vmul.f32 v48, v49;
	[tilespmem:s31+$0x40A0] =	vst v9  }
0x8f: {  	v50 =	vld [tilespmem:s31+$0x40D0];
	v10 =	vmul.f32 v51, v49;
	[tilespmem:s31+$0x40B0] =	vst v7  }
0x90: {  	v54 =	vld [tilespmem:s31+$0x4110];
	v12 =	vmul.f32 v52, v49;
	[tilespmem:s31+$0x40C0] =	vst v8  }
0x91: {  	v55 =	vld [tilespmem:s31+$0x4120];
	v35 =	vbroadcast v1, $0xC;
	v40 =	vmul.f32 v28, v23;
	[tilespmem:s31+$0x40E0] =	vst v10  }
0x92: {  	v56 =	vld [tilespmem:s31+$0x4130];
	v32 =	vmul.f32 v26, v23;
	[tilespmem:s31+$0x40F0] =	vst v12  }
0x93: {  	v60 =	vld [tilespmem:s31+$0x4160];
	v15 =	vmul.f32 v30, v35;
	[tilespmem:s31+$0x41E0] =	vst v40  }
0x94: {  	v62 =	vld [tilespmem:s31+$0x3C10];
	v11 =	vmul.f32 v50, v49;
	[tilespmem:s31+$0x41D0] =	vst v32  }
0x95: {  	v19 =	vld [tilespmem:s31+$0x3C50];
	v9 =	vmul.f32 v54, v5;
	[tilespmem:s31+$0x4200] =	vst v15  }
0x96: {  	v33 =	vld [tilespmem:s31+$0x4230];
	v7 =	vmul.f32 v55, v5;
	[tilespmem:s31+$0x40D0] =	vst v11  }
0x97: {  	v61 =	vld [tilespmem:s31+$0x43F0];
	v8 =	vmul.f32 v56, v5;
	[tilespmem:s31+$0x4110] =	vst v9  }
0x98: {  	v38 =	vld [tilespmem:s31+$0x4270];
	v5 =	vmul.f32 v60, v5;
	[tilespmem:s31+$0x4120] =	vst v7  }
0x99: {  	v21 =	vld [tilespmem:s31+$0x41A0];
	v12 =	vmul.f32 v62, v2;
	[tilespmem:s31+$0x4130] =	vst v8  }
0x9a: {  	v22 =	vld [tilespmem:s31+$0x41B0];
	v2 =	vmul.f32 v19, v2;
	[tilespmem:s31+$0x4160] =	vst v5  }
0x9b: {  	v25 =	vld [tilespmem:s31+$0x41C0];
	v62 =	vmul.f32 v33, v35;
	[tilespmem:s31+$0x3C10] =	vst v12  }
0x9c: {  	v31 =	vld [tilespmem:s31+$0x4210];
	v63 =	vmul.f32 v61, v27;
	[tilespmem:s31+$0x3C50] =	vst v2  }
0x9d: {  	v34 =	vld [tilespmem:s31+$0x4240];
	v15 =	vmul.f32 v38, v35;
	[tilespmem:s31+$0x4230] =	vst v62  }
0x9e: {  	v41 =	vld [tilespmem:s31+$0x42A0];
	v7 =	vmul.f32 v21, v23;
	[tilespmem:s31+$0x43F0] =	vst v63  }
0x9f: {  	v46 =	vld [tilespmem:s31+$0x42E0];
	v8 =	vmul.f32 v22, v23;
	[tilespmem:s31+$0x4270] =	vst v15  }
0xa0: {  	v36 =	vld [tilespmem:s31+$0x4250];
	v5 =	vmul.f32 v25, v23;
	[tilespmem:s31+$0x41A0] =	vst v7  }
0xa1: {  	v44 =	vbroadcast v1, $0xD;
	v9 =	vmul.f32 v31, v35;
	v2 =	vld [tilespmem:s31+$0x4290];
	[tilespmem:s31+$0x41B0] =	vst v8  }
0xa2: {  	v37 =	vld [tilespmem:s31+$0x4260];
	v12 =	vmul.f32 v34, v35;
	[tilespmem:s31+$0x41C0] =	vst v5  }
0xa3: {  	v39 =	vld [tilespmem:s31+$0x4280];
	v11 =	vmul.f32 v41, v44;
	[tilespmem:s31+$0x4210] =	vst v9  }
0xa4: {  	v42 =	vld [tilespmem:s31+$0x42B0];
	v51 =	vmul.f32 v46, v44;
	[tilespmem:s31+$0x4240] =	vst v12  }
0xa5: {  	v48 =	vld [tilespmem:s31+$0x4310];
	v8 =	vmul.f32 v36, v35;
	[tilespmem:s31+$0x42A0] =	vst v11  }
0xa6: {  	v49 =	vld [tilespmem:s31+$0x4320];
	[tilespmem:s31+$0x42E0] =	vst v51;
	v2 =	vmul.f32 v2, v44  }
0xa7: {  	v50 =	vld [tilespmem:s31+$0x4330];
	v5 =	vmul.f32 v37, v35;
	[tilespmem:s31+$0x4250] =	vst v8  }
0xa8: {  	v1 =	vbroadcast v1, $0xE;
	v9 =	vmul.f32 v39, v44;
	[tilespmem:s31+$0x4290] =	vst v2;
	v2 =	vld [tilespmem:s31+$0x4300]  }
0xa9: {  	v60 =	vld [tilespmem:s31+$0x43E0];
	v12 =	vmul.f32 v42, v44;
	[tilespmem:s31+$0x4260] =	vst v5  }
0xaa: {  	v45 =	vld [tilespmem:s31+$0x42D0];
	v11 =	vmul.f32 v48, v1;
	[tilespmem:s31+$0x4280] =	vst v9  }
0xab: {  	v47 =	vld [tilespmem:s31+$0x42F0];
	v10 =	vmul.f32 v49, v1;
	[tilespmem:s31+$0x42B0] =	vst v12  }
0xac: {  	v43 =	vld [tilespmem:s31+$0x42C0];
	v6 =	vmul.f32 v50, v1;
	[tilespmem:s31+$0x4310] =	vst v11  }
0xad: {  	v55 =	vld [tilespmem:s31+$0x4380];
	[tilespmem:s31+$0x4320] =	vst v10;
	v2 =	vmul.f32 v2, v1  }
0xae: {  	v57 =	vld [tilespmem:s31+$0x43A0];
	v4 =	vmul.f32 v60, v27;
	[tilespmem:s31+$0x4330] =	vst v6  }
0xaf: {  	v5 =	vmul.f32 v45, v44;
	[tilespmem:s31+$0x4300] =	vst v2;
	v2 =	vld [tilespmem:s31+$0x4370]  }
0xb0: {  	v52 =	vld [tilespmem:s31+$0x4340];
	v9 =	vmul.f32 v47, v44;
	[tilespmem:s31+$0x43E0] =	vst v4  }
0xb1: {  	v56 =	vld [tilespmem:s31+$0x4390];
	v8 =	vmul.f32 v43, v44;
	[tilespmem:s31+$0x42D0] =	vst v5  }
0xb2: {  	v54 =	vld [tilespmem:s31+$0x4360];
	v11 =	vmul.f32 v55, v27;
	[tilespmem:s31+$0x42F0] =	vst v9  }
0xb3: {  	v58 =	vld [tilespmem:s31+$0x43B0];
	v6 =	vmul.f32 v57, v27;
	[tilespmem:s31+$0x42C0] =	vst v8  }
0xb4: {  	v53 =	vld [tilespmem:s31+$0x4350];
	[tilespmem:s31+$0x4380] =	vst v11;
	v2 =	vmul.f32 v2, v1  }
0xb5: {  	v59 =	vld [tilespmem:s31+$0x43C0];
	v5 =	vmul.f32 v52, v1;
	[tilespmem:s31+$0x43A0] =	vst v6  }
0xb6: {  	[tilespmem:s31+$0x4370] =	vst v2;
	v2 =	vmul.f32 v56, v27  }
0xb7: {  	v3 =	vld [tilespmem:s31+$0x4220];
	v9 =	vmul.f32 v54, v1;
	[tilespmem:s31+$0x4340] =	vst v5  }
0xb8: {  	[tilespmem:s31+$0x4390] =	vst v2;
	v2 =	vmul.f32 v58, v27  }
0xb9: {  	[tilespmem:s31+$0x4360] =	vst v9;
	v1 =	vmul.f32 v53, v1  }
0xba: {  	[tilespmem:s31+$0x43B0] =	vst v2;
	v2 =	vmul.f32 v59, v27  }
0xbb: {  	[tilespmem:s31+$0x4350] =	vst v1  }
0xbc: {  	s0 =	simm.s32 $0x1;
	[tilespmem:s31+$0x43C0] =	vst v2;
	v2 =	vmul.f32 v3, v35  }
.LBB2_4:
0xbd: {  	s3 =	sshll.u32 s0, $0x4  }
0xbe: {  	p1 =	sne.s32 s0, $0x7;
	[tilespmem:s31+$0x4220] =	vst v2;
	s31 =	smov.u32 s0;
	s0 =	sadd.s32 $0x1, s0  }
0xbf: {  	s3 =	sand.u32 $0x3FFFFFF0, s3  }
0xc0: {  	v1 =	vld.idx.msk [tilespmem:v0+s3+$0x0 ss:$0x1], $0xffff  }
0xc1: {  	s3 =	sshll.u32 s31, $0xB  }
0xc2: {  	s31 =	sand.u32 $0x3FFFF800, s3  }
0xc3: {  	v8 =	vld [tilespmem:s31+$0x3CC0]  }
0xc4: {  	v9 =	vld [tilespmem:s31+$0x3CD0]  }
0xc5: {  	v10 =	vld [tilespmem:s31+$0x3CB0]  }
0xc6: {  	v2 =	vbroadcast v1, $0x0;
	v7 =	vbroadcast v1, $0x4;
	v3 =	vld [tilespmem:s31+$0x3C20]  }
0xc7: {  	v5 =	vld [tilespmem:s31+$0x3C30]  }
0xc8: {  	v6 =	vld [tilespmem:s31+$0x4170]  }
0xc9: {  	v11 =	vld [tilespmem:s31+$0x3C60]  }
0xca: {  	v12 =	vld [tilespmem:s31+$0x3C70]  }
0xcb: {  	v4 =	vbroadcast v1, $0xA;
	v3 =	vmul.f32 v3, v2;
	v13 =	vld [tilespmem:s31+$0x3C80]  }
0xcc: {  	v5 =	vmul.f32 v5, v2;
	v14 =	vld [tilespmem:s31+$0x3C90]  }
0xcd: {  	[tilespmem:s31+$0x3C20] =	vst v3;
	v15 =	vld [tilespmem:s31+$0x3CA0];
	v3 =	vmul.f32 v6, v4  }
0xce: {  	[tilespmem:s31+$0x3C30] =	vst v5;
	v6 =	vmul.f32 v11, v2;
	v11 =	vbroadcast v1, $0x1;
	v5 =	vld [tilespmem:s31+$0x4180]  }
0xcf: {  	v12 =	vmul.f32 v12, v2;
	[tilespmem:s31+$0x4170] =	vst v3;
	v3 =	vld [tilespmem:s31+$0x43D0]  }
0xd0: {  	[tilespmem:s31+$0x3C60] =	vst v6;
	v13 =	vmul.f32 v13, v11;
	v6 =	vld [tilespmem:s31+$0x4190]  }
0xd1: {  	[tilespmem:s31+$0x3C70] =	vst v12;
	v12 =	vmul.f32 v14, v11;
	v14 =	vld [tilespmem:s31+$0x3CE0]  }
0xd2: {  	[tilespmem:s31+$0x3C80] =	vst v13;
	v13 =	vmul.f32 v15, v11;
	v15 =	vld [tilespmem:s31+$0x3CF0]  }
0xd3: {  	v10 =	vmul.f32 v10, v11;
	[tilespmem:s31+$0x3C90] =	vst v12;
	v12 =	vld [tilespmem:s31+$0x3D00]  }
0xd4: {  	v8 =	vmul.f32 v8, v11;
	[tilespmem:s31+$0x3CA0] =	vst v13;
	v13 =	vld [tilespmem:s31+$0x3D10]  }
0xd5: {  	v9 =	vmul.f32 v9, v11;
	[tilespmem:s31+$0x3CB0] =	vst v10;
	v10 =	vld [tilespmem:s31+$0x3D20]  }
0xd6: {  	[tilespmem:s31+$0x3CC0] =	vst v8;
	v8 =	vmul.f32 v14, v11;
	v14 =	vbroadcast v1, $0x2;
	v16 =	vld [tilespmem:s31+$0x3D30]  }
0xd7: {  	[tilespmem:s31+$0x3CD0] =	vst v9;
	v9 =	vmul.f32 v15, v11;
	v11 =	vld [tilespmem:s31+$0x3D40]  }
0xd8: {  	[tilespmem:s31+$0x3CE0] =	vst v8;
	v8 =	vmul.f32 v12, v14;
	v12 =	vld [tilespmem:s31+$0x3D50]  }
0xd9: {  	[tilespmem:s31+$0x3CF0] =	vst v9;
	v9 =	vmul.f32 v13, v14;
	v13 =	vld [tilespmem:s31+$0x3D60]  }
0xda: {  	[tilespmem:s31+$0x3D00] =	vst v8;
	v8 =	vmul.f32 v10, v14;
	v10 =	vld [tilespmem:s31+$0x3D70]  }
0xdb: {  	[tilespmem:s31+$0x3D10] =	vst v9;
	v9 =	vmul.f32 v16, v14;
	v15 =	vld [tilespmem:s31+$0x3D80]  }
0xdc: {  	[tilespmem:s31+$0x3D20] =	vst v8;
	v8 =	vmul.f32 v11, v14;
	v11 =	vld [tilespmem:s31+$0x3D90]  }
0xdd: {  	[tilespmem:s31+$0x3D30] =	vst v9;
	v9 =	vmul.f32 v12, v14;
	v12 =	vld [tilespmem:s31+$0x3DA0]  }
0xde: {  	[tilespmem:s31+$0x3D40] =	vst v8;
	v8 =	vmul.f32 v13, v14;
	v13 =	vbroadcast v1, $0x3;
	v16 =	vld [tilespmem:s31+$0x3DB0]  }
0xdf: {  	[tilespmem:s31+$0x3D50] =	vst v9;
	v9 =	vmul.f32 v10, v14;
	v10 =	vld [tilespmem:s31+$0x3DC0]  }
0xe0: {  	[tilespmem:s31+$0x3D60] =	vst v8;
	v8 =	vmul.f32 v15, v13;
	v14 =	vld [tilespmem:s31+$0x3DD0]  }
0xe1: {  	[tilespmem:s31+$0x3D70] =	vst v9;
	v9 =	vmul.f32 v11, v13;
	v11 =	vld [tilespmem:s31+$0x3DE0]  }
0xe2: {  	[tilespmem:s31+$0x3D80] =	vst v8;
	v8 =	vmul.f32 v12, v13;
	v12 =	vld [tilespmem:s31+$0x3DF0]  }
0xe3: {  	[tilespmem:s31+$0x3D90] =	vst v9;
	v9 =	vmul.f32 v16, v13;
	v15 =	vld [tilespmem:s31+$0x3E00]  }
0xe4: {  	[tilespmem:s31+$0x3DA0] =	vst v8;
	v8 =	vmul.f32 v10, v13;
	v10 =	vld [tilespmem:s31+$0x3E10]  }
0xe5: {  	[tilespmem:s31+$0x3DB0] =	vst v9;
	v9 =	vmul.f32 v14, v13;
	v14 =	vld [tilespmem:s31+$0x3E20]  }
0xe6: {  	[tilespmem:s31+$0x3DC0] =	vst v8;
	v8 =	vmul.f32 v11, v13;
	v11 =	vld [tilespmem:s31+$0x3E30]  }
0xe7: {  	[tilespmem:s31+$0x3DD0] =	vst v9;
	v9 =	vmul.f32 v12, v13;
	v12 =	vld [tilespmem:s31+$0x3E40]  }
0xe8: {  	[tilespmem:s31+$0x3DE0] =	vst v8;
	v8 =	vmul.f32 v15, v7;
	v13 =	vld [tilespmem:s31+$0x3E50]  }
0xe9: {  	[tilespmem:s31+$0x3DF0] =	vst v9;
	v9 =	vmul.f32 v10, v7;
	v10 =	vld [tilespmem:s31+$0x3E60]  }
0xea: {  	[tilespmem:s31+$0x3E00] =	vst v8;
	v8 =	vmul.f32 v14, v7;
	v14 =	vld [tilespmem:s31+$0x3E70]  }
0xeb: {  	[tilespmem:s31+$0x3E10] =	vst v9;
	v9 =	vmul.f32 v11, v7;
	v11 =	vld [tilespmem:s31+$0x3E80]  }
0xec: {  	[tilespmem:s31+$0x3E20] =	vst v8;
	v8 =	vmul.f32 v12, v7;
	v12 =	vld [tilespmem:s31+$0x3E90]  }
0xed: {  	[tilespmem:s31+$0x3E30] =	vst v9;
	v9 =	vmul.f32 v13, v7;
	v13 =	vld [tilespmem:s31+$0x3EA0]  }
0xee: {  	[tilespmem:s31+$0x3E40] =	vst v8;
	v8 =	vmul.f32 v10, v7;
	v10 =	vbroadcast v1, $0x5;
	v15 =	vld [tilespmem:s31+$0x3EB0]  }
0xef: {  	[tilespmem:s31+$0x3E50] =	vst v9;
	v7 =	vmul.f32 v14, v7;
	v9 =	vld [tilespmem:s31+$0x3EC0]  }
0xf0: {  	[tilespmem:s31+$0x3E60] =	vst v8;
	v8 =	vmul.f32 v11, v10;
	v11 =	vld [tilespmem:s31+$0x3ED0]  }
0xf1: {  	[tilespmem:s31+$0x3E70] =	vst v7;
	v7 =	vmul.f32 v12, v10;
	v12 =	vld [tilespmem:s31+$0x3EE0]  }
0xf2: {  	[tilespmem:s31+$0x3E80] =	vst v8;
	v8 =	vmul.f32 v13, v10;
	v13 =	vld [tilespmem:s31+$0x3EF0]  }
0xf3: {  	[tilespmem:s31+$0x3E90] =	vst v7;
	v7 =	vmul.f32 v15, v10;
	v14 =	vld [tilespmem:s31+$0x3F00]  }
0xf4: {  	[tilespmem:s31+$0x3EA0] =	vst v8;
	v8 =	vmul.f32 v9, v10;
	v9 =	vld [tilespmem:s31+$0x3F10]  }
0xf5: {  	[tilespmem:s31+$0x3EB0] =	vst v7;
	v7 =	vmul.f32 v11, v10;
	v11 =	vld [tilespmem:s31+$0x3F20]  }
0xf6: {  	[tilespmem:s31+$0x3EC0] =	vst v8;
	v8 =	vmul.f32 v12, v10;
	v12 =	vbroadcast v1, $0x6;
	v15 =	vld [tilespmem:s31+$0x3F30]  }
0xf7: {  	[tilespmem:s31+$0x3ED0] =	vst v7;
	v7 =	vmul.f32 v13, v10;
	v10 =	vld [tilespmem:s31+$0x3F40]  }
0xf8: {  	[tilespmem:s31+$0x3EE0] =	vst v8;
	v8 =	vmul.f32 v14, v12;
	v13 =	vld [tilespmem:s31+$0x3F50]  }
0xf9: {  	[tilespmem:s31+$0x3EF0] =	vst v7;
	v7 =	vmul.f32 v9, v12;
	v9 =	vld [tilespmem:s31+$0x3F60]  }
0xfa: {  	[tilespmem:s31+$0x3F00] =	vst v8;
	v8 =	vmul.f32 v11, v12;
	v11 =	vld [tilespmem:s31+$0x3F70]  }
0xfb: {  	[tilespmem:s31+$0x3F10] =	vst v7;
	v7 =	vmul.f32 v15, v12;
	v14 =	vld [tilespmem:s31+$0x3F80]  }
0xfc: {  	[tilespmem:s31+$0x3F20] =	vst v8;
	v8 =	vmul.f32 v10, v12;
	v10 =	vld [tilespmem:s31+$0x3F90]  }
0xfd: {  	[tilespmem:s31+$0x3F30] =	vst v7;
	v7 =	vmul.f32 v13, v12;
	v13 =	vld [tilespmem:s31+$0x3FA0]  }
0xfe: {  	[tilespmem:s31+$0x3F40] =	vst v8;
	v8 =	vmul.f32 v9, v12;
	v9 =	vbroadcast v1, $0x7;
	v15 =	vld [tilespmem:s31+$0x3FB0]  }
0xff: {  	[tilespmem:s31+$0x3F50] =	vst v7;
	v7 =	vmul.f32 v11, v12;
	v11 =	vld [tilespmem:s31+$0x3FC0]  }
0x100: {  	[tilespmem:s31+$0x3F60] =	vst v8;
	v8 =	vmul.f32 v14, v9;
	v12 =	vld [tilespmem:s31+$0x3FD0]  }
0x101: {  	[tilespmem:s31+$0x3F70] =	vst v7;
	v7 =	vmul.f32 v10, v9;
	v10 =	vld [tilespmem:s31+$0x3FE0]  }
0x102: {  	[tilespmem:s31+$0x3F80] =	vst v8;
	v8 =	vmul.f32 v13, v9;
	v13 =	vld [tilespmem:s31+$0x3FF0]  }
0x103: {  	[tilespmem:s31+$0x3F90] =	vst v7;
	v7 =	vmul.f32 v15, v9;
	v14 =	vld [tilespmem:s31+$0x4000]  }
0x104: {  	[tilespmem:s31+$0x3FA0] =	vst v8;
	v8 =	vmul.f32 v11, v9;
	v11 =	vld [tilespmem:s31+$0x4010]  }
0x105: {  	[tilespmem:s31+$0x3FB0] =	vst v7;
	v7 =	vmul.f32 v12, v9;
	v12 =	vld [tilespmem:s31+$0x4020]  }
0x106: {  	[tilespmem:s31+$0x3FC0] =	vst v8;
	v8 =	vmul.f32 v10, v9;
	v10 =	vbroadcast v1, $0x8;
	v15 =	vld [tilespmem:s31+$0x4030]  }
0x107: {  	[tilespmem:s31+$0x3FD0] =	vst v7;
	v7 =	vmul.f32 v13, v9;
	v9 =	vld [tilespmem:s31+$0x4040]  }
0x108: {  	[tilespmem:s31+$0x3FE0] =	vst v8;
	v8 =	vmul.f32 v14, v10;
	v13 =	vld [tilespmem:s31+$0x4050]  }
0x109: {  	[tilespmem:s31+$0x3FF0] =	vst v7;
	v7 =	vmul.f32 v11, v10;
	v11 =	vld [tilespmem:s31+$0x4060]  }
0x10a: {  	[tilespmem:s31+$0x4000] =	vst v8;
	v8 =	vmul.f32 v12, v10;
	v12 =	vld [tilespmem:s31+$0x4070]  }
0x10b: {  	[tilespmem:s31+$0x4010] =	vst v7;
	v7 =	vmul.f32 v15, v10;
	v14 =	vld [tilespmem:s31+$0x4080]  }
0x10c: {  	[tilespmem:s31+$0x4020] =	vst v8;
	v8 =	vmul.f32 v9, v10;
	v9 =	vld [tilespmem:s31+$0x4090]  }
0x10d: {  	[tilespmem:s31+$0x4030] =	vst v7;
	v7 =	vmul.f32 v13, v10;
	v13 =	vld [tilespmem:s31+$0x40A0]  }
0x10e: {  	[tilespmem:s31+$0x4040] =	vst v8;
	v8 =	vmul.f32 v11, v10;
	v11 =	vbroadcast v1, $0x9;
	v15 =	vld [tilespmem:s31+$0x40B0]  }
0x10f: {  	[tilespmem:s31+$0x4050] =	vst v7;
	v7 =	vmul.f32 v12, v10;
	v10 =	vld [tilespmem:s31+$0x40C0]  }
0x110: {  	[tilespmem:s31+$0x4060] =	vst v8;
	v8 =	vmul.f32 v14, v11;
	v12 =	vld [tilespmem:s31+$0x40D0]  }
0x111: {  	[tilespmem:s31+$0x4070] =	vst v7;
	v7 =	vmul.f32 v9, v11;
	v9 =	vld [tilespmem:s31+$0x40E0]  }
0x112: {  	[tilespmem:s31+$0x4080] =	vst v8;
	v8 =	vmul.f32 v13, v11;
	v13 =	vld [tilespmem:s31+$0x40F0]  }
0x113: {  	[tilespmem:s31+$0x4090] =	vst v7;
	v7 =	vmul.f32 v15, v11;
	v14 =	vld [tilespmem:s31+$0x4100]  }
0x114: {  	[tilespmem:s31+$0x40A0] =	vst v8;
	v8 =	vmul.f32 v10, v11;
	v10 =	vld [tilespmem:s31+$0x4110]  }
0x115: {  	[tilespmem:s31+$0x40B0] =	vst v7;
	v7 =	vmul.f32 v12, v11;
	v12 =	vld [tilespmem:s31+$0x4120]  }
0x116: {  	[tilespmem:s31+$0x40C0] =	vst v8;
	v8 =	vmul.f32 v9, v11;
	v9 =	vld [tilespmem:s31+$0x4130]  }
0x117: {  	[tilespmem:s31+$0x40D0] =	vst v7;
	v7 =	vmul.f32 v13, v11;
	v11 =	vld [tilespmem:s31+$0x4140]  }
0x118: {  	[tilespmem:s31+$0x40E0] =	vst v8;
	v8 =	vmul.f32 v14, v4;
	v13 =	vld [tilespmem:s31+$0x4150]  }
0x119: {  	[tilespmem:s31+$0x40F0] =	vst v7;
	v7 =	vmul.f32 v10, v4;
	v10 =	vld [tilespmem:s31+$0x4160]  }
0x11a: {  	v14 =	vld [tilespmem:s31+$0x3C00];
	[tilespmem:s31+$0x4100] =	vst v8;
	v8 =	vmul.f32 v12, v4  }
0x11b: {  	v12 =	vld [tilespmem:s31+$0x3C10];
	[tilespmem:s31+$0x4110] =	vst v7;
	v7 =	vmul.f32 v9, v4  }
0x11c: {  	v9 =	vld [tilespmem:s31+$0x3C40];
	[tilespmem:s31+$0x4120] =	vst v8;
	v8 =	vmul.f32 v11, v4  }
0x11d: {  	v11 =	vld [tilespmem:s31+$0x3C50];
	[tilespmem:s31+$0x4130] =	vst v7;
	v7 =	vmul.f32 v13, v4  }
0x11e: {  	[tilespmem:s31+$0x4140] =	vst v8;
	v8 =	vmul.f32 v10, v4;
	v10 =	vbroadcast v1, $0xB;
	v13 =	vld [tilespmem:s31+$0x41A0]  }
0x11f: {  	v4 =	vbroadcast v1, $0xF;
	v14 =	vmul.f32 v2, v14;
	[tilespmem:s31+$0x4150] =	vst v7;
	v7 =	vld [tilespmem:s31+$0x41B0]  }
0x120: {  	v12 =	vmul.f32 v12, v2;
	[tilespmem:s31+$0x4160] =	vst v8;
	v5 =	vmul.f32 v5, v10;
	v8 =	vld [tilespmem:s31+$0x41C0]  }
0x121: {  	v6 =	vmul.f32 v6, v10;
	[tilespmem:s31+$0x3C00] =	vst v14;
	v9 =	vmul.f32 v9, v2;
	v14 =	vld [tilespmem:s31+$0x41D0]  }
0x122: {  	v3 =	vmul.f32 v3, v4;
	v11 =	vmul.f32 v11, v2;
	[tilespmem:s31+$0x4180] =	vst v5;
	v2 =	vld [tilespmem:s31+$0x41E0]  }
0x123: {  	[tilespmem:s31+$0x4190] =	vst v6;
	v5 =	vmul.f32 v13, v10;
	v6 =	vld [tilespmem:s31+$0x41F0]  }
0x124: {  	v7 =	vmul.f32 v7, v10;
	v13 =	vld [tilespmem:s31+$0x4200];
	[tilespmem:s31+$0x43D0] =	vst v3  }
0x125: {  	[tilespmem:s31+$0x3C10] =	vst v12;
	v3 =	vmul.f32 v8, v10;
	v8 =	vld [tilespmem:s31+$0x4210]  }
0x126: {  	[tilespmem:s31+$0x3C40] =	vst v9;
	v9 =	vmul.f32 v14, v10;
	v12 =	vld [tilespmem:s31+$0x4220]  }
0x127: {  	v14 =	vbroadcast v1, $0xC;
	[tilespmem:s31+$0x41A0] =	vst v5;
	v5 =	vmul.f32 v2, v10;
	v15 =	vld [tilespmem:s31+$0x4230]  }
0x128: {  	[tilespmem:s31+$0x41D0] =	vst v9;
	v6 =	vmul.f32 v6, v10;
	v9 =	vld [tilespmem:s31+$0x4240]  }
0x129: {  	[tilespmem:s31+$0x41B0] =	vst v7;
	v2 =	vmul.f32 v13, v14;
	v7 =	vld [tilespmem:s31+$0x4250]  }
0x12a: {  	[tilespmem:s31+$0x41C0] =	vst v3;
	v3 =	vmul.f32 v8, v14;
	v8 =	vld [tilespmem:s31+$0x4260]  }
0x12b: {  	[tilespmem:s31+$0x4200] =	vst v2;
	v2 =	vmul.f32 v12, v14;
	v10 =	vld [tilespmem:s31+$0x4270]  }
0x12c: {  	[tilespmem:s31+$0x4210] =	vst v3;
	v3 =	vld [tilespmem:s31+$0x4280]  }
0x12d: {  	[tilespmem:s31+$0x3C50] =	vst v11;
	v9 =	vmul.f32 v9, v14;
	v11 =	vld [tilespmem:s31+$0x4290]  }
0x12e: {  	[tilespmem:s31+$0x41E0] =	vst v5;
	v5 =	vmul.f32 v7, v14;
	v7 =	vld [tilespmem:s31+$0x42A0]  }
0x12f: {  	[tilespmem:s31+$0x4240] =	vst v9;
	v8 =	vmul.f32 v8, v14;
	v9 =	vbroadcast v1, $0xD;
	v12 =	vld [tilespmem:s31+$0x42B0]  }
0x130: {  	[tilespmem:s31+$0x4250] =	vst v5;
	v5 =	vmul.f32 v10, v14;
	v10 =	vld [tilespmem:s31+$0x42C0]  }
0x131: {  	[tilespmem:s31+$0x4260] =	vst v8;
	v3 =	vmul.f32 v3, v9;
	v8 =	vld [tilespmem:s31+$0x42D0]  }
0x132: {  	[tilespmem:s31+$0x4270] =	vst v5;
	v5 =	vmul.f32 v11, v9;
	v11 =	vld [tilespmem:s31+$0x42E0]  }
0x133: {  	[tilespmem:s31+$0x4280] =	vst v3;
	v3 =	vmul.f32 v7, v9;
	v7 =	vld [tilespmem:s31+$0x42F0]  }
0x134: {  	[tilespmem:s31+$0x4290] =	vst v5;
	v5 =	vmul.f32 v12, v9;
	v12 =	vld [tilespmem:s31+$0x4300]  }
0x135: {  	[tilespmem:s31+$0x42A0] =	vst v3;
	v3 =	vmul.f32 v10, v9;
	v10 =	vld [tilespmem:s31+$0x4310]  }
0x136: {  	[tilespmem:s31+$0x42B0] =	vst v5;
	v5 =	vmul.f32 v8, v9;
	v8 =	vld [tilespmem:s31+$0x4320]  }
0x137: {  	v1 =	vbroadcast v1, $0xE;
	[tilespmem:s31+$0x41F0] =	vst v6;
	v6 =	vmul.f32 v11, v9;
	v11 =	vld [tilespmem:s31+$0x4330]  }
0x138: {  	[tilespmem:s31+$0x42D0] =	vst v5;
	v5 =	vmul.f32 v7, v9;
	v7 =	vld [tilespmem:s31+$0x4340]  }
0x139: {  	[tilespmem:s31+$0x42E0] =	vst v6;
	v6 =	vmul.f32 v12, v1;
	v9 =	vld [tilespmem:s31+$0x4350]  }
0x13a: {  	[tilespmem:s31+$0x42F0] =	vst v5;
	v5 =	vmul.f32 v10, v1;
	v10 =	vld [tilespmem:s31+$0x4360]  }
0x13b: {  	[tilespmem:s31+$0x4300] =	vst v6;
	v6 =	vmul.f32 v8, v1;
	v8 =	vld [tilespmem:s31+$0x4370]  }
0x13c: {  	[tilespmem:s31+$0x4310] =	vst v5;
	v5 =	vmul.f32 v11, v1;
	v11 =	vld [tilespmem:s31+$0x4380]  }
0x13d: {  	[tilespmem:s31+$0x4320] =	vst v6;
	v6 =	vmul.f32 v7, v1;
	v7 =	vld [tilespmem:s31+$0x4390]  }
0x13e: {  	[tilespmem:s31+$0x4330] =	vst v5;
	v5 =	vmul.f32 v9, v1;
	v9 =	vld [tilespmem:s31+$0x43A0]  }
0x13f: {  	[tilespmem:s31+$0x4340] =	vst v6;
	v6 =	vmul.f32 v10, v1;
	v10 =	vld [tilespmem:s31+$0x43B0]  }
0x140: {  	[tilespmem:s31+$0x42C0] =	vst v3;
	v1 =	vmul.f32 v8, v1;
	v3 =	vld [tilespmem:s31+$0x43C0]  }
0x141: {  	[tilespmem:s31+$0x4360] =	vst v6;
	v6 =	vmul.f32 v11, v4;
	v8 =	vld [tilespmem:s31+$0x43E0]  }
0x142: {  	[tilespmem:s31+$0x4370] =	vst v1;
	v1 =	vmul.f32 v7, v4;
	v7 =	vld [tilespmem:s31+$0x43F0]  }
0x143: {  	[tilespmem:s31+$0x4380] =	vst v6;
	v6 =	vmul.f32 v9, v4  }
0x144: {  	[tilespmem:s31+$0x4390] =	vst v1;
	v1 =	vmul.f32 v10, v4  }
0x145: {  	v9 =	vmul.f32 v15, v14;
	[tilespmem:s31+$0x43A0] =	vst v6  }
0x146: {  	[tilespmem:s31+$0x43B0] =	vst v1;
	v1 =	vmul.f32 v3, v4  }
.Ltmp0:
0x147: {  	[tilespmem:s31+$0x4230] =	vst v9;
	v3 =	vmul.f32 v7, v4;
	(pc) =	sbr.rel @p1 .LBB2_4-.Ltmp0, $4  }
0x148: {  	[tilespmem:s31+$0x43C0] =	vst v1  }
0x149: {  	v1 =	vmul.f32 v8, v4;
	[tilespmem:s31+$0x43F0] =	vst v3  }
0x14a: {  	[tilespmem:s31+$0x4350] =	vst v5  }
0x14b: {  	[tilespmem:s31+$0x43E0] =	vst v1  }
0x14c: {  	[tilespmem:s31+$0x4220] =	vst v2;
	s0 =	sadd.s32 $0x1400, s30  }
0x14d: {  	[spmem:s4] =	stream.indirect.scatter.add.f32 [tilespmem:s21], [sflag:$0x3], $0x80, s0, s20, $0xb8;
	[tilespmem:$0x1F480] =	vst v63  }
0x14e: {  	_ =	swait.ge [sflag:s16], $0x4000  }
0x14f: {  	[sflag:s16] =	ssyncset.done $0x0  }
0x150: {  	s31 =	sadd.s32 $0x2800, s28;
	[sflag:s16] =	ssyncadd.s32 $0xFFFFC000  }
0x151: {  	p1 =	seq.s32 s26, $0x13;
	s30 =	simm.s32 $0x0;
	v0 =	vmov s31;
	_ =	swait.ge [sflag:s24], $0x4000  }
0x152: {  	s3 =	sshrl.u32 @!p1 s29, $0x2;
	s29 =	simm.s32 @!p1 $0x3C00;
	[sflag:s24] =	ssyncset.done $0x0  }
0x153: {  	s0 =	sadd.s32 @!p1 $0x100, s3;
	s3 =	simm.s32 @!p1 $0x80;
	[sflag:s24] =	ssyncadd.s32 $0xFFFFC000  }
0x154: {  	[tilespmem:s29], [sflag:$0x1] =	stream.indirect.gather @!p1 [hbm4b:s6+s3], $0x80, s0, s3, $0xb8;
	[tilespmem:$0x1F480] =	vst v63  }
0x155: {  	s0 =	sand.u32 $0x3FFFFFF0, s30  }
0x156: {  	s31 =	simm.s32 $0x0;
	v1 =	vld.idx.msk [tilespmem:v0+s0+$0x0 ss:$0x1], $0xffff  }
0x157: {  	s29 =	sand.u32 $0x3FFFF800, s31  }
0x158: {  	v3 =	vld [tilespmem:s29+$0x7C20]  }
0x159: {  	v4 =	vld [tilespmem:s29+$0x7C30]  }
0x15a: {  	v10 =	vld [tilespmem:s29+$0x7C60]  }
0x15b: {  	v11 =	vld [tilespmem:s29+$0x7C70];
	v2 =	vbroadcast v1, $0x0  }
0x15c: {  	v12 =	vld [tilespmem:s29+$0x7C80]  }
0x15d: {  	v13 =	vld [tilespmem:s29+$0x7C90];
	v3 =	vmul.f32 v3, v2  }
0x15e: {  	v14 =	vld [tilespmem:s29+$0x7CA0];
	v4 =	vmul.f32 v4, v2  }
0x15f: {  	v9 =	vld [tilespmem:s29+$0x7CB0];
	v23 =	vbroadcast v1, $0x1;
	v22 =	vmul.f32 v10, v2;
	[tilespmem:s29+$0x7C20] =	vst v3  }
0x160: {  	v7 =	vld [tilespmem:s29+$0x7CC0];
	v11 =	vmul.f32 v11, v2;
	[tilespmem:s29+$0x7C30] =	vst v4  }
0x161: {  	v8 =	vld [tilespmem:s29+$0x7CD0];
	v12 =	vmul.f32 v12, v23;
	[tilespmem:s29+$0x7C60] =	vst v22  }
0x162: {  	v25 =	vld [tilespmem:s29+$0x7CF0];
	v13 =	vmul.f32 v13, v23;
	[tilespmem:s29+$0x7C70] =	vst v11  }
0x163: {  	v26 =	vld [tilespmem:s29+$0x7D00];
	v14 =	vmul.f32 v14, v23;
	[tilespmem:s29+$0x7C80] =	vst v12  }
0x164: {  	v27 =	vld [tilespmem:s29+$0x7D10];
	v9 =	vmul.f32 v9, v23;
	[tilespmem:s29+$0x7C90] =	vst v13  }
0x165: {  	v6 =	vld [tilespmem:s29+$0x8170];
	v7 =	vmul.f32 v7, v23;
	[tilespmem:s29+$0x7CA0] =	vst v14  }
0x166: {  	v24 =	vld [tilespmem:s29+$0x7CE0];
	v15 =	vbroadcast v1, $0x2;
	v8 =	vmul.f32 v8, v23;
	[tilespmem:s29+$0x7CB0] =	vst v9  }
0x167: {  	v28 =	vld [tilespmem:s29+$0x7D20];
	v10 =	vmul.f32 v25, v23;
	[tilespmem:s29+$0x7CC0] =	vst v7  }
0x168: {  	v29 =	vld [tilespmem:s29+$0x7D30];
	v5 =	vbroadcast v1, $0xA;
	v32 =	vmul.f32 v26, v15;
	[tilespmem:s29+$0x7CD0] =	vst v8  }
0x169: {  	v30 =	vld [tilespmem:s29+$0x7D40];
	v34 =	vmul.f32 v27, v15;
	[tilespmem:s29+$0x7CF0] =	vst v10  }
0x16a: {  	v33 =	vld [tilespmem:s29+$0x7D60];
	v3 =	vmul.f32 v6, v5;
	[tilespmem:s29+$0x7D00] =	vst v32  }
0x16b: {  	v35 =	vld [tilespmem:s29+$0x7D70];
	v11 =	vmul.f32 v24, v23;
	[tilespmem:s29+$0x7D10] =	vst v34  }
0x16c: {  	v36 =	vld [tilespmem:s29+$0x7D80];
	v9 =	vmul.f32 v28, v15;
	[tilespmem:s29+$0x8170] =	vst v3  }
0x16d: {  	v31 =	vld [tilespmem:s29+$0x7D50];
	v7 =	vmul.f32 v29, v15;
	[tilespmem:s29+$0x7CE0] =	vst v11  }
0x16e: {  	v37 =	vld [tilespmem:s29+$0x7D90];
	v8 =	vmul.f32 v30, v15;
	[tilespmem:s29+$0x7D20] =	vst v9  }
0x16f: {  	v38 =	vld [tilespmem:s29+$0x7DA0];
	v41 =	vbroadcast v1, $0x3;
	v10 =	vmul.f32 v33, v15;
	[tilespmem:s29+$0x7D30] =	vst v7  }
0x170: {  	v39 =	vld [tilespmem:s29+$0x7DB0];
	v12 =	vmul.f32 v35, v15;
	[tilespmem:s29+$0x7D40] =	vst v8  }
0x171: {  	v42 =	vld [tilespmem:s29+$0x7DD0];
	v13 =	vmul.f32 v36, v41;
	[tilespmem:s29+$0x7D60] =	vst v10  }
0x172: {  	v43 =	vld [tilespmem:s29+$0x7DE0];
	v11 =	vmul.f32 v31, v15;
	[tilespmem:s29+$0x7D70] =	vst v12  }
0x173: {  	v44 =	vld [tilespmem:s29+$0x7DF0];
	v9 =	vmul.f32 v37, v41;
	[tilespmem:s29+$0x7D80] =	vst v13  }
0x174: {  	v40 =	vld [tilespmem:s29+$0x7DC0];
	v7 =	vmul.f32 v38, v41;
	[tilespmem:s29+$0x7D50] =	vst v11  }
0x175: {  	v45 =	vld [tilespmem:s29+$0x7E00];
	v8 =	vmul.f32 v39, v41;
	[tilespmem:s29+$0x7D90] =	vst v9  }
0x176: {  	v46 =	vld [tilespmem:s29+$0x7E10];
	v10 =	vmul.f32 v42, v41;
	[tilespmem:s29+$0x7DA0] =	vst v7  }
0x177: {  	v47 =	vld [tilespmem:s29+$0x7E20];
	v12 =	vmul.f32 v43, v41;
	[tilespmem:s29+$0x7DB0] =	vst v8  }
0x178: {  	v49 =	vld [tilespmem:s29+$0x7E40];
	v50 =	vbroadcast v1, $0x4;
	v13 =	vmul.f32 v44, v41;
	[tilespmem:s29+$0x7DD0] =	vst v10  }
0x179: {  	v51 =	vld [tilespmem:s29+$0x7E50];
	v11 =	vmul.f32 v40, v41;
	[tilespmem:s29+$0x7DE0] =	vst v12  }
0x17a: {  	v52 =	vld [tilespmem:s29+$0x7E60];
	v9 =	vmul.f32 v45, v50;
	[tilespmem:s29+$0x7DF0] =	vst v13  }
0x17b: {  	v48 =	vld [tilespmem:s29+$0x7E30];
	v7 =	vmul.f32 v46, v50;
	[tilespmem:s29+$0x7DC0] =	vst v11  }
0x17c: {  	v53 =	vld [tilespmem:s29+$0x7E70];
	v8 =	vmul.f32 v47, v50;
	[tilespmem:s29+$0x7E00] =	vst v9  }
0x17d: {  	v54 =	vld [tilespmem:s29+$0x7E80];
	v10 =	vmul.f32 v49, v50;
	[tilespmem:s29+$0x7E10] =	vst v7  }
0x17e: {  	v55 =	vld [tilespmem:s29+$0x7E90];
	v12 =	vmul.f32 v51, v50;
	[tilespmem:s29+$0x7E20] =	vst v8  }
0x17f: {  	v57 =	vld [tilespmem:s29+$0x7EB0];
	v13 =	vmul.f32 v52, v50;
	[tilespmem:s29+$0x7E40] =	vst v10  }
0x180: {  	v58 =	vld [tilespmem:s29+$0x7EC0];
	v59 =	vbroadcast v1, $0x5;
	v11 =	vmul.f32 v48, v50;
	[tilespmem:s29+$0x7E50] =	vst v12  }
0x181: {  	v60 =	vld [tilespmem:s29+$0x7ED0];
	v9 =	vmul.f32 v53, v50;
	[tilespmem:s29+$0x7E60] =	vst v13  }
0x182: {  	v56 =	vld [tilespmem:s29+$0x7EA0];
	v7 =	vmul.f32 v54, v59;
	[tilespmem:s29+$0x7E30] =	vst v11  }
0x183: {  	v61 =	vld [tilespmem:s29+$0x7EE0];
	v8 =	vmul.f32 v55, v59;
	[tilespmem:s29+$0x7E70] =	vst v9  }
0x184: {  	v62 =	vld [tilespmem:s29+$0x7EF0];
	v10 =	vmul.f32 v57, v59;
	[tilespmem:s29+$0x7E80] =	vst v7  }
0x185: {  	v63 =	vld [tilespmem:s29+$0x7F00];
	v12 =	vmul.f32 v58, v59;
	[tilespmem:s29+$0x7E90] =	vst v8  }
0x186: {  	v19 =	vld [tilespmem:s29+$0x7F20];
	v13 =	vmul.f32 v60, v59;
	[tilespmem:s29+$0x7EB0] =	vst v10  }
0x187: {  	v20 =	vld [tilespmem:s29+$0x7F30];
	v11 =	vmul.f32 v56, v59;
	[tilespmem:s29+$0x7EC0] =	vst v12  }
0x188: {  	v21 =	vld [tilespmem:s29+$0x7F40];
	v22 =	vbroadcast v1, $0x6;
	v9 =	vmul.f32 v61, v59;
	[tilespmem:s29+$0x7ED0] =	vst v13  }
0x189: {  	v18 =	vld [tilespmem:s29+$0x7F10];
	v7 =	vmul.f32 v62, v59;
	[tilespmem:s29+$0x7EA0] =	vst v11  }
0x18a: {  	v23 =	vld [tilespmem:s29+$0x7F50];
	v8 =	vmul.f32 v63, v22;
	[tilespmem:s29+$0x7EE0] =	vst v9  }
0x18b: {  	v24 =	vld [tilespmem:s29+$0x7F60];
	v10 =	vmul.f32 v19, v22;
	[tilespmem:s29+$0x7EF0] =	vst v7  }
0x18c: {  	v25 =	vld [tilespmem:s29+$0x7F70];
	v12 =	vmul.f32 v20, v22;
	[tilespmem:s29+$0x7F00] =	vst v8  }
0x18d: {  	v27 =	vld [tilespmem:s29+$0x7F90];
	v13 =	vmul.f32 v21, v22;
	[tilespmem:s29+$0x7F20] =	vst v10  }
0x18e: {  	v28 =	vld [tilespmem:s29+$0x7FA0];
	v11 =	vmul.f32 v18, v22;
	[tilespmem:s29+$0x7F30] =	vst v12  }
0x18f: {  	v29 =	vld [tilespmem:s29+$0x7FB0];
	v9 =	vmul.f32 v23, v22;
	[tilespmem:s29+$0x7F40] =	vst v13  }
0x190: {  	v31 =	vbroadcast v1, $0x7;
	v53 =	vld [tilespmem:s29+$0x8100];
	v7 =	vmul.f32 v24, v22;
	[tilespmem:s29+$0x7F10] =	vst v11  }
0x191: {  	v57 =	vld [tilespmem:s29+$0x8140];
	v8 =	vmul.f32 v25, v22;
	[tilespmem:s29+$0x7F50] =	vst v9  }
0x192: {  	v58 =	vld [tilespmem:s29+$0x8150];
	v10 =	vmul.f32 v27, v31;
	[tilespmem:s29+$0x7F60] =	vst v7  }
0x193: {  	v26 =	vld [tilespmem:s29+$0x7F80];
	v12 =	vmul.f32 v28, v31;
	[tilespmem:s29+$0x7F70] =	vst v8  }
0x194: {  	v30 =	vld [tilespmem:s29+$0x7FC0];
	v13 =	vmul.f32 v29, v31;
	[tilespmem:s29+$0x7F90] =	vst v10  }
0x195: {  	v32 =	vld [tilespmem:s29+$0x7FD0];
	v59 =	vmul.f32 v53, v5;
	[tilespmem:s29+$0x7FA0] =	vst v12  }
0x196: {  	v33 =	vld [tilespmem:s29+$0x7FE0];
	v18 =	vmul.f32 v57, v5;
	[tilespmem:s29+$0x7FB0] =	vst v13  }
0x197: {  	v35 =	vld [tilespmem:s29+$0x8000];
	v20 =	vmul.f32 v58, v5;
	[tilespmem:s29+$0x8100] =	vst v59  }
0x198: {  	v36 =	vld [tilespmem:s29+$0x8010];
	v11 =	vmul.f32 v26, v31;
	[tilespmem:s29+$0x8140] =	vst v18  }
0x199: {  	v37 =	vld [tilespmem:s29+$0x8020];
	v9 =	vmul.f32 v30, v31;
	[tilespmem:s29+$0x8150] =	vst v20  }
0x19a: {  	v4 =	vld [tilespmem:s29+$0x8180];
	v40 =	vbroadcast v1, $0x8;
	v7 =	vmul.f32 v32, v31;
	[tilespmem:s29+$0x7F80] =	vst v11  }
0x19b: {  	v6 =	vld [tilespmem:s29+$0x8190];
	v8 =	vmul.f32 v33, v31;
	[tilespmem:s29+$0x7FC0] =	vst v9  }
0x19c: {  	v3 =	vld [tilespmem:s29+$0x83D0];
	v10 =	vmul.f32 v35, v40;
	[tilespmem:s29+$0x7FD0] =	vst v7  }
0x19d: {  	v61 =	vld [tilespmem:s29+$0x7C00];
	v23 =	vbroadcast v1, $0xB;
	v12 =	vmul.f32 v36, v40;
	[tilespmem:s29+$0x7FE0] =	vst v8  }
0x19e: {  	v34 =	vld [tilespmem:s29+$0x7FF0];
	v13 =	vmul.f32 v37, v40;
	[tilespmem:s29+$0x8000] =	vst v10  }
0x19f: {  	v38 =	vld [tilespmem:s29+$0x8030];
	v27 =	vbroadcast v1, $0xF;
	v4 =	vmul.f32 v4, v23;
	[tilespmem:s29+$0x8010] =	vst v12  }
0x1a0: {  	v39 =	vld [tilespmem:s29+$0x8040];
	v6 =	vmul.f32 v6, v23;
	[tilespmem:s29+$0x8020] =	vst v13  }
0x1a1: {  	v41 =	vld [tilespmem:s29+$0x8050];
	v3 =	vmul.f32 v3, v27;
	[tilespmem:s29+$0x8180] =	vst v4  }
0x1a2: {  	v43 =	vld [tilespmem:s29+$0x8070];
	v24 =	vmul.f32 v2, v61;
	[tilespmem:s29+$0x8190] =	vst v6  }
0x1a3: {  	v44 =	vld [tilespmem:s29+$0x8080];
	v11 =	vmul.f32 v34, v31;
	[tilespmem:s29+$0x83D0] =	vst v3  }
0x1a4: {  	v45 =	vld [tilespmem:s29+$0x8090];
	v9 =	vmul.f32 v38, v40;
	[tilespmem:s29+$0x7C00] =	vst v24  }
0x1a5: {  	v63 =	vld [tilespmem:s29+$0x7C40];
	v7 =	vmul.f32 v39, v40;
	[tilespmem:s29+$0x7FF0] =	vst v11  }
0x1a6: {  	v49 =	vbroadcast v1, $0x9;
	v29 =	vld [tilespmem:s29+$0x81F0];
	v8 =	vmul.f32 v41, v40;
	[tilespmem:s29+$0x8030] =	vst v9  }
0x1a7: {  	v42 =	vld [tilespmem:s29+$0x8060];
	v10 =	vmul.f32 v43, v40;
	[tilespmem:s29+$0x8040] =	vst v7  }
0x1a8: {  	v46 =	vld [tilespmem:s29+$0x80A0];
	v12 =	vmul.f32 v44, v49;
	[tilespmem:s29+$0x8050] =	vst v8  }
0x1a9: {  	v47 =	vld [tilespmem:s29+$0x80B0];
	v13 =	vmul.f32 v45, v49;
	[tilespmem:s29+$0x8070] =	vst v10  }
0x1aa: {  	v48 =	vld [tilespmem:s29+$0x80C0];
	v3 =	vmul.f32 v63, v2;
	[tilespmem:s29+$0x8080] =	vst v12  }
0x1ab: {  	v51 =	vld [tilespmem:s29+$0x80E0];
	v6 =	vmul.f32 v29, v23;
	[tilespmem:s29+$0x8090] =	vst v13  }
0x1ac: {  	v52 =	vld [tilespmem:s29+$0x80F0];
	v11 =	vmul.f32 v42, v40;
	[tilespmem:s29+$0x7C40] =	vst v3  }
0x1ad: {  	v28 =	vld [tilespmem:s29+$0x81E0];
	v9 =	vmul.f32 v46, v49;
	[tilespmem:s29+$0x81F0] =	vst v6  }
0x1ae: {  	v26 =	vld [tilespmem:s29+$0x81D0];
	v7 =	vmul.f32 v47, v49;
	[tilespmem:s29+$0x8060] =	vst v11  }
0x1af: {  	v30 =	vld [tilespmem:s29+$0x8200];
	v8 =	vmul.f32 v48, v49;
	[tilespmem:s29+$0x80A0] =	vst v9  }
0x1b0: {  	v50 =	vld [tilespmem:s29+$0x80D0];
	v10 =	vmul.f32 v51, v49;
	[tilespmem:s29+$0x80B0] =	vst v7  }
0x1b1: {  	v54 =	vld [tilespmem:s29+$0x8110];
	v12 =	vmul.f32 v52, v49;
	[tilespmem:s29+$0x80C0] =	vst v8  }
0x1b2: {  	v55 =	vld [tilespmem:s29+$0x8120];
	v35 =	vbroadcast v1, $0xC;
	v40 =	vmul.f32 v28, v23;
	[tilespmem:s29+$0x80E0] =	vst v10  }
0x1b3: {  	v56 =	vld [tilespmem:s29+$0x8130];
	v32 =	vmul.f32 v26, v23;
	[tilespmem:s29+$0x80F0] =	vst v12  }
0x1b4: {  	v60 =	vld [tilespmem:s29+$0x8160];
	v15 =	vmul.f32 v30, v35;
	[tilespmem:s29+$0x81E0] =	vst v40  }
0x1b5: {  	v62 =	vld [tilespmem:s29+$0x7C10];
	v11 =	vmul.f32 v50, v49;
	[tilespmem:s29+$0x81D0] =	vst v32  }
0x1b6: {  	v19 =	vld [tilespmem:s29+$0x7C50];
	v9 =	vmul.f32 v54, v5;
	[tilespmem:s29+$0x8200] =	vst v15  }
0x1b7: {  	v33 =	vld [tilespmem:s29+$0x8230];
	v7 =	vmul.f32 v55, v5;
	[tilespmem:s29+$0x80D0] =	vst v11  }
0x1b8: {  	v61 =	vld [tilespmem:s29+$0x83F0];
	v8 =	vmul.f32 v56, v5;
	[tilespmem:s29+$0x8110] =	vst v9  }
0x1b9: {  	v38 =	vld [tilespmem:s29+$0x8270];
	v5 =	vmul.f32 v60, v5;
	[tilespmem:s29+$0x8120] =	vst v7  }
0x1ba: {  	v21 =	vld [tilespmem:s29+$0x81A0];
	v12 =	vmul.f32 v62, v2;
	[tilespmem:s29+$0x8130] =	vst v8  }
0x1bb: {  	v22 =	vld [tilespmem:s29+$0x81B0];
	v2 =	vmul.f32 v19, v2;
	[tilespmem:s29+$0x8160] =	vst v5  }
0x1bc: {  	v25 =	vld [tilespmem:s29+$0x81C0];
	v62 =	vmul.f32 v33, v35;
	[tilespmem:s29+$0x7C10] =	vst v12  }
0x1bd: {  	v31 =	vld [tilespmem:s29+$0x8210];
	v63 =	vmul.f32 v61, v27;
	[tilespmem:s29+$0x7C50] =	vst v2  }
0x1be: {  	v34 =	vld [tilespmem:s29+$0x8240];
	v15 =	vmul.f32 v38, v35;
	[tilespmem:s29+$0x8230] =	vst v62  }
0x1bf: {  	v41 =	vld [tilespmem:s29+$0x82A0];
	v7 =	vmul.f32 v21, v23;
	[tilespmem:s29+$0x83F0] =	vst v63  }
0x1c0: {  	v46 =	vld [tilespmem:s29+$0x82E0];
	v8 =	vmul.f32 v22, v23;
	[tilespmem:s29+$0x8270] =	vst v15  }
0x1c1: {  	v36 =	vld [tilespmem:s29+$0x8250];
	v5 =	vmul.f32 v25, v23;
	[tilespmem:s29+$0x81A0] =	vst v7  }
0x1c2: {  	v44 =	vbroadcast v1, $0xD;
	v9 =	vmul.f32 v31, v35;
	v2 =	vld [tilespmem:s29+$0x8290];
	[tilespmem:s29+$0x81B0] =	vst v8  }
0x1c3: {  	v37 =	vld [tilespmem:s29+$0x8260];
	v12 =	vmul.f32 v34, v35;
	[tilespmem:s29+$0x81C0] =	vst v5  }
0x1c4: {  	v39 =	vld [tilespmem:s29+$0x8280];
	v11 =	vmul.f32 v41, v44;
	[tilespmem:s29+$0x8210] =	vst v9  }
0x1c5: {  	v42 =	vld [tilespmem:s29+$0x82B0];
	v51 =	vmul.f32 v46, v44;
	[tilespmem:s29+$0x8240] =	vst v12  }
0x1c6: {  	v48 =	vld [tilespmem:s29+$0x8310];
	v8 =	vmul.f32 v36, v35;
	[tilespmem:s29+$0x82A0] =	vst v11  }
0x1c7: {  	v49 =	vld [tilespmem:s29+$0x8320];
	[tilespmem:s29+$0x82E0] =	vst v51;
	v2 =	vmul.f32 v2, v44  }
0x1c8: {  	v50 =	vld [tilespmem:s29+$0x8330];
	v5 =	vmul.f32 v37, v35;
	[tilespmem:s29+$0x8250] =	vst v8  }
0x1c9: {  	v1 =	vbroadcast v1, $0xE;
	v9 =	vmul.f32 v39, v44;
	[tilespmem:s29+$0x8290] =	vst v2;
	v2 =	vld [tilespmem:s29+$0x8300]  }
0x1ca: {  	v60 =	vld [tilespmem:s29+$0x83E0];
	v12 =	vmul.f32 v42, v44;
	[tilespmem:s29+$0x8260] =	vst v5  }
0x1cb: {  	v45 =	vld [tilespmem:s29+$0x82D0];
	v11 =	vmul.f32 v48, v1;
	[tilespmem:s29+$0x8280] =	vst v9  }
0x1cc: {  	v47 =	vld [tilespmem:s29+$0x82F0];
	v10 =	vmul.f32 v49, v1;
	[tilespmem:s29+$0x82B0] =	vst v12  }
0x1cd: {  	v43 =	vld [tilespmem:s29+$0x82C0];
	v6 =	vmul.f32 v50, v1;
	[tilespmem:s29+$0x8310] =	vst v11  }
0x1ce: {  	v55 =	vld [tilespmem:s29+$0x8380];
	[tilespmem:s29+$0x8320] =	vst v10;
	v2 =	vmul.f32 v2, v1  }
0x1cf: {  	v57 =	vld [tilespmem:s29+$0x83A0];
	v4 =	vmul.f32 v60, v27;
	[tilespmem:s29+$0x8330] =	vst v6  }
0x1d0: {  	v5 =	vmul.f32 v45, v44;
	[tilespmem:s29+$0x8300] =	vst v2;
	v2 =	vld [tilespmem:s29+$0x8370]  }
0x1d1: {  	v52 =	vld [tilespmem:s29+$0x8340];
	v9 =	vmul.f32 v47, v44;
	[tilespmem:s29+$0x83E0] =	vst v4  }
0x1d2: {  	v56 =	vld [tilespmem:s29+$0x8390];
	v8 =	vmul.f32 v43, v44;
	[tilespmem:s29+$0x82D0] =	vst v5  }
0x1d3: {  	v54 =	vld [tilespmem:s29+$0x8360];
	v11 =	vmul.f32 v55, v27;
	[tilespmem:s29+$0x82F0] =	vst v9  }
0x1d4: {  	v58 =	vld [tilespmem:s29+$0x83B0];
	v6 =	vmul.f32 v57, v27;
	[tilespmem:s29+$0x82C0] =	vst v8  }
0x1d5: {  	v53 =	vld [tilespmem:s29+$0x8350];
	[tilespmem:s29+$0x8380] =	vst v11;
	v2 =	vmul.f32 v2, v1  }
0x1d6: {  	v59 =	vld [tilespmem:s29+$0x83C0];
	v5 =	vmul.f32 v52, v1;
	[tilespmem:s29+$0x83A0] =	vst v6  }
0x1d7: {  	[tilespmem:s29+$0x8370] =	vst v2;
	v2 =	vmul.f32 v56, v27  }
0x1d8: {  	v3 =	vld [tilespmem:s29+$0x8220];
	v9 =	vmul.f32 v54, v1;
	[tilespmem:s29+$0x8340] =	vst v5  }
0x1d9: {  	[tilespmem:s29+$0x8390] =	vst v2;
	v2 =	vmul.f32 v58, v27  }
0x1da: {  	[tilespmem:s29+$0x8360] =	vst v9;
	v1 =	vmul.f32 v53, v1  }
0x1db: {  	[tilespmem:s29+$0x83B0] =	vst v2;
	v2 =	vmul.f32 v59, v27  }
0x1dc: {  	[tilespmem:s29+$0x8350] =	vst v1  }
0x1dd: {  	s0 =	simm.s32 $0x1;
	[tilespmem:s29+$0x83C0] =	vst v2;
	v2 =	vmul.f32 v3, v35  }
.LBB2_6:
0x1de: {  	s3 =	sshll.u32 s0, $0x4  }
0x1df: {  	p1 =	sne.s32 s0, $0x7;
	[tilespmem:s29+$0x8220] =	vst v2;
	s29 =	smov.u32 s0;
	s0 =	sadd.s32 $0x1, s0  }
0x1e0: {  	s3 =	sand.u32 $0x3FFFFFF0, s3  }
0x1e1: {  	v1 =	vld.idx.msk [tilespmem:v0+s3+$0x0 ss:$0x1], $0xffff  }
0x1e2: {  	s3 =	sshll.u32 s29, $0xB  }
0x1e3: {  	s29 =	sand.u32 $0x3FFFF800, s3  }
0x1e4: {  	v8 =	vld [tilespmem:s29+$0x7CC0]  }
0x1e5: {  	v9 =	vld [tilespmem:s29+$0x7CD0]  }
0x1e6: {  	v10 =	vld [tilespmem:s29+$0x7CB0]  }
0x1e7: {  	v2 =	vbroadcast v1, $0x0;
	v7 =	vbroadcast v1, $0x4;
	v3 =	vld [tilespmem:s29+$0x7C20]  }
0x1e8: {  	v5 =	vld [tilespmem:s29+$0x7C30]  }
0x1e9: {  	v6 =	vld [tilespmem:s29+$0x8170]  }
0x1ea: {  	v11 =	vld [tilespmem:s29+$0x7C60]  }
0x1eb: {  	v12 =	vld [tilespmem:s29+$0x7C70]  }
0x1ec: {  	v4 =	vbroadcast v1, $0xA;
	v3 =	vmul.f32 v3, v2;
	v13 =	vld [tilespmem:s29+$0x7C80]  }
0x1ed: {  	v5 =	vmul.f32 v5, v2;
	v14 =	vld [tilespmem:s29+$0x7C90]  }
0x1ee: {  	[tilespmem:s29+$0x7C20] =	vst v3;
	v15 =	vld [tilespmem:s29+$0x7CA0];
	v3 =	vmul.f32 v6, v4  }
0x1ef: {  	[tilespmem:s29+$0x7C30] =	vst v5;
	v6 =	vmul.f32 v11, v2;
	v11 =	vbroadcast v1, $0x1;
	v5 =	vld [tilespmem:s29+$0x8180]  }
0x1f0: {  	v12 =	vmul.f32 v12, v2;
	[tilespmem:s29+$0x8170] =	vst v3;
	v3 =	vld [tilespmem:s29+$0x83D0]  }
0x1f1: {  	[tilespmem:s29+$0x7C60] =	vst v6;
	v13 =	vmul.f32 v13, v11;
	v6 =	vld [tilespmem:s29+$0x8190]  }
0x1f2: {  	[tilespmem:s29+$0x7C70] =	vst v12;
	v12 =	vmul.f32 v14, v11;
	v14 =	vld [tilespmem:s29+$0x7CE0]  }
0x1f3: {  	[tilespmem:s29+$0x7C80] =	vst v13;
	v13 =	vmul.f32 v15, v11;
	v15 =	vld [tilespmem:s29+$0x7CF0]  }
0x1f4: {  	v10 =	vmul.f32 v10, v11;
	[tilespmem:s29+$0x7C90] =	vst v12;
	v12 =	vld [tilespmem:s29+$0x7D00]  }
0x1f5: {  	v8 =	vmul.f32 v8, v11;
	[tilespmem:s29+$0x7CA0] =	vst v13;
	v13 =	vld [tilespmem:s29+$0x7D10]  }
0x1f6: {  	v9 =	vmul.f32 v9, v11;
	[tilespmem:s29+$0x7CB0] =	vst v10;
	v10 =	vld [tilespmem:s29+$0x7D20]  }
0x1f7: {  	[tilespmem:s29+$0x7CC0] =	vst v8;
	v8 =	vmul.f32 v14, v11;
	v14 =	vbroadcast v1, $0x2;
	v16 =	vld [tilespmem:s29+$0x7D30]  }
0x1f8: {  	[tilespmem:s29+$0x7CD0] =	vst v9;
	v9 =	vmul.f32 v15, v11;
	v11 =	vld [tilespmem:s29+$0x7D40]  }
0x1f9: {  	[tilespmem:s29+$0x7CE0] =	vst v8;
	v8 =	vmul.f32 v12, v14;
	v12 =	vld [tilespmem:s29+$0x7D50]  }
0x1fa: {  	[tilespmem:s29+$0x7CF0] =	vst v9;
	v9 =	vmul.f32 v13, v14;
	v13 =	vld [tilespmem:s29+$0x7D60]  }
0x1fb: {  	[tilespmem:s29+$0x7D00] =	vst v8;
	v8 =	vmul.f32 v10, v14;
	v10 =	vld [tilespmem:s29+$0x7D70]  }
0x1fc: {  	[tilespmem:s29+$0x7D10] =	vst v9;
	v9 =	vmul.f32 v16, v14;
	v15 =	vld [tilespmem:s29+$0x7D80]  }
0x1fd: {  	[tilespmem:s29+$0x7D20] =	vst v8;
	v8 =	vmul.f32 v11, v14;
	v11 =	vld [tilespmem:s29+$0x7D90]  }
0x1fe: {  	[tilespmem:s29+$0x7D30] =	vst v9;
	v9 =	vmul.f32 v12, v14;
	v12 =	vld [tilespmem:s29+$0x7DA0]  }
0x1ff: {  	[tilespmem:s29+$0x7D40] =	vst v8;
	v8 =	vmul.f32 v13, v14;
	v13 =	vbroadcast v1, $0x3;
	v16 =	vld [tilespmem:s29+$0x7DB0]  }
0x200: {  	[tilespmem:s29+$0x7D50] =	vst v9;
	v9 =	vmul.f32 v10, v14;
	v10 =	vld [tilespmem:s29+$0x7DC0]  }
0x201: {  	[tilespmem:s29+$0x7D60] =	vst v8;
	v8 =	vmul.f32 v15, v13;
	v14 =	vld [tilespmem:s29+$0x7DD0]  }
0x202: {  	[tilespmem:s29+$0x7D70] =	vst v9;
	v9 =	vmul.f32 v11, v13;
	v11 =	vld [tilespmem:s29+$0x7DE0]  }
0x203: {  	[tilespmem:s29+$0x7D80] =	vst v8;
	v8 =	vmul.f32 v12, v13;
	v12 =	vld [tilespmem:s29+$0x7DF0]  }
0x204: {  	[tilespmem:s29+$0x7D90] =	vst v9;
	v9 =	vmul.f32 v16, v13;
	v15 =	vld [tilespmem:s29+$0x7E00]  }
0x205: {  	[tilespmem:s29+$0x7DA0] =	vst v8;
	v8 =	vmul.f32 v10, v13;
	v10 =	vld [tilespmem:s29+$0x7E10]  }
0x206: {  	[tilespmem:s29+$0x7DB0] =	vst v9;
	v9 =	vmul.f32 v14, v13;
	v14 =	vld [tilespmem:s29+$0x7E20]  }
0x207: {  	[tilespmem:s29+$0x7DC0] =	vst v8;
	v8 =	vmul.f32 v11, v13;
	v11 =	vld [tilespmem:s29+$0x7E30]  }
0x208: {  	[tilespmem:s29+$0x7DD0] =	vst v9;
	v9 =	vmul.f32 v12, v13;
	v12 =	vld [tilespmem:s29+$0x7E40]  }
0x209: {  	[tilespmem:s29+$0x7DE0] =	vst v8;
	v8 =	vmul.f32 v15, v7;
	v13 =	vld [tilespmem:s29+$0x7E50]  }
0x20a: {  	[tilespmem:s29+$0x7DF0] =	vst v9;
	v9 =	vmul.f32 v10, v7;
	v10 =	vld [tilespmem:s29+$0x7E60]  }
0x20b: {  	[tilespmem:s29+$0x7E00] =	vst v8;
	v8 =	vmul.f32 v14, v7;
	v14 =	vld [tilespmem:s29+$0x7E70]  }
0x20c: {  	[tilespmem:s29+$0x7E10] =	vst v9;
	v9 =	vmul.f32 v11, v7;
	v11 =	vld [tilespmem:s29+$0x7E80]  }
0x20d: {  	[tilespmem:s29+$0x7E20] =	vst v8;
	v8 =	vmul.f32 v12, v7;
	v12 =	vld [tilespmem:s29+$0x7E90]  }
0x20e: {  	[tilespmem:s29+$0x7E30] =	vst v9;
	v9 =	vmul.f32 v13, v7;
	v13 =	vld [tilespmem:s29+$0x7EA0]  }
0x20f: {  	[tilespmem:s29+$0x7E40] =	vst v8;
	v8 =	vmul.f32 v10, v7;
	v10 =	vbroadcast v1, $0x5;
	v15 =	vld [tilespmem:s29+$0x7EB0]  }
0x210: {  	[tilespmem:s29+$0x7E50] =	vst v9;
	v7 =	vmul.f32 v14, v7;
	v9 =	vld [tilespmem:s29+$0x7EC0]  }
0x211: {  	[tilespmem:s29+$0x7E60] =	vst v8;
	v8 =	vmul.f32 v11, v10;
	v11 =	vld [tilespmem:s29+$0x7ED0]  }
0x212: {  	[tilespmem:s29+$0x7E70] =	vst v7;
	v7 =	vmul.f32 v12, v10;
	v12 =	vld [tilespmem:s29+$0x7EE0]  }
0x213: {  	[tilespmem:s29+$0x7E80] =	vst v8;
	v8 =	vmul.f32 v13, v10;
	v13 =	vld [tilespmem:s29+$0x7EF0]  }
0x214: {  	[tilespmem:s29+$0x7E90] =	vst v7;
	v7 =	vmul.f32 v15, v10;
	v14 =	vld [tilespmem:s29+$0x7F00]  }
0x215: {  	[tilespmem:s29+$0x7EA0] =	vst v8;
	v8 =	vmul.f32 v9, v10;
	v9 =	vld [tilespmem:s29+$0x7F10]  }
0x216: {  	[tilespmem:s29+$0x7EB0] =	vst v7;
	v7 =	vmul.f32 v11, v10;
	v11 =	vld [tilespmem:s29+$0x7F20]  }
0x217: {  	[tilespmem:s29+$0x7EC0] =	vst v8;
	v8 =	vmul.f32 v12, v10;
	v12 =	vbroadcast v1, $0x6;
	v15 =	vld [tilespmem:s29+$0x7F30]  }
0x218: {  	[tilespmem:s29+$0x7ED0] =	vst v7;
	v7 =	vmul.f32 v13, v10;
	v10 =	vld [tilespmem:s29+$0x7F40]  }
0x219: {  	[tilespmem:s29+$0x7EE0] =	vst v8;
	v8 =	vmul.f32 v14, v12;
	v13 =	vld [tilespmem:s29+$0x7F50]  }
0x21a: {  	[tilespmem:s29+$0x7EF0] =	vst v7;
	v7 =	vmul.f32 v9, v12;
	v9 =	vld [tilespmem:s29+$0x7F60]  }
0x21b: {  	[tilespmem:s29+$0x7F00] =	vst v8;
	v8 =	vmul.f32 v11, v12;
	v11 =	vld [tilespmem:s29+$0x7F70]  }
0x21c: {  	[tilespmem:s29+$0x7F10] =	vst v7;
	v7 =	vmul.f32 v15, v12;
	v14 =	vld [tilespmem:s29+$0x7F80]  }
0x21d: {  	[tilespmem:s29+$0x7F20] =	vst v8;
	v8 =	vmul.f32 v10, v12;
	v10 =	vld [tilespmem:s29+$0x7F90]  }
0x21e: {  	[tilespmem:s29+$0x7F30] =	vst v7;
	v7 =	vmul.f32 v13, v12;
	v13 =	vld [tilespmem:s29+$0x7FA0]  }
0x21f: {  	[tilespmem:s29+$0x7F40] =	vst v8;
	v8 =	vmul.f32 v9, v12;
	v9 =	vbroadcast v1, $0x7;
	v15 =	vld [tilespmem:s29+$0x7FB0]  }
0x220: {  	[tilespmem:s29+$0x7F50] =	vst v7;
	v7 =	vmul.f32 v11, v12;
	v11 =	vld [tilespmem:s29+$0x7FC0]  }
0x221: {  	[tilespmem:s29+$0x7F60] =	vst v8;
	v8 =	vmul.f32 v14, v9;
	v12 =	vld [tilespmem:s29+$0x7FD0]  }
0x222: {  	[tilespmem:s29+$0x7F70] =	vst v7;
	v7 =	vmul.f32 v10, v9;
	v10 =	vld [tilespmem:s29+$0x7FE0]  }
0x223: {  	[tilespmem:s29+$0x7F80] =	vst v8;
	v8 =	vmul.f32 v13, v9;
	v13 =	vld [tilespmem:s29+$0x7FF0]  }
0x224: {  	[tilespmem:s29+$0x7F90] =	vst v7;
	v7 =	vmul.f32 v15, v9;
	v14 =	vld [tilespmem:s29+$0x8000]  }
0x225: {  	[tilespmem:s29+$0x7FA0] =	vst v8;
	v8 =	vmul.f32 v11, v9;
	v11 =	vld [tilespmem:s29+$0x8010]  }
0x226: {  	[tilespmem:s29+$0x7FB0] =	vst v7;
	v7 =	vmul.f32 v12, v9;
	v12 =	vld [tilespmem:s29+$0x8020]  }
0x227: {  	[tilespmem:s29+$0x7FC0] =	vst v8;
	v8 =	vmul.f32 v10, v9;
	v10 =	vbroadcast v1, $0x8;
	v15 =	vld [tilespmem:s29+$0x8030]  }
0x228: {  	[tilespmem:s29+$0x7FD0] =	vst v7;
	v7 =	vmul.f32 v13, v9;
	v9 =	vld [tilespmem:s29+$0x8040]  }
0x229: {  	[tilespmem:s29+$0x7FE0] =	vst v8;
	v8 =	vmul.f32 v14, v10;
	v13 =	vld [tilespmem:s29+$0x8050]  }
0x22a: {  	[tilespmem:s29+$0x7FF0] =	vst v7;
	v7 =	vmul.f32 v11, v10;
	v11 =	vld [tilespmem:s29+$0x8060]  }
0x22b: {  	[tilespmem:s29+$0x8000] =	vst v8;
	v8 =	vmul.f32 v12, v10;
	v12 =	vld [tilespmem:s29+$0x8070]  }
0x22c: {  	[tilespmem:s29+$0x8010] =	vst v7;
	v7 =	vmul.f32 v15, v10;
	v14 =	vld [tilespmem:s29+$0x8080]  }
0x22d: {  	[tilespmem:s29+$0x8020] =	vst v8;
	v8 =	vmul.f32 v9, v10;
	v9 =	vld [tilespmem:s29+$0x8090]  }
0x22e: {  	[tilespmem:s29+$0x8030] =	vst v7;
	v7 =	vmul.f32 v13, v10;
	v13 =	vld [tilespmem:s29+$0x80A0]  }
0x22f: {  	[tilespmem:s29+$0x8040] =	vst v8;
	v8 =	vmul.f32 v11, v10;
	v11 =	vbroadcast v1, $0x9;
	v15 =	vld [tilespmem:s29+$0x80B0]  }
0x230: {  	[tilespmem:s29+$0x8050] =	vst v7;
	v7 =	vmul.f32 v12, v10;
	v10 =	vld [tilespmem:s29+$0x80C0]  }
0x231: {  	[tilespmem:s29+$0x8060] =	vst v8;
	v8 =	vmul.f32 v14, v11;
	v12 =	vld [tilespmem:s29+$0x80D0]  }
0x232: {  	[tilespmem:s29+$0x8070] =	vst v7;
	v7 =	vmul.f32 v9, v11;
	v9 =	vld [tilespmem:s29+$0x80E0]  }
0x233: {  	[tilespmem:s29+$0x8080] =	vst v8;
	v8 =	vmul.f32 v13, v11;
	v13 =	vld [tilespmem:s29+$0x80F0]  }
0x234: {  	[tilespmem:s29+$0x8090] =	vst v7;
	v7 =	vmul.f32 v15, v11;
	v14 =	vld [tilespmem:s29+$0x8100]  }
0x235: {  	[tilespmem:s29+$0x80A0] =	vst v8;
	v8 =	vmul.f32 v10, v11;
	v10 =	vld [tilespmem:s29+$0x8110]  }
0x236: {  	[tilespmem:s29+$0x80B0] =	vst v7;
	v7 =	vmul.f32 v12, v11;
	v12 =	vld [tilespmem:s29+$0x8120]  }
0x237: {  	[tilespmem:s29+$0x80C0] =	vst v8;
	v8 =	vmul.f32 v9, v11;
	v9 =	vld [tilespmem:s29+$0x8130]  }
0x238: {  	[tilespmem:s29+$0x80D0] =	vst v7;
	v7 =	vmul.f32 v13, v11;
	v11 =	vld [tilespmem:s29+$0x8140]  }
0x239: {  	[tilespmem:s29+$0x80E0] =	vst v8;
	v8 =	vmul.f32 v14, v4;
	v13 =	vld [tilespmem:s29+$0x8150]  }
0x23a: {  	[tilespmem:s29+$0x80F0] =	vst v7;
	v7 =	vmul.f32 v10, v4;
	v10 =	vld [tilespmem:s29+$0x8160]  }
0x23b: {  	v14 =	vld [tilespmem:s29+$0x7C00];
	[tilespmem:s29+$0x8100] =	vst v8;
	v8 =	vmul.f32 v12, v4  }
0x23c: {  	v12 =	vld [tilespmem:s29+$0x7C10];
	[tilespmem:s29+$0x8110] =	vst v7;
	v7 =	vmul.f32 v9, v4  }
0x23d: {  	v9 =	vld [tilespmem:s29+$0x7C40];
	[tilespmem:s29+$0x8120] =	vst v8;
	v8 =	vmul.f32 v11, v4  }
0x23e: {  	v11 =	vld [tilespmem:s29+$0x7C50];
	[tilespmem:s29+$0x8130] =	vst v7;
	v7 =	vmul.f32 v13, v4  }
0x23f: {  	[tilespmem:s29+$0x8140] =	vst v8;
	v8 =	vmul.f32 v10, v4;
	v10 =	vbroadcast v1, $0xB;
	v13 =	vld [tilespmem:s29+$0x81A0]  }
0x240: {  	v4 =	vbroadcast v1, $0xF;
	v14 =	vmul.f32 v2, v14;
	[tilespmem:s29+$0x8150] =	vst v7;
	v7 =	vld [tilespmem:s29+$0x81B0]  }
0x241: {  	v12 =	vmul.f32 v12, v2;
	[tilespmem:s29+$0x8160] =	vst v8;
	v5 =	vmul.f32 v5, v10;
	v8 =	vld [tilespmem:s29+$0x81C0]  }
0x242: {  	v6 =	vmul.f32 v6, v10;
	[tilespmem:s29+$0x7C00] =	vst v14;
	v9 =	vmul.f32 v9, v2;
	v14 =	vld [tilespmem:s29+$0x81D0]  }
0x243: {  	v3 =	vmul.f32 v3, v4;
	v11 =	vmul.f32 v11, v2;
	[tilespmem:s29+$0x8180] =	vst v5;
	v2 =	vld [tilespmem:s29+$0x81E0]  }
0x244: {  	[tilespmem:s29+$0x8190] =	vst v6;
	v5 =	vmul.f32 v13, v10;
	v6 =	vld [tilespmem:s29+$0x81F0]  }
0x245: {  	v7 =	vmul.f32 v7, v10;
	v13 =	vld [tilespmem:s29+$0x8200];
	[tilespmem:s29+$0x83D0] =	vst v3  }
0x246: {  	[tilespmem:s29+$0x7C10] =	vst v12;
	v3 =	vmul.f32 v8, v10;
	v8 =	vld [tilespmem:s29+$0x8210]  }
0x247: {  	[tilespmem:s29+$0x7C40] =	vst v9;
	v9 =	vmul.f32 v14, v10;
	v12 =	vld [tilespmem:s29+$0x8220]  }
0x248: {  	v14 =	vbroadcast v1, $0xC;
	[tilespmem:s29+$0x81A0] =	vst v5;
	v5 =	vmul.f32 v2, v10;
	v15 =	vld [tilespmem:s29+$0x8230]  }
0x249: {  	[tilespmem:s29+$0x81D0] =	vst v9;
	v6 =	vmul.f32 v6, v10;
	v9 =	vld [tilespmem:s29+$0x8240]  }
0x24a: {  	[tilespmem:s29+$0x81B0] =	vst v7;
	v2 =	vmul.f32 v13, v14;
	v7 =	vld [tilespmem:s29+$0x8250]  }
0x24b: {  	[tilespmem:s29+$0x81C0] =	vst v3;
	v3 =	vmul.f32 v8, v14;
	v8 =	vld [tilespmem:s29+$0x8260]  }
0x24c: {  	[tilespmem:s29+$0x8200] =	vst v2;
	v2 =	vmul.f32 v12, v14;
	v10 =	vld [tilespmem:s29+$0x8270]  }
0x24d: {  	[tilespmem:s29+$0x8210] =	vst v3;
	v3 =	vld [tilespmem:s29+$0x8280]  }
0x24e: {  	[tilespmem:s29+$0x7C50] =	vst v11;
	v9 =	vmul.f32 v9, v14;
	v11 =	vld [tilespmem:s29+$0x8290]  }
0x24f: {  	[tilespmem:s29+$0x81E0] =	vst v5;
	v5 =	vmul.f32 v7, v14;
	v7 =	vld [tilespmem:s29+$0x82A0]  }
0x250: {  	[tilespmem:s29+$0x8240] =	vst v9;
	v8 =	vmul.f32 v8, v14;
	v9 =	vbroadcast v1, $0xD;
	v12 =	vld [tilespmem:s29+$0x82B0]  }
0x251: {  	[tilespmem:s29+$0x8250] =	vst v5;
	v5 =	vmul.f32 v10, v14;
	v10 =	vld [tilespmem:s29+$0x82C0]  }
0x252: {  	[tilespmem:s29+$0x8260] =	vst v8;
	v3 =	vmul.f32 v3, v9;
	v8 =	vld [tilespmem:s29+$0x82D0]  }
0x253: {  	[tilespmem:s29+$0x8270] =	vst v5;
	v5 =	vmul.f32 v11, v9;
	v11 =	vld [tilespmem:s29+$0x82E0]  }
0x254: {  	[tilespmem:s29+$0x8280] =	vst v3;
	v3 =	vmul.f32 v7, v9;
	v7 =	vld [tilespmem:s29+$0x82F0]  }
0x255: {  	[tilespmem:s29+$0x8290] =	vst v5;
	v5 =	vmul.f32 v12, v9;
	v12 =	vld [tilespmem:s29+$0x8300]  }
0x256: {  	[tilespmem:s29+$0x82A0] =	vst v3;
	v3 =	vmul.f32 v10, v9;
	v10 =	vld [tilespmem:s29+$0x8310]  }
0x257: {  	[tilespmem:s29+$0x82B0] =	vst v5;
	v5 =	vmul.f32 v8, v9;
	v8 =	vld [tilespmem:s29+$0x8320]  }
0x258: {  	v1 =	vbroadcast v1, $0xE;
	[tilespmem:s29+$0x81F0] =	vst v6;
	v6 =	vmul.f32 v11, v9;
	v11 =	vld [tilespmem:s29+$0x8330]  }
0x259: {  	[tilespmem:s29+$0x82D0] =	vst v5;
	v5 =	vmul.f32 v7, v9;
	v7 =	vld [tilespmem:s29+$0x8340]  }
0x25a: {  	[tilespmem:s29+$0x82E0] =	vst v6;
	v6 =	vmul.f32 v12, v1;
	v9 =	vld [tilespmem:s29+$0x8350]  }
0x25b: {  	[tilespmem:s29+$0x82F0] =	vst v5;
	v5 =	vmul.f32 v10, v1;
	v10 =	vld [tilespmem:s29+$0x8360]  }
0x25c: {  	[tilespmem:s29+$0x8300] =	vst v6;
	v6 =	vmul.f32 v8, v1;
	v8 =	vld [tilespmem:s29+$0x8370]  }
0x25d: {  	[tilespmem:s29+$0x8310] =	vst v5;
	v5 =	vmul.f32 v11, v1;
	v11 =	vld [tilespmem:s29+$0x8380]  }
0x25e: {  	[tilespmem:s29+$0x8320] =	vst v6;
	v6 =	vmul.f32 v7, v1;
	v7 =	vld [tilespmem:s29+$0x8390]  }
0x25f: {  	[tilespmem:s29+$0x8330] =	vst v5;
	v5 =	vmul.f32 v9, v1;
	v9 =	vld [tilespmem:s29+$0x83A0]  }
0x260: {  	[tilespmem:s29+$0x8340] =	vst v6;
	v6 =	vmul.f32 v10, v1;
	v10 =	vld [tilespmem:s29+$0x83B0]  }
0x261: {  	[tilespmem:s29+$0x82C0] =	vst v3;
	v1 =	vmul.f32 v8, v1;
	v3 =	vld [tilespmem:s29+$0x83C0]  }
0x262: {  	[tilespmem:s29+$0x8360] =	vst v6;
	v6 =	vmul.f32 v11, v4;
	v8 =	vld [tilespmem:s29+$0x83E0]  }
0x263: {  	[tilespmem:s29+$0x8370] =	vst v1;
	v1 =	vmul.f32 v7, v4;
	v7 =	vld [tilespmem:s29+$0x83F0]  }
0x264: {  	[tilespmem:s29+$0x8380] =	vst v6;
	v6 =	vmul.f32 v9, v4  }
0x265: {  	[tilespmem:s29+$0x8390] =	vst v1;
	v1 =	vmul.f32 v10, v4  }
0x266: {  	v9 =	vmul.f32 v15, v14;
	[tilespmem:s29+$0x83A0] =	vst v6  }
0x267: {  	[tilespmem:s29+$0x83B0] =	vst v1;
	v1 =	vmul.f32 v3, v4  }
.Ltmp1:
0x268: {  	[tilespmem:s29+$0x8230] =	vst v9;
	v3 =	vmul.f32 v7, v4;
	(pc) =	sbr.rel @p1 .LBB2_6-.Ltmp1, $4  }
0x269: {  	[tilespmem:s29+$0x83C0] =	vst v1  }
0x26a: {  	v1 =	vmul.f32 v8, v4;
	[tilespmem:s29+$0x83F0] =	vst v3  }
0x26b: {  	[tilespmem:s29+$0x8350] =	vst v5  }
0x26c: {  	[tilespmem:s29+$0x83E0] =	vst v1  }
0x26d: {  	s26 =	sadd.s32 $0x1, s26  }
0x26e: {  	p1 =	sne.s32 s26, $0x14  }
.Ltmp2:
0x26f: {  	[tilespmem:s29+$0x8220] =	vst v2;
	s0 =	sadd.s32 $0x1400, s28;
	(pc) =	sbr.rel @p1 .LBB2_3-.Ltmp2, $4  }
0x270: {  	[spmem:s4] =	stream.indirect.scatter.add.f32 [tilespmem:s23], [sflag:$0x3], $0x80, s0, s20, $0xb8;
	[tilespmem:$0x1F480] =	vst v63  }
0x271: {  	_ =	swait.ge [sflag:s16], $0x4000  }
0x272: {  	[sflag:s16] =	ssyncset.done $0x0  }
0x273: {  	[sflag:s16] =	ssyncadd.s32 $0xFFFFC000  }
0x274: {  	s25 =	sadd.s32 $0x1, s25  }
0x275: {  	p1 =	sne.s32 s25, $0x4  }
.Ltmp3:
0x276: {  	_ = 	snop;
	(pc) =	sbr.rel @p1 .LBB2_2-.Ltmp3, $1  }
0x277: {  	_ =	sdelay $0x3  }
0x278: {  	[bflag:$0x0] =	sbarrier.arrive $0xFFFF  }
0x279: {  	[hbm:s12], [sflag:s9] =	dma.local [spmem:s15], $0x2700  }
0x27a: {  	s5 =	sadd.s32 $0x1, s5;
	_ =	swait.ge [sflag:s16], $0x2700  }
0x27b: {  	p1 =	sne.s32 s5, s14;
	[sflag:s16] =	ssyncset.done $0x0  }
.Ltmp4:
0x27c: {  	s0 =	simm.s32 @!p0 $0x3;
	[sflag:s16] =	ssyncadd.s32 $0xFFFFD900;
	(pc) =	sbr.rel @p1 .LBB2_1-.Ltmp4, $4  }
0x27d: {  	[hbm:s13], [sflag:s9] =	dma.local @!p0 [spmem:s17], $0x100  }
0x27e: {  	_ =	swait.ge @!p0 [sflag:s0], $0x100  }
0x27f: {  	[sflag:s0] =	ssyncset.done @!p0 $0x0  }
0x280: {  	[sflag:s0] =	ssyncadd.s32 @!p0 $0xFFFFFF00  }
0x281: {  	_ =	sfence.sel $0x180000  }
0x282: {  	[bflag:$0x0] =	sbarrier.arrive $0xFFFF  }
0x283: {  	_ =	strace $0x90000047  }
0x284: {  	s0 =	stileid.u32;
	[bflag:$0x2] =	sbarrier.arrive $0xFFFF  }
0x285: {  	p0 =	sne.s32 s0, $0x0;
	s0 =	rddreg [dreg:$0x4]  }
0x286: {  	s0 =	sadd.s32 @!p0 $0x100000, s0  }
0x287: {  	[sflag:s0] =	ssyncadd.tile.s32 @!p0 $0x1;
	_ =	shalt  }
.Lfunc_end2:
_tile_overlayer_lowered:
.L_overlay_start_2:
0x288: {  	(tag) =	ssettag $0x2  }
0x289: {  	s0 =	rddreg [dreg:$0x0];
	s2 =	stileid.u32  }
0x28a: {  	s1 =	rddreg [dreg:$0x1];
	p0 =	sne.s32 s2, $0x0  }
0x28b: {  	s3 =	rddreg [dreg:$0x2];
	[bflag:$0x3] =	sbarrier.arrive $0xFFFF;
	s2 =	simm.s32 @!p0 $0x1C03  }
0x28c: {  	[timem:s3], [sflag:s2] =	dma.local @!p0 [hbm:s0], s1  }
0x28d: {  	s0 =	simm.s32 @!p0 $0x3  }
0x28e: {  	_ =	swait.ge @!p0 [sflag:s0], s1  }
0x28f: {  	s1 =	ssub.s32 @!p0 $0x0, s1;
	[sflag:s0] =	ssyncset.done @!p0 $0x0  }
0x290: {  	[sflag:s0] =	ssyncadd.s32 @!p0 s1  }
0x291: {  	[bflag:$0x3] =	sbarrier.arrive $0xFFFF  }
0x292: {  	_ =	shalt  }

</sc_bundles>
